<compile_context>
chip_gen: v7x
topology: tpu7x:2x2x1
jax: 0.10.2.dev20260603
libtpu: 0.0.44.dev20260713+nightly
codegen_flags: <defaults>
</compile_context>

<pallas_src>
import functools

import jax
import jax.numpy as jnp
from jax import lax
from jax.experimental import pallas as pl
from jax.experimental.pallas import tpu as pltpu
from jax.experimental.pallas import tpu_sc as plsc

NC = 2
NS = 16
NW = NC * NS
CH = 128


def _silu(v):
    return v * jax.nn.sigmoid(v)



def _pre_body(h_ref, wr_ref, wc_ref, or_ref, oc_ref):
    hv = h_ref[...]
    or_ref[...] = jnp.dot(hv, wr_ref[...], preferred_element_type=jnp.float32)
    oc_ref[...] = jnp.dot(hv, wc_ref[...], preferred_element_type=jnp.float32)


def _premul(h, We1r, We1c, nb):
    n, d = h.shape
    hh = We1r.shape[1]
    blk = n // nb
    return pl.pallas_call(
        _pre_body,
        grid=(nb,),
        in_specs=[
            pl.BlockSpec((blk, d), lambda i: (i, 0)),
            pl.BlockSpec((d, hh), lambda i: (0, 0)),
            pl.BlockSpec((d, hh), lambda i: (0, 0)),
        ],
        out_specs=[
            pl.BlockSpec((blk, hh), lambda i: (i, 0)),
            pl.BlockSpec((blk, hh), lambda i: (i, 0)),
        ],
        out_shape=[
            jax.ShapeDtypeStruct((n, hh), jnp.float32),
            jax.ShapeDtypeStruct((n, hh), jnp.float32),
        ],
    )(h, We1r, We1c)



def _make_gather(ep, hh, n):
    epw = ep // NW
    gch = 64
    nchunk = epw // gch
    nbuf = 2
    mesh = plsc.VectorSubcoreMesh(core_axis_name="c", subcore_axis_name="s")

    @functools.partial(
        pl.kernel, mesh=mesh,
        out_type=(
            jax.ShapeDtypeStruct((ep, hh), jnp.float32),
            jax.ShapeDtypeStruct((ep, 128), jnp.float32),
        ),
        scratch_types=[
            pltpu.VMEM((nbuf, gch), jnp.int32),
            pltpu.VMEM((nbuf, gch), jnp.int32),
            pltpu.VMEM((nbuf, gch, hh), jnp.float32),
            pltpu.VMEM((nbuf, gch, hh), jnp.float32),
            pltpu.VMEM((nbuf, gch, 128), jnp.float32),
            pltpu.VMEM((nbuf, gch, 128), jnp.float32),
            pltpu.SemaphoreType.DMA,
            pltpu.SemaphoreType.DMA,
        ],
    )
    def gather_k(hr_hbm, hc_hbm, x_hbm, row_hbm, col_hbm,
                 s_out, cdu_out,
                 idxr_v, idxc_v, br_v, bc_v, bxr_v, bxc_v,
                 sem_g, sem_w):
        wid = lax.axis_index("s") * NC + lax.axis_index("c")
        base0 = wid * epw

        def load_and_fire(b, j):
            base = base0 + j * gch
            pltpu.sync_copy(row_hbm.at[pl.ds(base, gch)], idxr_v.at[b])
            pltpu.sync_copy(col_hbm.at[pl.ds(base, gch)], idxc_v.at[b])
            pltpu.async_copy(hr_hbm.at[idxr_v.at[b]], br_v.at[b], sem_g)
            pltpu.async_copy(hc_hbm.at[idxc_v.at[b]], bc_v.at[b], sem_g)
            pltpu.async_copy(x_hbm.at[idxr_v.at[b]], bxr_v.at[b], sem_g)
            pltpu.async_copy(x_hbm.at[idxc_v.at[b]], bxc_v.at[b], sem_g)

        def wait_gathers(b):
            pltpu.make_async_copy(hr_hbm.at[idxr_v.at[b]], br_v.at[b], sem_g).wait()
            pltpu.make_async_copy(hc_hbm.at[idxc_v.at[b]], bc_v.at[b], sem_g).wait()
            pltpu.make_async_copy(x_hbm.at[idxr_v.at[b]], bxr_v.at[b], sem_g).wait()
            pltpu.make_async_copy(x_hbm.at[idxc_v.at[b]], bxc_v.at[b], sem_g).wait()

        def compute(b):
            def add_body(e, carry):
                for sl in range(hh // 16):
                    sls = pl.ds(sl * 16, 16)
                    br_v[b, e, sls] = br_v[b, e, sls] + bc_v[b, e, sls]
                return carry

            lax.fori_loop(0, gch, add_body, 0, unroll=2)

            def cd_body(e, carry):
                s16 = pl.ds(0, 16)
                bxr_v[b, e, s16] = bxr_v[b, e, s16] - bxc_v[b, e, s16]
                return carry

            lax.fori_loop(0, gch, cd_body, 0, unroll=4)

        def fire_writes(b, j):
            base = base0 + j * gch
            pltpu.async_copy(br_v.at[b], s_out.at[pl.ds(base, gch)], sem_w)
            pltpu.async_copy(bxr_v.at[b], cdu_out.at[pl.ds(base, gch)], sem_w)

        def wait_writes(b, j):
            base = base0 + j * gch
            pltpu.make_async_copy(br_v.at[b], s_out.at[pl.ds(base, gch)], sem_w).wait()
            pltpu.make_async_copy(bxr_v.at[b], cdu_out.at[pl.ds(base, gch)],
                                  sem_w).wait()

        for b in range(nbuf):
            load_and_fire(b, b)

        def body(g, carry):
            for b in range(nbuf):
                j = g * nbuf + b
                jn = j + nbuf
                wait_gathers(b)
                compute(b)
                fire_writes(b, j)

                @pl.when(jn < nchunk)
                def _():
                    wait_writes(b, j)
                    load_and_fire(b, jn)
            return carry

        lax.fori_loop(0, nchunk // nbuf, body, 0)
        for b in range(nbuf):
            wait_writes(b, nchunk - nbuf + b)

    return gather_k



def _edge_body(s_ref, cdu_ref, ea_ref,
               wr_ref, w1a_ref, b1_ref, w2_ref, b2_ref,
               wc1_ref, bc1_ref, wc2_ref,
               m_ref, t_ref):
    cd = cdu_ref[...]
    radial = jnp.sum(cd * cd, axis=1, keepdims=True) + 1e-8
    m1 = (s_ref[...]
          + radial * wr_ref[...]
          + jnp.dot(ea_ref[...], w1a_ref[...], preferred_element_type=jnp.float32)
          + b1_ref[...])
    m1 = _silu(m1)
    m = _silu(jnp.dot(m1, w2_ref[...], preferred_element_type=jnp.float32) + b2_ref[...])
    p = _silu(jnp.dot(m, wc1_ref[...], preferred_element_type=jnp.float32) + bc1_ref[...])
    cw = jnp.tanh(jnp.sum(p * wc2_ref[...], axis=1, keepdims=True))
    m_ref[...] = m
    t_ref[...] = cd * cw


def _edge_mlp(s, cdt, ea, wr, w1a, b1, w2, b2, wc1, bc1, wc2r, eb):
    ep, hh = s.shape
    de = ea.shape[1]
    nb = ep // eb
    full = lambda i: (0, 0)
    return pl.pallas_call(
        _edge_body,
        grid=(nb,),
        in_specs=[
            pl.BlockSpec((eb, hh), lambda i: (i, 0)),
            pl.BlockSpec((eb, 128), lambda i: (i, 0)),
            pl.BlockSpec((eb, de), lambda i: (i, 0)),
            pl.BlockSpec((1, hh), full),
            pl.BlockSpec((de, hh), full),
            pl.BlockSpec((1, hh), full),
            pl.BlockSpec((hh, hh), full),
            pl.BlockSpec((1, hh), full),
            pl.BlockSpec((hh, hh), full),
            pl.BlockSpec((1, hh), full),
            pl.BlockSpec((1, hh), full),
        ],
        out_specs=[
            pl.BlockSpec((eb, hh), lambda i: (i, 0)),
            pl.BlockSpec((eb, 128), lambda i: (i, 0)),
        ],
        out_shape=[
            jax.ShapeDtypeStruct((ep, hh), jnp.float32),
            jax.ShapeDtypeStruct((ep, 128), jnp.float32),
        ],
    )(s, cdt, ea, wr, w1a, b1, w2, b2, wc1, bc1, wc2r)



def _make_scatter(ep, hh, ntab):
    epc = ep // NS
    sch = 64
    nchunk = epc // sch
    rows_per_tile = ntab // NS
    nz = rows_per_tile // sch
    mesh = plsc.VectorSubcoreMesh(core_axis_name="c", subcore_axis_name="s")

    @functools.partial(
        pl.kernel, mesh=mesh,
        out_type=(
            jax.ShapeDtypeStruct((ntab, hh), jnp.float32),
            jax.ShapeDtypeStruct((ntab, 128), jnp.float32),
        ),
        scratch_types=[
            pltpu.VMEM((2, sch), jnp.int32),
            pltpu.VMEM((2, sch, 128), jnp.float32),
            pltpu.VMEM((sch, 128), jnp.float32),
            pltpu.VMEM_SHARED((ntab, 128), jnp.float32),
            pltpu.SemaphoreType.DMA,
            pltpu.SemaphoreType.DMA,
        ],
    )
    def scatter_k(m_hbm, t_hbm, row_hbm, z_hbm,
                  am_out, ax_out,
                  idx_v, val_v, z_v, spm, sem_l, sem_s):
        cid = lax.axis_index("c")
        sid = lax.axis_index("s")
        base0 = sid * epc

        pltpu.sync_copy(z_hbm, z_v)

        def zbody(k, carry):
            r0 = sid * rows_per_tile + k * sch
            pltpu.sync_copy(z_v, spm.at[pl.ds(r0, sch)])
            return carry

        lax.fori_loop(0, nz, zbody, 0)
        plsc.subcore_barrier()

        def make_loop(src_hbm):
            def load(b, j):
                base = base0 + j * sch
                pltpu.async_copy(row_hbm.at[pl.ds(base, sch)], idx_v.at[b], sem_l)
                pltpu.async_copy(src_hbm.at[pl.ds(base, sch)], val_v.at[b], sem_l)

            def wait_load(b, j):
                base = base0 + j * sch
                pltpu.make_async_copy(row_hbm.at[pl.ds(base, sch)], idx_v.at[b], sem_l).wait()
                pltpu.make_async_copy(src_hbm.at[pl.ds(base, sch)], val_v.at[b], sem_l).wait()

            def run():
                for b in range(2):
                    load(b, b)

                def body(g, carry):
                    for b in range(2):
                        j = g * 2 + b
                        jn = j + 2
                        wait_load(b, j)
                        pltpu.async_copy(val_v.at[b], spm.at[idx_v.at[b]], sem_s,
                                         add=True)

                        @pl.when(jn < nchunk)
                        def _():
                            pltpu.make_async_copy(
                                val_v.at[b], spm.at[idx_v.at[b]], sem_s).wait()
                            load(b, jn)
                    return carry

                lax.fori_loop(0, nchunk // 2, body, 0)
                for b in range(2):
                    pltpu.make_async_copy(val_v.at[b], spm.at[idx_v.at[b]], sem_s).wait()

            return run

        @pl.when(cid == 0)
        def _():
            make_loop(m_hbm)()

        @pl.when(cid == 1)
        def _():
            make_loop(t_hbm)()

        plsc.subcore_barrier()

        r0 = sid * rows_per_tile

        @pl.when(cid == 0)
        def _():
            pltpu.sync_copy(spm.at[pl.ds(r0, rows_per_tile)],
                            am_out.at[pl.ds(r0, rows_per_tile)])

        @pl.when(cid == 1)
        def _():
            pltpu.sync_copy(spm.at[pl.ds(r0, rows_per_tile)],
                            ax_out.at[pl.ds(r0, rows_per_tile)])

    return scatter_k



def _node_body(h_ref, x_ref, am0_ref, am1_ref, ax0_ref, ax1_ref,
               wn1h_ref, wn1a_ref, bn1_ref, wn2_ref, bn2_ref,
               hn_ref, c_ref, *, inv):
    agg = (am0_ref[...] + am1_ref[...]) * inv
    hv = h_ref[...]
    ni = _silu(jnp.dot(hv, wn1h_ref[...], preferred_element_type=jnp.float32)
               + jnp.dot(agg, wn1a_ref[...], preferred_element_type=jnp.float32)
               + bn1_ref[...])
    out = jnp.dot(ni, wn2_ref[...], preferred_element_type=jnp.float32) + bn2_ref[...]
    hn_ref[...] = hv + out
    c_ref[...] = x_ref[...] + (ax0_ref[...] + ax1_ref[...]) * inv


def _node_mlp(h, x128, am0, am1, ax0, ax1, wn1h, wn1a, bn1, wn2, bn2, inv, nb):
    n, d = h.shape
    hh = wn1h.shape[1]
    blk = n // nb
    full = lambda i: (0, 0)
    return pl.pallas_call(
        functools.partial(_node_body, inv=inv),
        grid=(nb,),
        in_specs=[
            pl.BlockSpec((blk, d), lambda i: (i, 0)),
            pl.BlockSpec((blk, 128), lambda i: (i, 0)),
            pl.BlockSpec((blk, hh), lambda i: (i, 0)),
            pl.BlockSpec((blk, hh), lambda i: (i, 0)),
            pl.BlockSpec((blk, 128), lambda i: (i, 0)),
            pl.BlockSpec((blk, 128), lambda i: (i, 0)),
            pl.BlockSpec((d, hh), full),
            pl.BlockSpec((hh, hh), full),
            pl.BlockSpec((1, hh), full),
            pl.BlockSpec((hh, d), full),
            pl.BlockSpec((1, d), full),
        ],
        out_specs=[
            pl.BlockSpec((blk, d), lambda i: (i, 0)),
            pl.BlockSpec((blk, 128), lambda i: (i, 0)),
        ],
        out_shape=[
            jax.ShapeDtypeStruct((n, d), jnp.float32),
            jax.ShapeDtypeStruct((n, 128), jnp.float32),
        ],
    )(h, x128, am0, am1, ax0, ax1, wn1h, wn1a, bn1, wn2, bn2)



def kernel(h, x, edge_index, edge_attr, We1, be1, We2, be2,
           Wn1, bn1, Wn2, bn2, Wc1, bc1, Wc2):
    n, d = h.shape
    e = edge_index.shape[1]
    hh = We2.shape[0]

    avg_degree = e / max(n, 1)
    inv = (1.0 / avg_degree) if avg_degree > 1 else 1.0

    epw = -(-e // (NW * CH)) * CH
    ep = epw * NW
    ntab = -(-(n + 1) // (NS * 64)) * (NS * 64)

    z128 = jnp.zeros((64, 128), jnp.float32)
    row = edge_index[0]
    col = edge_index[1]
    row_g = jnp.pad(row, (0, ep - e))
    col_g = jnp.pad(col, (0, ep - e))
    row_s = jnp.pad(row, (0, ep - e), constant_values=n)
    ea_p = jnp.pad(edge_attr, ((0, ep - e), (0, 0)))
    x128 = jnp.pad(x, ((0, 0), (0, 128 - x.shape[1])))

    We1r = We1[:d]
    We1c = We1[d:2 * d]
    wr = We1[2 * d:2 * d + 1]
    W1a = We1[2 * d + 1:]
    b1 = be1.reshape(1, hh)
    b2 = be2.reshape(1, hh)
    bc1r = bc1.reshape(1, hh)
    wc2r = Wc2.reshape(1, hh)
    Wn1h = Wn1[:d]
    Wn1a = Wn1[d:]
    bn1r = bn1.reshape(1, hh)
    bn2r = bn2.reshape(1, d)

    hr_t, hc_t = _premul(h, We1r, We1c, nb=10)

    s_e, cdu = _make_gather(ep, hh, n)(hr_t, hc_t, x128, row_g, col_g)
    m_e, t_e = _edge_mlp(s_e, cdu, ea_p, wr, W1a, b1, We2, b2,
                         Wc1, bc1r, wc2r, eb=1024)
    am, ax = _make_scatter(ep, hh, ntab)(m_e, t_e, row_s, z128)
    ams, axs = [am, am], [ax, ax]

    h_new, coord128 = _node_mlp(h, x128, ams[0], ams[1], axs[0], axs[1],
                                Wn1h, Wn1a, bn1r, Wn2, bn2r, inv * 0.5, nb=10)
    return (h_new, coord128[:, :x.shape[1]])

# --- scband reference (transcript-rebuilt; emitter-appended) ---
"""Pipeline reference for scband-e-gcl-41120016892416 (READ-ONLY COPY).

The authoritative reference and input builder live on the scoring server;
editing this copy changes nothing except your own understanding.
"""

import jax, jax.numpy as jnp
import numpy as np

N = 10000
E = 320000
D = 128
H = 128
DE = 16

def setup_inputs(seed: int = 0):
    key = jax.random.key(seed)
    ks = jax.random.split(key, 16)
    h = jax.random.normal(ks[0], (N, D), dtype=jnp.float32)
    x = jax.random.normal(ks[1], (N, 3), dtype=jnp.float32)
    edge_index = jax.random.randint(ks[2], (2, E), 0, N, dtype=jnp.int32)
    edge_attr = jax.random.normal(ks[3], (E, DE), dtype=jnp.float32)
    in_e = 2 * D + DE + 1
    We1 = jax.random.normal(ks[4], (in_e, H), dtype=jnp.float32) / np.sqrt(in_e)
    be1 = jnp.zeros((H,), jnp.float32)
    We2 = jax.random.normal(ks[5], (H, H), dtype=jnp.float32) / np.sqrt(H)
    be2 = jnp.zeros((H,), jnp.float32)
    Wn1 = jax.random.normal(ks[6], (H + D, H), dtype=jnp.float32) / np.sqrt(H + D)
    bn1 = jnp.zeros((H,), jnp.float32)
    Wn2 = jax.random.normal(ks[7], (H, D), dtype=jnp.float32) / np.sqrt(H)
    bn2 = jnp.zeros((D,), jnp.float32)
    Wc1 = jax.random.normal(ks[8], (H, H), dtype=jnp.float32) / np.sqrt(H)
    bc1 = jnp.zeros((H,), jnp.float32)
    Wc2 = jax.random.normal(ks[9], (H, 1), dtype=jnp.float32) / np.sqrt(H)
    return {"h": h, "x": x, "edge_index": edge_index, "edge_attr": edge_attr, "We1": We1, "be1": be1, "We2": We2, "be2": be2, "Wn1": Wn1, "bn1": bn1, "Wn2": Wn2, "bn2": bn2, "Wc1": Wc1, "bc1": bc1, "Wc2": Wc2}

def reference(h, x, edge_index, edge_attr, We1, be1, We2, be2, Wn1, bn1, Wn2, bn2, Wc1, bc1, Wc2):
    row = edge_index[0]
    col = edge_index[1]
    num_nodes = h.shape[0]
    num_edges = row.shape[0]
    avg_degree = num_edges / max(num_nodes, 1)
    coord_diff = jnp.take(x, row, axis=0) - jnp.take(x, col, axis=0)
    radial = jnp.sum(coord_diff ** 2, axis=1, keepdims=True) + 1e-08
    edge_in = jnp.concatenate([jnp.take(h, row, axis=0), jnp.take(h, col, axis=0), radial, edge_attr], axis=1)
    m = jax.nn.silu(edge_in @ We1 + be1)
    m = jax.nn.silu(m @ We2 + be2)
    coord_w = jnp.tanh(jax.nn.silu(m @ Wc1 + bc1) @ Wc2)
    trans = coord_diff * coord_w
    agg_x = jnp.zeros_like(x).at[row].add(trans)
    if avg_degree > 1:
        agg_x = agg_x / avg_degree
    coord = x + agg_x
    agg = jnp.zeros((num_nodes, m.shape[1]), dtype=m.dtype).at[row].add(m)
    if avg_degree > 1:
        agg = agg / avg_degree
    node_in = jnp.concatenate([h, agg], axis=1)
    out = jax.nn.silu(node_in @ Wn1 + bn1) @ Wn2 + bn2
    h_new = h + out
    return (h_new, coord)

if __name__ == "__main__":
    import jax
    _d = setup_inputs()
    print(jax.jit(kernel)(*tuple(_d.values())))

</pallas_src>

<mosaic_0001>
#map = affine_map<(d0, d1) -> (0, 0)>
#map1 = affine_map<(d0, d1) -> (0)>
module attributes {stable_mosaic.version = 14 : i64} {
  func.func @scatter_k(%arg0: i32, %arg1: i32, %arg2: memref<323584x128xf32, #tpu.memory_space<hbm>>, %arg3: memref<323584x128xf32, #tpu.memory_space<hbm>>, %arg4: memref<323584xi32, #tpu.memory_space<hbm>>, %arg5: memref<64x128xf32, #tpu.memory_space<hbm>>, %arg6: memref<10240x128xf32, #tpu.memory_space<hbm>>, %arg7: memref<10240x128xf32, #tpu.memory_space<hbm>>, %arg8: memref<2x64xi32, #tpu.memory_space<vmem>>, %arg9: memref<2x64x128xf32, #tpu.memory_space<vmem>>, %arg10: memref<64x128xf32, #tpu.memory_space<vmem>>, %arg11: memref<10240x128xf32, #tpu.memory_space<vmem_shared>>, %arg12: memref<!tpu.dma_semaphore, #tpu.memory_space<semaphore_mem>>, %arg13: memref<!tpu.dma_semaphore, #tpu.memory_space<semaphore_mem>>) attributes {dimension_semantics = [#tpu.dimension_semantics<core_parallel>, #tpu.dimension_semantics<subcore_parallel>], iteration_bounds = array<i64: 2, 16>, scalar_prefetch = 0 : i64, scratch_operands = 6 : i64, tpu.core_type = #tpu.core_type<sc_vector_subcore>, window_params = [{transform_indices = #map}, {transform_indices = #map}, {transform_indices = #map1}, {transform_indices = #map}, {transform_indices = #map}, {transform_indices = #map}]} {
    %mul3A = arith.constant 20224 : i32
    %mul3A_0 = arith.muli %arg1, %mul3A : i32
    "tpu.region"() ({
      %run_scoped3A = tpu.sem_alloc : memref<!tpu.dma_semaphore, #tpu.memory_space<semaphore_mem>>
      tpu.enqueue_dma source(%arg5 : memref<64x128xf32, #tpu.memory_space<hbm>>) target(%arg10 : memref<64x128xf32, #tpu.memory_space<vmem>>) target_semaphore(%run_scoped3A : memref<!tpu.dma_semaphore, #tpu.memory_space<semaphore_mem>>)
      tpu.wait_dma2 semaphore(%run_scoped3A : memref<!tpu.dma_semaphore, #tpu.memory_space<semaphore_mem>>) src(%arg5 : memref<64x128xf32, #tpu.memory_space<hbm>>) dst(%arg10 : memref<64x128xf32, #tpu.memory_space<vmem>>)
      tpu.yield
    }) : () -> ()
    %scan3A = arith.constant 0 : i32
    %scan3A_1 = arith.constant 0 : i32
    %scan3A_2 = arith.constant 10 : i32
    %scan3A_3 = arith.addi %scan3A_1, %scan3A_2 : i32
    %scan3A_4 = arith.constant 1 : i32
    scf.for %scan3A_26 = %scan3A_1 to %scan3A_3 step %scan3A_4  : i32 {
      %mul3A_27 = arith.constant 640 : i32
      %mul3A_28 = arith.muli %arg1, %mul3A_27 : i32
      %mul3A_29 = arith.constant 64 : i32
      %mul3A_30 = arith.muli %scan3A_26, %mul3A_29 : i32
      %add3A = arith.addi %mul3A_28, %mul3A_30 : i32
      "tpu.region"() ({
        %run_scoped3A = tpu.sem_alloc : memref<!tpu.dma_semaphore, #tpu.memory_space<semaphore_mem>>
        %dma_start3A = arith.constant 0 : i32
        %dma_start3A_31 = tpu.memref_slice %arg11[%add3A, %dma_start3A] : memref<10240x128xf32, #tpu.memory_space<vmem_shared>> -> memref<64x128xf32, #tpu.memory_space<vmem_shared>>
        %dma_start3A_32 = arith.constant 0 : i32
        %dma_start3A_33 = tpu.memref_slice %arg11[%add3A, %dma_start3A_32] : memref<10240x128xf32, #tpu.memory_space<vmem_shared>> -> memref<64x128xf32, #tpu.memory_space<vmem_shared>>
        tpu.enqueue_dma source(%arg10 : memref<64x128xf32, #tpu.memory_space<vmem>>) target(%dma_start3A_33 : memref<64x128xf32, #tpu.memory_space<vmem_shared>>) target_semaphore(%run_scoped3A : memref<!tpu.dma_semaphore, #tpu.memory_space<semaphore_mem>>)
        %dma_wait3A = arith.constant 0 : i32
        %dma_wait3A_34 = tpu.memref_slice %arg11[%add3A, %dma_wait3A] : memref<10240x128xf32, #tpu.memory_space<vmem_shared>> -> memref<64x128xf32, #tpu.memory_space<vmem_shared>>
        %dma_wait3A_35 = arith.constant 0 : i32
        %dma_wait3A_36 = tpu.memref_slice %arg11[%add3A, %dma_wait3A_35] : memref<10240x128xf32, #tpu.memory_space<vmem_shared>> -> memref<64x128xf32, #tpu.memory_space<vmem_shared>>
        tpu.wait_dma2 semaphore(%run_scoped3A : memref<!tpu.dma_semaphore, #tpu.memory_space<semaphore_mem>>) src(%arg10 : memref<64x128xf32, #tpu.memory_space<vmem>>) dst(%dma_wait3A_36 : memref<64x128xf32, #tpu.memory_space<vmem_shared>>)
        tpu.yield
      }) : () -> ()
    }
    %scan3A_5 = arith.constant 10 : i32
    %barrier3A = arith.constant 0 : index
    tpu.barrier barrier_id(%barrier3A)
    %eq3A = arith.constant 0 : i32
    %eq3A_6 = arith.cmpi eq, %arg0, %eq3A : i32
    %convert_element_type3A = arith.extui %eq3A_6 : i1 to i32
    %cond3A = arith.constant 0 : i32
    %cond3A_7 = arith.cmpi ne, %convert_element_type3A, %cond3A : i32
    scf.if %cond3A_7 {
      %add3A = arith.constant 0 : i32
      %add3A_26 = arith.addi %mul3A_0, %add3A : i32
      %dma_start3A = arith.constant 0 : i32
      %dma_start3A_27 = arith.constant 0 : i32
      %dma_start3A_28 = tpu.memref_slice %arg8[%dma_start3A, %dma_start3A_27] : memref<2x64xi32, #tpu.memory_space<vmem>> -> memref<1x64xi32, #tpu.memory_space<vmem>>
      %dma_start3A_29 = tpu.memref_squeeze %dma_start3A_28 : memref<1x64xi32, #tpu.memory_space<vmem>> -> memref<64xi32, #tpu.memory_space<vmem>>
      %dma_start3A_30 = tpu.memref_slice %arg4[%add3A_26] : memref<323584xi32, #tpu.memory_space<hbm>> -> memref<64xi32, #tpu.memory_space<hbm>>
      %dma_start3A_31 = arith.constant 0 : i32
      %dma_start3A_32 = tpu.memref_slice %arg8[%dma_start3A, %dma_start3A_31] : memref<2x64xi32, #tpu.memory_space<vmem>> -> memref<1x64xi32, #tpu.memory_space<vmem>>
      %dma_start3A_33 = tpu.memref_squeeze %dma_start3A_32 : memref<1x64xi32, #tpu.memory_space<vmem>> -> memref<64xi32, #tpu.memory_space<vmem>>
      %dma_start3A_34 = tpu.memref_slice %arg4[%add3A_26] : memref<323584xi32, #tpu.memory_space<hbm>> -> memref<64xi32, #tpu.memory_space<hbm>>
      tpu.enqueue_dma source(%dma_start3A_34 : memref<64xi32, #tpu.memory_space<hbm>>) target(%dma_start3A_33 : memref<64xi32, #tpu.memory_space<vmem>>) target_semaphore(%arg12 : memref<!tpu.dma_semaphore, #tpu.memory_space<semaphore_mem>>)
      %dma_start3A_35 = arith.constant 0 : i32
      %dma_start3A_36 = arith.constant 0 : i32
      %dma_start3A_37 = arith.constant 0 : i32
      %dma_start3A_38 = tpu.memref_slice %arg9[%dma_start3A_35, %dma_start3A_36, %dma_start3A_37] : memref<2x64x128xf32, #tpu.memory_space<vmem>> -> memref<1x64x128xf32, #tpu.memory_space<vmem>>
      %dma_start3A_39 = tpu.memref_squeeze %dma_start3A_38 : memref<1x64x128xf32, #tpu.memory_space<vmem>> -> memref<64x128xf32, #tpu.memory_space<vmem>>
      %dma_start3A_40 = arith.constant 0 : i32
      %dma_start3A_41 = tpu.memref_slice %arg2[%add3A_26, %dma_start3A_40] : memref<323584x128xf32, #tpu.memory_space<hbm>> -> memref<64x128xf32, #tpu.memory_space<hbm>>
      %dma_start3A_42 = arith.constant 0 : i32
      %dma_start3A_43 = arith.constant 0 : i32
      %dma_start3A_44 = tpu.memref_slice %arg9[%dma_start3A_35, %dma_start3A_42, %dma_start3A_43] : memref<2x64x128xf32, #tpu.memory_space<vmem>> -> memref<1x64x128xf32, #tpu.memory_space<vmem>>
      %dma_start3A_45 = tpu.memref_squeeze %dma_start3A_44 : memref<1x64x128xf32, #tpu.memory_space<vmem>> -> memref<64x128xf32, #tpu.memory_space<vmem>>
      %dma_start3A_46 = arith.constant 0 : i32
      %dma_start3A_47 = tpu.memref_slice %arg2[%add3A_26, %dma_start3A_46] : memref<323584x128xf32, #tpu.memory_space<hbm>> -> memref<64x128xf32, #tpu.memory_space<hbm>>
      tpu.enqueue_dma source(%dma_start3A_47 : memref<64x128xf32, #tpu.memory_space<hbm>>) target(%dma_start3A_45 : memref<64x128xf32, #tpu.memory_space<vmem>>) target_semaphore(%arg12 : memref<!tpu.dma_semaphore, #tpu.memory_space<semaphore_mem>>)
      %add3A_48 = arith.constant 64 : i32
      %add3A_49 = arith.addi %mul3A_0, %add3A_48 : i32
      %dma_start3A_50 = arith.constant 1 : i32
      %dma_start3A_51 = arith.constant 0 : i32
      %dma_start3A_52 = tpu.memref_slice %arg8[%dma_start3A_50, %dma_start3A_51] : memref<2x64xi32, #tpu.memory_space<vmem>> -> memref<1x64xi32, #tpu.memory_space<vmem>>
      %dma_start3A_53 = tpu.memref_squeeze %dma_start3A_52 : memref<1x64xi32, #tpu.memory_space<vmem>> -> memref<64xi32, #tpu.memory_space<vmem>>
      %dma_start3A_54 = tpu.memref_slice %arg4[%add3A_49] : memref<323584xi32, #tpu.memory_space<hbm>> -> memref<64xi32, #tpu.memory_space<hbm>>
      %dma_start3A_55 = arith.constant 0 : i32
      %dma_start3A_56 = tpu.memref_slice %arg8[%dma_start3A_50, %dma_start3A_55] : memref<2x64xi32, #tpu.memory_space<vmem>> -> memref<1x64xi32, #tpu.memory_space<vmem>>
      %dma_start3A_57 = tpu.memref_squeeze %dma_start3A_56 : memref<1x64xi32, #tpu.memory_space<vmem>> -> memref<64xi32, #tpu.memory_space<vmem>>
      %dma_start3A_58 = tpu.memref_slice %arg4[%add3A_49] : memref<323584xi32, #tpu.memory_space<hbm>> -> memref<64xi32, #tpu.memory_space<hbm>>
      tpu.enqueue_dma source(%dma_start3A_58 : memref<64xi32, #tpu.memory_space<hbm>>) target(%dma_start3A_57 : memref<64xi32, #tpu.memory_space<vmem>>) target_semaphore(%arg12 : memref<!tpu.dma_semaphore, #tpu.memory_space<semaphore_mem>>)
      %dma_start3A_59 = arith.constant 1 : i32
      %dma_start3A_60 = arith.constant 0 : i32
      %dma_start3A_61 = arith.constant 0 : i32
      %dma_start3A_62 = tpu.memref_slice %arg9[%dma_start3A_59, %dma_start3A_60, %dma_start3A_61] : memref<2x64x128xf32, #tpu.memory_space<vmem>> -> memref<1x64x128xf32, #tpu.memory_space<vmem>>
      %dma_start3A_63 = tpu.memref_squeeze %dma_start3A_62 : memref<1x64x128xf32, #tpu.memory_space<vmem>> -> memref<64x128xf32, #tpu.memory_space<vmem>>
      %dma_start3A_64 = arith.constant 0 : i32
      %dma_start3A_65 = tpu.memref_slice %arg2[%add3A_49, %dma_start3A_64] : memref<323584x128xf32, #tpu.memory_space<hbm>> -> memref<64x128xf32, #tpu.memory_space<hbm>>
      %dma_start3A_66 = arith.constant 0 : i32
      %dma_start3A_67 = arith.constant 0 : i32
      %dma_start3A_68 = tpu.memref_slice %arg9[%dma_start3A_59, %dma_start3A_66, %dma_start3A_67] : memref<2x64x128xf32, #tpu.memory_space<vmem>> -> memref<1x64x128xf32, #tpu.memory_space<vmem>>
      %dma_start3A_69 = tpu.memref_squeeze %dma_start3A_68 : memref<1x64x128xf32, #tpu.memory_space<vmem>> -> memref<64x128xf32, #tpu.memory_space<vmem>>
      %dma_start3A_70 = arith.constant 0 : i32
      %dma_start3A_71 = tpu.memref_slice %arg2[%add3A_49, %dma_start3A_70] : memref<323584x128xf32, #tpu.memory_space<hbm>> -> memref<64x128xf32, #tpu.memory_space<hbm>>
      tpu.enqueue_dma source(%dma_start3A_71 : memref<64x128xf32, #tpu.memory_space<hbm>>) target(%dma_start3A_69 : memref<64x128xf32, #tpu.memory_space<vmem>>) target_semaphore(%arg12 : memref<!tpu.dma_semaphore, #tpu.memory_space<semaphore_mem>>)
      %scan3A_72 = arith.constant 0 : i32
      %scan3A_73 = arith.constant 0 : i32
      %scan3A_74 = arith.constant 158 : i32
      %scan3A_75 = arith.addi %scan3A_73, %scan3A_74 : i32
      %scan3A_76 = arith.constant 1 : i32
      scf.for %scan3A_101 = %scan3A_73 to %scan3A_75 step %scan3A_76  : i32 {
        %mul3A_102 = arith.constant 2 : i32
        %mul3A_103 = arith.muli %scan3A_101, %mul3A_102 : i32
        %add3A_104 = arith.constant 0 : i32
        %add3A_105 = arith.addi %mul3A_103, %add3A_104 : i32
        %add3A_106 = arith.constant 2 : i32
        %add3A_107 = arith.addi %add3A_105, %add3A_106 : i32
        %mul3A_108 = arith.constant 64 : i32
        %mul3A_109 = arith.muli %add3A_105, %mul3A_108 : i32
        %add3A_110 = arith.addi %mul3A_0, %mul3A_109 : i32
        %dma_wait3A_111 = arith.constant 0 : i32
        %dma_wait3A_112 = arith.constant 0 : i32
        %dma_wait3A_113 = tpu.memref_slice %arg8[%dma_wait3A_111, %dma_wait3A_112] : memref<2x64xi32, #tpu.memory_space<vmem>> -> memref<1x64xi32, #tpu.memory_space<vmem>>
        %dma_wait3A_114 = tpu.memref_squeeze %dma_wait3A_113 : memref<1x64xi32, #tpu.memory_space<vmem>> -> memref<64xi32, #tpu.memory_space<vmem>>
        %dma_wait3A_115 = tpu.memref_slice %arg4[%add3A_110] : memref<323584xi32, #tpu.memory_space<hbm>> -> memref<64xi32, #tpu.memory_space<hbm>>
        %dma_wait3A_116 = arith.constant 0 : i32
        %dma_wait3A_117 = tpu.memref_slice %arg8[%dma_wait3A_111, %dma_wait3A_116] : memref<2x64xi32, #tpu.memory_space<vmem>> -> memref<1x64xi32, #tpu.memory_space<vmem>>
        %dma_wait3A_118 = tpu.memref_squeeze %dma_wait3A_117 : memref<1x64xi32, #tpu.memory_space<vmem>> -> memref<64xi32, #tpu.memory_space<vmem>>
        %dma_wait3A_119 = tpu.memref_slice %arg4[%add3A_110] : memref<323584xi32, #tpu.memory_space<hbm>> -> memref<64xi32, #tpu.memory_space<hbm>>
        tpu.wait_dma2 semaphore(%arg12 : memref<!tpu.dma_semaphore, #tpu.memory_space<semaphore_mem>>) src(%dma_wait3A_119 : memref<64xi32, #tpu.memory_space<hbm>>) dst(%dma_wait3A_118 : memref<64xi32, #tpu.memory_space<vmem>>)
        %dma_wait3A_120 = arith.constant 0 : i32
        %dma_wait3A_121 = arith.constant 0 : i32
        %dma_wait3A_122 = arith.constant 0 : i32
        %dma_wait3A_123 = tpu.memref_slice %arg9[%dma_wait3A_120, %dma_wait3A_121, %dma_wait3A_122] : memref<2x64x128xf32, #tpu.memory_space<vmem>> -> memref<1x64x128xf32, #tpu.memory_space<vmem>>
        %dma_wait3A_124 = tpu.memref_squeeze %dma_wait3A_123 : memref<1x64x128xf32, #tpu.memory_space<vmem>> -> memref<64x128xf32, #tpu.memory_space<vmem>>
        %dma_wait3A_125 = arith.constant 0 : i32
        %dma_wait3A_126 = tpu.memref_slice %arg2[%add3A_110, %dma_wait3A_125] : memref<323584x128xf32, #tpu.memory_space<hbm>> -> memref<64x128xf32, #tpu.memory_space<hbm>>
        %dma_wait3A_127 = arith.constant 0 : i32
        %dma_wait3A_128 = arith.constant 0 : i32
        %dma_wait3A_129 = tpu.memref_slice %arg9[%dma_wait3A_120, %dma_wait3A_127, %dma_wait3A_128] : memref<2x64x128xf32, #tpu.memory_space<vmem>> -> memref<1x64x128xf32, #tpu.memory_space<vmem>>
        %dma_wait3A_130 = tpu.memref_squeeze %dma_wait3A_129 : memref<1x64x128xf32, #tpu.memory_space<vmem>> -> memref<64x128xf32, #tpu.memory_space<vmem>>
        %dma_wait3A_131 = arith.constant 0 : i32
        %dma_wait3A_132 = tpu.memref_slice %arg2[%add3A_110, %dma_wait3A_131] : memref<323584x128xf32, #tpu.memory_space<hbm>> -> memref<64x128xf32, #tpu.memory_space<hbm>>
        tpu.wait_dma2 semaphore(%arg12 : memref<!tpu.dma_semaphore, #tpu.memory_space<semaphore_mem>>) src(%dma_wait3A_132 : memref<64x128xf32, #tpu.memory_space<hbm>>) dst(%dma_wait3A_130 : memref<64x128xf32, #tpu.memory_space<vmem>>)
        %dma_start3A_133 = arith.constant 0 : i32
        %dma_start3A_134 = arith.constant 0 : i32
        %dma_start3A_135 = arith.constant 0 : i32
        %dma_start3A_136 = arith.constant 0 : i32
        %dma_start3A_137 = tpu.memref_slice %arg9[%dma_start3A_133, %dma_start3A_135, %dma_start3A_136] : memref<2x64x128xf32, #tpu.memory_space<vmem>> -> memref<1x64x128xf32, #tpu.memory_space<vmem>>
        %dma_start3A_138 = tpu.memref_squeeze %dma_start3A_137 : memref<1x64x128xf32, #tpu.memory_space<vmem>> -> memref<64x128xf32, #tpu.memory_space<vmem>>
        %dma_start3A_139 = arith.constant 0 : i32
        %dma_start3A_140 = tpu.memref_slice %arg8[%dma_start3A_134, %dma_start3A_139] : memref<2x64xi32, #tpu.memory_space<vmem>> -> memref<1x64xi32, #tpu.memory_space<vmem>>
        %dma_start3A_141 = tpu.memref_squeeze %dma_start3A_140 : memref<1x64xi32, #tpu.memory_space<vmem>> -> memref<64xi32, #tpu.memory_space<vmem>>
        %dma_start3A_142 = arith.constant 0 : i32
        %dma_start3A_143 = arith.constant 0 : i32
        %dma_start3A_144 = tpu.memref_slice %arg11[%dma_start3A_142, %dma_start3A_143] : memref<10240x128xf32, #tpu.memory_space<vmem_shared>> -> memref<10240x128xf32, #tpu.memory_space<vmem_shared>>
        tpu.enqueue_indirect_dma source(%dma_start3A_138 : memref<64x128xf32, #tpu.memory_space<vmem>>) target(%dma_start3A_144 : memref<10240x128xf32, #tpu.memory_space<vmem_shared>>) offsets(%dma_start3A_141 : memref<64xi32, #tpu.memory_space<vmem>>) semaphore(%arg13 : memref<!tpu.dma_semaphore, #tpu.memory_space<semaphore_mem>>) {add = true}
        %lt3A = arith.constant 316 : i32
        %lt3A_145 = arith.cmpi slt, %add3A_107, %lt3A : i32
        %convert_element_type3A_146 = arith.extui %lt3A_145 : i1 to i32
        %cond3A_147 = arith.constant 0 : i32
        %cond3A_148 = arith.cmpi ne, %convert_element_type3A_146, %cond3A_147 : i32
        scf.if %cond3A_148 {
          %dma_wait3A_197 = arith.constant 0 : i32
          %dma_wait3A_198 = arith.constant 0 : i32
          %dma_wait3A_199 = arith.constant 0 : i32
          %dma_wait3A_200 = arith.constant 0 : i32
          %dma_wait3A_201 = tpu.memref_slice %arg9[%dma_wait3A_197, %dma_wait3A_199, %dma_wait3A_200] : memref<2x64x128xf32, #tpu.memory_space<vmem>> -> memref<1x64x128xf32, #tpu.memory_space<vmem>>
          %dma_wait3A_202 = tpu.memref_squeeze %dma_wait3A_201 : memref<1x64x128xf32, #tpu.memory_space<vmem>> -> memref<64x128xf32, #tpu.memory_space<vmem>>
          %dma_wait3A_203 = arith.constant 0 : i32
          %dma_wait3A_204 = tpu.memref_slice %arg8[%dma_wait3A_198, %dma_wait3A_203] : memref<2x64xi32, #tpu.memory_space<vmem>> -> memref<1x64xi32, #tpu.memory_space<vmem>>
          %dma_wait3A_205 = tpu.memref_squeeze %dma_wait3A_204 : memref<1x64xi32, #tpu.memory_space<vmem>> -> memref<64xi32, #tpu.memory_space<vmem>>
          %dma_wait3A_206 = arith.constant 0 : i32
          %dma_wait3A_207 = arith.constant 0 : i32
          %dma_wait3A_208 = tpu.memref_slice %arg11[%dma_wait3A_206, %dma_wait3A_207] : memref<10240x128xf32, #tpu.memory_space<vmem_shared>> -> memref<10240x128xf32, #tpu.memory_space<vmem_shared>>
          tpu.wait_indirect_dma semaphore(%arg13 : memref<!tpu.dma_semaphore, #tpu.memory_space<semaphore_mem>>) src(%dma_wait3A_202 : memref<64x128xf32, #tpu.memory_space<vmem>>) dst(%dma_wait3A_208 : memref<10240x128xf32, #tpu.memory_space<vmem_shared>>)
          %mul3A_209 = arith.constant 64 : i32
          %mul3A_210 = arith.muli %add3A_107, %mul3A_209 : i32
          %add3A_211 = arith.addi %mul3A_0, %mul3A_210 : i32
          %dma_start3A_212 = arith.constant 0 : i32
          %dma_start3A_213 = arith.constant 0 : i32
          %dma_start3A_214 = tpu.memref_slice %arg8[%dma_start3A_212, %dma_start3A_213] : memref<2x64xi32, #tpu.memory_space<vmem>> -> memref<1x64xi32, #tpu.memory_space<vmem>>
          %dma_start3A_215 = tpu.memref_squeeze %dma_start3A_214 : memref<1x64xi32, #tpu.memory_space<vmem>> -> memref<64xi32, #tpu.memory_space<vmem>>
          %dma_start3A_216 = tpu.memref_slice %arg4[%add3A_211] : memref<323584xi32, #tpu.memory_space<hbm>> -> memref<64xi32, #tpu.memory_space<hbm>>
          %dma_start3A_217 = arith.constant 0 : i32
          %dma_start3A_218 = tpu.memref_slice %arg8[%dma_start3A_212, %dma_start3A_217] : memref<2x64xi32, #tpu.memory_space<vmem>> -> memref<1x64xi32, #tpu.memory_space<vmem>>
          %dma_start3A_219 = tpu.memref_squeeze %dma_start3A_218 : memref<1x64xi32, #tpu.memory_space<vmem>> -> memref<64xi32, #tpu.memory_space<vmem>>
          %dma_start3A_220 = tpu.memref_slice %arg4[%add3A_211] : memref<323584xi32, #tpu.memory_space<hbm>> -> memref<64xi32, #tpu.memory_space<hbm>>
          tpu.enqueue_dma source(%dma_start3A_220 : memref<64xi32, #tpu.memory_space<hbm>>) target(%dma_start3A_219 : memref<64xi32, #tpu.memory_space<vmem>>) target_semaphore(%arg12 : memref<!tpu.dma_semaphore, #tpu.memory_space<semaphore_mem>>)
          %dma_start3A_221 = arith.constant 0 : i32
          %dma_start3A_222 = arith.constant 0 : i32
          %dma_start3A_223 = arith.constant 0 : i32
          %dma_start3A_224 = tpu.memref_slice %arg9[%dma_start3A_221, %dma_start3A_222, %dma_start3A_223] : memref<2x64x128xf32, #tpu.memory_space<vmem>> -> memref<1x64x128xf32, #tpu.memory_space<vmem>>
          %dma_start3A_225 = tpu.memref_squeeze %dma_start3A_224 : memref<1x64x128xf32, #tpu.memory_space<vmem>> -> memref<64x128xf32, #tpu.memory_space<vmem>>
          %dma_start3A_226 = arith.constant 0 : i32
          %dma_start3A_227 = tpu.memref_slice %arg2[%add3A_211, %dma_start3A_226] : memref<323584x128xf32, #tpu.memory_space<hbm>> -> memref<64x128xf32, #tpu.memory_space<hbm>>
          %dma_start3A_228 = arith.constant 0 : i32
          %dma_start3A_229 = arith.constant 0 : i32
          %dma_start3A_230 = tpu.memref_slice %arg9[%dma_start3A_221, %dma_start3A_228, %dma_start3A_229] : memref<2x64x128xf32, #tpu.memory_space<vmem>> -> memref<1x64x128xf32, #tpu.memory_space<vmem>>
          %dma_start3A_231 = tpu.memref_squeeze %dma_start3A_230 : memref<1x64x128xf32, #tpu.memory_space<vmem>> -> memref<64x128xf32, #tpu.memory_space<vmem>>
          %dma_start3A_232 = arith.constant 0 : i32
          %dma_start3A_233 = tpu.memref_slice %arg2[%add3A_211, %dma_start3A_232] : memref<323584x128xf32, #tpu.memory_space<hbm>> -> memref<64x128xf32, #tpu.memory_space<hbm>>
          tpu.enqueue_dma source(%dma_start3A_233 : memref<64x128xf32, #tpu.memory_space<hbm>>) target(%dma_start3A_231 : memref<64x128xf32, #tpu.memory_space<vmem>>) target_semaphore(%arg12 : memref<!tpu.dma_semaphore, #tpu.memory_space<semaphore_mem>>)
        } else {
        }
        %mul3A_149 = arith.constant 2 : i32
        %mul3A_150 = arith.muli %scan3A_101, %mul3A_149 : i32
        %add3A_151 = arith.constant 1 : i32
        %add3A_152 = arith.addi %mul3A_150, %add3A_151 : i32
        %add3A_153 = arith.constant 2 : i32
        %add3A_154 = arith.addi %add3A_152, %add3A_153 : i32
        %mul3A_155 = arith.constant 64 : i32
        %mul3A_156 = arith.muli %add3A_152, %mul3A_155 : i32
        %add3A_157 = arith.addi %mul3A_0, %mul3A_156 : i32
        %dma_wait3A_158 = arith.constant 1 : i32
        %dma_wait3A_159 = arith.constant 0 : i32
        %dma_wait3A_160 = tpu.memref_slice %arg8[%dma_wait3A_158, %dma_wait3A_159] : memref<2x64xi32, #tpu.memory_space<vmem>> -> memref<1x64xi32, #tpu.memory_space<vmem>>
        %dma_wait3A_161 = tpu.memref_squeeze %dma_wait3A_160 : memref<1x64xi32, #tpu.memory_space<vmem>> -> memref<64xi32, #tpu.memory_space<vmem>>
        %dma_wait3A_162 = tpu.memref_slice %arg4[%add3A_157] : memref<323584xi32, #tpu.memory_space<hbm>> -> memref<64xi32, #tpu.memory_space<hbm>>
        %dma_wait3A_163 = arith.constant 0 : i32
        %dma_wait3A_164 = tpu.memref_slice %arg8[%dma_wait3A_158, %dma_wait3A_163] : memref<2x64xi32, #tpu.memory_space<vmem>> -> memref<1x64xi32, #tpu.memory_space<vmem>>
        %dma_wait3A_165 = tpu.memref_squeeze %dma_wait3A_164 : memref<1x64xi32, #tpu.memory_space<vmem>> -> memref<64xi32, #tpu.memory_space<vmem>>
        %dma_wait3A_166 = tpu.memref_slice %arg4[%add3A_157] : memref<323584xi32, #tpu.memory_space<hbm>> -> memref<64xi32, #tpu.memory_space<hbm>>
        tpu.wait_dma2 semaphore(%arg12 : memref<!tpu.dma_semaphore, #tpu.memory_space<semaphore_mem>>) src(%dma_wait3A_166 : memref<64xi32, #tpu.memory_space<hbm>>) dst(%dma_wait3A_165 : memref<64xi32, #tpu.memory_space<vmem>>)
        %dma_wait3A_167 = arith.constant 1 : i32
        %dma_wait3A_168 = arith.constant 0 : i32
        %dma_wait3A_169 = arith.constant 0 : i32
        %dma_wait3A_170 = tpu.memref_slice %arg9[%dma_wait3A_167, %dma_wait3A_168, %dma_wait3A_169] : memref<2x64x128xf32, #tpu.memory_space<vmem>> -> memref<1x64x128xf32, #tpu.memory_space<vmem>>
        %dma_wait3A_171 = tpu.memref_squeeze %dma_wait3A_170 : memref<1x64x128xf32, #tpu.memory_space<vmem>> -> memref<64x128xf32, #tpu.memory_space<vmem>>
        %dma_wait3A_172 = arith.constant 0 : i32
        %dma_wait3A_173 = tpu.memref_slice %arg2[%add3A_157, %dma_wait3A_172] : memref<323584x128xf32, #tpu.memory_space<hbm>> -> memref<64x128xf32, #tpu.memory_space<hbm>>
        %dma_wait3A_174 = arith.constant 0 : i32
        %dma_wait3A_175 = arith.constant 0 : i32
        %dma_wait3A_176 = tpu.memref_slice %arg9[%dma_wait3A_167, %dma_wait3A_174, %dma_wait3A_175] : memref<2x64x128xf32, #tpu.memory_space<vmem>> -> memref<1x64x128xf32, #tpu.memory_space<vmem>>
        %dma_wait3A_177 = tpu.memref_squeeze %dma_wait3A_176 : memref<1x64x128xf32, #tpu.memory_space<vmem>> -> memref<64x128xf32, #tpu.memory_space<vmem>>
        %dma_wait3A_178 = arith.constant 0 : i32
        %dma_wait3A_179 = tpu.memref_slice %arg2[%add3A_157, %dma_wait3A_178] : memref<323584x128xf32, #tpu.memory_space<hbm>> -> memref<64x128xf32, #tpu.memory_space<hbm>>
        tpu.wait_dma2 semaphore(%arg12 : memref<!tpu.dma_semaphore, #tpu.memory_space<semaphore_mem>>) src(%dma_wait3A_179 : memref<64x128xf32, #tpu.memory_space<hbm>>) dst(%dma_wait3A_177 : memref<64x128xf32, #tpu.memory_space<vmem>>)
        %dma_start3A_180 = arith.constant 1 : i32
        %dma_start3A_181 = arith.constant 1 : i32
        %dma_start3A_182 = arith.constant 0 : i32
        %dma_start3A_183 = arith.constant 0 : i32
        %dma_start3A_184 = tpu.memref_slice %arg9[%dma_start3A_180, %dma_start3A_182, %dma_start3A_183] : memref<2x64x128xf32, #tpu.memory_space<vmem>> -> memref<1x64x128xf32, #tpu.memory_space<vmem>>
        %dma_start3A_185 = tpu.memref_squeeze %dma_start3A_184 : memref<1x64x128xf32, #tpu.memory_space<vmem>> -> memref<64x128xf32, #tpu.memory_space<vmem>>
        %dma_start3A_186 = arith.constant 0 : i32
        %dma_start3A_187 = tpu.memref_slice %arg8[%dma_start3A_181, %dma_start3A_186] : memref<2x64xi32, #tpu.memory_space<vmem>> -> memref<1x64xi32, #tpu.memory_space<vmem>>
        %dma_start3A_188 = tpu.memref_squeeze %dma_start3A_187 : memref<1x64xi32, #tpu.memory_space<vmem>> -> memref<64xi32, #tpu.memory_space<vmem>>
        %dma_start3A_189 = arith.constant 0 : i32
        %dma_start3A_190 = arith.constant 0 : i32
        %dma_start3A_191 = tpu.memref_slice %arg11[%dma_start3A_189, %dma_start3A_190] : memref<10240x128xf32, #tpu.memory_space<vmem_shared>> -> memref<10240x128xf32, #tpu.memory_space<vmem_shared>>
        tpu.enqueue_indirect_dma source(%dma_start3A_185 : memref<64x128xf32, #tpu.memory_space<vmem>>) target(%dma_start3A_191 : memref<10240x128xf32, #tpu.memory_space<vmem_shared>>) offsets(%dma_start3A_188 : memref<64xi32, #tpu.memory_space<vmem>>) semaphore(%arg13 : memref<!tpu.dma_semaphore, #tpu.memory_space<semaphore_mem>>) {add = true}
        %lt3A_192 = arith.constant 316 : i32
        %lt3A_193 = arith.cmpi slt, %add3A_154, %lt3A_192 : i32
        %convert_element_type3A_194 = arith.extui %lt3A_193 : i1 to i32
        %cond3A_195 = arith.constant 0 : i32
        %cond3A_196 = arith.cmpi ne, %convert_element_type3A_194, %cond3A_195 : i32
        scf.if %cond3A_196 {
          %dma_wait3A_197 = arith.constant 1 : i32
          %dma_wait3A_198 = arith.constant 1 : i32
          %dma_wait3A_199 = arith.constant 0 : i32
          %dma_wait3A_200 = arith.constant 0 : i32
          %dma_wait3A_201 = tpu.memref_slice %arg9[%dma_wait3A_197, %dma_wait3A_199, %dma_wait3A_200] : memref<2x64x128xf32, #tpu.memory_space<vmem>> -> memref<1x64x128xf32, #tpu.memory_space<vmem>>
          %dma_wait3A_202 = tpu.memref_squeeze %dma_wait3A_201 : memref<1x64x128xf32, #tpu.memory_space<vmem>> -> memref<64x128xf32, #tpu.memory_space<vmem>>
          %dma_wait3A_203 = arith.constant 0 : i32
          %dma_wait3A_204 = tpu.memref_slice %arg8[%dma_wait3A_198, %dma_wait3A_203] : memref<2x64xi32, #tpu.memory_space<vmem>> -> memref<1x64xi32, #tpu.memory_space<vmem>>
          %dma_wait3A_205 = tpu.memref_squeeze %dma_wait3A_204 : memref<1x64xi32, #tpu.memory_space<vmem>> -> memref<64xi32, #tpu.memory_space<vmem>>
          %dma_wait3A_206 = arith.constant 0 : i32
          %dma_wait3A_207 = arith.constant 0 : i32
          %dma_wait3A_208 = tpu.memref_slice %arg11[%dma_wait3A_206, %dma_wait3A_207] : memref<10240x128xf32, #tpu.memory_space<vmem_shared>> -> memref<10240x128xf32, #tpu.memory_space<vmem_shared>>
          tpu.wait_indirect_dma semaphore(%arg13 : memref<!tpu.dma_semaphore, #tpu.memory_space<semaphore_mem>>) src(%dma_wait3A_202 : memref<64x128xf32, #tpu.memory_space<vmem>>) dst(%dma_wait3A_208 : memref<10240x128xf32, #tpu.memory_space<vmem_shared>>)
          %mul3A_209 = arith.constant 64 : i32
          %mul3A_210 = arith.muli %add3A_154, %mul3A_209 : i32
          %add3A_211 = arith.addi %mul3A_0, %mul3A_210 : i32
          %dma_start3A_212 = arith.constant 1 : i32
          %dma_start3A_213 = arith.constant 0 : i32
          %dma_start3A_214 = tpu.memref_slice %arg8[%dma_start3A_212, %dma_start3A_213] : memref<2x64xi32, #tpu.memory_space<vmem>> -> memref<1x64xi32, #tpu.memory_space<vmem>>
          %dma_start3A_215 = tpu.memref_squeeze %dma_start3A_214 : memref<1x64xi32, #tpu.memory_space<vmem>> -> memref<64xi32, #tpu.memory_space<vmem>>
          %dma_start3A_216 = tpu.memref_slice %arg4[%add3A_211] : memref<323584xi32, #tpu.memory_space<hbm>> -> memref<64xi32, #tpu.memory_space<hbm>>
          %dma_start3A_217 = arith.constant 0 : i32
          %dma_start3A_218 = tpu.memref_slice %arg8[%dma_start3A_212, %dma_start3A_217] : memref<2x64xi32, #tpu.memory_space<vmem>> -> memref<1x64xi32, #tpu.memory_space<vmem>>
          %dma_start3A_219 = tpu.memref_squeeze %dma_start3A_218 : memref<1x64xi32, #tpu.memory_space<vmem>> -> memref<64xi32, #tpu.memory_space<vmem>>
          %dma_start3A_220 = tpu.memref_slice %arg4[%add3A_211] : memref<323584xi32, #tpu.memory_space<hbm>> -> memref<64xi32, #tpu.memory_space<hbm>>
          tpu.enqueue_dma source(%dma_start3A_220 : memref<64xi32, #tpu.memory_space<hbm>>) target(%dma_start3A_219 : memref<64xi32, #tpu.memory_space<vmem>>) target_semaphore(%arg12 : memref<!tpu.dma_semaphore, #tpu.memory_space<semaphore_mem>>)
          %dma_start3A_221 = arith.constant 1 : i32
          %dma_start3A_222 = arith.constant 0 : i32
          %dma_start3A_223 = arith.constant 0 : i32
          %dma_start3A_224 = tpu.memref_slice %arg9[%dma_start3A_221, %dma_start3A_222, %dma_start3A_223] : memref<2x64x128xf32, #tpu.memory_space<vmem>> -> memref<1x64x128xf32, #tpu.memory_space<vmem>>
          %dma_start3A_225 = tpu.memref_squeeze %dma_start3A_224 : memref<1x64x128xf32, #tpu.memory_space<vmem>> -> memref<64x128xf32, #tpu.memory_space<vmem>>
          %dma_start3A_226 = arith.constant 0 : i32
          %dma_start3A_227 = tpu.memref_slice %arg2[%add3A_211, %dma_start3A_226] : memref<323584x128xf32, #tpu.memory_space<hbm>> -> memref<64x128xf32, #tpu.memory_space<hbm>>
          %dma_start3A_228 = arith.constant 0 : i32
          %dma_start3A_229 = arith.constant 0 : i32
          %dma_start3A_230 = tpu.memref_slice %arg9[%dma_start3A_221, %dma_start3A_228, %dma_start3A_229] : memref<2x64x128xf32, #tpu.memory_space<vmem>> -> memref<1x64x128xf32, #tpu.memory_space<vmem>>
          %dma_start3A_231 = tpu.memref_squeeze %dma_start3A_230 : memref<1x64x128xf32, #tpu.memory_space<vmem>> -> memref<64x128xf32, #tpu.memory_space<vmem>>
          %dma_start3A_232 = arith.constant 0 : i32
          %dma_start3A_233 = tpu.memref_slice %arg2[%add3A_211, %dma_start3A_232] : memref<323584x128xf32, #tpu.memory_space<hbm>> -> memref<64x128xf32, #tpu.memory_space<hbm>>
          tpu.enqueue_dma source(%dma_start3A_233 : memref<64x128xf32, #tpu.memory_space<hbm>>) target(%dma_start3A_231 : memref<64x128xf32, #tpu.memory_space<vmem>>) target_semaphore(%arg12 : memref<!tpu.dma_semaphore, #tpu.memory_space<semaphore_mem>>)
        } else {
        }
      }
      %scan3A_77 = arith.constant 158 : i32
      %dma_wait3A = arith.constant 0 : i32
      %dma_wait3A_78 = arith.constant 0 : i32
      %dma_wait3A_79 = arith.constant 0 : i32
      %dma_wait3A_80 = arith.constant 0 : i32
      %dma_wait3A_81 = tpu.memref_slice %arg9[%dma_wait3A, %dma_wait3A_79, %dma_wait3A_80] : memref<2x64x128xf32, #tpu.memory_space<vmem>> -> memref<1x64x128xf32, #tpu.memory_space<vmem>>
      %dma_wait3A_82 = tpu.memref_squeeze %dma_wait3A_81 : memref<1x64x128xf32, #tpu.memory_space<vmem>> -> memref<64x128xf32, #tpu.memory_space<vmem>>
      %dma_wait3A_83 = arith.constant 0 : i32
      %dma_wait3A_84 = tpu.memref_slice %arg8[%dma_wait3A_78, %dma_wait3A_83] : memref<2x64xi32, #tpu.memory_space<vmem>> -> memref<1x64xi32, #tpu.memory_space<vmem>>
      %dma_wait3A_85 = tpu.memref_squeeze %dma_wait3A_84 : memref<1x64xi32, #tpu.memory_space<vmem>> -> memref<64xi32, #tpu.memory_space<vmem>>
      %dma_wait3A_86 = arith.constant 0 : i32
      %dma_wait3A_87 = arith.constant 0 : i32
      %dma_wait3A_88 = tpu.memref_slice %arg11[%dma_wait3A_86, %dma_wait3A_87] : memref<10240x128xf32, #tpu.memory_space<vmem_shared>> -> memref<10240x128xf32, #tpu.memory_space<vmem_shared>>
      tpu.wait_indirect_dma semaphore(%arg13 : memref<!tpu.dma_semaphore, #tpu.memory_space<semaphore_mem>>) src(%dma_wait3A_82 : memref<64x128xf32, #tpu.memory_space<vmem>>) dst(%dma_wait3A_88 : memref<10240x128xf32, #tpu.memory_space<vmem_shared>>)
      %dma_wait3A_89 = arith.constant 1 : i32
      %dma_wait3A_90 = arith.constant 1 : i32
      %dma_wait3A_91 = arith.constant 0 : i32
      %dma_wait3A_92 = arith.constant 0 : i32
      %dma_wait3A_93 = tpu.memref_slice %arg9[%dma_wait3A_89, %dma_wait3A_91, %dma_wait3A_92] : memref<2x64x128xf32, #tpu.memory_space<vmem>> -> memref<1x64x128xf32, #tpu.memory_space<vmem>>
      %dma_wait3A_94 = tpu.memref_squeeze %dma_wait3A_93 : memref<1x64x128xf32, #tpu.memory_space<vmem>> -> memref<64x128xf32, #tpu.memory_space<vmem>>
      %dma_wait3A_95 = arith.constant 0 : i32
      %dma_wait3A_96 = tpu.memref_slice %arg8[%dma_wait3A_90, %dma_wait3A_95] : memref<2x64xi32, #tpu.memory_space<vmem>> -> memref<1x64xi32, #tpu.memory_space<vmem>>
      %dma_wait3A_97 = tpu.memref_squeeze %dma_wait3A_96 : memref<1x64xi32, #tpu.memory_space<vmem>> -> memref<64xi32, #tpu.memory_space<vmem>>
      %dma_wait3A_98 = arith.constant 0 : i32
      %dma_wait3A_99 = arith.constant 0 : i32
      %dma_wait3A_100 = tpu.memref_slice %arg11[%dma_wait3A_98, %dma_wait3A_99] : memref<10240x128xf32, #tpu.memory_space<vmem_shared>> -> memref<10240x128xf32, #tpu.memory_space<vmem_shared>>
      tpu.wait_indirect_dma semaphore(%arg13 : memref<!tpu.dma_semaphore, #tpu.memory_space<semaphore_mem>>) src(%dma_wait3A_94 : memref<64x128xf32, #tpu.memory_space<vmem>>) dst(%dma_wait3A_100 : memref<10240x128xf32, #tpu.memory_space<vmem_shared>>)
    } else {
    }
    %eq3A_8 = arith.constant 1 : i32
    %eq3A_9 = arith.cmpi eq, %arg0, %eq3A_8 : i32
    %convert_element_type3A_10 = arith.extui %eq3A_9 : i1 to i32
    %cond3A_11 = arith.constant 0 : i32
    %cond3A_12 = arith.cmpi ne, %convert_element_type3A_10, %cond3A_11 : i32
    scf.if %cond3A_12 {
      %add3A = arith.constant 0 : i32
      %add3A_26 = arith.addi %mul3A_0, %add3A : i32
      %dma_start3A = arith.constant 0 : i32
      %dma_start3A_27 = arith.constant 0 : i32
      %dma_start3A_28 = tpu.memref_slice %arg8[%dma_start3A, %dma_start3A_27] : memref<2x64xi32, #tpu.memory_space<vmem>> -> memref<1x64xi32, #tpu.memory_space<vmem>>
      %dma_start3A_29 = tpu.memref_squeeze %dma_start3A_28 : memref<1x64xi32, #tpu.memory_space<vmem>> -> memref<64xi32, #tpu.memory_space<vmem>>
      %dma_start3A_30 = tpu.memref_slice %arg4[%add3A_26] : memref<323584xi32, #tpu.memory_space<hbm>> -> memref<64xi32, #tpu.memory_space<hbm>>
      %dma_start3A_31 = arith.constant 0 : i32
      %dma_start3A_32 = tpu.memref_slice %arg8[%dma_start3A, %dma_start3A_31] : memref<2x64xi32, #tpu.memory_space<vmem>> -> memref<1x64xi32, #tpu.memory_space<vmem>>
      %dma_start3A_33 = tpu.memref_squeeze %dma_start3A_32 : memref<1x64xi32, #tpu.memory_space<vmem>> -> memref<64xi32, #tpu.memory_space<vmem>>
      %dma_start3A_34 = tpu.memref_slice %arg4[%add3A_26] : memref<323584xi32, #tpu.memory_space<hbm>> -> memref<64xi32, #tpu.memory_space<hbm>>
      tpu.enqueue_dma source(%dma_start3A_34 : memref<64xi32, #tpu.memory_space<hbm>>) target(%dma_start3A_33 : memref<64xi32, #tpu.memory_space<vmem>>) target_semaphore(%arg12 : memref<!tpu.dma_semaphore, #tpu.memory_space<semaphore_mem>>)
      %dma_start3A_35 = arith.constant 0 : i32
      %dma_start3A_36 = arith.constant 0 : i32
      %dma_start3A_37 = arith.constant 0 : i32
      %dma_start3A_38 = tpu.memref_slice %arg9[%dma_start3A_35, %dma_start3A_36, %dma_start3A_37] : memref<2x64x128xf32, #tpu.memory_space<vmem>> -> memref<1x64x128xf32, #tpu.memory_space<vmem>>
      %dma_start3A_39 = tpu.memref_squeeze %dma_start3A_38 : memref<1x64x128xf32, #tpu.memory_space<vmem>> -> memref<64x128xf32, #tpu.memory_space<vmem>>
      %dma_start3A_40 = arith.constant 0 : i32
      %dma_start3A_41 = tpu.memref_slice %arg3[%add3A_26, %dma_start3A_40] : memref<323584x128xf32, #tpu.memory_space<hbm>> -> memref<64x128xf32, #tpu.memory_space<hbm>>
      %dma_start3A_42 = arith.constant 0 : i32
      %dma_start3A_43 = arith.constant 0 : i32
      %dma_start3A_44 = tpu.memref_slice %arg9[%dma_start3A_35, %dma_start3A_42, %dma_start3A_43] : memref<2x64x128xf32, #tpu.memory_space<vmem>> -> memref<1x64x128xf32, #tpu.memory_space<vmem>>
      %dma_start3A_45 = tpu.memref_squeeze %dma_start3A_44 : memref<1x64x128xf32, #tpu.memory_space<vmem>> -> memref<64x128xf32, #tpu.memory_space<vmem>>
      %dma_start3A_46 = arith.constant 0 : i32
      %dma_start3A_47 = tpu.memref_slice %arg3[%add3A_26, %dma_start3A_46] : memref<323584x128xf32, #tpu.memory_space<hbm>> -> memref<64x128xf32, #tpu.memory_space<hbm>>
      tpu.enqueue_dma source(%dma_start3A_47 : memref<64x128xf32, #tpu.memory_space<hbm>>) target(%dma_start3A_45 : memref<64x128xf32, #tpu.memory_space<vmem>>) target_semaphore(%arg12 : memref<!tpu.dma_semaphore, #tpu.memory_space<semaphore_mem>>)
      %add3A_48 = arith.constant 64 : i32
      %add3A_49 = arith.addi %mul3A_0, %add3A_48 : i32
      %dma_start3A_50 = arith.constant 1 : i32
      %dma_start3A_51 = arith.constant 0 : i32
      %dma_start3A_52 = tpu.memref_slice %arg8[%dma_start3A_50, %dma_start3A_51] : memref<2x64xi32, #tpu.memory_space<vmem>> -> memref<1x64xi32, #tpu.memory_space<vmem>>
      %dma_start3A_53 = tpu.memref_squeeze %dma_start3A_52 : memref<1x64xi32, #tpu.memory_space<vmem>> -> memref<64xi32, #tpu.memory_space<vmem>>
      %dma_start3A_54 = tpu.memref_slice %arg4[%add3A_49] : memref<323584xi32, #tpu.memory_space<hbm>> -> memref<64xi32, #tpu.memory_space<hbm>>
      %dma_start3A_55 = arith.constant 0 : i32
      %dma_start3A_56 = tpu.memref_slice %arg8[%dma_start3A_50, %dma_start3A_55] : memref<2x64xi32, #tpu.memory_space<vmem>> -> memref<1x64xi32, #tpu.memory_space<vmem>>
      %dma_start3A_57 = tpu.memref_squeeze %dma_start3A_56 : memref<1x64xi32, #tpu.memory_space<vmem>> -> memref<64xi32, #tpu.memory_space<vmem>>
      %dma_start3A_58 = tpu.memref_slice %arg4[%add3A_49] : memref<323584xi32, #tpu.memory_space<hbm>> -> memref<64xi32, #tpu.memory_space<hbm>>
      tpu.enqueue_dma source(%dma_start3A_58 : memref<64xi32, #tpu.memory_space<hbm>>) target(%dma_start3A_57 : memref<64xi32, #tpu.memory_space<vmem>>) target_semaphore(%arg12 : memref<!tpu.dma_semaphore, #tpu.memory_space<semaphore_mem>>)
      %dma_start3A_59 = arith.constant 1 : i32
      %dma_start3A_60 = arith.constant 0 : i32
      %dma_start3A_61 = arith.constant 0 : i32
      %dma_start3A_62 = tpu.memref_slice %arg9[%dma_start3A_59, %dma_start3A_60, %dma_start3A_61] : memref<2x64x128xf32, #tpu.memory_space<vmem>> -> memref<1x64x128xf32, #tpu.memory_space<vmem>>
      %dma_start3A_63 = tpu.memref_squeeze %dma_start3A_62 : memref<1x64x128xf32, #tpu.memory_space<vmem>> -> memref<64x128xf32, #tpu.memory_space<vmem>>
      %dma_start3A_64 = arith.constant 0 : i32
      %dma_start3A_65 = tpu.memref_slice %arg3[%add3A_49, %dma_start3A_64] : memref<323584x128xf32, #tpu.memory_space<hbm>> -> memref<64x128xf32, #tpu.memory_space<hbm>>
      %dma_start3A_66 = arith.constant 0 : i32
      %dma_start3A_67 = arith.constant 0 : i32
      %dma_start3A_68 = tpu.memref_slice %arg9[%dma_start3A_59, %dma_start3A_66, %dma_start3A_67] : memref<2x64x128xf32, #tpu.memory_space<vmem>> -> memref<1x64x128xf32, #tpu.memory_space<vmem>>
      %dma_start3A_69 = tpu.memref_squeeze %dma_start3A_68 : memref<1x64x128xf32, #tpu.memory_space<vmem>> -> memref<64x128xf32, #tpu.memory_space<vmem>>
      %dma_start3A_70 = arith.constant 0 : i32
      %dma_start3A_71 = tpu.memref_slice %arg3[%add3A_49, %dma_start3A_70] : memref<323584x128xf32, #tpu.memory_space<hbm>> -> memref<64x128xf32, #tpu.memory_space<hbm>>
      tpu.enqueue_dma source(%dma_start3A_71 : memref<64x128xf32, #tpu.memory_space<hbm>>) target(%dma_start3A_69 : memref<64x128xf32, #tpu.memory_space<vmem>>) target_semaphore(%arg12 : memref<!tpu.dma_semaphore, #tpu.memory_space<semaphore_mem>>)
      %scan3A_72 = arith.constant 0 : i32
      %scan3A_73 = arith.constant 0 : i32
      %scan3A_74 = arith.constant 158 : i32
      %scan3A_75 = arith.addi %scan3A_73, %scan3A_74 : i32
      %scan3A_76 = arith.constant 1 : i32
      scf.for %scan3A_101 = %scan3A_73 to %scan3A_75 step %scan3A_76  : i32 {
        %mul3A_102 = arith.constant 2 : i32
        %mul3A_103 = arith.muli %scan3A_101, %mul3A_102 : i32
        %add3A_104 = arith.constant 0 : i32
        %add3A_105 = arith.addi %mul3A_103, %add3A_104 : i32
        %add3A_106 = arith.constant 2 : i32
        %add3A_107 = arith.addi %add3A_105, %add3A_106 : i32
        %mul3A_108 = arith.constant 64 : i32
        %mul3A_109 = arith.muli %add3A_105, %mul3A_108 : i32
        %add3A_110 = arith.addi %mul3A_0, %mul3A_109 : i32
        %dma_wait3A_111 = arith.constant 0 : i32
        %dma_wait3A_112 = arith.constant 0 : i32
        %dma_wait3A_113 = tpu.memref_slice %arg8[%dma_wait3A_111, %dma_wait3A_112] : memref<2x64xi32, #tpu.memory_space<vmem>> -> memref<1x64xi32, #tpu.memory_space<vmem>>
        %dma_wait3A_114 = tpu.memref_squeeze %dma_wait3A_113 : memref<1x64xi32, #tpu.memory_space<vmem>> -> memref<64xi32, #tpu.memory_space<vmem>>
        %dma_wait3A_115 = tpu.memref_slice %arg4[%add3A_110] : memref<323584xi32, #tpu.memory_space<hbm>> -> memref<64xi32, #tpu.memory_space<hbm>>
        %dma_wait3A_116 = arith.constant 0 : i32
        %dma_wait3A_117 = tpu.memref_slice %arg8[%dma_wait3A_111, %dma_wait3A_116] : memref<2x64xi32, #tpu.memory_space<vmem>> -> memref<1x64xi32, #tpu.memory_space<vmem>>
        %dma_wait3A_118 = tpu.memref_squeeze %dma_wait3A_117 : memref<1x64xi32, #tpu.memory_space<vmem>> -> memref<64xi32, #tpu.memory_space<vmem>>
        %dma_wait3A_119 = tpu.memref_slice %arg4[%add3A_110] : memref<323584xi32, #tpu.memory_space<hbm>> -> memref<64xi32, #tpu.memory_space<hbm>>
        tpu.wait_dma2 semaphore(%arg12 : memref<!tpu.dma_semaphore, #tpu.memory_space<semaphore_mem>>) src(%dma_wait3A_119 : memref<64xi32, #tpu.memory_space<hbm>>) dst(%dma_wait3A_118 : memref<64xi32, #tpu.memory_space<vmem>>)
        %dma_wait3A_120 = arith.constant 0 : i32
        %dma_wait3A_121 = arith.constant 0 : i32
        %dma_wait3A_122 = arith.constant 0 : i32
        %dma_wait3A_123 = tpu.memref_slice %arg9[%dma_wait3A_120, %dma_wait3A_121, %dma_wait3A_122] : memref<2x64x128xf32, #tpu.memory_space<vmem>> -> memref<1x64x128xf32, #tpu.memory_space<vmem>>
        %dma_wait3A_124 = tpu.memref_squeeze %dma_wait3A_123 : memref<1x64x128xf32, #tpu.memory_space<vmem>> -> memref<64x128xf32, #tpu.memory_space<vmem>>
        %dma_wait3A_125 = arith.constant 0 : i32
        %dma_wait3A_126 = tpu.memref_slice %arg3[%add3A_110, %dma_wait3A_125] : memref<323584x128xf32, #tpu.memory_space<hbm>> -> memref<64x128xf32, #tpu.memory_space<hbm>>
        %dma_wait3A_127 = arith.constant 0 : i32
        %dma_wait3A_128 = arith.constant 0 : i32
        %dma_wait3A_129 = tpu.memref_slice %arg9[%dma_wait3A_120, %dma_wait3A_127, %dma_wait3A_128] : memref<2x64x128xf32, #tpu.memory_space<vmem>> -> memref<1x64x128xf32, #tpu.memory_space<vmem>>
        %dma_wait3A_130 = tpu.memref_squeeze %dma_wait3A_129 : memref<1x64x128xf32, #tpu.memory_space<vmem>> -> memref<64x128xf32, #tpu.memory_space<vmem>>
        %dma_wait3A_131 = arith.constant 0 : i32
        %dma_wait3A_132 = tpu.memref_slice %arg3[%add3A_110, %dma_wait3A_131] : memref<323584x128xf32, #tpu.memory_space<hbm>> -> memref<64x128xf32, #tpu.memory_space<hbm>>
        tpu.wait_dma2 semaphore(%arg12 : memref<!tpu.dma_semaphore, #tpu.memory_space<semaphore_mem>>) src(%dma_wait3A_132 : memref<64x128xf32, #tpu.memory_space<hbm>>) dst(%dma_wait3A_130 : memref<64x128xf32, #tpu.memory_space<vmem>>)
        %dma_start3A_133 = arith.constant 0 : i32
        %dma_start3A_134 = arith.constant 0 : i32
        %dma_start3A_135 = arith.constant 0 : i32
        %dma_start3A_136 = arith.constant 0 : i32
        %dma_start3A_137 = tpu.memref_slice %arg9[%dma_start3A_133, %dma_start3A_135, %dma_start3A_136] : memref<2x64x128xf32, #tpu.memory_space<vmem>> -> memref<1x64x128xf32, #tpu.memory_space<vmem>>
        %dma_start3A_138 = tpu.memref_squeeze %dma_start3A_137 : memref<1x64x128xf32, #tpu.memory_space<vmem>> -> memref<64x128xf32, #tpu.memory_space<vmem>>
        %dma_start3A_139 = arith.constant 0 : i32
        %dma_start3A_140 = tpu.memref_slice %arg8[%dma_start3A_134, %dma_start3A_139] : memref<2x64xi32, #tpu.memory_space<vmem>> -> memref<1x64xi32, #tpu.memory_space<vmem>>
        %dma_start3A_141 = tpu.memref_squeeze %dma_start3A_140 : memref<1x64xi32, #tpu.memory_space<vmem>> -> memref<64xi32, #tpu.memory_space<vmem>>
        %dma_start3A_142 = arith.constant 0 : i32
        %dma_start3A_143 = arith.constant 0 : i32
        %dma_start3A_144 = tpu.memref_slice %arg11[%dma_start3A_142, %dma_start3A_143] : memref<10240x128xf32, #tpu.memory_space<vmem_shared>> -> memref<10240x128xf32, #tpu.memory_space<vmem_shared>>
        tpu.enqueue_indirect_dma source(%dma_start3A_138 : memref<64x128xf32, #tpu.memory_space<vmem>>) target(%dma_start3A_144 : memref<10240x128xf32, #tpu.memory_space<vmem_shared>>) offsets(%dma_start3A_141 : memref<64xi32, #tpu.memory_space<vmem>>) semaphore(%arg13 : memref<!tpu.dma_semaphore, #tpu.memory_space<semaphore_mem>>) {add = true}
        %lt3A = arith.constant 316 : i32
        %lt3A_145 = arith.cmpi slt, %add3A_107, %lt3A : i32
        %convert_element_type3A_146 = arith.extui %lt3A_145 : i1 to i32
        %cond3A_147 = arith.constant 0 : i32
        %cond3A_148 = arith.cmpi ne, %convert_element_type3A_146, %cond3A_147 : i32
        scf.if %cond3A_148 {
          %dma_wait3A_197 = arith.constant 0 : i32
          %dma_wait3A_198 = arith.constant 0 : i32
          %dma_wait3A_199 = arith.constant 0 : i32
          %dma_wait3A_200 = arith.constant 0 : i32
          %dma_wait3A_201 = tpu.memref_slice %arg9[%dma_wait3A_197, %dma_wait3A_199, %dma_wait3A_200] : memref<2x64x128xf32, #tpu.memory_space<vmem>> -> memref<1x64x128xf32, #tpu.memory_space<vmem>>
          %dma_wait3A_202 = tpu.memref_squeeze %dma_wait3A_201 : memref<1x64x128xf32, #tpu.memory_space<vmem>> -> memref<64x128xf32, #tpu.memory_space<vmem>>
          %dma_wait3A_203 = arith.constant 0 : i32
          %dma_wait3A_204 = tpu.memref_slice %arg8[%dma_wait3A_198, %dma_wait3A_203] : memref<2x64xi32, #tpu.memory_space<vmem>> -> memref<1x64xi32, #tpu.memory_space<vmem>>
          %dma_wait3A_205 = tpu.memref_squeeze %dma_wait3A_204 : memref<1x64xi32, #tpu.memory_space<vmem>> -> memref<64xi32, #tpu.memory_space<vmem>>
          %dma_wait3A_206 = arith.constant 0 : i32
          %dma_wait3A_207 = arith.constant 0 : i32
          %dma_wait3A_208 = tpu.memref_slice %arg11[%dma_wait3A_206, %dma_wait3A_207] : memref<10240x128xf32, #tpu.memory_space<vmem_shared>> -> memref<10240x128xf32, #tpu.memory_space<vmem_shared>>
          tpu.wait_indirect_dma semaphore(%arg13 : memref<!tpu.dma_semaphore, #tpu.memory_space<semaphore_mem>>) src(%dma_wait3A_202 : memref<64x128xf32, #tpu.memory_space<vmem>>) dst(%dma_wait3A_208 : memref<10240x128xf32, #tpu.memory_space<vmem_shared>>)
          %mul3A_209 = arith.constant 64 : i32
          %mul3A_210 = arith.muli %add3A_107, %mul3A_209 : i32
          %add3A_211 = arith.addi %mul3A_0, %mul3A_210 : i32
          %dma_start3A_212 = arith.constant 0 : i32
          %dma_start3A_213 = arith.constant 0 : i32
          %dma_start3A_214 = tpu.memref_slice %arg8[%dma_start3A_212, %dma_start3A_213] : memref<2x64xi32, #tpu.memory_space<vmem>> -> memref<1x64xi32, #tpu.memory_space<vmem>>
          %dma_start3A_215 = tpu.memref_squeeze %dma_start3A_214 : memref<1x64xi32, #tpu.memory_space<vmem>> -> memref<64xi32, #tpu.memory_space<vmem>>
          %dma_start3A_216 = tpu.memref_slice %arg4[%add3A_211] : memref<323584xi32, #tpu.memory_space<hbm>> -> memref<64xi32, #tpu.memory_space<hbm>>
          %dma_start3A_217 = arith.constant 0 : i32
          %dma_start3A_218 = tpu.memref_slice %arg8[%dma_start3A_212, %dma_start3A_217] : memref<2x64xi32, #tpu.memory_space<vmem>> -> memref<1x64xi32, #tpu.memory_space<vmem>>
          %dma_start3A_219 = tpu.memref_squeeze %dma_start3A_218 : memref<1x64xi32, #tpu.memory_space<vmem>> -> memref<64xi32, #tpu.memory_space<vmem>>
          %dma_start3A_220 = tpu.memref_slice %arg4[%add3A_211] : memref<323584xi32, #tpu.memory_space<hbm>> -> memref<64xi32, #tpu.memory_space<hbm>>
          tpu.enqueue_dma source(%dma_start3A_220 : memref<64xi32, #tpu.memory_space<hbm>>) target(%dma_start3A_219 : memref<64xi32, #tpu.memory_space<vmem>>) target_semaphore(%arg12 : memref<!tpu.dma_semaphore, #tpu.memory_space<semaphore_mem>>)
          %dma_start3A_221 = arith.constant 0 : i32
          %dma_start3A_222 = arith.constant 0 : i32
          %dma_start3A_223 = arith.constant 0 : i32
          %dma_start3A_224 = tpu.memref_slice %arg9[%dma_start3A_221, %dma_start3A_222, %dma_start3A_223] : memref<2x64x128xf32, #tpu.memory_space<vmem>> -> memref<1x64x128xf32, #tpu.memory_space<vmem>>
          %dma_start3A_225 = tpu.memref_squeeze %dma_start3A_224 : memref<1x64x128xf32, #tpu.memory_space<vmem>> -> memref<64x128xf32, #tpu.memory_space<vmem>>
          %dma_start3A_226 = arith.constant 0 : i32
          %dma_start3A_227 = tpu.memref_slice %arg3[%add3A_211, %dma_start3A_226] : memref<323584x128xf32, #tpu.memory_space<hbm>> -> memref<64x128xf32, #tpu.memory_space<hbm>>
          %dma_start3A_228 = arith.constant 0 : i32
          %dma_start3A_229 = arith.constant 0 : i32
          %dma_start3A_230 = tpu.memref_slice %arg9[%dma_start3A_221, %dma_start3A_228, %dma_start3A_229] : memref<2x64x128xf32, #tpu.memory_space<vmem>> -> memref<1x64x128xf32, #tpu.memory_space<vmem>>
          %dma_start3A_231 = tpu.memref_squeeze %dma_start3A_230 : memref<1x64x128xf32, #tpu.memory_space<vmem>> -> memref<64x128xf32, #tpu.memory_space<vmem>>
          %dma_start3A_232 = arith.constant 0 : i32
          %dma_start3A_233 = tpu.memref_slice %arg3[%add3A_211, %dma_start3A_232] : memref<323584x128xf32, #tpu.memory_space<hbm>> -> memref<64x128xf32, #tpu.memory_space<hbm>>
          tpu.enqueue_dma source(%dma_start3A_233 : memref<64x128xf32, #tpu.memory_space<hbm>>) target(%dma_start3A_231 : memref<64x128xf32, #tpu.memory_space<vmem>>) target_semaphore(%arg12 : memref<!tpu.dma_semaphore, #tpu.memory_space<semaphore_mem>>)
        } else {
        }
        %mul3A_149 = arith.constant 2 : i32
        %mul3A_150 = arith.muli %scan3A_101, %mul3A_149 : i32
        %add3A_151 = arith.constant 1 : i32
        %add3A_152 = arith.addi %mul3A_150, %add3A_151 : i32
        %add3A_153 = arith.constant 2 : i32
        %add3A_154 = arith.addi %add3A_152, %add3A_153 : i32
        %mul3A_155 = arith.constant 64 : i32
        %mul3A_156 = arith.muli %add3A_152, %mul3A_155 : i32
        %add3A_157 = arith.addi %mul3A_0, %mul3A_156 : i32
        %dma_wait3A_158 = arith.constant 1 : i32
        %dma_wait3A_159 = arith.constant 0 : i32
        %dma_wait3A_160 = tpu.memref_slice %arg8[%dma_wait3A_158, %dma_wait3A_159] : memref<2x64xi32, #tpu.memory_space<vmem>> -> memref<1x64xi32, #tpu.memory_space<vmem>>
        %dma_wait3A_161 = tpu.memref_squeeze %dma_wait3A_160 : memref<1x64xi32, #tpu.memory_space<vmem>> -> memref<64xi32, #tpu.memory_space<vmem>>
        %dma_wait3A_162 = tpu.memref_slice %arg4[%add3A_157] : memref<323584xi32, #tpu.memory_space<hbm>> -> memref<64xi32, #tpu.memory_space<hbm>>
        %dma_wait3A_163 = arith.constant 0 : i32
        %dma_wait3A_164 = tpu.memref_slice %arg8[%dma_wait3A_158, %dma_wait3A_163] : memref<2x64xi32, #tpu.memory_space<vmem>> -> memref<1x64xi32, #tpu.memory_space<vmem>>
        %dma_wait3A_165 = tpu.memref_squeeze %dma_wait3A_164 : memref<1x64xi32, #tpu.memory_space<vmem>> -> memref<64xi32, #tpu.memory_space<vmem>>
        %dma_wait3A_166 = tpu.memref_slice %arg4[%add3A_157] : memref<323584xi32, #tpu.memory_space<hbm>> -> memref<64xi32, #tpu.memory_space<hbm>>
        tpu.wait_dma2 semaphore(%arg12 : memref<!tpu.dma_semaphore, #tpu.memory_space<semaphore_mem>>) src(%dma_wait3A_166 : memref<64xi32, #tpu.memory_space<hbm>>) dst(%dma_wait3A_165 : memref<64xi32, #tpu.memory_space<vmem>>)
        %dma_wait3A_167 = arith.constant 1 : i32
        %dma_wait3A_168 = arith.constant 0 : i32
        %dma_wait3A_169 = arith.constant 0 : i32
        %dma_wait3A_170 = tpu.memref_slice %arg9[%dma_wait3A_167, %dma_wait3A_168, %dma_wait3A_169] : memref<2x64x128xf32, #tpu.memory_space<vmem>> -> memref<1x64x128xf32, #tpu.memory_space<vmem>>
        %dma_wait3A_171 = tpu.memref_squeeze %dma_wait3A_170 : memref<1x64x128xf32, #tpu.memory_space<vmem>> -> memref<64x128xf32, #tpu.memory_space<vmem>>
        %dma_wait3A_172 = arith.constant 0 : i32
        %dma_wait3A_173 = tpu.memref_slice %arg3[%add3A_157, %dma_wait3A_172] : memref<323584x128xf32, #tpu.memory_space<hbm>> -> memref<64x128xf32, #tpu.memory_space<hbm>>
        %dma_wait3A_174 = arith.constant 0 : i32
        %dma_wait3A_175 = arith.constant 0 : i32
        %dma_wait3A_176 = tpu.memref_slice %arg9[%dma_wait3A_167, %dma_wait3A_174, %dma_wait3A_175] : memref<2x64x128xf32, #tpu.memory_space<vmem>> -> memref<1x64x128xf32, #tpu.memory_space<vmem>>
        %dma_wait3A_177 = tpu.memref_squeeze %dma_wait3A_176 : memref<1x64x128xf32, #tpu.memory_space<vmem>> -> memref<64x128xf32, #tpu.memory_space<vmem>>
        %dma_wait3A_178 = arith.constant 0 : i32
        %dma_wait3A_179 = tpu.memref_slice %arg3[%add3A_157, %dma_wait3A_178] : memref<323584x128xf32, #tpu.memory_space<hbm>> -> memref<64x128xf32, #tpu.memory_space<hbm>>
        tpu.wait_dma2 semaphore(%arg12 : memref<!tpu.dma_semaphore, #tpu.memory_space<semaphore_mem>>) src(%dma_wait3A_179 : memref<64x128xf32, #tpu.memory_space<hbm>>) dst(%dma_wait3A_177 : memref<64x128xf32, #tpu.memory_space<vmem>>)
        %dma_start3A_180 = arith.constant 1 : i32
        %dma_start3A_181 = arith.constant 1 : i32
        %dma_start3A_182 = arith.constant 0 : i32
        %dma_start3A_183 = arith.constant 0 : i32
        %dma_start3A_184 = tpu.memref_slice %arg9[%dma_start3A_180, %dma_start3A_182, %dma_start3A_183] : memref<2x64x128xf32, #tpu.memory_space<vmem>> -> memref<1x64x128xf32, #tpu.memory_space<vmem>>
        %dma_start3A_185 = tpu.memref_squeeze %dma_start3A_184 : memref<1x64x128xf32, #tpu.memory_space<vmem>> -> memref<64x128xf32, #tpu.memory_space<vmem>>
        %dma_start3A_186 = arith.constant 0 : i32
        %dma_start3A_187 = tpu.memref_slice %arg8[%dma_start3A_181, %dma_start3A_186] : memref<2x64xi32, #tpu.memory_space<vmem>> -> memref<1x64xi32, #tpu.memory_space<vmem>>
        %dma_start3A_188 = tpu.memref_squeeze %dma_start3A_187 : memref<1x64xi32, #tpu.memory_space<vmem>> -> memref<64xi32, #tpu.memory_space<vmem>>
        %dma_start3A_189 = arith.constant 0 : i32
        %dma_start3A_190 = arith.constant 0 : i32
        %dma_start3A_191 = tpu.memref_slice %arg11[%dma_start3A_189, %dma_start3A_190] : memref<10240x128xf32, #tpu.memory_space<vmem_shared>> -> memref<10240x128xf32, #tpu.memory_space<vmem_shared>>
        tpu.enqueue_indirect_dma source(%dma_start3A_185 : memref<64x128xf32, #tpu.memory_space<vmem>>) target(%dma_start3A_191 : memref<10240x128xf32, #tpu.memory_space<vmem_shared>>) offsets(%dma_start3A_188 : memref<64xi32, #tpu.memory_space<vmem>>) semaphore(%arg13 : memref<!tpu.dma_semaphore, #tpu.memory_space<semaphore_mem>>) {add = true}
        %lt3A_192 = arith.constant 316 : i32
        %lt3A_193 = arith.cmpi slt, %add3A_154, %lt3A_192 : i32
        %convert_element_type3A_194 = arith.extui %lt3A_193 : i1 to i32
        %cond3A_195 = arith.constant 0 : i32
        %cond3A_196 = arith.cmpi ne, %convert_element_type3A_194, %cond3A_195 : i32
        scf.if %cond3A_196 {
          %dma_wait3A_197 = arith.constant 1 : i32
          %dma_wait3A_198 = arith.constant 1 : i32
          %dma_wait3A_199 = arith.constant 0 : i32
          %dma_wait3A_200 = arith.constant 0 : i32
          %dma_wait3A_201 = tpu.memref_slice %arg9[%dma_wait3A_197, %dma_wait3A_199, %dma_wait3A_200] : memref<2x64x128xf32, #tpu.memory_space<vmem>> -> memref<1x64x128xf32, #tpu.memory_space<vmem>>
          %dma_wait3A_202 = tpu.memref_squeeze %dma_wait3A_201 : memref<1x64x128xf32, #tpu.memory_space<vmem>> -> memref<64x128xf32, #tpu.memory_space<vmem>>
          %dma_wait3A_203 = arith.constant 0 : i32
          %dma_wait3A_204 = tpu.memref_slice %arg8[%dma_wait3A_198, %dma_wait3A_203] : memref<2x64xi32, #tpu.memory_space<vmem>> -> memref<1x64xi32, #tpu.memory_space<vmem>>
          %dma_wait3A_205 = tpu.memref_squeeze %dma_wait3A_204 : memref<1x64xi32, #tpu.memory_space<vmem>> -> memref<64xi32, #tpu.memory_space<vmem>>
          %dma_wait3A_206 = arith.constant 0 : i32
          %dma_wait3A_207 = arith.constant 0 : i32
          %dma_wait3A_208 = tpu.memref_slice %arg11[%dma_wait3A_206, %dma_wait3A_207] : memref<10240x128xf32, #tpu.memory_space<vmem_shared>> -> memref<10240x128xf32, #tpu.memory_space<vmem_shared>>
          tpu.wait_indirect_dma semaphore(%arg13 : memref<!tpu.dma_semaphore, #tpu.memory_space<semaphore_mem>>) src(%dma_wait3A_202 : memref<64x128xf32, #tpu.memory_space<vmem>>) dst(%dma_wait3A_208 : memref<10240x128xf32, #tpu.memory_space<vmem_shared>>)
          %mul3A_209 = arith.constant 64 : i32
          %mul3A_210 = arith.muli %add3A_154, %mul3A_209 : i32
          %add3A_211 = arith.addi %mul3A_0, %mul3A_210 : i32
          %dma_start3A_212 = arith.constant 1 : i32
          %dma_start3A_213 = arith.constant 0 : i32
          %dma_start3A_214 = tpu.memref_slice %arg8[%dma_start3A_212, %dma_start3A_213] : memref<2x64xi32, #tpu.memory_space<vmem>> -> memref<1x64xi32, #tpu.memory_space<vmem>>
          %dma_start3A_215 = tpu.memref_squeeze %dma_start3A_214 : memref<1x64xi32, #tpu.memory_space<vmem>> -> memref<64xi32, #tpu.memory_space<vmem>>
          %dma_start3A_216 = tpu.memref_slice %arg4[%add3A_211] : memref<323584xi32, #tpu.memory_space<hbm>> -> memref<64xi32, #tpu.memory_space<hbm>>
          %dma_start3A_217 = arith.constant 0 : i32
          %dma_start3A_218 = tpu.memref_slice %arg8[%dma_start3A_212, %dma_start3A_217] : memref<2x64xi32, #tpu.memory_space<vmem>> -> memref<1x64xi32, #tpu.memory_space<vmem>>
          %dma_start3A_219 = tpu.memref_squeeze %dma_start3A_218 : memref<1x64xi32, #tpu.memory_space<vmem>> -> memref<64xi32, #tpu.memory_space<vmem>>
          %dma_start3A_220 = tpu.memref_slice %arg4[%add3A_211] : memref<323584xi32, #tpu.memory_space<hbm>> -> memref<64xi32, #tpu.memory_space<hbm>>
          tpu.enqueue_dma source(%dma_start3A_220 : memref<64xi32, #tpu.memory_space<hbm>>) target(%dma_start3A_219 : memref<64xi32, #tpu.memory_space<vmem>>) target_semaphore(%arg12 : memref<!tpu.dma_semaphore, #tpu.memory_space<semaphore_mem>>)
          %dma_start3A_221 = arith.constant 1 : i32
          %dma_start3A_222 = arith.constant 0 : i32
          %dma_start3A_223 = arith.constant 0 : i32
          %dma_start3A_224 = tpu.memref_slice %arg9[%dma_start3A_221, %dma_start3A_222, %dma_start3A_223] : memref<2x64x128xf32, #tpu.memory_space<vmem>> -> memref<1x64x128xf32, #tpu.memory_space<vmem>>
          %dma_start3A_225 = tpu.memref_squeeze %dma_start3A_224 : memref<1x64x128xf32, #tpu.memory_space<vmem>> -> memref<64x128xf32, #tpu.memory_space<vmem>>
          %dma_start3A_226 = arith.constant 0 : i32
          %dma_start3A_227 = tpu.memref_slice %arg3[%add3A_211, %dma_start3A_226] : memref<323584x128xf32, #tpu.memory_space<hbm>> -> memref<64x128xf32, #tpu.memory_space<hbm>>
          %dma_start3A_228 = arith.constant 0 : i32
          %dma_start3A_229 = arith.constant 0 : i32
          %dma_start3A_230 = tpu.memref_slice %arg9[%dma_start3A_221, %dma_start3A_228, %dma_start3A_229] : memref<2x64x128xf32, #tpu.memory_space<vmem>> -> memref<1x64x128xf32, #tpu.memory_space<vmem>>
          %dma_start3A_231 = tpu.memref_squeeze %dma_start3A_230 : memref<1x64x128xf32, #tpu.memory_space<vmem>> -> memref<64x128xf32, #tpu.memory_space<vmem>>
          %dma_start3A_232 = arith.constant 0 : i32
          %dma_start3A_233 = tpu.memref_slice %arg3[%add3A_211, %dma_start3A_232] : memref<323584x128xf32, #tpu.memory_space<hbm>> -> memref<64x128xf32, #tpu.memory_space<hbm>>
          tpu.enqueue_dma source(%dma_start3A_233 : memref<64x128xf32, #tpu.memory_space<hbm>>) target(%dma_start3A_231 : memref<64x128xf32, #tpu.memory_space<vmem>>) target_semaphore(%arg12 : memref<!tpu.dma_semaphore, #tpu.memory_space<semaphore_mem>>)
        } else {
        }
      }
      %scan3A_77 = arith.constant 158 : i32
      %dma_wait3A = arith.constant 0 : i32
      %dma_wait3A_78 = arith.constant 0 : i32
      %dma_wait3A_79 = arith.constant 0 : i32
      %dma_wait3A_80 = arith.constant 0 : i32
      %dma_wait3A_81 = tpu.memref_slice %arg9[%dma_wait3A, %dma_wait3A_79, %dma_wait3A_80] : memref<2x64x128xf32, #tpu.memory_space<vmem>> -> memref<1x64x128xf32, #tpu.memory_space<vmem>>
      %dma_wait3A_82 = tpu.memref_squeeze %dma_wait3A_81 : memref<1x64x128xf32, #tpu.memory_space<vmem>> -> memref<64x128xf32, #tpu.memory_space<vmem>>
      %dma_wait3A_83 = arith.constant 0 : i32
      %dma_wait3A_84 = tpu.memref_slice %arg8[%dma_wait3A_78, %dma_wait3A_83] : memref<2x64xi32, #tpu.memory_space<vmem>> -> memref<1x64xi32, #tpu.memory_space<vmem>>
      %dma_wait3A_85 = tpu.memref_squeeze %dma_wait3A_84 : memref<1x64xi32, #tpu.memory_space<vmem>> -> memref<64xi32, #tpu.memory_space<vmem>>
      %dma_wait3A_86 = arith.constant 0 : i32
      %dma_wait3A_87 = arith.constant 0 : i32
      %dma_wait3A_88 = tpu.memref_slice %arg11[%dma_wait3A_86, %dma_wait3A_87] : memref<10240x128xf32, #tpu.memory_space<vmem_shared>> -> memref<10240x128xf32, #tpu.memory_space<vmem_shared>>
      tpu.wait_indirect_dma semaphore(%arg13 : memref<!tpu.dma_semaphore, #tpu.memory_space<semaphore_mem>>) src(%dma_wait3A_82 : memref<64x128xf32, #tpu.memory_space<vmem>>) dst(%dma_wait3A_88 : memref<10240x128xf32, #tpu.memory_space<vmem_shared>>)
      %dma_wait3A_89 = arith.constant 1 : i32
      %dma_wait3A_90 = arith.constant 1 : i32
      %dma_wait3A_91 = arith.constant 0 : i32
      %dma_wait3A_92 = arith.constant 0 : i32
      %dma_wait3A_93 = tpu.memref_slice %arg9[%dma_wait3A_89, %dma_wait3A_91, %dma_wait3A_92] : memref<2x64x128xf32, #tpu.memory_space<vmem>> -> memref<1x64x128xf32, #tpu.memory_space<vmem>>
      %dma_wait3A_94 = tpu.memref_squeeze %dma_wait3A_93 : memref<1x64x128xf32, #tpu.memory_space<vmem>> -> memref<64x128xf32, #tpu.memory_space<vmem>>
      %dma_wait3A_95 = arith.constant 0 : i32
      %dma_wait3A_96 = tpu.memref_slice %arg8[%dma_wait3A_90, %dma_wait3A_95] : memref<2x64xi32, #tpu.memory_space<vmem>> -> memref<1x64xi32, #tpu.memory_space<vmem>>
      %dma_wait3A_97 = tpu.memref_squeeze %dma_wait3A_96 : memref<1x64xi32, #tpu.memory_space<vmem>> -> memref<64xi32, #tpu.memory_space<vmem>>
      %dma_wait3A_98 = arith.constant 0 : i32
      %dma_wait3A_99 = arith.constant 0 : i32
      %dma_wait3A_100 = tpu.memref_slice %arg11[%dma_wait3A_98, %dma_wait3A_99] : memref<10240x128xf32, #tpu.memory_space<vmem_shared>> -> memref<10240x128xf32, #tpu.memory_space<vmem_shared>>
      tpu.wait_indirect_dma semaphore(%arg13 : memref<!tpu.dma_semaphore, #tpu.memory_space<semaphore_mem>>) src(%dma_wait3A_94 : memref<64x128xf32, #tpu.memory_space<vmem>>) dst(%dma_wait3A_100 : memref<10240x128xf32, #tpu.memory_space<vmem_shared>>)
    } else {
    }
    %barrier3A_13 = arith.constant 0 : index
    tpu.barrier barrier_id(%barrier3A_13)
    %mul3A_14 = arith.constant 640 : i32
    %mul3A_15 = arith.muli %arg1, %mul3A_14 : i32
    %eq3A_16 = arith.constant 0 : i32
    %eq3A_17 = arith.cmpi eq, %arg0, %eq3A_16 : i32
    %convert_element_type3A_18 = arith.extui %eq3A_17 : i1 to i32
    %cond3A_19 = arith.constant 0 : i32
    %cond3A_20 = arith.cmpi ne, %convert_element_type3A_18, %cond3A_19 : i32
    scf.if %cond3A_20 {
      "tpu.region"() ({
        %run_scoped3A = tpu.sem_alloc : memref<!tpu.dma_semaphore, #tpu.memory_space<semaphore_mem>>
        %dma_start3A = arith.constant 0 : i32
        %dma_start3A_26 = tpu.memref_slice %arg6[%mul3A_15, %dma_start3A] : memref<10240x128xf32, #tpu.memory_space<hbm>> -> memref<640x128xf32, #tpu.memory_space<hbm>>
        %dma_start3A_27 = arith.constant 0 : i32
        %dma_start3A_28 = tpu.memref_slice %arg11[%mul3A_15, %dma_start3A_27] : memref<10240x128xf32, #tpu.memory_space<vmem_shared>> -> memref<640x128xf32, #tpu.memory_space<vmem_shared>>
        tpu.enqueue_dma source(%dma_start3A_28 : memref<640x128xf32, #tpu.memory_space<vmem_shared>>) target(%dma_start3A_26 : memref<640x128xf32, #tpu.memory_space<hbm>>) target_semaphore(%run_scoped3A : memref<!tpu.dma_semaphore, #tpu.memory_space<semaphore_mem>>)
        %dma_wait3A = arith.constant 0 : i32
        %dma_wait3A_29 = tpu.memref_slice %arg6[%mul3A_15, %dma_wait3A] : memref<10240x128xf32, #tpu.memory_space<hbm>> -> memref<640x128xf32, #tpu.memory_space<hbm>>
        %dma_wait3A_30 = arith.constant 0 : i32
        %dma_wait3A_31 = tpu.memref_slice %arg11[%mul3A_15, %dma_wait3A_30] : memref<10240x128xf32, #tpu.memory_space<vmem_shared>> -> memref<640x128xf32, #tpu.memory_space<vmem_shared>>
        tpu.wait_dma2 semaphore(%run_scoped3A : memref<!tpu.dma_semaphore, #tpu.memory_space<semaphore_mem>>) src(%dma_wait3A_31 : memref<640x128xf32, #tpu.memory_space<vmem_shared>>) dst(%dma_wait3A_29 : memref<640x128xf32, #tpu.memory_space<hbm>>)
        tpu.yield
      }) : () -> ()
    } else {
    }
    %eq3A_21 = arith.constant 1 : i32
    %eq3A_22 = arith.cmpi eq, %arg0, %eq3A_21 : i32
    %convert_element_type3A_23 = arith.extui %eq3A_22 : i1 to i32
    %cond3A_24 = arith.constant 0 : i32
    %cond3A_25 = arith.cmpi ne, %convert_element_type3A_23, %cond3A_24 : i32
    scf.if %cond3A_25 {
      "tpu.region"() ({
        %run_scoped3A = tpu.sem_alloc : memref<!tpu.dma_semaphore, #tpu.memory_space<semaphore_mem>>
        %dma_start3A = arith.constant 0 : i32
        %dma_start3A_26 = tpu.memref_slice %arg7[%mul3A_15, %dma_start3A] : memref<10240x128xf32, #tpu.memory_space<hbm>> -> memref<640x128xf32, #tpu.memory_space<hbm>>
        %dma_start3A_27 = arith.constant 0 : i32
        %dma_start3A_28 = tpu.memref_slice %arg11[%mul3A_15, %dma_start3A_27] : memref<10240x128xf32, #tpu.memory_space<vmem_shared>> -> memref<640x128xf32, #tpu.memory_space<vmem_shared>>
        tpu.enqueue_dma source(%dma_start3A_28 : memref<640x128xf32, #tpu.memory_space<vmem_shared>>) target(%dma_start3A_26 : memref<640x128xf32, #tpu.memory_space<hbm>>) target_semaphore(%run_scoped3A : memref<!tpu.dma_semaphore, #tpu.memory_space<semaphore_mem>>)
        %dma_wait3A = arith.constant 0 : i32
        %dma_wait3A_29 = tpu.memref_slice %arg7[%mul3A_15, %dma_wait3A] : memref<10240x128xf32, #tpu.memory_space<hbm>> -> memref<640x128xf32, #tpu.memory_space<hbm>>
        %dma_wait3A_30 = arith.constant 0 : i32
        %dma_wait3A_31 = tpu.memref_slice %arg11[%mul3A_15, %dma_wait3A_30] : memref<10240x128xf32, #tpu.memory_space<vmem_shared>> -> memref<640x128xf32, #tpu.memory_space<vmem_shared>>
        tpu.wait_dma2 semaphore(%run_scoped3A : memref<!tpu.dma_semaphore, #tpu.memory_space<semaphore_mem>>) src(%dma_wait3A_31 : memref<640x128xf32, #tpu.memory_space<vmem_shared>>) dst(%dma_wait3A_29 : memref<640x128xf32, #tpu.memory_space<hbm>>)
        tpu.yield
      }) : () -> ()
    } else {
    }
    return
  }
}

#map = affine_map<(d0, d1) -> (0, 0)>
#map1 = affine_map<(d0, d1) -> (0)>
module attributes {stable_mosaic.version = 14 : i64} {
  func.func @gather_k(%arg0: i32, %arg1: i32, %arg2: memref<10000x128xf32, #tpu.memory_space<hbm>>, %arg3: memref<10000x128xf32, #tpu.memory_space<hbm>>, %arg4: memref<10000x128xf32, #tpu.memory_space<hbm>>, %arg5: memref<323584xi32, #tpu.memory_space<hbm>>, %arg6: memref<323584xi32, #tpu.memory_space<hbm>>, %arg7: memref<323584x128xf32, #tpu.memory_space<hbm>>, %arg8: memref<323584x128xf32, #tpu.memory_space<hbm>>, %arg9: memref<2x64xi32, #tpu.memory_space<vmem>>, %arg10: memref<2x64xi32, #tpu.memory_space<vmem>>, %arg11: memref<2x64x128xf32, #tpu.memory_space<vmem>>, %arg12: memref<2x64x128xf32, #tpu.memory_space<vmem>>, %arg13: memref<2x64x128xf32, #tpu.memory_space<vmem>>, %arg14: memref<2x64x128xf32, #tpu.memory_space<vmem>>, %arg15: memref<!tpu.dma_semaphore, #tpu.memory_space<semaphore_mem>>, %arg16: memref<!tpu.dma_semaphore, #tpu.memory_space<semaphore_mem>>) attributes {dimension_semantics = [#tpu.dimension_semantics<core_parallel>, #tpu.dimension_semantics<subcore_parallel>], iteration_bounds = array<i64: 2, 16>, scalar_prefetch = 0 : i64, scratch_operands = 8 : i64, tpu.core_type = #tpu.core_type<sc_vector_subcore>, window_params = [{transform_indices = #map}, {transform_indices = #map}, {transform_indices = #map}, {transform_indices = #map1}, {transform_indices = #map1}, {transform_indices = #map}, {transform_indices = #map}]} {
    %mul3A = arith.constant 2 : i32
    %mul3A_0 = arith.muli %arg1, %mul3A : i32
    %add3A = arith.addi %mul3A_0, %arg0 : i32
    %mul3A_1 = arith.constant 10112 : i32
    %mul3A_2 = arith.muli %add3A, %mul3A_1 : i32
    %add3A_3 = arith.constant 0 : i32
    %add3A_4 = arith.addi %mul3A_2, %add3A_3 : i32
    %run_scoped3A = arith.constant 0 : i32
    "tpu.region"() ({
      %run_scoped3A_165 = tpu.sem_alloc : memref<!tpu.dma_semaphore, #tpu.memory_space<semaphore_mem>>
      %dma_start3A_166 = arith.constant 0 : i32
      %dma_start3A_167 = tpu.memref_slice %arg9[%run_scoped3A, %dma_start3A_166] : memref<2x64xi32, #tpu.memory_space<vmem>> -> memref<1x64xi32, #tpu.memory_space<vmem>>
      %dma_start3A_168 = tpu.memref_squeeze %dma_start3A_167 : memref<1x64xi32, #tpu.memory_space<vmem>> -> memref<64xi32, #tpu.memory_space<vmem>>
      %dma_start3A_169 = tpu.memref_slice %arg5[%add3A_4] : memref<323584xi32, #tpu.memory_space<hbm>> -> memref<64xi32, #tpu.memory_space<hbm>>
      %dma_start3A_170 = arith.constant 0 : i32
      %dma_start3A_171 = tpu.memref_slice %arg9[%run_scoped3A, %dma_start3A_170] : memref<2x64xi32, #tpu.memory_space<vmem>> -> memref<1x64xi32, #tpu.memory_space<vmem>>
      %dma_start3A_172 = tpu.memref_squeeze %dma_start3A_171 : memref<1x64xi32, #tpu.memory_space<vmem>> -> memref<64xi32, #tpu.memory_space<vmem>>
      %dma_start3A_173 = tpu.memref_slice %arg5[%add3A_4] : memref<323584xi32, #tpu.memory_space<hbm>> -> memref<64xi32, #tpu.memory_space<hbm>>
      tpu.enqueue_dma source(%dma_start3A_173 : memref<64xi32, #tpu.memory_space<hbm>>) target(%dma_start3A_172 : memref<64xi32, #tpu.memory_space<vmem>>) target_semaphore(%run_scoped3A_165 : memref<!tpu.dma_semaphore, #tpu.memory_space<semaphore_mem>>)
      %dma_wait3A_174 = arith.constant 0 : i32
      %dma_wait3A_175 = tpu.memref_slice %arg9[%run_scoped3A, %dma_wait3A_174] : memref<2x64xi32, #tpu.memory_space<vmem>> -> memref<1x64xi32, #tpu.memory_space<vmem>>
      %dma_wait3A_176 = tpu.memref_squeeze %dma_wait3A_175 : memref<1x64xi32, #tpu.memory_space<vmem>> -> memref<64xi32, #tpu.memory_space<vmem>>
      %dma_wait3A_177 = tpu.memref_slice %arg5[%add3A_4] : memref<323584xi32, #tpu.memory_space<hbm>> -> memref<64xi32, #tpu.memory_space<hbm>>
      %dma_wait3A_178 = arith.constant 0 : i32
      %dma_wait3A_179 = tpu.memref_slice %arg9[%run_scoped3A, %dma_wait3A_178] : memref<2x64xi32, #tpu.memory_space<vmem>> -> memref<1x64xi32, #tpu.memory_space<vmem>>
      %dma_wait3A_180 = tpu.memref_squeeze %dma_wait3A_179 : memref<1x64xi32, #tpu.memory_space<vmem>> -> memref<64xi32, #tpu.memory_space<vmem>>
      %dma_wait3A_181 = tpu.memref_slice %arg5[%add3A_4] : memref<323584xi32, #tpu.memory_space<hbm>> -> memref<64xi32, #tpu.memory_space<hbm>>
      tpu.wait_dma2 semaphore(%run_scoped3A_165 : memref<!tpu.dma_semaphore, #tpu.memory_space<semaphore_mem>>) src(%dma_wait3A_181 : memref<64xi32, #tpu.memory_space<hbm>>) dst(%dma_wait3A_180 : memref<64xi32, #tpu.memory_space<vmem>>)
      tpu.yield
    }) : () -> ()
    %run_scoped3A_5 = arith.constant 0 : i32
    "tpu.region"() ({
      %run_scoped3A_165 = tpu.sem_alloc : memref<!tpu.dma_semaphore, #tpu.memory_space<semaphore_mem>>
      %dma_start3A_166 = arith.constant 0 : i32
      %dma_start3A_167 = tpu.memref_slice %arg10[%run_scoped3A_5, %dma_start3A_166] : memref<2x64xi32, #tpu.memory_space<vmem>> -> memref<1x64xi32, #tpu.memory_space<vmem>>
      %dma_start3A_168 = tpu.memref_squeeze %dma_start3A_167 : memref<1x64xi32, #tpu.memory_space<vmem>> -> memref<64xi32, #tpu.memory_space<vmem>>
      %dma_start3A_169 = tpu.memref_slice %arg6[%add3A_4] : memref<323584xi32, #tpu.memory_space<hbm>> -> memref<64xi32, #tpu.memory_space<hbm>>
      %dma_start3A_170 = arith.constant 0 : i32
      %dma_start3A_171 = tpu.memref_slice %arg10[%run_scoped3A_5, %dma_start3A_170] : memref<2x64xi32, #tpu.memory_space<vmem>> -> memref<1x64xi32, #tpu.memory_space<vmem>>
      %dma_start3A_172 = tpu.memref_squeeze %dma_start3A_171 : memref<1x64xi32, #tpu.memory_space<vmem>> -> memref<64xi32, #tpu.memory_space<vmem>>
      %dma_start3A_173 = tpu.memref_slice %arg6[%add3A_4] : memref<323584xi32, #tpu.memory_space<hbm>> -> memref<64xi32, #tpu.memory_space<hbm>>
      tpu.enqueue_dma source(%dma_start3A_173 : memref<64xi32, #tpu.memory_space<hbm>>) target(%dma_start3A_172 : memref<64xi32, #tpu.memory_space<vmem>>) target_semaphore(%run_scoped3A_165 : memref<!tpu.dma_semaphore, #tpu.memory_space<semaphore_mem>>)
      %dma_wait3A_174 = arith.constant 0 : i32
      %dma_wait3A_175 = tpu.memref_slice %arg10[%run_scoped3A_5, %dma_wait3A_174] : memref<2x64xi32, #tpu.memory_space<vmem>> -> memref<1x64xi32, #tpu.memory_space<vmem>>
      %dma_wait3A_176 = tpu.memref_squeeze %dma_wait3A_175 : memref<1x64xi32, #tpu.memory_space<vmem>> -> memref<64xi32, #tpu.memory_space<vmem>>
      %dma_wait3A_177 = tpu.memref_slice %arg6[%add3A_4] : memref<323584xi32, #tpu.memory_space<hbm>> -> memref<64xi32, #tpu.memory_space<hbm>>
      %dma_wait3A_178 = arith.constant 0 : i32
      %dma_wait3A_179 = tpu.memref_slice %arg10[%run_scoped3A_5, %dma_wait3A_178] : memref<2x64xi32, #tpu.memory_space<vmem>> -> memref<1x64xi32, #tpu.memory_space<vmem>>
      %dma_wait3A_180 = tpu.memref_squeeze %dma_wait3A_179 : memref<1x64xi32, #tpu.memory_space<vmem>> -> memref<64xi32, #tpu.memory_space<vmem>>
      %dma_wait3A_181 = tpu.memref_slice %arg6[%add3A_4] : memref<323584xi32, #tpu.memory_space<hbm>> -> memref<64xi32, #tpu.memory_space<hbm>>
      tpu.wait_dma2 semaphore(%run_scoped3A_165 : memref<!tpu.dma_semaphore, #tpu.memory_space<semaphore_mem>>) src(%dma_wait3A_181 : memref<64xi32, #tpu.memory_space<hbm>>) dst(%dma_wait3A_180 : memref<64xi32, #tpu.memory_space<vmem>>)
      tpu.yield
    }) : () -> ()
    %dma_start3A = arith.constant 0 : i32
    %dma_start3A_6 = arith.constant 0 : i32
    %dma_start3A_7 = arith.constant 0 : i32
    %dma_start3A_8 = arith.constant 0 : i32
    %dma_start3A_9 = tpu.memref_slice %arg11[%dma_start3A_6, %dma_start3A_7, %dma_start3A_8] : memref<2x64x128xf32, #tpu.memory_space<vmem>> -> memref<1x64x128xf32, #tpu.memory_space<vmem>>
    %dma_start3A_10 = tpu.memref_squeeze %dma_start3A_9 : memref<1x64x128xf32, #tpu.memory_space<vmem>> -> memref<64x128xf32, #tpu.memory_space<vmem>>
    %dma_start3A_11 = arith.constant 0 : i32
    %dma_start3A_12 = tpu.memref_slice %arg9[%dma_start3A, %dma_start3A_11] : memref<2x64xi32, #tpu.memory_space<vmem>> -> memref<1x64xi32, #tpu.memory_space<vmem>>
    %dma_start3A_13 = tpu.memref_squeeze %dma_start3A_12 : memref<1x64xi32, #tpu.memory_space<vmem>> -> memref<64xi32, #tpu.memory_space<vmem>>
    %dma_start3A_14 = arith.constant 0 : i32
    %dma_start3A_15 = arith.constant 0 : i32
    %dma_start3A_16 = tpu.memref_slice %arg2[%dma_start3A_14, %dma_start3A_15] : memref<10000x128xf32, #tpu.memory_space<hbm>> -> memref<10000x128xf32, #tpu.memory_space<hbm>>
    tpu.enqueue_indirect_dma source(%dma_start3A_16 : memref<10000x128xf32, #tpu.memory_space<hbm>>) target(%dma_start3A_10 : memref<64x128xf32, #tpu.memory_space<vmem>>) offsets(%dma_start3A_13 : memref<64xi32, #tpu.memory_space<vmem>>) semaphore(%arg15 : memref<!tpu.dma_semaphore, #tpu.memory_space<semaphore_mem>>)
    %dma_start3A_17 = arith.constant 0 : i32
    %dma_start3A_18 = arith.constant 0 : i32
    %dma_start3A_19 = arith.constant 0 : i32
    %dma_start3A_20 = arith.constant 0 : i32
    %dma_start3A_21 = tpu.memref_slice %arg12[%dma_start3A_18, %dma_start3A_19, %dma_start3A_20] : memref<2x64x128xf32, #tpu.memory_space<vmem>> -> memref<1x64x128xf32, #tpu.memory_space<vmem>>
    %dma_start3A_22 = tpu.memref_squeeze %dma_start3A_21 : memref<1x64x128xf32, #tpu.memory_space<vmem>> -> memref<64x128xf32, #tpu.memory_space<vmem>>
    %dma_start3A_23 = arith.constant 0 : i32
    %dma_start3A_24 = tpu.memref_slice %arg10[%dma_start3A_17, %dma_start3A_23] : memref<2x64xi32, #tpu.memory_space<vmem>> -> memref<1x64xi32, #tpu.memory_space<vmem>>
    %dma_start3A_25 = tpu.memref_squeeze %dma_start3A_24 : memref<1x64xi32, #tpu.memory_space<vmem>> -> memref<64xi32, #tpu.memory_space<vmem>>
    %dma_start3A_26 = arith.constant 0 : i32
    %dma_start3A_27 = arith.constant 0 : i32
    %dma_start3A_28 = tpu.memref_slice %arg3[%dma_start3A_26, %dma_start3A_27] : memref<10000x128xf32, #tpu.memory_space<hbm>> -> memref<10000x128xf32, #tpu.memory_space<hbm>>
    tpu.enqueue_indirect_dma source(%dma_start3A_28 : memref<10000x128xf32, #tpu.memory_space<hbm>>) target(%dma_start3A_22 : memref<64x128xf32, #tpu.memory_space<vmem>>) offsets(%dma_start3A_25 : memref<64xi32, #tpu.memory_space<vmem>>) semaphore(%arg15 : memref<!tpu.dma_semaphore, #tpu.memory_space<semaphore_mem>>)
    %dma_start3A_29 = arith.constant 0 : i32
    %dma_start3A_30 = arith.constant 0 : i32
    %dma_start3A_31 = arith.constant 0 : i32
    %dma_start3A_32 = arith.constant 0 : i32
    %dma_start3A_33 = tpu.memref_slice %arg13[%dma_start3A_30, %dma_start3A_31, %dma_start3A_32] : memref<2x64x128xf32, #tpu.memory_space<vmem>> -> memref<1x64x128xf32, #tpu.memory_space<vmem>>
    %dma_start3A_34 = tpu.memref_squeeze %dma_start3A_33 : memref<1x64x128xf32, #tpu.memory_space<vmem>> -> memref<64x128xf32, #tpu.memory_space<vmem>>
    %dma_start3A_35 = arith.constant 0 : i32
    %dma_start3A_36 = tpu.memref_slice %arg9[%dma_start3A_29, %dma_start3A_35] : memref<2x64xi32, #tpu.memory_space<vmem>> -> memref<1x64xi32, #tpu.memory_space<vmem>>
    %dma_start3A_37 = tpu.memref_squeeze %dma_start3A_36 : memref<1x64xi32, #tpu.memory_space<vmem>> -> memref<64xi32, #tpu.memory_space<vmem>>
    %dma_start3A_38 = arith.constant 0 : i32
    %dma_start3A_39 = arith.constant 0 : i32
    %dma_start3A_40 = tpu.memref_slice %arg4[%dma_start3A_38, %dma_start3A_39] : memref<10000x128xf32, #tpu.memory_space<hbm>> -> memref<10000x128xf32, #tpu.memory_space<hbm>>
    tpu.enqueue_indirect_dma source(%dma_start3A_40 : memref<10000x128xf32, #tpu.memory_space<hbm>>) target(%dma_start3A_34 : memref<64x128xf32, #tpu.memory_space<vmem>>) offsets(%dma_start3A_37 : memref<64xi32, #tpu.memory_space<vmem>>) semaphore(%arg15 : memref<!tpu.dma_semaphore, #tpu.memory_space<semaphore_mem>>)
    %dma_start3A_41 = arith.constant 0 : i32
    %dma_start3A_42 = arith.constant 0 : i32
    %dma_start3A_43 = arith.constant 0 : i32
    %dma_start3A_44 = arith.constant 0 : i32
    %dma_start3A_45 = tpu.memref_slice %arg14[%dma_start3A_42, %dma_start3A_43, %dma_start3A_44] : memref<2x64x128xf32, #tpu.memory_space<vmem>> -> memref<1x64x128xf32, #tpu.memory_space<vmem>>
    %dma_start3A_46 = tpu.memref_squeeze %dma_start3A_45 : memref<1x64x128xf32, #tpu.memory_space<vmem>> -> memref<64x128xf32, #tpu.memory_space<vmem>>
    %dma_start3A_47 = arith.constant 0 : i32
    %dma_start3A_48 = tpu.memref_slice %arg10[%dma_start3A_41, %dma_start3A_47] : memref<2x64xi32, #tpu.memory_space<vmem>> -> memref<1x64xi32, #tpu.memory_space<vmem>>
    %dma_start3A_49 = tpu.memref_squeeze %dma_start3A_48 : memref<1x64xi32, #tpu.memory_space<vmem>> -> memref<64xi32, #tpu.memory_space<vmem>>
    %dma_start3A_50 = arith.constant 0 : i32
    %dma_start3A_51 = arith.constant 0 : i32
    %dma_start3A_52 = tpu.memref_slice %arg4[%dma_start3A_50, %dma_start3A_51] : memref<10000x128xf32, #tpu.memory_space<hbm>> -> memref<10000x128xf32, #tpu.memory_space<hbm>>
    tpu.enqueue_indirect_dma source(%dma_start3A_52 : memref<10000x128xf32, #tpu.memory_space<hbm>>) target(%dma_start3A_46 : memref<64x128xf32, #tpu.memory_space<vmem>>) offsets(%dma_start3A_49 : memref<64xi32, #tpu.memory_space<vmem>>) semaphore(%arg15 : memref<!tpu.dma_semaphore, #tpu.memory_space<semaphore_mem>>)
    %add3A_53 = arith.constant 64 : i32
    %add3A_54 = arith.addi %mul3A_2, %add3A_53 : i32
    %run_scoped3A_55 = arith.constant 1 : i32
    "tpu.region"() ({
      %run_scoped3A_165 = tpu.sem_alloc : memref<!tpu.dma_semaphore, #tpu.memory_space<semaphore_mem>>
      %dma_start3A_166 = arith.constant 0 : i32
      %dma_start3A_167 = tpu.memref_slice %arg9[%run_scoped3A_55, %dma_start3A_166] : memref<2x64xi32, #tpu.memory_space<vmem>> -> memref<1x64xi32, #tpu.memory_space<vmem>>
      %dma_start3A_168 = tpu.memref_squeeze %dma_start3A_167 : memref<1x64xi32, #tpu.memory_space<vmem>> -> memref<64xi32, #tpu.memory_space<vmem>>
      %dma_start3A_169 = tpu.memref_slice %arg5[%add3A_54] : memref<323584xi32, #tpu.memory_space<hbm>> -> memref<64xi32, #tpu.memory_space<hbm>>
      %dma_start3A_170 = arith.constant 0 : i32
      %dma_start3A_171 = tpu.memref_slice %arg9[%run_scoped3A_55, %dma_start3A_170] : memref<2x64xi32, #tpu.memory_space<vmem>> -> memref<1x64xi32, #tpu.memory_space<vmem>>
      %dma_start3A_172 = tpu.memref_squeeze %dma_start3A_171 : memref<1x64xi32, #tpu.memory_space<vmem>> -> memref<64xi32, #tpu.memory_space<vmem>>
      %dma_start3A_173 = tpu.memref_slice %arg5[%add3A_54] : memref<323584xi32, #tpu.memory_space<hbm>> -> memref<64xi32, #tpu.memory_space<hbm>>
      tpu.enqueue_dma source(%dma_start3A_173 : memref<64xi32, #tpu.memory_space<hbm>>) target(%dma_start3A_172 : memref<64xi32, #tpu.memory_space<vmem>>) target_semaphore(%run_scoped3A_165 : memref<!tpu.dma_semaphore, #tpu.memory_space<semaphore_mem>>)
      %dma_wait3A_174 = arith.constant 0 : i32
      %dma_wait3A_175 = tpu.memref_slice %arg9[%run_scoped3A_55, %dma_wait3A_174] : memref<2x64xi32, #tpu.memory_space<vmem>> -> memref<1x64xi32, #tpu.memory_space<vmem>>
      %dma_wait3A_176 = tpu.memref_squeeze %dma_wait3A_175 : memref<1x64xi32, #tpu.memory_space<vmem>> -> memref<64xi32, #tpu.memory_space<vmem>>
      %dma_wait3A_177 = tpu.memref_slice %arg5[%add3A_54] : memref<323584xi32, #tpu.memory_space<hbm>> -> memref<64xi32, #tpu.memory_space<hbm>>
      %dma_wait3A_178 = arith.constant 0 : i32
      %dma_wait3A_179 = tpu.memref_slice %arg9[%run_scoped3A_55, %dma_wait3A_178] : memref<2x64xi32, #tpu.memory_space<vmem>> -> memref<1x64xi32, #tpu.memory_space<vmem>>
      %dma_wait3A_180 = tpu.memref_squeeze %dma_wait3A_179 : memref<1x64xi32, #tpu.memory_space<vmem>> -> memref<64xi32, #tpu.memory_space<vmem>>
      %dma_wait3A_181 = tpu.memref_slice %arg5[%add3A_54] : memref<323584xi32, #tpu.memory_space<hbm>> -> memref<64xi32, #tpu.memory_space<hbm>>
      tpu.wait_dma2 semaphore(%run_scoped3A_165 : memref<!tpu.dma_semaphore, #tpu.memory_space<semaphore_mem>>) src(%dma_wait3A_181 : memref<64xi32, #tpu.memory_space<hbm>>) dst(%dma_wait3A_180 : memref<64xi32, #tpu.memory_space<vmem>>)
      tpu.yield
    }) : () -> ()
    %run_scoped3A_56 = arith.constant 1 : i32
    "tpu.region"() ({
      %run_scoped3A_165 = tpu.sem_alloc : memref<!tpu.dma_semaphore, #tpu.memory_space<semaphore_mem>>
      %dma_start3A_166 = arith.constant 0 : i32
      %dma_start3A_167 = tpu.memref_slice %arg10[%run_scoped3A_56, %dma_start3A_166] : memref<2x64xi32, #tpu.memory_space<vmem>> -> memref<1x64xi32, #tpu.memory_space<vmem>>
      %dma_start3A_168 = tpu.memref_squeeze %dma_start3A_167 : memref<1x64xi32, #tpu.memory_space<vmem>> -> memref<64xi32, #tpu.memory_space<vmem>>
      %dma_start3A_169 = tpu.memref_slice %arg6[%add3A_54] : memref<323584xi32, #tpu.memory_space<hbm>> -> memref<64xi32, #tpu.memory_space<hbm>>
      %dma_start3A_170 = arith.constant 0 : i32
      %dma_start3A_171 = tpu.memref_slice %arg10[%run_scoped3A_56, %dma_start3A_170] : memref<2x64xi32, #tpu.memory_space<vmem>> -> memref<1x64xi32, #tpu.memory_space<vmem>>
      %dma_start3A_172 = tpu.memref_squeeze %dma_start3A_171 : memref<1x64xi32, #tpu.memory_space<vmem>> -> memref<64xi32, #tpu.memory_space<vmem>>
      %dma_start3A_173 = tpu.memref_slice %arg6[%add3A_54] : memref<323584xi32, #tpu.memory_space<hbm>> -> memref<64xi32, #tpu.memory_space<hbm>>
      tpu.enqueue_dma source(%dma_start3A_173 : memref<64xi32, #tpu.memory_space<hbm>>) target(%dma_start3A_172 : memref<64xi32, #tpu.memory_space<vmem>>) target_semaphore(%run_scoped3A_165 : memref<!tpu.dma_semaphore, #tpu.memory_space<semaphore_mem>>)
      %dma_wait3A_174 = arith.constant 0 : i32
      %dma_wait3A_175 = tpu.memref_slice %arg10[%run_scoped3A_56, %dma_wait3A_174] : memref<2x64xi32, #tpu.memory_space<vmem>> -> memref<1x64xi32, #tpu.memory_space<vmem>>
      %dma_wait3A_176 = tpu.memref_squeeze %dma_wait3A_175 : memref<1x64xi32, #tpu.memory_space<vmem>> -> memref<64xi32, #tpu.memory_space<vmem>>
      %dma_wait3A_177 = tpu.memref_slice %arg6[%add3A_54] : memref<323584xi32, #tpu.memory_space<hbm>> -> memref<64xi32, #tpu.memory_space<hbm>>
      %dma_wait3A_178 = arith.constant 0 : i32
      %dma_wait3A_179 = tpu.memref_slice %arg10[%run_scoped3A_56, %dma_wait3A_178] : memref<2x64xi32, #tpu.memory_space<vmem>> -> memref<1x64xi32, #tpu.memory_space<vmem>>
      %dma_wait3A_180 = tpu.memref_squeeze %dma_wait3A_179 : memref<1x64xi32, #tpu.memory_space<vmem>> -> memref<64xi32, #tpu.memory_space<vmem>>
      %dma_wait3A_181 = tpu.memref_slice %arg6[%add3A_54] : memref<323584xi32, #tpu.memory_space<hbm>> -> memref<64xi32, #tpu.memory_space<hbm>>
      tpu.wait_dma2 semaphore(%run_scoped3A_165 : memref<!tpu.dma_semaphore, #tpu.memory_space<semaphore_mem>>) src(%dma_wait3A_181 : memref<64xi32, #tpu.memory_space<hbm>>) dst(%dma_wait3A_180 : memref<64xi32, #tpu.memory_space<vmem>>)
      tpu.yield
    }) : () -> ()
    %dma_start3A_57 = arith.constant 1 : i32
    %dma_start3A_58 = arith.constant 1 : i32
    %dma_start3A_59 = arith.constant 0 : i32
    %dma_start3A_60 = arith.constant 0 : i32
    %dma_start3A_61 = tpu.memref_slice %arg11[%dma_start3A_58, %dma_start3A_59, %dma_start3A_60] : memref<2x64x128xf32, #tpu.memory_space<vmem>> -> memref<1x64x128xf32, #tpu.memory_space<vmem>>
    %dma_start3A_62 = tpu.memref_squeeze %dma_start3A_61 : memref<1x64x128xf32, #tpu.memory_space<vmem>> -> memref<64x128xf32, #tpu.memory_space<vmem>>
    %dma_start3A_63 = arith.constant 0 : i32
    %dma_start3A_64 = tpu.memref_slice %arg9[%dma_start3A_57, %dma_start3A_63] : memref<2x64xi32, #tpu.memory_space<vmem>> -> memref<1x64xi32, #tpu.memory_space<vmem>>
    %dma_start3A_65 = tpu.memref_squeeze %dma_start3A_64 : memref<1x64xi32, #tpu.memory_space<vmem>> -> memref<64xi32, #tpu.memory_space<vmem>>
    %dma_start3A_66 = arith.constant 0 : i32
    %dma_start3A_67 = arith.constant 0 : i32
    %dma_start3A_68 = tpu.memref_slice %arg2[%dma_start3A_66, %dma_start3A_67] : memref<10000x128xf32, #tpu.memory_space<hbm>> -> memref<10000x128xf32, #tpu.memory_space<hbm>>
    tpu.enqueue_indirect_dma source(%dma_start3A_68 : memref<10000x128xf32, #tpu.memory_space<hbm>>) target(%dma_start3A_62 : memref<64x128xf32, #tpu.memory_space<vmem>>) offsets(%dma_start3A_65 : memref<64xi32, #tpu.memory_space<vmem>>) semaphore(%arg15 : memref<!tpu.dma_semaphore, #tpu.memory_space<semaphore_mem>>)
    %dma_start3A_69 = arith.constant 1 : i32
    %dma_start3A_70 = arith.constant 1 : i32
    %dma_start3A_71 = arith.constant 0 : i32
    %dma_start3A_72 = arith.constant 0 : i32
    %dma_start3A_73 = tpu.memref_slice %arg12[%dma_start3A_70, %dma_start3A_71, %dma_start3A_72] : memref<2x64x128xf32, #tpu.memory_space<vmem>> -> memref<1x64x128xf32, #tpu.memory_space<vmem>>
    %dma_start3A_74 = tpu.memref_squeeze %dma_start3A_73 : memref<1x64x128xf32, #tpu.memory_space<vmem>> -> memref<64x128xf32, #tpu.memory_space<vmem>>
    %dma_start3A_75 = arith.constant 0 : i32
    %dma_start3A_76 = tpu.memref_slice %arg10[%dma_start3A_69, %dma_start3A_75] : memref<2x64xi32, #tpu.memory_space<vmem>> -> memref<1x64xi32, #tpu.memory_space<vmem>>
    %dma_start3A_77 = tpu.memref_squeeze %dma_start3A_76 : memref<1x64xi32, #tpu.memory_space<vmem>> -> memref<64xi32, #tpu.memory_space<vmem>>
    %dma_start3A_78 = arith.constant 0 : i32
    %dma_start3A_79 = arith.constant 0 : i32
    %dma_start3A_80 = tpu.memref_slice %arg3[%dma_start3A_78, %dma_start3A_79] : memref<10000x128xf32, #tpu.memory_space<hbm>> -> memref<10000x128xf32, #tpu.memory_space<hbm>>
    tpu.enqueue_indirect_dma source(%dma_start3A_80 : memref<10000x128xf32, #tpu.memory_space<hbm>>) target(%dma_start3A_74 : memref<64x128xf32, #tpu.memory_space<vmem>>) offsets(%dma_start3A_77 : memref<64xi32, #tpu.memory_space<vmem>>) semaphore(%arg15 : memref<!tpu.dma_semaphore, #tpu.memory_space<semaphore_mem>>)
    %dma_start3A_81 = arith.constant 1 : i32
    %dma_start3A_82 = arith.constant 1 : i32
    %dma_start3A_83 = arith.constant 0 : i32
    %dma_start3A_84 = arith.constant 0 : i32
    %dma_start3A_85 = tpu.memref_slice %arg13[%dma_start3A_82, %dma_start3A_83, %dma_start3A_84] : memref<2x64x128xf32, #tpu.memory_space<vmem>> -> memref<1x64x128xf32, #tpu.memory_space<vmem>>
    %dma_start3A_86 = tpu.memref_squeeze %dma_start3A_85 : memref<1x64x128xf32, #tpu.memory_space<vmem>> -> memref<64x128xf32, #tpu.memory_space<vmem>>
    %dma_start3A_87 = arith.constant 0 : i32
    %dma_start3A_88 = tpu.memref_slice %arg9[%dma_start3A_81, %dma_start3A_87] : memref<2x64xi32, #tpu.memory_space<vmem>> -> memref<1x64xi32, #tpu.memory_space<vmem>>
    %dma_start3A_89 = tpu.memref_squeeze %dma_start3A_88 : memref<1x64xi32, #tpu.memory_space<vmem>> -> memref<64xi32, #tpu.memory_space<vmem>>
    %dma_start3A_90 = arith.constant 0 : i32
    %dma_start3A_91 = arith.constant 0 : i32
    %dma_start3A_92 = tpu.memref_slice %arg4[%dma_start3A_90, %dma_start3A_91] : memref<10000x128xf32, #tpu.memory_space<hbm>> -> memref<10000x128xf32, #tpu.memory_space<hbm>>
    tpu.enqueue_indirect_dma source(%dma_start3A_92 : memref<10000x128xf32, #tpu.memory_space<hbm>>) target(%dma_start3A_86 : memref<64x128xf32, #tpu.memory_space<vmem>>) offsets(%dma_start3A_89 : memref<64xi32, #tpu.memory_space<vmem>>) semaphore(%arg15 : memref<!tpu.dma_semaphore, #tpu.memory_space<semaphore_mem>>)
    %dma_start3A_93 = arith.constant 1 : i32
    %dma_start3A_94 = arith.constant 1 : i32
    %dma_start3A_95 = arith.constant 0 : i32
    %dma_start3A_96 = arith.constant 0 : i32
    %dma_start3A_97 = tpu.memref_slice %arg14[%dma_start3A_94, %dma_start3A_95, %dma_start3A_96] : memref<2x64x128xf32, #tpu.memory_space<vmem>> -> memref<1x64x128xf32, #tpu.memory_space<vmem>>
    %dma_start3A_98 = tpu.memref_squeeze %dma_start3A_97 : memref<1x64x128xf32, #tpu.memory_space<vmem>> -> memref<64x128xf32, #tpu.memory_space<vmem>>
    %dma_start3A_99 = arith.constant 0 : i32
    %dma_start3A_100 = tpu.memref_slice %arg10[%dma_start3A_93, %dma_start3A_99] : memref<2x64xi32, #tpu.memory_space<vmem>> -> memref<1x64xi32, #tpu.memory_space<vmem>>
    %dma_start3A_101 = tpu.memref_squeeze %dma_start3A_100 : memref<1x64xi32, #tpu.memory_space<vmem>> -> memref<64xi32, #tpu.memory_space<vmem>>
    %dma_start3A_102 = arith.constant 0 : i32
    %dma_start3A_103 = arith.constant 0 : i32
    %dma_start3A_104 = tpu.memref_slice %arg4[%dma_start3A_102, %dma_start3A_103] : memref<10000x128xf32, #tpu.memory_space<hbm>> -> memref<10000x128xf32, #tpu.memory_space<hbm>>
    tpu.enqueue_indirect_dma source(%dma_start3A_104 : memref<10000x128xf32, #tpu.memory_space<hbm>>) target(%dma_start3A_98 : memref<64x128xf32, #tpu.memory_space<vmem>>) offsets(%dma_start3A_101 : memref<64xi32, #tpu.memory_space<vmem>>) semaphore(%arg15 : memref<!tpu.dma_semaphore, #tpu.memory_space<semaphore_mem>>)
    %scan3A = arith.constant 0 : i32
    %scan3A_105 = arith.constant 0 : i32
    %scan3A_106 = arith.constant 79 : i32
    %scan3A_107 = arith.addi %scan3A_105, %scan3A_106 : i32
    %scan3A_108 = arith.constant 1 : i32
    scf.for %scan3A_165 = %scan3A_105 to %scan3A_107 step %scan3A_108  : i32 {
      %mul3A_166 = arith.constant 2 : i32
      %mul3A_167 = arith.muli %scan3A_165, %mul3A_166 : i32
      %add3A_168 = arith.constant 0 : i32
      %add3A_169 = arith.addi %mul3A_167, %add3A_168 : i32
      %add3A_170 = arith.constant 2 : i32
      %add3A_171 = arith.addi %add3A_169, %add3A_170 : i32
      %dma_wait3A_172 = arith.constant 0 : i32
      %dma_wait3A_173 = arith.constant 0 : i32
      %dma_wait3A_174 = arith.constant 0 : i32
      %dma_wait3A_175 = arith.constant 0 : i32
      %dma_wait3A_176 = tpu.memref_slice %arg11[%dma_wait3A_173, %dma_wait3A_174, %dma_wait3A_175] : memref<2x64x128xf32, #tpu.memory_space<vmem>> -> memref<1x64x128xf32, #tpu.memory_space<vmem>>
      %dma_wait3A_177 = tpu.memref_squeeze %dma_wait3A_176 : memref<1x64x128xf32, #tpu.memory_space<vmem>> -> memref<64x128xf32, #tpu.memory_space<vmem>>
      %dma_wait3A_178 = arith.constant 0 : i32
      %dma_wait3A_179 = tpu.memref_slice %arg9[%dma_wait3A_172, %dma_wait3A_178] : memref<2x64xi32, #tpu.memory_space<vmem>> -> memref<1x64xi32, #tpu.memory_space<vmem>>
      %dma_wait3A_180 = tpu.memref_squeeze %dma_wait3A_179 : memref<1x64xi32, #tpu.memory_space<vmem>> -> memref<64xi32, #tpu.memory_space<vmem>>
      %dma_wait3A_181 = arith.constant 0 : i32
      %dma_wait3A_182 = arith.constant 0 : i32
      %dma_wait3A_183 = tpu.memref_slice %arg2[%dma_wait3A_181, %dma_wait3A_182] : memref<10000x128xf32, #tpu.memory_space<hbm>> -> memref<10000x128xf32, #tpu.memory_space<hbm>>
      tpu.wait_indirect_dma semaphore(%arg15 : memref<!tpu.dma_semaphore, #tpu.memory_space<semaphore_mem>>) src(%dma_wait3A_183 : memref<10000x128xf32, #tpu.memory_space<hbm>>) dst(%dma_wait3A_177 : memref<64x128xf32, #tpu.memory_space<vmem>>)
      %dma_wait3A_184 = arith.constant 0 : i32
      %dma_wait3A_185 = arith.constant 0 : i32
      %dma_wait3A_186 = arith.constant 0 : i32
      %dma_wait3A_187 = arith.constant 0 : i32
      %dma_wait3A_188 = tpu.memref_slice %arg12[%dma_wait3A_185, %dma_wait3A_186, %dma_wait3A_187] : memref<2x64x128xf32, #tpu.memory_space<vmem>> -> memref<1x64x128xf32, #tpu.memory_space<vmem>>
      %dma_wait3A_189 = tpu.memref_squeeze %dma_wait3A_188 : memref<1x64x128xf32, #tpu.memory_space<vmem>> -> memref<64x128xf32, #tpu.memory_space<vmem>>
      %dma_wait3A_190 = arith.constant 0 : i32
      %dma_wait3A_191 = tpu.memref_slice %arg10[%dma_wait3A_184, %dma_wait3A_190] : memref<2x64xi32, #tpu.memory_space<vmem>> -> memref<1x64xi32, #tpu.memory_space<vmem>>
      %dma_wait3A_192 = tpu.memref_squeeze %dma_wait3A_191 : memref<1x64xi32, #tpu.memory_space<vmem>> -> memref<64xi32, #tpu.memory_space<vmem>>
      %dma_wait3A_193 = arith.constant 0 : i32
      %dma_wait3A_194 = arith.constant 0 : i32
      %dma_wait3A_195 = tpu.memref_slice %arg3[%dma_wait3A_193, %dma_wait3A_194] : memref<10000x128xf32, #tpu.memory_space<hbm>> -> memref<10000x128xf32, #tpu.memory_space<hbm>>
      tpu.wait_indirect_dma semaphore(%arg15 : memref<!tpu.dma_semaphore, #tpu.memory_space<semaphore_mem>>) src(%dma_wait3A_195 : memref<10000x128xf32, #tpu.memory_space<hbm>>) dst(%dma_wait3A_189 : memref<64x128xf32, #tpu.memory_space<vmem>>)
      %dma_wait3A_196 = arith.constant 0 : i32
      %dma_wait3A_197 = arith.constant 0 : i32
      %dma_wait3A_198 = arith.constant 0 : i32
      %dma_wait3A_199 = arith.constant 0 : i32
      %dma_wait3A_200 = tpu.memref_slice %arg13[%dma_wait3A_197, %dma_wait3A_198, %dma_wait3A_199] : memref<2x64x128xf32, #tpu.memory_space<vmem>> -> memref<1x64x128xf32, #tpu.memory_space<vmem>>
      %dma_wait3A_201 = tpu.memref_squeeze %dma_wait3A_200 : memref<1x64x128xf32, #tpu.memory_space<vmem>> -> memref<64x128xf32, #tpu.memory_space<vmem>>
      %dma_wait3A_202 = arith.constant 0 : i32
      %dma_wait3A_203 = tpu.memref_slice %arg9[%dma_wait3A_196, %dma_wait3A_202] : memref<2x64xi32, #tpu.memory_space<vmem>> -> memref<1x64xi32, #tpu.memory_space<vmem>>
      %dma_wait3A_204 = tpu.memref_squeeze %dma_wait3A_203 : memref<1x64xi32, #tpu.memory_space<vmem>> -> memref<64xi32, #tpu.memory_space<vmem>>
      %dma_wait3A_205 = arith.constant 0 : i32
      %dma_wait3A_206 = arith.constant 0 : i32
      %dma_wait3A_207 = tpu.memref_slice %arg4[%dma_wait3A_205, %dma_wait3A_206] : memref<10000x128xf32, #tpu.memory_space<hbm>> -> memref<10000x128xf32, #tpu.memory_space<hbm>>
      tpu.wait_indirect_dma semaphore(%arg15 : memref<!tpu.dma_semaphore, #tpu.memory_space<semaphore_mem>>) src(%dma_wait3A_207 : memref<10000x128xf32, #tpu.memory_space<hbm>>) dst(%dma_wait3A_201 : memref<64x128xf32, #tpu.memory_space<vmem>>)
      %dma_wait3A_208 = arith.constant 0 : i32
      %dma_wait3A_209 = arith.constant 0 : i32
      %dma_wait3A_210 = arith.constant 0 : i32
      %dma_wait3A_211 = arith.constant 0 : i32
      %dma_wait3A_212 = tpu.memref_slice %arg14[%dma_wait3A_209, %dma_wait3A_210, %dma_wait3A_211] : memref<2x64x128xf32, #tpu.memory_space<vmem>> -> memref<1x64x128xf32, #tpu.memory_space<vmem>>
      %dma_wait3A_213 = tpu.memref_squeeze %dma_wait3A_212 : memref<1x64x128xf32, #tpu.memory_space<vmem>> -> memref<64x128xf32, #tpu.memory_space<vmem>>
      %dma_wait3A_214 = arith.constant 0 : i32
      %dma_wait3A_215 = tpu.memref_slice %arg10[%dma_wait3A_208, %dma_wait3A_214] : memref<2x64xi32, #tpu.memory_space<vmem>> -> memref<1x64xi32, #tpu.memory_space<vmem>>
      %dma_wait3A_216 = tpu.memref_squeeze %dma_wait3A_215 : memref<1x64xi32, #tpu.memory_space<vmem>> -> memref<64xi32, #tpu.memory_space<vmem>>
      %dma_wait3A_217 = arith.constant 0 : i32
      %dma_wait3A_218 = arith.constant 0 : i32
      %dma_wait3A_219 = tpu.memref_slice %arg4[%dma_wait3A_217, %dma_wait3A_218] : memref<10000x128xf32, #tpu.memory_space<hbm>> -> memref<10000x128xf32, #tpu.memory_space<hbm>>
      tpu.wait_indirect_dma semaphore(%arg15 : memref<!tpu.dma_semaphore, #tpu.memory_space<semaphore_mem>>) src(%dma_wait3A_219 : memref<10000x128xf32, #tpu.memory_space<hbm>>) dst(%dma_wait3A_213 : memref<64x128xf32, #tpu.memory_space<vmem>>)
      %scan3A_220 = arith.constant 0 : i32
      %scan3A_221 = arith.constant 0 : i32
      %scan3A_222 = arith.constant 64 : i32
      %scan3A_223 = arith.addi %scan3A_221, %scan3A_222 : i32
      %scan3A_224 = arith.constant 2 : i32
      scf.for %scan3A_363 = %scan3A_221 to %scan3A_223 step %scan3A_224  : i32 {
        %get3A = arith.constant 0 : i32
        %get3A_364 = arith.index_cast %get3A : i32 to index
        %get3A_365 = arith.index_cast %scan3A_363 : i32 to index
        %get3A_366 = arith.constant 0 : index
        %get3A_367 = tpu.vector_load %arg11[%get3A_364, %get3A_365, %get3A_366] {strides = array<i32>} : memref<2x64x128xf32, #tpu.memory_space<vmem>>, vector<1x1x16xf32>,
        %get3A_368 = vector.shape_cast %get3A_367 : vector<1x1x16xf32> to vector<16xf32>
        %get3A_369 = arith.constant 0 : i32
        %get3A_370 = arith.index_cast %get3A_369 : i32 to index
        %get3A_371 = arith.index_cast %scan3A_363 : i32 to index
        %get3A_372 = arith.constant 0 : index
        %get3A_373 = tpu.vector_load %arg12[%get3A_370, %get3A_371, %get3A_372] {strides = array<i32>} : memref<2x64x128xf32, #tpu.memory_space<vmem>>, vector<1x1x16xf32>,
        %get3A_374 = vector.shape_cast %get3A_373 : vector<1x1x16xf32> to vector<16xf32>
        %add3A_375 = arith.addf %get3A_368, %get3A_374 : vector<16xf32>
        %swap3A = arith.constant 0 : i32
        %swap3A_376 = arith.index_cast %swap3A : i32 to index
        %swap3A_377 = arith.index_cast %scan3A_363 : i32 to index
        %swap3A_378 = arith.constant 0 : index
        %swap3A_379 = tpu.vector_load %arg11[%swap3A_376, %swap3A_377, %swap3A_378] {strides = array<i32>} : memref<2x64x128xf32, #tpu.memory_space<vmem>>, vector<1x1x16xf32>,
        %swap3A_380 = vector.shape_cast %swap3A_379 : vector<1x1x16xf32> to vector<16xf32>
        %swap3A_381 = vector.shape_cast %add3A_375 : vector<16xf32> to vector<1x1x16xf32>
        tpu.vector_store %arg11[%swap3A_376, %swap3A_377, %swap3A_378], %swap3A_381 {strides = array<i32>} : memref<2x64x128xf32, #tpu.memory_space<vmem>>, vector<1x1x16xf32>,
        %get3A_382 = arith.constant 0 : i32
        %get3A_383 = arith.index_cast %get3A_382 : i32 to index
        %get3A_384 = arith.index_cast %scan3A_363 : i32 to index
        %get3A_385 = arith.constant 16 : index
        %get3A_386 = tpu.vector_load %arg11[%get3A_383, %get3A_384, %get3A_385] {strides = array<i32>} : memref<2x64x128xf32, #tpu.memory_space<vmem>>, vector<1x1x16xf32>,
        %get3A_387 = vector.shape_cast %get3A_386 : vector<1x1x16xf32> to vector<16xf32>
        %get3A_388 = arith.constant 0 : i32
        %get3A_389 = arith.index_cast %get3A_388 : i32 to index
        %get3A_390 = arith.index_cast %scan3A_363 : i32 to index
        %get3A_391 = arith.constant 16 : index
        %get3A_392 = tpu.vector_load %arg12[%get3A_389, %get3A_390, %get3A_391] {strides = array<i32>} : memref<2x64x128xf32, #tpu.memory_space<vmem>>, vector<1x1x16xf32>,
        %get3A_393 = vector.shape_cast %get3A_392 : vector<1x1x16xf32> to vector<16xf32>
        %add3A_394 = arith.addf %get3A_387, %get3A_393 : vector<16xf32>
        %swap3A_395 = arith.constant 0 : i32
        %swap3A_396 = arith.index_cast %swap3A_395 : i32 to index
        %swap3A_397 = arith.index_cast %scan3A_363 : i32 to index
        %swap3A_398 = arith.constant 16 : index
        %swap3A_399 = tpu.vector_load %arg11[%swap3A_396, %swap3A_397, %swap3A_398] {strides = array<i32>} : memref<2x64x128xf32, #tpu.memory_space<vmem>>, vector<1x1x16xf32>,
        %swap3A_400 = vector.shape_cast %swap3A_399 : vector<1x1x16xf32> to vector<16xf32>
        %swap3A_401 = vector.shape_cast %add3A_394 : vector<16xf32> to vector<1x1x16xf32>
        tpu.vector_store %arg11[%swap3A_396, %swap3A_397, %swap3A_398], %swap3A_401 {strides = array<i32>} : memref<2x64x128xf32, #tpu.memory_space<vmem>>, vector<1x1x16xf32>,
        %get3A_402 = arith.constant 0 : i32
        %get3A_403 = arith.index_cast %get3A_402 : i32 to index
        %get3A_404 = arith.index_cast %scan3A_363 : i32 to index
        %get3A_405 = arith.constant 32 : index
        %get3A_406 = tpu.vector_load %arg11[%get3A_403, %get3A_404, %get3A_405] {strides = array<i32>} : memref<2x64x128xf32, #tpu.memory_space<vmem>>, vector<1x1x16xf32>,
        %get3A_407 = vector.shape_cast %get3A_406 : vector<1x1x16xf32> to vector<16xf32>
        %get3A_408 = arith.constant 0 : i32
        %get3A_409 = arith.index_cast %get3A_408 : i32 to index
        %get3A_410 = arith.index_cast %scan3A_363 : i32 to index
        %get3A_411 = arith.constant 32 : index
        %get3A_412 = tpu.vector_load %arg12[%get3A_409, %get3A_410, %get3A_411] {strides = array<i32>} : memref<2x64x128xf32, #tpu.memory_space<vmem>>, vector<1x1x16xf32>,
        %get3A_413 = vector.shape_cast %get3A_412 : vector<1x1x16xf32> to vector<16xf32>
        %add3A_414 = arith.addf %get3A_407, %get3A_413 : vector<16xf32>
        %swap3A_415 = arith.constant 0 : i32
        %swap3A_416 = arith.index_cast %swap3A_415 : i32 to index
        %swap3A_417 = arith.index_cast %scan3A_363 : i32 to index
        %swap3A_418 = arith.constant 32 : index
        %swap3A_419 = tpu.vector_load %arg11[%swap3A_416, %swap3A_417, %swap3A_418] {strides = array<i32>} : memref<2x64x128xf32, #tpu.memory_space<vmem>>, vector<1x1x16xf32>,
        %swap3A_420 = vector.shape_cast %swap3A_419 : vector<1x1x16xf32> to vector<16xf32>
        %swap3A_421 = vector.shape_cast %add3A_414 : vector<16xf32> to vector<1x1x16xf32>
        tpu.vector_store %arg11[%swap3A_416, %swap3A_417, %swap3A_418], %swap3A_421 {strides = array<i32>} : memref<2x64x128xf32, #tpu.memory_space<vmem>>, vector<1x1x16xf32>,
        %get3A_422 = arith.constant 0 : i32
        %get3A_423 = arith.index_cast %get3A_422 : i32 to index
        %get3A_424 = arith.index_cast %scan3A_363 : i32 to index
        %get3A_425 = arith.constant 48 : index
        %get3A_426 = tpu.vector_load %arg11[%get3A_423, %get3A_424, %get3A_425] {strides = array<i32>} : memref<2x64x128xf32, #tpu.memory_space<vmem>>, vector<1x1x16xf32>,
        %get3A_427 = vector.shape_cast %get3A_426 : vector<1x1x16xf32> to vector<16xf32>
        %get3A_428 = arith.constant 0 : i32
        %get3A_429 = arith.index_cast %get3A_428 : i32 to index
        %get3A_430 = arith.index_cast %scan3A_363 : i32 to index
        %get3A_431 = arith.constant 48 : index
        %get3A_432 = tpu.vector_load %arg12[%get3A_429, %get3A_430, %get3A_431] {strides = array<i32>} : memref<2x64x128xf32, #tpu.memory_space<vmem>>, vector<1x1x16xf32>,
        %get3A_433 = vector.shape_cast %get3A_432 : vector<1x1x16xf32> to vector<16xf32>
        %add3A_434 = arith.addf %get3A_427, %get3A_433 : vector<16xf32>
        %swap3A_435 = arith.constant 0 : i32
        %swap3A_436 = arith.index_cast %swap3A_435 : i32 to index
        %swap3A_437 = arith.index_cast %scan3A_363 : i32 to index
        %swap3A_438 = arith.constant 48 : index
        %swap3A_439 = tpu.vector_load %arg11[%swap3A_436, %swap3A_437, %swap3A_438] {strides = array<i32>} : memref<2x64x128xf32, #tpu.memory_space<vmem>>, vector<1x1x16xf32>,
        %swap3A_440 = vector.shape_cast %swap3A_439 : vector<1x1x16xf32> to vector<16xf32>
        %swap3A_441 = vector.shape_cast %add3A_434 : vector<16xf32> to vector<1x1x16xf32>
        tpu.vector_store %arg11[%swap3A_436, %swap3A_437, %swap3A_438], %swap3A_441 {strides = array<i32>} : memref<2x64x128xf32, #tpu.memory_space<vmem>>, vector<1x1x16xf32>,
        %get3A_442 = arith.constant 0 : i32
        %get3A_443 = arith.index_cast %get3A_442 : i32 to index
        %get3A_444 = arith.index_cast %scan3A_363 : i32 to index
        %get3A_445 = arith.constant 64 : index
        %get3A_446 = tpu.vector_load %arg11[%get3A_443, %get3A_444, %get3A_445] {strides = array<i32>} : memref<2x64x128xf32, #tpu.memory_space<vmem>>, vector<1x1x16xf32>,
        %get3A_447 = vector.shape_cast %get3A_446 : vector<1x1x16xf32> to vector<16xf32>
        %get3A_448 = arith.constant 0 : i32
        %get3A_449 = arith.index_cast %get3A_448 : i32 to index
        %get3A_450 = arith.index_cast %scan3A_363 : i32 to index
        %get3A_451 = arith.constant 64 : index
        %get3A_452 = tpu.vector_load %arg12[%get3A_449, %get3A_450, %get3A_451] {strides = array<i32>} : memref<2x64x128xf32, #tpu.memory_space<vmem>>, vector<1x1x16xf32>,
        %get3A_453 = vector.shape_cast %get3A_452 : vector<1x1x16xf32> to vector<16xf32>
        %add3A_454 = arith.addf %get3A_447, %get3A_453 : vector<16xf32>
        %swap3A_455 = arith.constant 0 : i32
        %swap3A_456 = arith.index_cast %swap3A_455 : i32 to index
        %swap3A_457 = arith.index_cast %scan3A_363 : i32 to index
        %swap3A_458 = arith.constant 64 : index
        %swap3A_459 = tpu.vector_load %arg11[%swap3A_456, %swap3A_457, %swap3A_458] {strides = array<i32>} : memref<2x64x128xf32, #tpu.memory_space<vmem>>, vector<1x1x16xf32>,
        %swap3A_460 = vector.shape_cast %swap3A_459 : vector<1x1x16xf32> to vector<16xf32>
        %swap3A_461 = vector.shape_cast %add3A_454 : vector<16xf32> to vector<1x1x16xf32>
        tpu.vector_store %arg11[%swap3A_456, %swap3A_457, %swap3A_458], %swap3A_461 {strides = array<i32>} : memref<2x64x128xf32, #tpu.memory_space<vmem>>, vector<1x1x16xf32>,
        %get3A_462 = arith.constant 0 : i32
        %get3A_463 = arith.index_cast %get3A_462 : i32 to index
        %get3A_464 = arith.index_cast %scan3A_363 : i32 to index
        %get3A_465 = arith.constant 80 : index
        %get3A_466 = tpu.vector_load %arg11[%get3A_463, %get3A_464, %get3A_465] {strides = array<i32>} : memref<2x64x128xf32, #tpu.memory_space<vmem>>, vector<1x1x16xf32>,
        %get3A_467 = vector.shape_cast %get3A_466 : vector<1x1x16xf32> to vector<16xf32>
        %get3A_468 = arith.constant 0 : i32
        %get3A_469 = arith.index_cast %get3A_468 : i32 to index
        %get3A_470 = arith.index_cast %scan3A_363 : i32 to index
        %get3A_471 = arith.constant 80 : index
        %get3A_472 = tpu.vector_load %arg12[%get3A_469, %get3A_470, %get3A_471] {strides = array<i32>} : memref<2x64x128xf32, #tpu.memory_space<vmem>>, vector<1x1x16xf32>,
        %get3A_473 = vector.shape_cast %get3A_472 : vector<1x1x16xf32> to vector<16xf32>
        %add3A_474 = arith.addf %get3A_467, %get3A_473 : vector<16xf32>
        %swap3A_475 = arith.constant 0 : i32
        %swap3A_476 = arith.index_cast %swap3A_475 : i32 to index
        %swap3A_477 = arith.index_cast %scan3A_363 : i32 to index
        %swap3A_478 = arith.constant 80 : index
        %swap3A_479 = tpu.vector_load %arg11[%swap3A_476, %swap3A_477, %swap3A_478] {strides = array<i32>} : memref<2x64x128xf32, #tpu.memory_space<vmem>>, vector<1x1x16xf32>,
        %swap3A_480 = vector.shape_cast %swap3A_479 : vector<1x1x16xf32> to vector<16xf32>
        %swap3A_481 = vector.shape_cast %add3A_474 : vector<16xf32> to vector<1x1x16xf32>
        tpu.vector_store %arg11[%swap3A_476, %swap3A_477, %swap3A_478], %swap3A_481 {strides = array<i32>} : memref<2x64x128xf32, #tpu.memory_space<vmem>>, vector<1x1x16xf32>,
        %get3A_482 = arith.constant 0 : i32
        %get3A_483 = arith.index_cast %get3A_482 : i32 to index
        %get3A_484 = arith.index_cast %scan3A_363 : i32 to index
        %get3A_485 = arith.constant 96 : index
        %get3A_486 = tpu.vector_load %arg11[%get3A_483, %get3A_484, %get3A_485] {strides = array<i32>} : memref<2x64x128xf32, #tpu.memory_space<vmem>>, vector<1x1x16xf32>,
        %get3A_487 = vector.shape_cast %get3A_486 : vector<1x1x16xf32> to vector<16xf32>
        %get3A_488 = arith.constant 0 : i32
        %get3A_489 = arith.index_cast %get3A_488 : i32 to index
        %get3A_490 = arith.index_cast %scan3A_363 : i32 to index
        %get3A_491 = arith.constant 96 : index
        %get3A_492 = tpu.vector_load %arg12[%get3A_489, %get3A_490, %get3A_491] {strides = array<i32>} : memref<2x64x128xf32, #tpu.memory_space<vmem>>, vector<1x1x16xf32>,
        %get3A_493 = vector.shape_cast %get3A_492 : vector<1x1x16xf32> to vector<16xf32>
        %add3A_494 = arith.addf %get3A_487, %get3A_493 : vector<16xf32>
        %swap3A_495 = arith.constant 0 : i32
        %swap3A_496 = arith.index_cast %swap3A_495 : i32 to index
        %swap3A_497 = arith.index_cast %scan3A_363 : i32 to index
        %swap3A_498 = arith.constant 96 : index
        %swap3A_499 = tpu.vector_load %arg11[%swap3A_496, %swap3A_497, %swap3A_498] {strides = array<i32>} : memref<2x64x128xf32, #tpu.memory_space<vmem>>, vector<1x1x16xf32>,
        %swap3A_500 = vector.shape_cast %swap3A_499 : vector<1x1x16xf32> to vector<16xf32>
        %swap3A_501 = vector.shape_cast %add3A_494 : vector<16xf32> to vector<1x1x16xf32>
        tpu.vector_store %arg11[%swap3A_496, %swap3A_497, %swap3A_498], %swap3A_501 {strides = array<i32>} : memref<2x64x128xf32, #tpu.memory_space<vmem>>, vector<1x1x16xf32>,
        %get3A_502 = arith.constant 0 : i32
        %get3A_503 = arith.index_cast %get3A_502 : i32 to index
        %get3A_504 = arith.index_cast %scan3A_363 : i32 to index
        %get3A_505 = arith.constant 112 : index
        %get3A_506 = tpu.vector_load %arg11[%get3A_503, %get3A_504, %get3A_505] {strides = array<i32>} : memref<2x64x128xf32, #tpu.memory_space<vmem>>, vector<1x1x16xf32>,
        %get3A_507 = vector.shape_cast %get3A_506 : vector<1x1x16xf32> to vector<16xf32>
        %get3A_508 = arith.constant 0 : i32
        %get3A_509 = arith.index_cast %get3A_508 : i32 to index
        %get3A_510 = arith.index_cast %scan3A_363 : i32 to index
        %get3A_511 = arith.constant 112 : index
        %get3A_512 = tpu.vector_load %arg12[%get3A_509, %get3A_510, %get3A_511] {strides = array<i32>} : memref<2x64x128xf32, #tpu.memory_space<vmem>>, vector<1x1x16xf32>,
        %get3A_513 = vector.shape_cast %get3A_512 : vector<1x1x16xf32> to vector<16xf32>
        %add3A_514 = arith.addf %get3A_507, %get3A_513 : vector<16xf32>
        %swap3A_515 = arith.constant 0 : i32
        %swap3A_516 = arith.index_cast %swap3A_515 : i32 to index
        %swap3A_517 = arith.index_cast %scan3A_363 : i32 to index
        %swap3A_518 = arith.constant 112 : index
        %swap3A_519 = tpu.vector_load %arg11[%swap3A_516, %swap3A_517, %swap3A_518] {strides = array<i32>} : memref<2x64x128xf32, #tpu.memory_space<vmem>>, vector<1x1x16xf32>,
        %swap3A_520 = vector.shape_cast %swap3A_519 : vector<1x1x16xf32> to vector<16xf32>
        %swap3A_521 = vector.shape_cast %add3A_514 : vector<16xf32> to vector<1x1x16xf32>
        tpu.vector_store %arg11[%swap3A_516, %swap3A_517, %swap3A_518], %swap3A_521 {strides = array<i32>} : memref<2x64x128xf32, #tpu.memory_space<vmem>>, vector<1x1x16xf32>,
        %scan3A_522 = arith.constant 1 : i32
        %scan3A_523 = arith.addi %scan3A_363, %scan3A_522 : i32
        %get3A_524 = arith.constant 0 : i32
        %get3A_525 = arith.index_cast %get3A_524 : i32 to index
        %get3A_526 = arith.index_cast %scan3A_523 : i32 to index
        %get3A_527 = arith.constant 0 : index
        %get3A_528 = tpu.vector_load %arg11[%get3A_525, %get3A_526, %get3A_527] {strides = array<i32>} : memref<2x64x128xf32, #tpu.memory_space<vmem>>, vector<1x1x16xf32>,
        %get3A_529 = vector.shape_cast %get3A_528 : vector<1x1x16xf32> to vector<16xf32>
        %get3A_530 = arith.constant 0 : i32
        %get3A_531 = arith.index_cast %get3A_530 : i32 to index
        %get3A_532 = arith.index_cast %scan3A_523 : i32 to index
        %get3A_533 = arith.constant 0 : index
        %get3A_534 = tpu.vector_load %arg12[%get3A_531, %get3A_532, %get3A_533] {strides = array<i32>} : memref<2x64x128xf32, #tpu.memory_space<vmem>>, vector<1x1x16xf32>,
        %get3A_535 = vector.shape_cast %get3A_534 : vector<1x1x16xf32> to vector<16xf32>
        %add3A_536 = arith.addf %get3A_529, %get3A_535 : vector<16xf32>
        %swap3A_537 = arith.constant 0 : i32
        %swap3A_538 = arith.index_cast %swap3A_537 : i32 to index
        %swap3A_539 = arith.index_cast %scan3A_523 : i32 to index
        %swap3A_540 = arith.constant 0 : index
        %swap3A_541 = tpu.vector_load %arg11[%swap3A_538, %swap3A_539, %swap3A_540] {strides = array<i32>} : memref<2x64x128xf32, #tpu.memory_space<vmem>>, vector<1x1x16xf32>,
        %swap3A_542 = vector.shape_cast %swap3A_541 : vector<1x1x16xf32> to vector<16xf32>
        %swap3A_543 = vector.shape_cast %add3A_536 : vector<16xf32> to vector<1x1x16xf32>
        tpu.vector_store %arg11[%swap3A_538, %swap3A_539, %swap3A_540], %swap3A_543 {strides = array<i32>} : memref<2x64x128xf32, #tpu.memory_space<vmem>>, vector<1x1x16xf32>,
        %get3A_544 = arith.constant 0 : i32
        %get3A_545 = arith.index_cast %get3A_544 : i32 to index
        %get3A_546 = arith.index_cast %scan3A_523 : i32 to index
        %get3A_547 = arith.constant 16 : index
        %get3A_548 = tpu.vector_load %arg11[%get3A_545, %get3A_546, %get3A_547] {strides = array<i32>} : memref<2x64x128xf32, #tpu.memory_space<vmem>>, vector<1x1x16xf32>,
        %get3A_549 = vector.shape_cast %get3A_548 : vector<1x1x16xf32> to vector<16xf32>
        %get3A_550 = arith.constant 0 : i32
        %get3A_551 = arith.index_cast %get3A_550 : i32 to index
        %get3A_552 = arith.index_cast %scan3A_523 : i32 to index
        %get3A_553 = arith.constant 16 : index
        %get3A_554 = tpu.vector_load %arg12[%get3A_551, %get3A_552, %get3A_553] {strides = array<i32>} : memref<2x64x128xf32, #tpu.memory_space<vmem>>, vector<1x1x16xf32>,
        %get3A_555 = vector.shape_cast %get3A_554 : vector<1x1x16xf32> to vector<16xf32>
        %add3A_556 = arith.addf %get3A_549, %get3A_555 : vector<16xf32>
        %swap3A_557 = arith.constant 0 : i32
        %swap3A_558 = arith.index_cast %swap3A_557 : i32 to index
        %swap3A_559 = arith.index_cast %scan3A_523 : i32 to index
        %swap3A_560 = arith.constant 16 : index
        %swap3A_561 = tpu.vector_load %arg11[%swap3A_558, %swap3A_559, %swap3A_560] {strides = array<i32>} : memref<2x64x128xf32, #tpu.memory_space<vmem>>, vector<1x1x16xf32>,
        %swap3A_562 = vector.shape_cast %swap3A_561 : vector<1x1x16xf32> to vector<16xf32>
        %swap3A_563 = vector.shape_cast %add3A_556 : vector<16xf32> to vector<1x1x16xf32>
        tpu.vector_store %arg11[%swap3A_558, %swap3A_559, %swap3A_560], %swap3A_563 {strides = array<i32>} : memref<2x64x128xf32, #tpu.memory_space<vmem>>, vector<1x1x16xf32>,
        %get3A_564 = arith.constant 0 : i32
        %get3A_565 = arith.index_cast %get3A_564 : i32 to index
        %get3A_566 = arith.index_cast %scan3A_523 : i32 to index
        %get3A_567 = arith.constant 32 : index
        %get3A_568 = tpu.vector_load %arg11[%get3A_565, %get3A_566, %get3A_567] {strides = array<i32>} : memref<2x64x128xf32, #tpu.memory_space<vmem>>, vector<1x1x16xf32>,
        %get3A_569 = vector.shape_cast %get3A_568 : vector<1x1x16xf32> to vector<16xf32>
        %get3A_570 = arith.constant 0 : i32
        %get3A_571 = arith.index_cast %get3A_570 : i32 to index
        %get3A_572 = arith.index_cast %scan3A_523 : i32 to index
        %get3A_573 = arith.constant 32 : index
        %get3A_574 = tpu.vector_load %arg12[%get3A_571, %get3A_572, %get3A_573] {strides = array<i32>} : memref<2x64x128xf32, #tpu.memory_space<vmem>>, vector<1x1x16xf32>,
        %get3A_575 = vector.shape_cast %get3A_574 : vector<1x1x16xf32> to vector<16xf32>
        %add3A_576 = arith.addf %get3A_569, %get3A_575 : vector<16xf32>
        %swap3A_577 = arith.constant 0 : i32
        %swap3A_578 = arith.index_cast %swap3A_577 : i32 to index
        %swap3A_579 = arith.index_cast %scan3A_523 : i32 to index
        %swap3A_580 = arith.constant 32 : index
        %swap3A_581 = tpu.vector_load %arg11[%swap3A_578, %swap3A_579, %swap3A_580] {strides = array<i32>} : memref<2x64x128xf32, #tpu.memory_space<vmem>>, vector<1x1x16xf32>,
        %swap3A_582 = vector.shape_cast %swap3A_581 : vector<1x1x16xf32> to vector<16xf32>
        %swap3A_583 = vector.shape_cast %add3A_576 : vector<16xf32> to vector<1x1x16xf32>
        tpu.vector_store %arg11[%swap3A_578, %swap3A_579, %swap3A_580], %swap3A_583 {strides = array<i32>} : memref<2x64x128xf32, #tpu.memory_space<vmem>>, vector<1x1x16xf32>,
        %get3A_584 = arith.constant 0 : i32
        %get3A_585 = arith.index_cast %get3A_584 : i32 to index
        %get3A_586 = arith.index_cast %scan3A_523 : i32 to index
        %get3A_587 = arith.constant 48 : index
        %get3A_588 = tpu.vector_load %arg11[%get3A_585, %get3A_586, %get3A_587] {strides = array<i32>} : memref<2x64x128xf32, #tpu.memory_space<vmem>>, vector<1x1x16xf32>,
        %get3A_589 = vector.shape_cast %get3A_588 : vector<1x1x16xf32> to vector<16xf32>
        %get3A_590 = arith.constant 0 : i32
        %get3A_591 = arith.index_cast %get3A_590 : i32 to index
        %get3A_592 = arith.index_cast %scan3A_523 : i32 to index
        %get3A_593 = arith.constant 48 : index
        %get3A_594 = tpu.vector_load %arg12[%get3A_591, %get3A_592, %get3A_593] {strides = array<i32>} : memref<2x64x128xf32, #tpu.memory_space<vmem>>, vector<1x1x16xf32>,
        %get3A_595 = vector.shape_cast %get3A_594 : vector<1x1x16xf32> to vector<16xf32>
        %add3A_596 = arith.addf %get3A_589, %get3A_595 : vector<16xf32>
        %swap3A_597 = arith.constant 0 : i32
        %swap3A_598 = arith.index_cast %swap3A_597 : i32 to index
        %swap3A_599 = arith.index_cast %scan3A_523 : i32 to index
        %swap3A_600 = arith.constant 48 : index
        %swap3A_601 = tpu.vector_load %arg11[%swap3A_598, %swap3A_599, %swap3A_600] {strides = array<i32>} : memref<2x64x128xf32, #tpu.memory_space<vmem>>, vector<1x1x16xf32>,
        %swap3A_602 = vector.shape_cast %swap3A_601 : vector<1x1x16xf32> to vector<16xf32>
        %swap3A_603 = vector.shape_cast %add3A_596 : vector<16xf32> to vector<1x1x16xf32>
        tpu.vector_store %arg11[%swap3A_598, %swap3A_599, %swap3A_600], %swap3A_603 {strides = array<i32>} : memref<2x64x128xf32, #tpu.memory_space<vmem>>, vector<1x1x16xf32>,
        %get3A_604 = arith.constant 0 : i32
        %get3A_605 = arith.index_cast %get3A_604 : i32 to index
        %get3A_606 = arith.index_cast %scan3A_523 : i32 to index
        %get3A_607 = arith.constant 64 : index
        %get3A_608 = tpu.vector_load %arg11[%get3A_605, %get3A_606, %get3A_607] {strides = array<i32>} : memref<2x64x128xf32, #tpu.memory_space<vmem>>, vector<1x1x16xf32>,
        %get3A_609 = vector.shape_cast %get3A_608 : vector<1x1x16xf32> to vector<16xf32>
        %get3A_610 = arith.constant 0 : i32
        %get3A_611 = arith.index_cast %get3A_610 : i32 to index
        %get3A_612 = arith.index_cast %scan3A_523 : i32 to index
        %get3A_613 = arith.constant 64 : index
        %get3A_614 = tpu.vector_load %arg12[%get3A_611, %get3A_612, %get3A_613] {strides = array<i32>} : memref<2x64x128xf32, #tpu.memory_space<vmem>>, vector<1x1x16xf32>,
        %get3A_615 = vector.shape_cast %get3A_614 : vector<1x1x16xf32> to vector<16xf32>
        %add3A_616 = arith.addf %get3A_609, %get3A_615 : vector<16xf32>
        %swap3A_617 = arith.constant 0 : i32
        %swap3A_618 = arith.index_cast %swap3A_617 : i32 to index
        %swap3A_619 = arith.index_cast %scan3A_523 : i32 to index
        %swap3A_620 = arith.constant 64 : index
        %swap3A_621 = tpu.vector_load %arg11[%swap3A_618, %swap3A_619, %swap3A_620] {strides = array<i32>} : memref<2x64x128xf32, #tpu.memory_space<vmem>>, vector<1x1x16xf32>,
        %swap3A_622 = vector.shape_cast %swap3A_621 : vector<1x1x16xf32> to vector<16xf32>
        %swap3A_623 = vector.shape_cast %add3A_616 : vector<16xf32> to vector<1x1x16xf32>
        tpu.vector_store %arg11[%swap3A_618, %swap3A_619, %swap3A_620], %swap3A_623 {strides = array<i32>} : memref<2x64x128xf32, #tpu.memory_space<vmem>>, vector<1x1x16xf32>,
        %get3A_624 = arith.constant 0 : i32
        %get3A_625 = arith.index_cast %get3A_624 : i32 to index
        %get3A_626 = arith.index_cast %scan3A_523 : i32 to index
        %get3A_627 = arith.constant 80 : index
        %get3A_628 = tpu.vector_load %arg11[%get3A_625, %get3A_626, %get3A_627] {strides = array<i32>} : memref<2x64x128xf32, #tpu.memory_space<vmem>>, vector<1x1x16xf32>,
        %get3A_629 = vector.shape_cast %get3A_628 : vector<1x1x16xf32> to vector<16xf32>
        %get3A_630 = arith.constant 0 : i32
        %get3A_631 = arith.index_cast %get3A_630 : i32 to index
        %get3A_632 = arith.index_cast %scan3A_523 : i32 to index
        %get3A_633 = arith.constant 80 : index
        %get3A_634 = tpu.vector_load %arg12[%get3A_631, %get3A_632, %get3A_633] {strides = array<i32>} : memref<2x64x128xf32, #tpu.memory_space<vmem>>, vector<1x1x16xf32>,
        %get3A_635 = vector.shape_cast %get3A_634 : vector<1x1x16xf32> to vector<16xf32>
        %add3A_636 = arith.addf %get3A_629, %get3A_635 : vector<16xf32>
        %swap3A_637 = arith.constant 0 : i32
        %swap3A_638 = arith.index_cast %swap3A_637 : i32 to index
        %swap3A_639 = arith.index_cast %scan3A_523 : i32 to index
        %swap3A_640 = arith.constant 80 : index
        %swap3A_641 = tpu.vector_load %arg11[%swap3A_638, %swap3A_639, %swap3A_640] {strides = array<i32>} : memref<2x64x128xf32, #tpu.memory_space<vmem>>, vector<1x1x16xf32>,
        %swap3A_642 = vector.shape_cast %swap3A_641 : vector<1x1x16xf32> to vector<16xf32>
        %swap3A_643 = vector.shape_cast %add3A_636 : vector<16xf32> to vector<1x1x16xf32>
        tpu.vector_store %arg11[%swap3A_638, %swap3A_639, %swap3A_640], %swap3A_643 {strides = array<i32>} : memref<2x64x128xf32, #tpu.memory_space<vmem>>, vector<1x1x16xf32>,
        %get3A_644 = arith.constant 0 : i32
        %get3A_645 = arith.index_cast %get3A_644 : i32 to index
        %get3A_646 = arith.index_cast %scan3A_523 : i32 to index
        %get3A_647 = arith.constant 96 : index
        %get3A_648 = tpu.vector_load %arg11[%get3A_645, %get3A_646, %get3A_647] {strides = array<i32>} : memref<2x64x128xf32, #tpu.memory_space<vmem>>, vector<1x1x16xf32>,
        %get3A_649 = vector.shape_cast %get3A_648 : vector<1x1x16xf32> to vector<16xf32>
        %get3A_650 = arith.constant 0 : i32
        %get3A_651 = arith.index_cast %get3A_650 : i32 to index
        %get3A_652 = arith.index_cast %scan3A_523 : i32 to index
        %get3A_653 = arith.constant 96 : index
        %get3A_654 = tpu.vector_load %arg12[%get3A_651, %get3A_652, %get3A_653] {strides = array<i32>} : memref<2x64x128xf32, #tpu.memory_space<vmem>>, vector<1x1x16xf32>,
        %get3A_655 = vector.shape_cast %get3A_654 : vector<1x1x16xf32> to vector<16xf32>
        %add3A_656 = arith.addf %get3A_649, %get3A_655 : vector<16xf32>
        %swap3A_657 = arith.constant 0 : i32
        %swap3A_658 = arith.index_cast %swap3A_657 : i32 to index
        %swap3A_659 = arith.index_cast %scan3A_523 : i32 to index
        %swap3A_660 = arith.constant 96 : index
        %swap3A_661 = tpu.vector_load %arg11[%swap3A_658, %swap3A_659, %swap3A_660] {strides = array<i32>} : memref<2x64x128xf32, #tpu.memory_space<vmem>>, vector<1x1x16xf32>,
        %swap3A_662 = vector.shape_cast %swap3A_661 : vector<1x1x16xf32> to vector<16xf32>
        %swap3A_663 = vector.shape_cast %add3A_656 : vector<16xf32> to vector<1x1x16xf32>
        tpu.vector_store %arg11[%swap3A_658, %swap3A_659, %swap3A_660], %swap3A_663 {strides = array<i32>} : memref<2x64x128xf32, #tpu.memory_space<vmem>>, vector<1x1x16xf32>,
        %get3A_664 = arith.constant 0 : i32
        %get3A_665 = arith.index_cast %get3A_664 : i32 to index
        %get3A_666 = arith.index_cast %scan3A_523 : i32 to index
        %get3A_667 = arith.constant 112 : index
        %get3A_668 = tpu.vector_load %arg11[%get3A_665, %get3A_666, %get3A_667] {strides = array<i32>} : memref<2x64x128xf32, #tpu.memory_space<vmem>>, vector<1x1x16xf32>,
        %get3A_669 = vector.shape_cast %get3A_668 : vector<1x1x16xf32> to vector<16xf32>
        %get3A_670 = arith.constant 0 : i32
        %get3A_671 = arith.index_cast %get3A_670 : i32 to index
        %get3A_672 = arith.index_cast %scan3A_523 : i32 to index
        %get3A_673 = arith.constant 112 : index
        %get3A_674 = tpu.vector_load %arg12[%get3A_671, %get3A_672, %get3A_673] {strides = array<i32>} : memref<2x64x128xf32, #tpu.memory_space<vmem>>, vector<1x1x16xf32>,
        %get3A_675 = vector.shape_cast %get3A_674 : vector<1x1x16xf32> to vector<16xf32>
        %add3A_676 = arith.addf %get3A_669, %get3A_675 : vector<16xf32>
        %swap3A_677 = arith.constant 0 : i32
        %swap3A_678 = arith.index_cast %swap3A_677 : i32 to index
        %swap3A_679 = arith.index_cast %scan3A_523 : i32 to index
        %swap3A_680 = arith.constant 112 : index
        %swap3A_681 = tpu.vector_load %arg11[%swap3A_678, %swap3A_679, %swap3A_680] {strides = array<i32>} : memref<2x64x128xf32, #tpu.memory_space<vmem>>, vector<1x1x16xf32>,
        %swap3A_682 = vector.shape_cast %swap3A_681 : vector<1x1x16xf32> to vector<16xf32>
        %swap3A_683 = vector.shape_cast %add3A_676 : vector<16xf32> to vector<1x1x16xf32>
        tpu.vector_store %arg11[%swap3A_678, %swap3A_679, %swap3A_680], %swap3A_683 {strides = array<i32>} : memref<2x64x128xf32, #tpu.memory_space<vmem>>, vector<1x1x16xf32>,
      }
      %scan3A_225 = arith.constant 64 : i32
      %scan3A_226 = arith.constant 0 : i32
      %scan3A_227 = arith.constant 0 : i32
      %scan3A_228 = arith.constant 64 : i32
      %scan3A_229 = arith.addi %scan3A_227, %scan3A_228 : i32
      %scan3A_230 = arith.constant 4 : i32
      scf.for %scan3A_363 = %scan3A_227 to %scan3A_229 step %scan3A_230  : i32 {
        %get3A = arith.constant 0 : i32
        %get3A_364 = arith.index_cast %get3A : i32 to index
        %get3A_365 = arith.index_cast %scan3A_363 : i32 to index
        %get3A_366 = arith.constant 0 : index
        %get3A_367 = tpu.vector_load %arg13[%get3A_364, %get3A_365, %get3A_366] {strides = array<i32>} : memref<2x64x128xf32, #tpu.memory_space<vmem>>, vector<1x1x16xf32>,
        %get3A_368 = vector.shape_cast %get3A_367 : vector<1x1x16xf32> to vector<16xf32>
        %get3A_369 = arith.constant 0 : i32
        %get3A_370 = arith.index_cast %get3A_369 : i32 to index
        %get3A_371 = arith.index_cast %scan3A_363 : i32 to index
        %get3A_372 = arith.constant 0 : index
        %get3A_373 = tpu.vector_load %arg14[%get3A_370, %get3A_371, %get3A_372] {strides = array<i32>} : memref<2x64x128xf32, #tpu.memory_space<vmem>>, vector<1x1x16xf32>,
        %get3A_374 = vector.shape_cast %get3A_373 : vector<1x1x16xf32> to vector<16xf32>
        %sub3A = arith.subf %get3A_368, %get3A_374 : vector<16xf32>
        %swap3A = arith.constant 0 : i32
        %swap3A_375 = arith.index_cast %swap3A : i32 to index
        %swap3A_376 = arith.index_cast %scan3A_363 : i32 to index
        %swap3A_377 = arith.constant 0 : index
        %swap3A_378 = tpu.vector_load %arg13[%swap3A_375, %swap3A_376, %swap3A_377] {strides = array<i32>} : memref<2x64x128xf32, #tpu.memory_space<vmem>>, vector<1x1x16xf32>,
        %swap3A_379 = vector.shape_cast %swap3A_378 : vector<1x1x16xf32> to vector<16xf32>
        %swap3A_380 = vector.shape_cast %sub3A : vector<16xf32> to vector<1x1x16xf32>
        tpu.vector_store %arg13[%swap3A_375, %swap3A_376, %swap3A_377], %swap3A_380 {strides = array<i32>} : memref<2x64x128xf32, #tpu.memory_space<vmem>>, vector<1x1x16xf32>,
        %scan3A_381 = arith.constant 1 : i32
        %scan3A_382 = arith.addi %scan3A_363, %scan3A_381 : i32
        %get3A_383 = arith.constant 0 : i32
        %get3A_384 = arith.index_cast %get3A_383 : i32 to index
        %get3A_385 = arith.index_cast %scan3A_382 : i32 to index
        %get3A_386 = arith.constant 0 : index
        %get3A_387 = tpu.vector_load %arg13[%get3A_384, %get3A_385, %get3A_386] {strides = array<i32>} : memref<2x64x128xf32, #tpu.memory_space<vmem>>, vector<1x1x16xf32>,
        %get3A_388 = vector.shape_cast %get3A_387 : vector<1x1x16xf32> to vector<16xf32>
        %get3A_389 = arith.constant 0 : i32
        %get3A_390 = arith.index_cast %get3A_389 : i32 to index
        %get3A_391 = arith.index_cast %scan3A_382 : i32 to index
        %get3A_392 = arith.constant 0 : index
        %get3A_393 = tpu.vector_load %arg14[%get3A_390, %get3A_391, %get3A_392] {strides = array<i32>} : memref<2x64x128xf32, #tpu.memory_space<vmem>>, vector<1x1x16xf32>,
        %get3A_394 = vector.shape_cast %get3A_393 : vector<1x1x16xf32> to vector<16xf32>
        %sub3A_395 = arith.subf %get3A_388, %get3A_394 : vector<16xf32>
        %swap3A_396 = arith.constant 0 : i32
        %swap3A_397 = arith.index_cast %swap3A_396 : i32 to index
        %swap3A_398 = arith.index_cast %scan3A_382 : i32 to index
        %swap3A_399 = arith.constant 0 : index
        %swap3A_400 = tpu.vector_load %arg13[%swap3A_397, %swap3A_398, %swap3A_399] {strides = array<i32>} : memref<2x64x128xf32, #tpu.memory_space<vmem>>, vector<1x1x16xf32>,
        %swap3A_401 = vector.shape_cast %swap3A_400 : vector<1x1x16xf32> to vector<16xf32>
        %swap3A_402 = vector.shape_cast %sub3A_395 : vector<16xf32> to vector<1x1x16xf32>
        tpu.vector_store %arg13[%swap3A_397, %swap3A_398, %swap3A_399], %swap3A_402 {strides = array<i32>} : memref<2x64x128xf32, #tpu.memory_space<vmem>>, vector<1x1x16xf32>,
        %scan3A_403 = arith.constant 2 : i32
        %scan3A_404 = arith.addi %scan3A_363, %scan3A_403 : i32
        %get3A_405 = arith.constant 0 : i32
        %get3A_406 = arith.index_cast %get3A_405 : i32 to index
        %get3A_407 = arith.index_cast %scan3A_404 : i32 to index
        %get3A_408 = arith.constant 0 : index
        %get3A_409 = tpu.vector_load %arg13[%get3A_406, %get3A_407, %get3A_408] {strides = array<i32>} : memref<2x64x128xf32, #tpu.memory_space<vmem>>, vector<1x1x16xf32>,
        %get3A_410 = vector.shape_cast %get3A_409 : vector<1x1x16xf32> to vector<16xf32>
        %get3A_411 = arith.constant 0 : i32
        %get3A_412 = arith.index_cast %get3A_411 : i32 to index
        %get3A_413 = arith.index_cast %scan3A_404 : i32 to index
        %get3A_414 = arith.constant 0 : index
        %get3A_415 = tpu.vector_load %arg14[%get3A_412, %get3A_413, %get3A_414] {strides = array<i32>} : memref<2x64x128xf32, #tpu.memory_space<vmem>>, vector<1x1x16xf32>,
        %get3A_416 = vector.shape_cast %get3A_415 : vector<1x1x16xf32> to vector<16xf32>
        %sub3A_417 = arith.subf %get3A_410, %get3A_416 : vector<16xf32>
        %swap3A_418 = arith.constant 0 : i32
        %swap3A_419 = arith.index_cast %swap3A_418 : i32 to index
        %swap3A_420 = arith.index_cast %scan3A_404 : i32 to index
        %swap3A_421 = arith.constant 0 : index
        %swap3A_422 = tpu.vector_load %arg13[%swap3A_419, %swap3A_420, %swap3A_421] {strides = array<i32>} : memref<2x64x128xf32, #tpu.memory_space<vmem>>, vector<1x1x16xf32>,
        %swap3A_423 = vector.shape_cast %swap3A_422 : vector<1x1x16xf32> to vector<16xf32>
        %swap3A_424 = vector.shape_cast %sub3A_417 : vector<16xf32> to vector<1x1x16xf32>
        tpu.vector_store %arg13[%swap3A_419, %swap3A_420, %swap3A_421], %swap3A_424 {strides = array<i32>} : memref<2x64x128xf32, #tpu.memory_space<vmem>>, vector<1x1x16xf32>,
        %scan3A_425 = arith.constant 3 : i32
        %scan3A_426 = arith.addi %scan3A_363, %scan3A_425 : i32
        %get3A_427 = arith.constant 0 : i32
        %get3A_428 = arith.index_cast %get3A_427 : i32 to index
        %get3A_429 = arith.index_cast %scan3A_426 : i32 to index
        %get3A_430 = arith.constant 0 : index
        %get3A_431 = tpu.vector_load %arg13[%get3A_428, %get3A_429, %get3A_430] {strides = array<i32>} : memref<2x64x128xf32, #tpu.memory_space<vmem>>, vector<1x1x16xf32>,
        %get3A_432 = vector.shape_cast %get3A_431 : vector<1x1x16xf32> to vector<16xf32>
        %get3A_433 = arith.constant 0 : i32
        %get3A_434 = arith.index_cast %get3A_433 : i32 to index
        %get3A_435 = arith.index_cast %scan3A_426 : i32 to index
        %get3A_436 = arith.constant 0 : index
        %get3A_437 = tpu.vector_load %arg14[%get3A_434, %get3A_435, %get3A_436] {strides = array<i32>} : memref<2x64x128xf32, #tpu.memory_space<vmem>>, vector<1x1x16xf32>,
        %get3A_438 = vector.shape_cast %get3A_437 : vector<1x1x16xf32> to vector<16xf32>
        %sub3A_439 = arith.subf %get3A_432, %get3A_438 : vector<16xf32>
        %swap3A_440 = arith.constant 0 : i32
        %swap3A_441 = arith.index_cast %swap3A_440 : i32 to index
        %swap3A_442 = arith.index_cast %scan3A_426 : i32 to index
        %swap3A_443 = arith.constant 0 : index
        %swap3A_444 = tpu.vector_load %arg13[%swap3A_441, %swap3A_442, %swap3A_443] {strides = array<i32>} : memref<2x64x128xf32, #tpu.memory_space<vmem>>, vector<1x1x16xf32>,
        %swap3A_445 = vector.shape_cast %swap3A_444 : vector<1x1x16xf32> to vector<16xf32>
        %swap3A_446 = vector.shape_cast %sub3A_439 : vector<16xf32> to vector<1x1x16xf32>
        tpu.vector_store %arg13[%swap3A_441, %swap3A_442, %swap3A_443], %swap3A_446 {strides = array<i32>} : memref<2x64x128xf32, #tpu.memory_space<vmem>>, vector<1x1x16xf32>,
      }
      %scan3A_231 = arith.constant 64 : i32
      %mul3A_232 = arith.constant 64 : i32
      %mul3A_233 = arith.muli %add3A_169, %mul3A_232 : i32
      %add3A_234 = arith.addi %mul3A_2, %mul3A_233 : i32
      %dma_start3A_235 = arith.constant 0 : i32
      %dma_start3A_236 = arith.constant 0 : i32
      %dma_start3A_237 = arith.constant 0 : i32
      %dma_start3A_238 = tpu.memref_slice %arg11[%dma_start3A_235, %dma_start3A_236, %dma_start3A_237] : memref<2x64x128xf32, #tpu.memory_space<vmem>> -> memref<1x64x128xf32, #tpu.memory_space<vmem>>
      %dma_start3A_239 = tpu.memref_squeeze %dma_start3A_238 : memref<1x64x128xf32, #tpu.memory_space<vmem>> -> memref<64x128xf32, #tpu.memory_space<vmem>>
      %dma_start3A_240 = arith.constant 0 : i32
      %dma_start3A_241 = tpu.memref_slice %arg7[%add3A_234, %dma_start3A_240] : memref<323584x128xf32, #tpu.memory_space<hbm>> -> memref<64x128xf32, #tpu.memory_space<hbm>>
      %dma_start3A_242 = arith.constant 0 : i32
      %dma_start3A_243 = tpu.memref_slice %arg7[%add3A_234, %dma_start3A_242] : memref<323584x128xf32, #tpu.memory_space<hbm>> -> memref<64x128xf32, #tpu.memory_space<hbm>>
      %dma_start3A_244 = arith.constant 0 : i32
      %dma_start3A_245 = arith.constant 0 : i32
      %dma_start3A_246 = tpu.memref_slice %arg11[%dma_start3A_235, %dma_start3A_244, %dma_start3A_245] : memref<2x64x128xf32, #tpu.memory_space<vmem>> -> memref<1x64x128xf32, #tpu.memory_space<vmem>>
      %dma_start3A_247 = tpu.memref_squeeze %dma_start3A_246 : memref<1x64x128xf32, #tpu.memory_space<vmem>> -> memref<64x128xf32, #tpu.memory_space<vmem>>
      tpu.enqueue_dma source(%dma_start3A_247 : memref<64x128xf32, #tpu.memory_space<vmem>>) target(%dma_start3A_243 : memref<64x128xf32, #tpu.memory_space<hbm>>) target_semaphore(%arg16 : memref<!tpu.dma_semaphore, #tpu.memory_space<semaphore_mem>>)
      %dma_start3A_248 = arith.constant 0 : i32
      %dma_start3A_249 = arith.constant 0 : i32
      %dma_start3A_250 = arith.constant 0 : i32
      %dma_start3A_251 = tpu.memref_slice %arg13[%dma_start3A_248, %dma_start3A_249, %dma_start3A_250] : memref<2x64x128xf32, #tpu.memory_space<vmem>> -> memref<1x64x128xf32, #tpu.memory_space<vmem>>
      %dma_start3A_252 = tpu.memref_squeeze %dma_start3A_251 : memref<1x64x128xf32, #tpu.memory_space<vmem>> -> memref<64x128xf32, #tpu.memory_space<vmem>>
      %dma_start3A_253 = arith.constant 0 : i32
      %dma_start3A_254 = tpu.memref_slice %arg8[%add3A_234, %dma_start3A_253] : memref<323584x128xf32, #tpu.memory_space<hbm>> -> memref<64x128xf32, #tpu.memory_space<hbm>>
      %dma_start3A_255 = arith.constant 0 : i32
      %dma_start3A_256 = tpu.memref_slice %arg8[%add3A_234, %dma_start3A_255] : memref<323584x128xf32, #tpu.memory_space<hbm>> -> memref<64x128xf32, #tpu.memory_space<hbm>>
      %dma_start3A_257 = arith.constant 0 : i32
      %dma_start3A_258 = arith.constant 0 : i32
      %dma_start3A_259 = tpu.memref_slice %arg13[%dma_start3A_248, %dma_start3A_257, %dma_start3A_258] : memref<2x64x128xf32, #tpu.memory_space<vmem>> -> memref<1x64x128xf32, #tpu.memory_space<vmem>>
      %dma_start3A_260 = tpu.memref_squeeze %dma_start3A_259 : memref<1x64x128xf32, #tpu.memory_space<vmem>> -> memref<64x128xf32, #tpu.memory_space<vmem>>
      tpu.enqueue_dma source(%dma_start3A_260 : memref<64x128xf32, #tpu.memory_space<vmem>>) target(%dma_start3A_256 : memref<64x128xf32, #tpu.memory_space<hbm>>) target_semaphore(%arg16 : memref<!tpu.dma_semaphore, #tpu.memory_space<semaphore_mem>>)
      %lt3A = arith.constant 158 : i32
      %lt3A_261 = arith.cmpi slt, %add3A_171, %lt3A : i32
      %convert_element_type3A = arith.extui %lt3A_261 : i1 to i32
      %cond3A = arith.constant 0 : i32
      %cond3A_262 = arith.cmpi ne, %convert_element_type3A, %cond3A : i32
      scf.if %cond3A_262 {
        %mul3A_363 = arith.constant 64 : i32
        %mul3A_364 = arith.muli %add3A_169, %mul3A_363 : i32
        %add3A_365 = arith.addi %mul3A_2, %mul3A_364 : i32
        %dma_wait3A_366 = arith.constant 0 : i32
        %dma_wait3A_367 = arith.constant 0 : i32
        %dma_wait3A_368 = arith.constant 0 : i32
        %dma_wait3A_369 = tpu.memref_slice %arg11[%dma_wait3A_366, %dma_wait3A_367, %dma_wait3A_368] : memref<2x64x128xf32, #tpu.memory_space<vmem>> -> memref<1x64x128xf32, #tpu.memory_space<vmem>>
        %dma_wait3A_370 = tpu.memref_squeeze %dma_wait3A_369 : memref<1x64x128xf32, #tpu.memory_space<vmem>> -> memref<64x128xf32, #tpu.memory_space<vmem>>
        %dma_wait3A_371 = arith.constant 0 : i32
        %dma_wait3A_372 = tpu.memref_slice %arg7[%add3A_365, %dma_wait3A_371] : memref<323584x128xf32, #tpu.memory_space<hbm>> -> memref<64x128xf32, #tpu.memory_space<hbm>>
        %dma_wait3A_373 = arith.constant 0 : i32
        %dma_wait3A_374 = tpu.memref_slice %arg7[%add3A_365, %dma_wait3A_373] : memref<323584x128xf32, #tpu.memory_space<hbm>> -> memref<64x128xf32, #tpu.memory_space<hbm>>
        %dma_wait3A_375 = arith.constant 0 : i32
        %dma_wait3A_376 = arith.constant 0 : i32
        %dma_wait3A_377 = tpu.memref_slice %arg11[%dma_wait3A_366, %dma_wait3A_375, %dma_wait3A_376] : memref<2x64x128xf32, #tpu.memory_space<vmem>> -> memref<1x64x128xf32, #tpu.memory_space<vmem>>
        %dma_wait3A_378 = tpu.memref_squeeze %dma_wait3A_377 : memref<1x64x128xf32, #tpu.memory_space<vmem>> -> memref<64x128xf32, #tpu.memory_space<vmem>>
        tpu.wait_dma2 semaphore(%arg16 : memref<!tpu.dma_semaphore, #tpu.memory_space<semaphore_mem>>) src(%dma_wait3A_378 : memref<64x128xf32, #tpu.memory_space<vmem>>) dst(%dma_wait3A_374 : memref<64x128xf32, #tpu.memory_space<hbm>>)
        %dma_wait3A_379 = arith.constant 0 : i32
        %dma_wait3A_380 = arith.constant 0 : i32
        %dma_wait3A_381 = arith.constant 0 : i32
        %dma_wait3A_382 = tpu.memref_slice %arg13[%dma_wait3A_379, %dma_wait3A_380, %dma_wait3A_381] : memref<2x64x128xf32, #tpu.memory_space<vmem>> -> memref<1x64x128xf32, #tpu.memory_space<vmem>>
        %dma_wait3A_383 = tpu.memref_squeeze %dma_wait3A_382 : memref<1x64x128xf32, #tpu.memory_space<vmem>> -> memref<64x128xf32, #tpu.memory_space<vmem>>
        %dma_wait3A_384 = arith.constant 0 : i32
        %dma_wait3A_385 = tpu.memref_slice %arg8[%add3A_365, %dma_wait3A_384] : memref<323584x128xf32, #tpu.memory_space<hbm>> -> memref<64x128xf32, #tpu.memory_space<hbm>>
        %dma_wait3A_386 = arith.constant 0 : i32
        %dma_wait3A_387 = tpu.memref_slice %arg8[%add3A_365, %dma_wait3A_386] : memref<323584x128xf32, #tpu.memory_space<hbm>> -> memref<64x128xf32, #tpu.memory_space<hbm>>
        %dma_wait3A_388 = arith.constant 0 : i32
        %dma_wait3A_389 = arith.constant 0 : i32
        %dma_wait3A_390 = tpu.memref_slice %arg13[%dma_wait3A_379, %dma_wait3A_388, %dma_wait3A_389] : memref<2x64x128xf32, #tpu.memory_space<vmem>> -> memref<1x64x128xf32, #tpu.memory_space<vmem>>
        %dma_wait3A_391 = tpu.memref_squeeze %dma_wait3A_390 : memref<1x64x128xf32, #tpu.memory_space<vmem>> -> memref<64x128xf32, #tpu.memory_space<vmem>>
        tpu.wait_dma2 semaphore(%arg16 : memref<!tpu.dma_semaphore, #tpu.memory_space<semaphore_mem>>) src(%dma_wait3A_391 : memref<64x128xf32, #tpu.memory_space<vmem>>) dst(%dma_wait3A_387 : memref<64x128xf32, #tpu.memory_space<hbm>>)
        %mul3A_392 = arith.constant 64 : i32
        %mul3A_393 = arith.muli %add3A_171, %mul3A_392 : i32
        %add3A_394 = arith.addi %mul3A_2, %mul3A_393 : i32
        %run_scoped3A_395 = arith.constant 0 : i32
        "tpu.region"() ({
          %run_scoped3A_445 = tpu.sem_alloc : memref<!tpu.dma_semaphore, #tpu.memory_space<semaphore_mem>>
          %dma_start3A_446 = arith.constant 0 : i32
          %dma_start3A_447 = tpu.memref_slice %arg9[%run_scoped3A_395, %dma_start3A_446] : memref<2x64xi32, #tpu.memory_space<vmem>> -> memref<1x64xi32, #tpu.memory_space<vmem>>
          %dma_start3A_448 = tpu.memref_squeeze %dma_start3A_447 : memref<1x64xi32, #tpu.memory_space<vmem>> -> memref<64xi32, #tpu.memory_space<vmem>>
          %dma_start3A_449 = tpu.memref_slice %arg5[%add3A_394] : memref<323584xi32, #tpu.memory_space<hbm>> -> memref<64xi32, #tpu.memory_space<hbm>>
          %dma_start3A_450 = arith.constant 0 : i32
          %dma_start3A_451 = tpu.memref_slice %arg9[%run_scoped3A_395, %dma_start3A_450] : memref<2x64xi32, #tpu.memory_space<vmem>> -> memref<1x64xi32, #tpu.memory_space<vmem>>
          %dma_start3A_452 = tpu.memref_squeeze %dma_start3A_451 : memref<1x64xi32, #tpu.memory_space<vmem>> -> memref<64xi32, #tpu.memory_space<vmem>>
          %dma_start3A_453 = tpu.memref_slice %arg5[%add3A_394] : memref<323584xi32, #tpu.memory_space<hbm>> -> memref<64xi32, #tpu.memory_space<hbm>>
          tpu.enqueue_dma source(%dma_start3A_453 : memref<64xi32, #tpu.memory_space<hbm>>) target(%dma_start3A_452 : memref<64xi32, #tpu.memory_space<vmem>>) target_semaphore(%run_scoped3A_445 : memref<!tpu.dma_semaphore, #tpu.memory_space<semaphore_mem>>)
          %dma_wait3A_454 = arith.constant 0 : i32
          %dma_wait3A_455 = tpu.memref_slice %arg9[%run_scoped3A_395, %dma_wait3A_454] : memref<2x64xi32, #tpu.memory_space<vmem>> -> memref<1x64xi32, #tpu.memory_space<vmem>>
          %dma_wait3A_456 = tpu.memref_squeeze %dma_wait3A_455 : memref<1x64xi32, #tpu.memory_space<vmem>> -> memref<64xi32, #tpu.memory_space<vmem>>
          %dma_wait3A_457 = tpu.memref_slice %arg5[%add3A_394] : memref<323584xi32, #tpu.memory_space<hbm>> -> memref<64xi32, #tpu.memory_space<hbm>>
          %dma_wait3A_458 = arith.constant 0 : i32
          %dma_wait3A_459 = tpu.memref_slice %arg9[%run_scoped3A_395, %dma_wait3A_458] : memref<2x64xi32, #tpu.memory_space<vmem>> -> memref<1x64xi32, #tpu.memory_space<vmem>>
          %dma_wait3A_460 = tpu.memref_squeeze %dma_wait3A_459 : memref<1x64xi32, #tpu.memory_space<vmem>> -> memref<64xi32, #tpu.memory_space<vmem>>
          %dma_wait3A_461 = tpu.memref_slice %arg5[%add3A_394] : memref<323584xi32, #tpu.memory_space<hbm>> -> memref<64xi32, #tpu.memory_space<hbm>>
          tpu.wait_dma2 semaphore(%run_scoped3A_445 : memref<!tpu.dma_semaphore, #tpu.memory_space<semaphore_mem>>) src(%dma_wait3A_461 : memref<64xi32, #tpu.memory_space<hbm>>) dst(%dma_wait3A_460 : memref<64xi32, #tpu.memory_space<vmem>>)
          tpu.yield
        }) : () -> ()
        %run_scoped3A_396 = arith.constant 0 : i32
        "tpu.region"() ({
          %run_scoped3A_445 = tpu.sem_alloc : memref<!tpu.dma_semaphore, #tpu.memory_space<semaphore_mem>>
          %dma_start3A_446 = arith.constant 0 : i32
          %dma_start3A_447 = tpu.memref_slice %arg10[%run_scoped3A_396, %dma_start3A_446] : memref<2x64xi32, #tpu.memory_space<vmem>> -> memref<1x64xi32, #tpu.memory_space<vmem>>
          %dma_start3A_448 = tpu.memref_squeeze %dma_start3A_447 : memref<1x64xi32, #tpu.memory_space<vmem>> -> memref<64xi32, #tpu.memory_space<vmem>>
          %dma_start3A_449 = tpu.memref_slice %arg6[%add3A_394] : memref<323584xi32, #tpu.memory_space<hbm>> -> memref<64xi32, #tpu.memory_space<hbm>>
          %dma_start3A_450 = arith.constant 0 : i32
          %dma_start3A_451 = tpu.memref_slice %arg10[%run_scoped3A_396, %dma_start3A_450] : memref<2x64xi32, #tpu.memory_space<vmem>> -> memref<1x64xi32, #tpu.memory_space<vmem>>
          %dma_start3A_452 = tpu.memref_squeeze %dma_start3A_451 : memref<1x64xi32, #tpu.memory_space<vmem>> -> memref<64xi32, #tpu.memory_space<vmem>>
          %dma_start3A_453 = tpu.memref_slice %arg6[%add3A_394] : memref<323584xi32, #tpu.memory_space<hbm>> -> memref<64xi32, #tpu.memory_space<hbm>>
          tpu.enqueue_dma source(%dma_start3A_453 : memref<64xi32, #tpu.memory_space<hbm>>) target(%dma_start3A_452 : memref<64xi32, #tpu.memory_space<vmem>>) target_semaphore(%run_scoped3A_445 : memref<!tpu.dma_semaphore, #tpu.memory_space<semaphore_mem>>)
          %dma_wait3A_454 = arith.constant 0 : i32
          %dma_wait3A_455 = tpu.memref_slice %arg10[%run_scoped3A_396, %dma_wait3A_454] : memref<2x64xi32, #tpu.memory_space<vmem>> -> memref<1x64xi32, #tpu.memory_space<vmem>>
          %dma_wait3A_456 = tpu.memref_squeeze %dma_wait3A_455 : memref<1x64xi32, #tpu.memory_space<vmem>> -> memref<64xi32, #tpu.memory_space<vmem>>
          %dma_wait3A_457 = tpu.memref_slice %arg6[%add3A_394] : memref<323584xi32, #tpu.memory_space<hbm>> -> memref<64xi32, #tpu.memory_space<hbm>>
          %dma_wait3A_458 = arith.constant 0 : i32
          %dma_wait3A_459 = tpu.memref_slice %arg10[%run_scoped3A_396, %dma_wait3A_458] : memref<2x64xi32, #tpu.memory_space<vmem>> -> memref<1x64xi32, #tpu.memory_space<vmem>>
          %dma_wait3A_460 = tpu.memref_squeeze %dma_wait3A_459 : memref<1x64xi32, #tpu.memory_space<vmem>> -> memref<64xi32, #tpu.memory_space<vmem>>
          %dma_wait3A_461 = tpu.memref_slice %arg6[%add3A_394] : memref<323584xi32, #tpu.memory_space<hbm>> -> memref<64xi32, #tpu.memory_space<hbm>>
          tpu.wait_dma2 semaphore(%run_scoped3A_445 : memref<!tpu.dma_semaphore, #tpu.memory_space<semaphore_mem>>) src(%dma_wait3A_461 : memref<64xi32, #tpu.memory_space<hbm>>) dst(%dma_wait3A_460 : memref<64xi32, #tpu.memory_space<vmem>>)
          tpu.yield
        }) : () -> ()
        %dma_start3A_397 = arith.constant 0 : i32
        %dma_start3A_398 = arith.constant 0 : i32
        %dma_start3A_399 = arith.constant 0 : i32
        %dma_start3A_400 = arith.constant 0 : i32
        %dma_start3A_401 = tpu.memref_slice %arg11[%dma_start3A_398, %dma_start3A_399, %dma_start3A_400] : memref<2x64x128xf32, #tpu.memory_space<vmem>> -> memref<1x64x128xf32, #tpu.memory_space<vmem>>
        %dma_start3A_402 = tpu.memref_squeeze %dma_start3A_401 : memref<1x64x128xf32, #tpu.memory_space<vmem>> -> memref<64x128xf32, #tpu.memory_space<vmem>>
        %dma_start3A_403 = arith.constant 0 : i32
        %dma_start3A_404 = tpu.memref_slice %arg9[%dma_start3A_397, %dma_start3A_403] : memref<2x64xi32, #tpu.memory_space<vmem>> -> memref<1x64xi32, #tpu.memory_space<vmem>>
        %dma_start3A_405 = tpu.memref_squeeze %dma_start3A_404 : memref<1x64xi32, #tpu.memory_space<vmem>> -> memref<64xi32, #tpu.memory_space<vmem>>
        %dma_start3A_406 = arith.constant 0 : i32
        %dma_start3A_407 = arith.constant 0 : i32
        %dma_start3A_408 = tpu.memref_slice %arg2[%dma_start3A_406, %dma_start3A_407] : memref<10000x128xf32, #tpu.memory_space<hbm>> -> memref<10000x128xf32, #tpu.memory_space<hbm>>
        tpu.enqueue_indirect_dma source(%dma_start3A_408 : memref<10000x128xf32, #tpu.memory_space<hbm>>) target(%dma_start3A_402 : memref<64x128xf32, #tpu.memory_space<vmem>>) offsets(%dma_start3A_405 : memref<64xi32, #tpu.memory_space<vmem>>) semaphore(%arg15 : memref<!tpu.dma_semaphore, #tpu.memory_space<semaphore_mem>>)
        %dma_start3A_409 = arith.constant 0 : i32
        %dma_start3A_410 = arith.constant 0 : i32
        %dma_start3A_411 = arith.constant 0 : i32
        %dma_start3A_412 = arith.constant 0 : i32
        %dma_start3A_413 = tpu.memref_slice %arg12[%dma_start3A_410, %dma_start3A_411, %dma_start3A_412] : memref<2x64x128xf32, #tpu.memory_space<vmem>> -> memref<1x64x128xf32, #tpu.memory_space<vmem>>
        %dma_start3A_414 = tpu.memref_squeeze %dma_start3A_413 : memref<1x64x128xf32, #tpu.memory_space<vmem>> -> memref<64x128xf32, #tpu.memory_space<vmem>>
        %dma_start3A_415 = arith.constant 0 : i32
        %dma_start3A_416 = tpu.memref_slice %arg10[%dma_start3A_409, %dma_start3A_415] : memref<2x64xi32, #tpu.memory_space<vmem>> -> memref<1x64xi32, #tpu.memory_space<vmem>>
        %dma_start3A_417 = tpu.memref_squeeze %dma_start3A_416 : memref<1x64xi32, #tpu.memory_space<vmem>> -> memref<64xi32, #tpu.memory_space<vmem>>
        %dma_start3A_418 = arith.constant 0 : i32
        %dma_start3A_419 = arith.constant 0 : i32
        %dma_start3A_420 = tpu.memref_slice %arg3[%dma_start3A_418, %dma_start3A_419] : memref<10000x128xf32, #tpu.memory_space<hbm>> -> memref<10000x128xf32, #tpu.memory_space<hbm>>
        tpu.enqueue_indirect_dma source(%dma_start3A_420 : memref<10000x128xf32, #tpu.memory_space<hbm>>) target(%dma_start3A_414 : memref<64x128xf32, #tpu.memory_space<vmem>>) offsets(%dma_start3A_417 : memref<64xi32, #tpu.memory_space<vmem>>) semaphore(%arg15 : memref<!tpu.dma_semaphore, #tpu.memory_space<semaphore_mem>>)
        %dma_start3A_421 = arith.constant 0 : i32
        %dma_start3A_422 = arith.constant 0 : i32
        %dma_start3A_423 = arith.constant 0 : i32
        %dma_start3A_424 = arith.constant 0 : i32
        %dma_start3A_425 = tpu.memref_slice %arg13[%dma_start3A_422, %dma_start3A_423, %dma_start3A_424] : memref<2x64x128xf32, #tpu.memory_space<vmem>> -> memref<1x64x128xf32, #tpu.memory_space<vmem>>
        %dma_start3A_426 = tpu.memref_squeeze %dma_start3A_425 : memref<1x64x128xf32, #tpu.memory_space<vmem>> -> memref<64x128xf32, #tpu.memory_space<vmem>>
        %dma_start3A_427 = arith.constant 0 : i32
        %dma_start3A_428 = tpu.memref_slice %arg9[%dma_start3A_421, %dma_start3A_427] : memref<2x64xi32, #tpu.memory_space<vmem>> -> memref<1x64xi32, #tpu.memory_space<vmem>>
        %dma_start3A_429 = tpu.memref_squeeze %dma_start3A_428 : memref<1x64xi32, #tpu.memory_space<vmem>> -> memref<64xi32, #tpu.memory_space<vmem>>
        %dma_start3A_430 = arith.constant 0 : i32
        %dma_start3A_431 = arith.constant 0 : i32
        %dma_start3A_432 = tpu.memref_slice %arg4[%dma_start3A_430, %dma_start3A_431] : memref<10000x128xf32, #tpu.memory_space<hbm>> -> memref<10000x128xf32, #tpu.memory_space<hbm>>
        tpu.enqueue_indirect_dma source(%dma_start3A_432 : memref<10000x128xf32, #tpu.memory_space<hbm>>) target(%dma_start3A_426 : memref<64x128xf32, #tpu.memory_space<vmem>>) offsets(%dma_start3A_429 : memref<64xi32, #tpu.memory_space<vmem>>) semaphore(%arg15 : memref<!tpu.dma_semaphore, #tpu.memory_space<semaphore_mem>>)
        %dma_start3A_433 = arith.constant 0 : i32
        %dma_start3A_434 = arith.constant 0 : i32
        %dma_start3A_435 = arith.constant 0 : i32
        %dma_start3A_436 = arith.constant 0 : i32
        %dma_start3A_437 = tpu.memref_slice %arg14[%dma_start3A_434, %dma_start3A_435, %dma_start3A_436] : memref<2x64x128xf32, #tpu.memory_space<vmem>> -> memref<1x64x128xf32, #tpu.memory_space<vmem>>
        %dma_start3A_438 = tpu.memref_squeeze %dma_start3A_437 : memref<1x64x128xf32, #tpu.memory_space<vmem>> -> memref<64x128xf32, #tpu.memory_space<vmem>>
        %dma_start3A_439 = arith.constant 0 : i32
        %dma_start3A_440 = tpu.memref_slice %arg10[%dma_start3A_433, %dma_start3A_439] : memref<2x64xi32, #tpu.memory_space<vmem>> -> memref<1x64xi32, #tpu.memory_space<vmem>>
        %dma_start3A_441 = tpu.memref_squeeze %dma_start3A_440 : memref<1x64xi32, #tpu.memory_space<vmem>> -> memref<64xi32, #tpu.memory_space<vmem>>
        %dma_start3A_442 = arith.constant 0 : i32
        %dma_start3A_443 = arith.constant 0 : i32
        %dma_start3A_444 = tpu.memref_slice %arg4[%dma_start3A_442, %dma_start3A_443] : memref<10000x128xf32, #tpu.memory_space<hbm>> -> memref<10000x128xf32, #tpu.memory_space<hbm>>
        tpu.enqueue_indirect_dma source(%dma_start3A_444 : memref<10000x128xf32, #tpu.memory_space<hbm>>) target(%dma_start3A_438 : memref<64x128xf32, #tpu.memory_space<vmem>>) offsets(%dma_start3A_441 : memref<64xi32, #tpu.memory_space<vmem>>) semaphore(%arg15 : memref<!tpu.dma_semaphore, #tpu.memory_space<semaphore_mem>>)
      } else {
      }
      %mul3A_263 = arith.constant 2 : i32
      %mul3A_264 = arith.muli %scan3A_165, %mul3A_263 : i32
      %add3A_265 = arith.constant 1 : i32
      %add3A_266 = arith.addi %mul3A_264, %add3A_265 : i32
      %add3A_267 = arith.constant 2 : i32
      %add3A_268 = arith.addi %add3A_266, %add3A_267 : i32
      %dma_wait3A_269 = arith.constant 1 : i32
      %dma_wait3A_270 = arith.constant 1 : i32
      %dma_wait3A_271 = arith.constant 0 : i32
      %dma_wait3A_272 = arith.constant 0 : i32
      %dma_wait3A_273 = tpu.memref_slice %arg11[%dma_wait3A_270, %dma_wait3A_271, %dma_wait3A_272] : memref<2x64x128xf32, #tpu.memory_space<vmem>> -> memref<1x64x128xf32, #tpu.memory_space<vmem>>
      %dma_wait3A_274 = tpu.memref_squeeze %dma_wait3A_273 : memref<1x64x128xf32, #tpu.memory_space<vmem>> -> memref<64x128xf32, #tpu.memory_space<vmem>>
      %dma_wait3A_275 = arith.constant 0 : i32
      %dma_wait3A_276 = tpu.memref_slice %arg9[%dma_wait3A_269, %dma_wait3A_275] : memref<2x64xi32, #tpu.memory_space<vmem>> -> memref<1x64xi32, #tpu.memory_space<vmem>>
      %dma_wait3A_277 = tpu.memref_squeeze %dma_wait3A_276 : memref<1x64xi32, #tpu.memory_space<vmem>> -> memref<64xi32, #tpu.memory_space<vmem>>
      %dma_wait3A_278 = arith.constant 0 : i32
      %dma_wait3A_279 = arith.constant 0 : i32
      %dma_wait3A_280 = tpu.memref_slice %arg2[%dma_wait3A_278, %dma_wait3A_279] : memref<10000x128xf32, #tpu.memory_space<hbm>> -> memref<10000x128xf32, #tpu.memory_space<hbm>>
      tpu.wait_indirect_dma semaphore(%arg15 : memref<!tpu.dma_semaphore, #tpu.memory_space<semaphore_mem>>) src(%dma_wait3A_280 : memref<10000x128xf32, #tpu.memory_space<hbm>>) dst(%dma_wait3A_274 : memref<64x128xf32, #tpu.memory_space<vmem>>)
      %dma_wait3A_281 = arith.constant 1 : i32
      %dma_wait3A_282 = arith.constant 1 : i32
      %dma_wait3A_283 = arith.constant 0 : i32
      %dma_wait3A_284 = arith.constant 0 : i32
      %dma_wait3A_285 = tpu.memref_slice %arg12[%dma_wait3A_282, %dma_wait3A_283, %dma_wait3A_284] : memref<2x64x128xf32, #tpu.memory_space<vmem>> -> memref<1x64x128xf32, #tpu.memory_space<vmem>>
      %dma_wait3A_286 = tpu.memref_squeeze %dma_wait3A_285 : memref<1x64x128xf32, #tpu.memory_space<vmem>> -> memref<64x128xf32, #tpu.memory_space<vmem>>
      %dma_wait3A_287 = arith.constant 0 : i32
      %dma_wait3A_288 = tpu.memref_slice %arg10[%dma_wait3A_281, %dma_wait3A_287] : memref<2x64xi32, #tpu.memory_space<vmem>> -> memref<1x64xi32, #tpu.memory_space<vmem>>
      %dma_wait3A_289 = tpu.memref_squeeze %dma_wait3A_288 : memref<1x64xi32, #tpu.memory_space<vmem>> -> memref<64xi32, #tpu.memory_space<vmem>>
      %dma_wait3A_290 = arith.constant 0 : i32
      %dma_wait3A_291 = arith.constant 0 : i32
      %dma_wait3A_292 = tpu.memref_slice %arg3[%dma_wait3A_290, %dma_wait3A_291] : memref<10000x128xf32, #tpu.memory_space<hbm>> -> memref<10000x128xf32, #tpu.memory_space<hbm>>
      tpu.wait_indirect_dma semaphore(%arg15 : memref<!tpu.dma_semaphore, #tpu.memory_space<semaphore_mem>>) src(%dma_wait3A_292 : memref<10000x128xf32, #tpu.memory_space<hbm>>) dst(%dma_wait3A_286 : memref<64x128xf32, #tpu.memory_space<vmem>>)
      %dma_wait3A_293 = arith.constant 1 : i32
      %dma_wait3A_294 = arith.constant 1 : i32
      %dma_wait3A_295 = arith.constant 0 : i32
      %dma_wait3A_296 = arith.constant 0 : i32
      %dma_wait3A_297 = tpu.memref_slice %arg13[%dma_wait3A_294, %dma_wait3A_295, %dma_wait3A_296] : memref<2x64x128xf32, #tpu.memory_space<vmem>> -> memref<1x64x128xf32, #tpu.memory_space<vmem>>
      %dma_wait3A_298 = tpu.memref_squeeze %dma_wait3A_297 : memref<1x64x128xf32, #tpu.memory_space<vmem>> -> memref<64x128xf32, #tpu.memory_space<vmem>>
      %dma_wait3A_299 = arith.constant 0 : i32
      %dma_wait3A_300 = tpu.memref_slice %arg9[%dma_wait3A_293, %dma_wait3A_299] : memref<2x64xi32, #tpu.memory_space<vmem>> -> memref<1x64xi32, #tpu.memory_space<vmem>>
      %dma_wait3A_301 = tpu.memref_squeeze %dma_wait3A_300 : memref<1x64xi32, #tpu.memory_space<vmem>> -> memref<64xi32, #tpu.memory_space<vmem>>
      %dma_wait3A_302 = arith.constant 0 : i32
      %dma_wait3A_303 = arith.constant 0 : i32
      %dma_wait3A_304 = tpu.memref_slice %arg4[%dma_wait3A_302, %dma_wait3A_303] : memref<10000x128xf32, #tpu.memory_space<hbm>> -> memref<10000x128xf32, #tpu.memory_space<hbm>>
      tpu.wait_indirect_dma semaphore(%arg15 : memref<!tpu.dma_semaphore, #tpu.memory_space<semaphore_mem>>) src(%dma_wait3A_304 : memref<10000x128xf32, #tpu.memory_space<hbm>>) dst(%dma_wait3A_298 : memref<64x128xf32, #tpu.memory_space<vmem>>)
      %dma_wait3A_305 = arith.constant 1 : i32
      %dma_wait3A_306 = arith.constant 1 : i32
      %dma_wait3A_307 = arith.constant 0 : i32
      %dma_wait3A_308 = arith.constant 0 : i32
      %dma_wait3A_309 = tpu.memref_slice %arg14[%dma_wait3A_306, %dma_wait3A_307, %dma_wait3A_308] : memref<2x64x128xf32, #tpu.memory_space<vmem>> -> memref<1x64x128xf32, #tpu.memory_space<vmem>>
      %dma_wait3A_310 = tpu.memref_squeeze %dma_wait3A_309 : memref<1x64x128xf32, #tpu.memory_space<vmem>> -> memref<64x128xf32, #tpu.memory_space<vmem>>
      %dma_wait3A_311 = arith.constant 0 : i32
      %dma_wait3A_312 = tpu.memref_slice %arg10[%dma_wait3A_305, %dma_wait3A_311] : memref<2x64xi32, #tpu.memory_space<vmem>> -> memref<1x64xi32, #tpu.memory_space<vmem>>
      %dma_wait3A_313 = tpu.memref_squeeze %dma_wait3A_312 : memref<1x64xi32, #tpu.memory_space<vmem>> -> memref<64xi32, #tpu.memory_space<vmem>>
      %dma_wait3A_314 = arith.constant 0 : i32
      %dma_wait3A_315 = arith.constant 0 : i32
      %dma_wait3A_316 = tpu.memref_slice %arg4[%dma_wait3A_314, %dma_wait3A_315] : memref<10000x128xf32, #tpu.memory_space<hbm>> -> memref<10000x128xf32, #tpu.memory_space<hbm>>
      tpu.wait_indirect_dma semaphore(%arg15 : memref<!tpu.dma_semaphore, #tpu.memory_space<semaphore_mem>>) src(%dma_wait3A_316 : memref<10000x128xf32, #tpu.memory_space<hbm>>) dst(%dma_wait3A_310 : memref<64x128xf32, #tpu.memory_space<vmem>>)
      %scan3A_317 = arith.constant 0 : i32
      %scan3A_318 = arith.constant 0 : i32
      %scan3A_319 = arith.constant 64 : i32
      %scan3A_320 = arith.addi %scan3A_318, %scan3A_319 : i32
      %scan3A_321 = arith.constant 2 : i32
      scf.for %scan3A_363 = %scan3A_318 to %scan3A_320 step %scan3A_321  : i32 {
        %get3A = arith.constant 1 : i32
        %get3A_364 = arith.index_cast %get3A : i32 to index
        %get3A_365 = arith.index_cast %scan3A_363 : i32 to index
        %get3A_366 = arith.constant 0 : index
        %get3A_367 = tpu.vector_load %arg11[%get3A_364, %get3A_365, %get3A_366] {strides = array<i32>} : memref<2x64x128xf32, #tpu.memory_space<vmem>>, vector<1x1x16xf32>,
        %get3A_368 = vector.shape_cast %get3A_367 : vector<1x1x16xf32> to vector<16xf32>
        %get3A_369 = arith.constant 1 : i32
        %get3A_370 = arith.index_cast %get3A_369 : i32 to index
        %get3A_371 = arith.index_cast %scan3A_363 : i32 to index
        %get3A_372 = arith.constant 0 : index
        %get3A_373 = tpu.vector_load %arg12[%get3A_370, %get3A_371, %get3A_372] {strides = array<i32>} : memref<2x64x128xf32, #tpu.memory_space<vmem>>, vector<1x1x16xf32>,
        %get3A_374 = vector.shape_cast %get3A_373 : vector<1x1x16xf32> to vector<16xf32>
        %add3A_375 = arith.addf %get3A_368, %get3A_374 : vector<16xf32>
        %swap3A = arith.constant 1 : i32
        %swap3A_376 = arith.index_cast %swap3A : i32 to index
        %swap3A_377 = arith.index_cast %scan3A_363 : i32 to index
        %swap3A_378 = arith.constant 0 : index
        %swap3A_379 = tpu.vector_load %arg11[%swap3A_376, %swap3A_377, %swap3A_378] {strides = array<i32>} : memref<2x64x128xf32, #tpu.memory_space<vmem>>, vector<1x1x16xf32>,
        %swap3A_380 = vector.shape_cast %swap3A_379 : vector<1x1x16xf32> to vector<16xf32>
        %swap3A_381 = vector.shape_cast %add3A_375 : vector<16xf32> to vector<1x1x16xf32>
        tpu.vector_store %arg11[%swap3A_376, %swap3A_377, %swap3A_378], %swap3A_381 {strides = array<i32>} : memref<2x64x128xf32, #tpu.memory_space<vmem>>, vector<1x1x16xf32>,
        %get3A_382 = arith.constant 1 : i32
        %get3A_383 = arith.index_cast %get3A_382 : i32 to index
        %get3A_384 = arith.index_cast %scan3A_363 : i32 to index
        %get3A_385 = arith.constant 16 : index
        %get3A_386 = tpu.vector_load %arg11[%get3A_383, %get3A_384, %get3A_385] {strides = array<i32>} : memref<2x64x128xf32, #tpu.memory_space<vmem>>, vector<1x1x16xf32>,
        %get3A_387 = vector.shape_cast %get3A_386 : vector<1x1x16xf32> to vector<16xf32>
        %get3A_388 = arith.constant 1 : i32
        %get3A_389 = arith.index_cast %get3A_388 : i32 to index
        %get3A_390 = arith.index_cast %scan3A_363 : i32 to index
        %get3A_391 = arith.constant 16 : index
        %get3A_392 = tpu.vector_load %arg12[%get3A_389, %get3A_390, %get3A_391] {strides = array<i32>} : memref<2x64x128xf32, #tpu.memory_space<vmem>>, vector<1x1x16xf32>,
        %get3A_393 = vector.shape_cast %get3A_392 : vector<1x1x16xf32> to vector<16xf32>
        %add3A_394 = arith.addf %get3A_387, %get3A_393 : vector<16xf32>
        %swap3A_395 = arith.constant 1 : i32
        %swap3A_396 = arith.index_cast %swap3A_395 : i32 to index
        %swap3A_397 = arith.index_cast %scan3A_363 : i32 to index
        %swap3A_398 = arith.constant 16 : index
        %swap3A_399 = tpu.vector_load %arg11[%swap3A_396, %swap3A_397, %swap3A_398] {strides = array<i32>} : memref<2x64x128xf32, #tpu.memory_space<vmem>>, vector<1x1x16xf32>,
        %swap3A_400 = vector.shape_cast %swap3A_399 : vector<1x1x16xf32> to vector<16xf32>
        %swap3A_401 = vector.shape_cast %add3A_394 : vector<16xf32> to vector<1x1x16xf32>
        tpu.vector_store %arg11[%swap3A_396, %swap3A_397, %swap3A_398], %swap3A_401 {strides = array<i32>} : memref<2x64x128xf32, #tpu.memory_space<vmem>>, vector<1x1x16xf32>,
        %get3A_402 = arith.constant 1 : i32
        %get3A_403 = arith.index_cast %get3A_402 : i32 to index
        %get3A_404 = arith.index_cast %scan3A_363 : i32 to index
        %get3A_405 = arith.constant 32 : index
        %get3A_406 = tpu.vector_load %arg11[%get3A_403, %get3A_404, %get3A_405] {strides = array<i32>} : memref<2x64x128xf32, #tpu.memory_space<vmem>>, vector<1x1x16xf32>,
        %get3A_407 = vector.shape_cast %get3A_406 : vector<1x1x16xf32> to vector<16xf32>
        %get3A_408 = arith.constant 1 : i32
        %get3A_409 = arith.index_cast %get3A_408 : i32 to index
        %get3A_410 = arith.index_cast %scan3A_363 : i32 to index
        %get3A_411 = arith.constant 32 : index
        %get3A_412 = tpu.vector_load %arg12[%get3A_409, %get3A_410, %get3A_411] {strides = array<i32>} : memref<2x64x128xf32, #tpu.memory_space<vmem>>, vector<1x1x16xf32>,
        %get3A_413 = vector.shape_cast %get3A_412 : vector<1x1x16xf32> to vector<16xf32>
        %add3A_414 = arith.addf %get3A_407, %get3A_413 : vector<16xf32>
        %swap3A_415 = arith.constant 1 : i32
        %swap3A_416 = arith.index_cast %swap3A_415 : i32 to index
        %swap3A_417 = arith.index_cast %scan3A_363 : i32 to index
        %swap3A_418 = arith.constant 32 : index
        %swap3A_419 = tpu.vector_load %arg11[%swap3A_416, %swap3A_417, %swap3A_418] {strides = array<i32>} : memref<2x64x128xf32, #tpu.memory_space<vmem>>, vector<1x1x16xf32>,
        %swap3A_420 = vector.shape_cast %swap3A_419 : vector<1x1x16xf32> to vector<16xf32>
        %swap3A_421 = vector.shape_cast %add3A_414 : vector<16xf32> to vector<1x1x16xf32>
        tpu.vector_store %arg11[%swap3A_416, %swap3A_417, %swap3A_418], %swap3A_421 {strides = array<i32>} : memref<2x64x128xf32, #tpu.memory_space<vmem>>, vector<1x1x16xf32>,
        %get3A_422 = arith.constant 1 : i32
        %get3A_423 = arith.index_cast %get3A_422 : i32 to index
        %get3A_424 = arith.index_cast %scan3A_363 : i32 to index
        %get3A_425 = arith.constant 48 : index
        %get3A_426 = tpu.vector_load %arg11[%get3A_423, %get3A_424, %get3A_425] {strides = array<i32>} : memref<2x64x128xf32, #tpu.memory_space<vmem>>, vector<1x1x16xf32>,
        %get3A_427 = vector.shape_cast %get3A_426 : vector<1x1x16xf32> to vector<16xf32>
        %get3A_428 = arith.constant 1 : i32
        %get3A_429 = arith.index_cast %get3A_428 : i32 to index
        %get3A_430 = arith.index_cast %scan3A_363 : i32 to index
        %get3A_431 = arith.constant 48 : index
        %get3A_432 = tpu.vector_load %arg12[%get3A_429, %get3A_430, %get3A_431] {strides = array<i32>} : memref<2x64x128xf32, #tpu.memory_space<vmem>>, vector<1x1x16xf32>,
        %get3A_433 = vector.shape_cast %get3A_432 : vector<1x1x16xf32> to vector<16xf32>
        %add3A_434 = arith.addf %get3A_427, %get3A_433 : vector<16xf32>
        %swap3A_435 = arith.constant 1 : i32
        %swap3A_436 = arith.index_cast %swap3A_435 : i32 to index
        %swap3A_437 = arith.index_cast %scan3A_363 : i32 to index
        %swap3A_438 = arith.constant 48 : index
        %swap3A_439 = tpu.vector_load %arg11[%swap3A_436, %swap3A_437, %swap3A_438] {strides = array<i32>} : memref<2x64x128xf32, #tpu.memory_space<vmem>>, vector<1x1x16xf32>,
        %swap3A_440 = vector.shape_cast %swap3A_439 : vector<1x1x16xf32> to vector<16xf32>
        %swap3A_441 = vector.shape_cast %add3A_434 : vector<16xf32> to vector<1x1x16xf32>
        tpu.vector_store %arg11[%swap3A_436, %swap3A_437, %swap3A_438], %swap3A_441 {strides = array<i32>} : memref<2x64x128xf32, #tpu.memory_space<vmem>>, vector<1x1x16xf32>,
        %get3A_442 = arith.constant 1 : i32
        %get3A_443 = arith.index_cast %get3A_442 : i32 to index
        %get3A_444 = arith.index_cast %scan3A_363 : i32 to index
        %get3A_445 = arith.constant 64 : index
        %get3A_446 = tpu.vector_load %arg11[%get3A_443, %get3A_444, %get3A_445] {strides = array<i32>} : memref<2x64x128xf32, #tpu.memory_space<vmem>>, vector<1x1x16xf32>,
        %get3A_447 = vector.shape_cast %get3A_446 : vector<1x1x16xf32> to vector<16xf32>
        %get3A_448 = arith.constant 1 : i32
        %get3A_449 = arith.index_cast %get3A_448 : i32 to index
        %get3A_450 = arith.index_cast %scan3A_363 : i32 to index
        %get3A_451 = arith.constant 64 : index
        %get3A_452 = tpu.vector_load %arg12[%get3A_449, %get3A_450, %get3A_451] {strides = array<i32>} : memref<2x64x128xf32, #tpu.memory_space<vmem>>, vector<1x1x16xf32>,
        %get3A_453 = vector.shape_cast %get3A_452 : vector<1x1x16xf32> to vector<16xf32>
        %add3A_454 = arith.addf %get3A_447, %get3A_453 : vector<16xf32>
        %swap3A_455 = arith.constant 1 : i32
        %swap3A_456 = arith.index_cast %swap3A_455 : i32 to index
        %swap3A_457 = arith.index_cast %scan3A_363 : i32 to index
        %swap3A_458 = arith.constant 64 : index
        %swap3A_459 = tpu.vector_load %arg11[%swap3A_456, %swap3A_457, %swap3A_458] {strides = array<i32>} : memref<2x64x128xf32, #tpu.memory_space<vmem>>, vector<1x1x16xf32>,
        %swap3A_460 = vector.shape_cast %swap3A_459 : vector<1x1x16xf32> to vector<16xf32>
        %swap3A_461 = vector.shape_cast %add3A_454 : vector<16xf32> to vector<1x1x16xf32>
        tpu.vector_store %arg11[%swap3A_456, %swap3A_457, %swap3A_458], %swap3A_461 {strides = array<i32>} : memref<2x64x128xf32, #tpu.memory_space<vmem>>, vector<1x1x16xf32>,
        %get3A_462 = arith.constant 1 : i32
        %get3A_463 = arith.index_cast %get3A_462 : i32 to index
        %get3A_464 = arith.index_cast %scan3A_363 : i32 to index
        %get3A_465 = arith.constant 80 : index
        %get3A_466 = tpu.vector_load %arg11[%get3A_463, %get3A_464, %get3A_465] {strides = array<i32>} : memref<2x64x128xf32, #tpu.memory_space<vmem>>, vector<1x1x16xf32>,
        %get3A_467 = vector.shape_cast %get3A_466 : vector<1x1x16xf32> to vector<16xf32>
        %get3A_468 = arith.constant 1 : i32
        %get3A_469 = arith.index_cast %get3A_468 : i32 to index
        %get3A_470 = arith.index_cast %scan3A_363 : i32 to index
        %get3A_471 = arith.constant 80 : index
        %get3A_472 = tpu.vector_load %arg12[%get3A_469, %get3A_470, %get3A_471] {strides = array<i32>} : memref<2x64x128xf32, #tpu.memory_space<vmem>>, vector<1x1x16xf32>,
        %get3A_473 = vector.shape_cast %get3A_472 : vector<1x1x16xf32> to vector<16xf32>
        %add3A_474 = arith.addf %get3A_467, %get3A_473 : vector<16xf32>
        %swap3A_475 = arith.constant 1 : i32
        %swap3A_476 = arith.index_cast %swap3A_475 : i32 to index
        %swap3A_477 = arith.index_cast %scan3A_363 : i32 to index
        %swap3A_478 = arith.constant 80 : index
        %swap3A_479 = tpu.vector_load %arg11[%swap3A_476, %swap3A_477, %swap3A_478] {strides = array<i32>} : memref<2x64x128xf32, #tpu.memory_space<vmem>>, vector<1x1x16xf32>,
        %swap3A_480 = vector.shape_cast %swap3A_479 : vector<1x1x16xf32> to vector<16xf32>
        %swap3A_481 = vector.shape_cast %add3A_474 : vector<16xf32> to vector<1x1x16xf32>
        tpu.vector_store %arg11[%swap3A_476, %swap3A_477, %swap3A_478], %swap3A_481 {strides = array<i32>} : memref<2x64x128xf32, #tpu.memory_space<vmem>>, vector<1x1x16xf32>,
        %get3A_482 = arith.constant 1 : i32
        %get3A_483 = arith.index_cast %get3A_482 : i32 to index
        %get3A_484 = arith.index_cast %scan3A_363 : i32 to index
        %get3A_485 = arith.constant 96 : index
        %get3A_486 = tpu.vector_load %arg11[%get3A_483, %get3A_484, %get3A_485] {strides = array<i32>} : memref<2x64x128xf32, #tpu.memory_space<vmem>>, vector<1x1x16xf32>,
        %get3A_487 = vector.shape_cast %get3A_486 : vector<1x1x16xf32> to vector<16xf32>
        %get3A_488 = arith.constant 1 : i32
        %get3A_489 = arith.index_cast %get3A_488 : i32 to index
        %get3A_490 = arith.index_cast %scan3A_363 : i32 to index
        %get3A_491 = arith.constant 96 : index
        %get3A_492 = tpu.vector_load %arg12[%get3A_489, %get3A_490, %get3A_491] {strides = array<i32>} : memref<2x64x128xf32, #tpu.memory_space<vmem>>, vector<1x1x16xf32>,
        %get3A_493 = vector.shape_cast %get3A_492 : vector<1x1x16xf32> to vector<16xf32>
        %add3A_494 = arith.addf %get3A_487, %get3A_493 : vector<16xf32>
        %swap3A_495 = arith.constant 1 : i32
        %swap3A_496 = arith.index_cast %swap3A_495 : i32 to index
        %swap3A_497 = arith.index_cast %scan3A_363 : i32 to index
        %swap3A_498 = arith.constant 96 : index
        %swap3A_499 = tpu.vector_load %arg11[%swap3A_496, %swap3A_497, %swap3A_498] {strides = array<i32>} : memref<2x64x128xf32, #tpu.memory_space<vmem>>, vector<1x1x16xf32>,
        %swap3A_500 = vector.shape_cast %swap3A_499 : vector<1x1x16xf32> to vector<16xf32>
        %swap3A_501 = vector.shape_cast %add3A_494 : vector<16xf32> to vector<1x1x16xf32>
        tpu.vector_store %arg11[%swap3A_496, %swap3A_497, %swap3A_498], %swap3A_501 {strides = array<i32>} : memref<2x64x128xf32, #tpu.memory_space<vmem>>, vector<1x1x16xf32>,
        %get3A_502 = arith.constant 1 : i32
        %get3A_503 = arith.index_cast %get3A_502 : i32 to index
        %get3A_504 = arith.index_cast %scan3A_363 : i32 to index
        %get3A_505 = arith.constant 112 : index
        %get3A_506 = tpu.vector_load %arg11[%get3A_503, %get3A_504, %get3A_505] {strides = array<i32>} : memref<2x64x128xf32, #tpu.memory_space<vmem>>, vector<1x1x16xf32>,
        %get3A_507 = vector.shape_cast %get3A_506 : vector<1x1x16xf32> to vector<16xf32>
        %get3A_508 = arith.constant 1 : i32
        %get3A_509 = arith.index_cast %get3A_508 : i32 to index
        %get3A_510 = arith.index_cast %scan3A_363 : i32 to index
        %get3A_511 = arith.constant 112 : index
        %get3A_512 = tpu.vector_load %arg12[%get3A_509, %get3A_510, %get3A_511] {strides = array<i32>} : memref<2x64x128xf32, #tpu.memory_space<vmem>>, vector<1x1x16xf32>,
        %get3A_513 = vector.shape_cast %get3A_512 : vector<1x1x16xf32> to vector<16xf32>
        %add3A_514 = arith.addf %get3A_507, %get3A_513 : vector<16xf32>
        %swap3A_515 = arith.constant 1 : i32
        %swap3A_516 = arith.index_cast %swap3A_515 : i32 to index
        %swap3A_517 = arith.index_cast %scan3A_363 : i32 to index
        %swap3A_518 = arith.constant 112 : index
        %swap3A_519 = tpu.vector_load %arg11[%swap3A_516, %swap3A_517, %swap3A_518] {strides = array<i32>} : memref<2x64x128xf32, #tpu.memory_space<vmem>>, vector<1x1x16xf32>,
        %swap3A_520 = vector.shape_cast %swap3A_519 : vector<1x1x16xf32> to vector<16xf32>
        %swap3A_521 = vector.shape_cast %add3A_514 : vector<16xf32> to vector<1x1x16xf32>
        tpu.vector_store %arg11[%swap3A_516, %swap3A_517, %swap3A_518], %swap3A_521 {strides = array<i32>} : memref<2x64x128xf32, #tpu.memory_space<vmem>>, vector<1x1x16xf32>,
        %scan3A_522 = arith.constant 1 : i32
        %scan3A_523 = arith.addi %scan3A_363, %scan3A_522 : i32
        %get3A_524 = arith.constant 1 : i32
        %get3A_525 = arith.index_cast %get3A_524 : i32 to index
        %get3A_526 = arith.index_cast %scan3A_523 : i32 to index
        %get3A_527 = arith.constant 0 : index
        %get3A_528 = tpu.vector_load %arg11[%get3A_525, %get3A_526, %get3A_527] {strides = array<i32>} : memref<2x64x128xf32, #tpu.memory_space<vmem>>, vector<1x1x16xf32>,
        %get3A_529 = vector.shape_cast %get3A_528 : vector<1x1x16xf32> to vector<16xf32>
        %get3A_530 = arith.constant 1 : i32
        %get3A_531 = arith.index_cast %get3A_530 : i32 to index
        %get3A_532 = arith.index_cast %scan3A_523 : i32 to index
        %get3A_533 = arith.constant 0 : index
        %get3A_534 = tpu.vector_load %arg12[%get3A_531, %get3A_532, %get3A_533] {strides = array<i32>} : memref<2x64x128xf32, #tpu.memory_space<vmem>>, vector<1x1x16xf32>,
        %get3A_535 = vector.shape_cast %get3A_534 : vector<1x1x16xf32> to vector<16xf32>
        %add3A_536 = arith.addf %get3A_529, %get3A_535 : vector<16xf32>
        %swap3A_537 = arith.constant 1 : i32
        %swap3A_538 = arith.index_cast %swap3A_537 : i32 to index
        %swap3A_539 = arith.index_cast %scan3A_523 : i32 to index
        %swap3A_540 = arith.constant 0 : index
        %swap3A_541 = tpu.vector_load %arg11[%swap3A_538, %swap3A_539, %swap3A_540] {strides = array<i32>} : memref<2x64x128xf32, #tpu.memory_space<vmem>>, vector<1x1x16xf32>,
        %swap3A_542 = vector.shape_cast %swap3A_541 : vector<1x1x16xf32> to vector<16xf32>
        %swap3A_543 = vector.shape_cast %add3A_536 : vector<16xf32> to vector<1x1x16xf32>
        tpu.vector_store %arg11[%swap3A_538, %swap3A_539, %swap3A_540], %swap3A_543 {strides = array<i32>} : memref<2x64x128xf32, #tpu.memory_space<vmem>>, vector<1x1x16xf32>,
        %get3A_544 = arith.constant 1 : i32
        %get3A_545 = arith.index_cast %get3A_544 : i32 to index
        %get3A_546 = arith.index_cast %scan3A_523 : i32 to index
        %get3A_547 = arith.constant 16 : index
        %get3A_548 = tpu.vector_load %arg11[%get3A_545, %get3A_546, %get3A_547] {strides = array<i32>} : memref<2x64x128xf32, #tpu.memory_space<vmem>>, vector<1x1x16xf32>,
        %get3A_549 = vector.shape_cast %get3A_548 : vector<1x1x16xf32> to vector<16xf32>
        %get3A_550 = arith.constant 1 : i32
        %get3A_551 = arith.index_cast %get3A_550 : i32 to index
        %get3A_552 = arith.index_cast %scan3A_523 : i32 to index
        %get3A_553 = arith.constant 16 : index
        %get3A_554 = tpu.vector_load %arg12[%get3A_551, %get3A_552, %get3A_553] {strides = array<i32>} : memref<2x64x128xf32, #tpu.memory_space<vmem>>, vector<1x1x16xf32>,
        %get3A_555 = vector.shape_cast %get3A_554 : vector<1x1x16xf32> to vector<16xf32>
        %add3A_556 = arith.addf %get3A_549, %get3A_555 : vector<16xf32>
        %swap3A_557 = arith.constant 1 : i32
        %swap3A_558 = arith.index_cast %swap3A_557 : i32 to index
        %swap3A_559 = arith.index_cast %scan3A_523 : i32 to index
        %swap3A_560 = arith.constant 16 : index
        %swap3A_561 = tpu.vector_load %arg11[%swap3A_558, %swap3A_559, %swap3A_560] {strides = array<i32>} : memref<2x64x128xf32, #tpu.memory_space<vmem>>, vector<1x1x16xf32>,
        %swap3A_562 = vector.shape_cast %swap3A_561 : vector<1x1x16xf32> to vector<16xf32>
        %swap3A_563 = vector.shape_cast %add3A_556 : vector<16xf32> to vector<1x1x16xf32>
        tpu.vector_store %arg11[%swap3A_558, %swap3A_559, %swap3A_560], %swap3A_563 {strides = array<i32>} : memref<2x64x128xf32, #tpu.memory_space<vmem>>, vector<1x1x16xf32>,
        %get3A_564 = arith.constant 1 : i32
        %get3A_565 = arith.index_cast %get3A_564 : i32 to index
        %get3A_566 = arith.index_cast %scan3A_523 : i32 to index
        %get3A_567 = arith.constant 32 : index
        %get3A_568 = tpu.vector_load %arg11[%get3A_565, %get3A_566, %get3A_567] {strides = array<i32>} : memref<2x64x128xf32, #tpu.memory_space<vmem>>, vector<1x1x16xf32>,
        %get3A_569 = vector.shape_cast %get3A_568 : vector<1x1x16xf32> to vector<16xf32>
        %get3A_570 = arith.constant 1 : i32
        %get3A_571 = arith.index_cast %get3A_570 : i32 to index
        %get3A_572 = arith.index_cast %scan3A_523 : i32 to index
        %get3A_573 = arith.constant 32 : index
        %get3A_574 = tpu.vector_load %arg12[%get3A_571, %get3A_572, %get3A_573] {strides = array<i32>} : memref<2x64x128xf32, #tpu.memory_space<vmem>>, vector<1x1x16xf32>,
        %get3A_575 = vector.shape_cast %get3A_574 : vector<1x1x16xf32> to vector<16xf32>
        %add3A_576 = arith.addf %get3A_569, %get3A_575 : vector<16xf32>
        %swap3A_577 = arith.constant 1 : i32
        %swap3A_578 = arith.index_cast %swap3A_577 : i32 to index
        %swap3A_579 = arith.index_cast %scan3A_523 : i32 to index
        %swap3A_580 = arith.constant 32 : index
        %swap3A_581 = tpu.vector_load %arg11[%swap3A_578, %swap3A_579, %swap3A_580] {strides = array<i32>} : memref<2x64x128xf32, #tpu.memory_space<vmem>>, vector<1x1x16xf32>,
        %swap3A_582 = vector.shape_cast %swap3A_581 : vector<1x1x16xf32> to vector<16xf32>
        %swap3A_583 = vector.shape_cast %add3A_576 : vector<16xf32> to vector<1x1x16xf32>
        tpu.vector_store %arg11[%swap3A_578, %swap3A_579, %swap3A_580], %swap3A_583 {strides = array<i32>} : memref<2x64x128xf32, #tpu.memory_space<vmem>>, vector<1x1x16xf32>,
        %get3A_584 = arith.constant 1 : i32
        %get3A_585 = arith.index_cast %get3A_584 : i32 to index
        %get3A_586 = arith.index_cast %scan3A_523 : i32 to index
        %get3A_587 = arith.constant 48 : index
        %get3A_588 = tpu.vector_load %arg11[%get3A_585, %get3A_586, %get3A_587] {strides = array<i32>} : memref<2x64x128xf32, #tpu.memory_space<vmem>>, vector<1x1x16xf32>,
        %get3A_589 = vector.shape_cast %get3A_588 : vector<1x1x16xf32> to vector<16xf32>
        %get3A_590 = arith.constant 1 : i32
        %get3A_591 = arith.index_cast %get3A_590 : i32 to index
        %get3A_592 = arith.index_cast %scan3A_523 : i32 to index
        %get3A_593 = arith.constant 48 : index
        %get3A_594 = tpu.vector_load %arg12[%get3A_591, %get3A_592, %get3A_593] {strides = array<i32>} : memref<2x64x128xf32, #tpu.memory_space<vmem>>, vector<1x1x16xf32>,
        %get3A_595 = vector.shape_cast %get3A_594 : vector<1x1x16xf32> to vector<16xf32>
        %add3A_596 = arith.addf %get3A_589, %get3A_595 : vector<16xf32>
        %swap3A_597 = arith.constant 1 : i32
        %swap3A_598 = arith.index_cast %swap3A_597 : i32 to index
        %swap3A_599 = arith.index_cast %scan3A_523 : i32 to index
        %swap3A_600 = arith.constant 48 : index
        %swap3A_601 = tpu.vector_load %arg11[%swap3A_598, %swap3A_599, %swap3A_600] {strides = array<i32>} : memref<2x64x128xf32, #tpu.memory_space<vmem>>, vector<1x1x16xf32>,
        %swap3A_602 = vector.shape_cast %swap3A_601 : vector<1x1x16xf32> to vector<16xf32>
        %swap3A_603 = vector.shape_cast %add3A_596 : vector<16xf32> to vector<1x1x16xf32>
        tpu.vector_store %arg11[%swap3A_598, %swap3A_599, %swap3A_600], %swap3A_603 {strides = array<i32>} : memref<2x64x128xf32, #tpu.memory_space<vmem>>, vector<1x1x16xf32>,
        %get3A_604 = arith.constant 1 : i32
        %get3A_605 = arith.index_cast %get3A_604 : i32 to index
        %get3A_606 = arith.index_cast %scan3A_523 : i32 to index
        %get3A_607 = arith.constant 64 : index
        %get3A_608 = tpu.vector_load %arg11[%get3A_605, %get3A_606, %get3A_607] {strides = array<i32>} : memref<2x64x128xf32, #tpu.memory_space<vmem>>, vector<1x1x16xf32>,
        %get3A_609 = vector.shape_cast %get3A_608 : vector<1x1x16xf32> to vector<16xf32>
        %get3A_610 = arith.constant 1 : i32
        %get3A_611 = arith.index_cast %get3A_610 : i32 to index
        %get3A_612 = arith.index_cast %scan3A_523 : i32 to index
        %get3A_613 = arith.constant 64 : index
        %get3A_614 = tpu.vector_load %arg12[%get3A_611, %get3A_612, %get3A_613] {strides = array<i32>} : memref<2x64x128xf32, #tpu.memory_space<vmem>>, vector<1x1x16xf32>,
        %get3A_615 = vector.shape_cast %get3A_614 : vector<1x1x16xf32> to vector<16xf32>
        %add3A_616 = arith.addf %get3A_609, %get3A_615 : vector<16xf32>
        %swap3A_617 = arith.constant 1 : i32
        %swap3A_618 = arith.index_cast %swap3A_617 : i32 to index
        %swap3A_619 = arith.index_cast %scan3A_523 : i32 to index
        %swap3A_620 = arith.constant 64 : index
        %swap3A_621 = tpu.vector_load %arg11[%swap3A_618, %swap3A_619, %swap3A_620] {strides = array<i32>} : memref<2x64x128xf32, #tpu.memory_space<vmem>>, vector<1x1x16xf32>,
        %swap3A_622 = vector.shape_cast %swap3A_621 : vector<1x1x16xf32> to vector<16xf32>
        %swap3A_623 = vector.shape_cast %add3A_616 : vector<16xf32> to vector<1x1x16xf32>
        tpu.vector_store %arg11[%swap3A_618, %swap3A_619, %swap3A_620], %swap3A_623 {strides = array<i32>} : memref<2x64x128xf32, #tpu.memory_space<vmem>>, vector<1x1x16xf32>,
        %get3A_624 = arith.constant 1 : i32
        %get3A_625 = arith.index_cast %get3A_624 : i32 to index
        %get3A_626 = arith.index_cast %scan3A_523 : i32 to index
        %get3A_627 = arith.constant 80 : index
        %get3A_628 = tpu.vector_load %arg11[%get3A_625, %get3A_626, %get3A_627] {strides = array<i32>} : memref<2x64x128xf32, #tpu.memory_space<vmem>>, vector<1x1x16xf32>,
        %get3A_629 = vector.shape_cast %get3A_628 : vector<1x1x16xf32> to vector<16xf32>
        %get3A_630 = arith.constant 1 : i32
        %get3A_631 = arith.index_cast %get3A_630 : i32 to index
        %get3A_632 = arith.index_cast %scan3A_523 : i32 to index
        %get3A_633 = arith.constant 80 : index
        %get3A_634 = tpu.vector_load %arg12[%get3A_631, %get3A_632, %get3A_633] {strides = array<i32>} : memref<2x64x128xf32, #tpu.memory_space<vmem>>, vector<1x1x16xf32>,
        %get3A_635 = vector.shape_cast %get3A_634 : vector<1x1x16xf32> to vector<16xf32>
        %add3A_636 = arith.addf %get3A_629, %get3A_635 : vector<16xf32>
        %swap3A_637 = arith.constant 1 : i32
        %swap3A_638 = arith.index_cast %swap3A_637 : i32 to index
        %swap3A_639 = arith.index_cast %scan3A_523 : i32 to index
        %swap3A_640 = arith.constant 80 : index
        %swap3A_641 = tpu.vector_load %arg11[%swap3A_638, %swap3A_639, %swap3A_640] {strides = array<i32>} : memref<2x64x128xf32, #tpu.memory_space<vmem>>, vector<1x1x16xf32>,
        %swap3A_642 = vector.shape_cast %swap3A_641 : vector<1x1x16xf32> to vector<16xf32>
        %swap3A_643 = vector.shape_cast %add3A_636 : vector<16xf32> to vector<1x1x16xf32>
        tpu.vector_store %arg11[%swap3A_638, %swap3A_639, %swap3A_640], %swap3A_643 {strides = array<i32>} : memref<2x64x128xf32, #tpu.memory_space<vmem>>, vector<1x1x16xf32>,
        %get3A_644 = arith.constant 1 : i32
        %get3A_645 = arith.index_cast %get3A_644 : i32 to index
        %get3A_646 = arith.index_cast %scan3A_523 : i32 to index
        %get3A_647 = arith.constant 96 : index
        %get3A_648 = tpu.vector_load %arg11[%get3A_645, %get3A_646, %get3A_647] {strides = array<i32>} : memref<2x64x128xf32, #tpu.memory_space<vmem>>, vector<1x1x16xf32>,
        %get3A_649 = vector.shape_cast %get3A_648 : vector<1x1x16xf32> to vector<16xf32>
        %get3A_650 = arith.constant 1 : i32
        %get3A_651 = arith.index_cast %get3A_650 : i32 to index
        %get3A_652 = arith.index_cast %scan3A_523 : i32 to index
        %get3A_653 = arith.constant 96 : index
        %get3A_654 = tpu.vector_load %arg12[%get3A_651, %get3A_652, %get3A_653] {strides = array<i32>} : memref<2x64x128xf32, #tpu.memory_space<vmem>>, vector<1x1x16xf32>,
        %get3A_655 = vector.shape_cast %get3A_654 : vector<1x1x16xf32> to vector<16xf32>
        %add3A_656 = arith.addf %get3A_649, %get3A_655 : vector<16xf32>
        %swap3A_657 = arith.constant 1 : i32
        %swap3A_658 = arith.index_cast %swap3A_657 : i32 to index
        %swap3A_659 = arith.index_cast %scan3A_523 : i32 to index
        %swap3A_660 = arith.constant 96 : index
        %swap3A_661 = tpu.vector_load %arg11[%swap3A_658, %swap3A_659, %swap3A_660] {strides = array<i32>} : memref<2x64x128xf32, #tpu.memory_space<vmem>>, vector<1x1x16xf32>,
        %swap3A_662 = vector.shape_cast %swap3A_661 : vector<1x1x16xf32> to vector<16xf32>
        %swap3A_663 = vector.shape_cast %add3A_656 : vector<16xf32> to vector<1x1x16xf32>
        tpu.vector_store %arg11[%swap3A_658, %swap3A_659, %swap3A_660], %swap3A_663 {strides = array<i32>} : memref<2x64x128xf32, #tpu.memory_space<vmem>>, vector<1x1x16xf32>,
        %get3A_664 = arith.constant 1 : i32
        %get3A_665 = arith.index_cast %get3A_664 : i32 to index
        %get3A_666 = arith.index_cast %scan3A_523 : i32 to index
        %get3A_667 = arith.constant 112 : index
        %get3A_668 = tpu.vector_load %arg11[%get3A_665, %get3A_666, %get3A_667] {strides = array<i32>} : memref<2x64x128xf32, #tpu.memory_space<vmem>>, vector<1x1x16xf32>,
        %get3A_669 = vector.shape_cast %get3A_668 : vector<1x1x16xf32> to vector<16xf32>
        %get3A_670 = arith.constant 1 : i32
        %get3A_671 = arith.index_cast %get3A_670 : i32 to index
        %get3A_672 = arith.index_cast %scan3A_523 : i32 to index
        %get3A_673 = arith.constant 112 : index
        %get3A_674 = tpu.vector_load %arg12[%get3A_671, %get3A_672, %get3A_673] {strides = array<i32>} : memref<2x64x128xf32, #tpu.memory_space<vmem>>, vector<1x1x16xf32>,
        %get3A_675 = vector.shape_cast %get3A_674 : vector<1x1x16xf32> to vector<16xf32>
        %add3A_676 = arith.addf %get3A_669, %get3A_675 : vector<16xf32>
        %swap3A_677 = arith.constant 1 : i32
        %swap3A_678 = arith.index_cast %swap3A_677 : i32 to index
        %swap3A_679 = arith.index_cast %scan3A_523 : i32 to index
        %swap3A_680 = arith.constant 112 : index
        %swap3A_681 = tpu.vector_load %arg11[%swap3A_678, %swap3A_679, %swap3A_680] {strides = array<i32>} : memref<2x64x128xf32, #tpu.memory_space<vmem>>, vector<1x1x16xf32>,
        %swap3A_682 = vector.shape_cast %swap3A_681 : vector<1x1x16xf32> to vector<16xf32>
        %swap3A_683 = vector.shape_cast %add3A_676 : vector<16xf32> to vector<1x1x16xf32>
        tpu.vector_store %arg11[%swap3A_678, %swap3A_679, %swap3A_680], %swap3A_683 {strides = array<i32>} : memref<2x64x128xf32, #tpu.memory_space<vmem>>, vector<1x1x16xf32>,
      }
      %scan3A_322 = arith.constant 64 : i32
      %scan3A_323 = arith.constant 0 : i32
      %scan3A_324 = arith.constant 0 : i32
      %scan3A_325 = arith.constant 64 : i32
      %scan3A_326 = arith.addi %scan3A_324, %scan3A_325 : i32
      %scan3A_327 = arith.constant 4 : i32
      scf.for %scan3A_363 = %scan3A_324 to %scan3A_326 step %scan3A_327  : i32 {
        %get3A = arith.constant 1 : i32
        %get3A_364 = arith.index_cast %get3A : i32 to index
        %get3A_365 = arith.index_cast %scan3A_363 : i32 to index
        %get3A_366 = arith.constant 0 : index
        %get3A_367 = tpu.vector_load %arg13[%get3A_364, %get3A_365, %get3A_366] {strides = array<i32>} : memref<2x64x128xf32, #tpu.memory_space<vmem>>, vector<1x1x16xf32>,
        %get3A_368 = vector.shape_cast %get3A_367 : vector<1x1x16xf32> to vector<16xf32>
        %get3A_369 = arith.constant 1 : i32
        %get3A_370 = arith.index_cast %get3A_369 : i32 to index
        %get3A_371 = arith.index_cast %scan3A_363 : i32 to index
        %get3A_372 = arith.constant 0 : index
        %get3A_373 = tpu.vector_load %arg14[%get3A_370, %get3A_371, %get3A_372] {strides = array<i32>} : memref<2x64x128xf32, #tpu.memory_space<vmem>>, vector<1x1x16xf32>,
        %get3A_374 = vector.shape_cast %get3A_373 : vector<1x1x16xf32> to vector<16xf32>
        %sub3A = arith.subf %get3A_368, %get3A_374 : vector<16xf32>
        %swap3A = arith.constant 1 : i32
        %swap3A_375 = arith.index_cast %swap3A : i32 to index
        %swap3A_376 = arith.index_cast %scan3A_363 : i32 to index
        %swap3A_377 = arith.constant 0 : index
        %swap3A_378 = tpu.vector_load %arg13[%swap3A_375, %swap3A_376, %swap3A_377] {strides = array<i32>} : memref<2x64x128xf32, #tpu.memory_space<vmem>>, vector<1x1x16xf32>,
        %swap3A_379 = vector.shape_cast %swap3A_378 : vector<1x1x16xf32> to vector<16xf32>
        %swap3A_380 = vector.shape_cast %sub3A : vector<16xf32> to vector<1x1x16xf32>
        tpu.vector_store %arg13[%swap3A_375, %swap3A_376, %swap3A_377], %swap3A_380 {strides = array<i32>} : memref<2x64x128xf32, #tpu.memory_space<vmem>>, vector<1x1x16xf32>,
        %scan3A_381 = arith.constant 1 : i32
        %scan3A_382 = arith.addi %scan3A_363, %scan3A_381 : i32
        %get3A_383 = arith.constant 1 : i32
        %get3A_384 = arith.index_cast %get3A_383 : i32 to index
        %get3A_385 = arith.index_cast %scan3A_382 : i32 to index
        %get3A_386 = arith.constant 0 : index
        %get3A_387 = tpu.vector_load %arg13[%get3A_384, %get3A_385, %get3A_386] {strides = array<i32>} : memref<2x64x128xf32, #tpu.memory_space<vmem>>, vector<1x1x16xf32>,
        %get3A_388 = vector.shape_cast %get3A_387 : vector<1x1x16xf32> to vector<16xf32>
        %get3A_389 = arith.constant 1 : i32
        %get3A_390 = arith.index_cast %get3A_389 : i32 to index
        %get3A_391 = arith.index_cast %scan3A_382 : i32 to index
        %get3A_392 = arith.constant 0 : index
        %get3A_393 = tpu.vector_load %arg14[%get3A_390, %get3A_391, %get3A_392] {strides = array<i32>} : memref<2x64x128xf32, #tpu.memory_space<vmem>>, vector<1x1x16xf32>,
        %get3A_394 = vector.shape_cast %get3A_393 : vector<1x1x16xf32> to vector<16xf32>
        %sub3A_395 = arith.subf %get3A_388, %get3A_394 : vector<16xf32>
        %swap3A_396 = arith.constant 1 : i32
        %swap3A_397 = arith.index_cast %swap3A_396 : i32 to index
        %swap3A_398 = arith.index_cast %scan3A_382 : i32 to index
        %swap3A_399 = arith.constant 0 : index
        %swap3A_400 = tpu.vector_load %arg13[%swap3A_397, %swap3A_398, %swap3A_399] {strides = array<i32>} : memref<2x64x128xf32, #tpu.memory_space<vmem>>, vector<1x1x16xf32>,
        %swap3A_401 = vector.shape_cast %swap3A_400 : vector<1x1x16xf32> to vector<16xf32>
        %swap3A_402 = vector.shape_cast %sub3A_395 : vector<16xf32> to vector<1x1x16xf32>
        tpu.vector_store %arg13[%swap3A_397, %swap3A_398, %swap3A_399], %swap3A_402 {strides = array<i32>} : memref<2x64x128xf32, #tpu.memory_space<vmem>>, vector<1x1x16xf32>,
        %scan3A_403 = arith.constant 2 : i32
        %scan3A_404 = arith.addi %scan3A_363, %scan3A_403 : i32
        %get3A_405 = arith.constant 1 : i32
        %get3A_406 = arith.index_cast %get3A_405 : i32 to index
        %get3A_407 = arith.index_cast %scan3A_404 : i32 to index
        %get3A_408 = arith.constant 0 : index
        %get3A_409 = tpu.vector_load %arg13[%get3A_406, %get3A_407, %get3A_408] {strides = array<i32>} : memref<2x64x128xf32, #tpu.memory_space<vmem>>, vector<1x1x16xf32>,
        %get3A_410 = vector.shape_cast %get3A_409 : vector<1x1x16xf32> to vector<16xf32>
        %get3A_411 = arith.constant 1 : i32
        %get3A_412 = arith.index_cast %get3A_411 : i32 to index
        %get3A_413 = arith.index_cast %scan3A_404 : i32 to index
        %get3A_414 = arith.constant 0 : index
        %get3A_415 = tpu.vector_load %arg14[%get3A_412, %get3A_413, %get3A_414] {strides = array<i32>} : memref<2x64x128xf32, #tpu.memory_space<vmem>>, vector<1x1x16xf32>,
        %get3A_416 = vector.shape_cast %get3A_415 : vector<1x1x16xf32> to vector<16xf32>
        %sub3A_417 = arith.subf %get3A_410, %get3A_416 : vector<16xf32>
        %swap3A_418 = arith.constant 1 : i32
        %swap3A_419 = arith.index_cast %swap3A_418 : i32 to index
        %swap3A_420 = arith.index_cast %scan3A_404 : i32 to index
        %swap3A_421 = arith.constant 0 : index
        %swap3A_422 = tpu.vector_load %arg13[%swap3A_419, %swap3A_420, %swap3A_421] {strides = array<i32>} : memref<2x64x128xf32, #tpu.memory_space<vmem>>, vector<1x1x16xf32>,
        %swap3A_423 = vector.shape_cast %swap3A_422 : vector<1x1x16xf32> to vector<16xf32>
        %swap3A_424 = vector.shape_cast %sub3A_417 : vector<16xf32> to vector<1x1x16xf32>
        tpu.vector_store %arg13[%swap3A_419, %swap3A_420, %swap3A_421], %swap3A_424 {strides = array<i32>} : memref<2x64x128xf32, #tpu.memory_space<vmem>>, vector<1x1x16xf32>,
        %scan3A_425 = arith.constant 3 : i32
        %scan3A_426 = arith.addi %scan3A_363, %scan3A_425 : i32
        %get3A_427 = arith.constant 1 : i32
        %get3A_428 = arith.index_cast %get3A_427 : i32 to index
        %get3A_429 = arith.index_cast %scan3A_426 : i32 to index
        %get3A_430 = arith.constant 0 : index
        %get3A_431 = tpu.vector_load %arg13[%get3A_428, %get3A_429, %get3A_430] {strides = array<i32>} : memref<2x64x128xf32, #tpu.memory_space<vmem>>, vector<1x1x16xf32>,
        %get3A_432 = vector.shape_cast %get3A_431 : vector<1x1x16xf32> to vector<16xf32>
        %get3A_433 = arith.constant 1 : i32
        %get3A_434 = arith.index_cast %get3A_433 : i32 to index
        %get3A_435 = arith.index_cast %scan3A_426 : i32 to index
        %get3A_436 = arith.constant 0 : index
        %get3A_437 = tpu.vector_load %arg14[%get3A_434, %get3A_435, %get3A_436] {strides = array<i32>} : memref<2x64x128xf32, #tpu.memory_space<vmem>>, vector<1x1x16xf32>,
        %get3A_438 = vector.shape_cast %get3A_437 : vector<1x1x16xf32> to vector<16xf32>
        %sub3A_439 = arith.subf %get3A_432, %get3A_438 : vector<16xf32>
        %swap3A_440 = arith.constant 1 : i32
        %swap3A_441 = arith.index_cast %swap3A_440 : i32 to index
        %swap3A_442 = arith.index_cast %scan3A_426 : i32 to index
        %swap3A_443 = arith.constant 0 : index
        %swap3A_444 = tpu.vector_load %arg13[%swap3A_441, %swap3A_442, %swap3A_443] {strides = array<i32>} : memref<2x64x128xf32, #tpu.memory_space<vmem>>, vector<1x1x16xf32>,
        %swap3A_445 = vector.shape_cast %swap3A_444 : vector<1x1x16xf32> to vector<16xf32>
        %swap3A_446 = vector.shape_cast %sub3A_439 : vector<16xf32> to vector<1x1x16xf32>
        tpu.vector_store %arg13[%swap3A_441, %swap3A_442, %swap3A_443], %swap3A_446 {strides = array<i32>} : memref<2x64x128xf32, #tpu.memory_space<vmem>>, vector<1x1x16xf32>,
      }
      %scan3A_328 = arith.constant 64 : i32
      %mul3A_329 = arith.constant 64 : i32
      %mul3A_330 = arith.muli %add3A_266, %mul3A_329 : i32
      %add3A_331 = arith.addi %mul3A_2, %mul3A_330 : i32
      %dma_start3A_332 = arith.constant 1 : i32
      %dma_start3A_333 = arith.constant 0 : i32
      %dma_start3A_334 = arith.constant 0 : i32
      %dma_start3A_335 = tpu.memref_slice %arg11[%dma_start3A_332, %dma_start3A_333, %dma_start3A_334] : memref<2x64x128xf32, #tpu.memory_space<vmem>> -> memref<1x64x128xf32, #tpu.memory_space<vmem>>
      %dma_start3A_336 = tpu.memref_squeeze %dma_start3A_335 : memref<1x64x128xf32, #tpu.memory_space<vmem>> -> memref<64x128xf32, #tpu.memory_space<vmem>>
      %dma_start3A_337 = arith.constant 0 : i32
      %dma_start3A_338 = tpu.memref_slice %arg7[%add3A_331, %dma_start3A_337] : memref<323584x128xf32, #tpu.memory_space<hbm>> -> memref<64x128xf32, #tpu.memory_space<hbm>>
      %dma_start3A_339 = arith.constant 0 : i32
      %dma_start3A_340 = tpu.memref_slice %arg7[%add3A_331, %dma_start3A_339] : memref<323584x128xf32, #tpu.memory_space<hbm>> -> memref<64x128xf32, #tpu.memory_space<hbm>>
      %dma_start3A_341 = arith.constant 0 : i32
      %dma_start3A_342 = arith.constant 0 : i32
      %dma_start3A_343 = tpu.memref_slice %arg11[%dma_start3A_332, %dma_start3A_341, %dma_start3A_342] : memref<2x64x128xf32, #tpu.memory_space<vmem>> -> memref<1x64x128xf32, #tpu.memory_space<vmem>>
      %dma_start3A_344 = tpu.memref_squeeze %dma_start3A_343 : memref<1x64x128xf32, #tpu.memory_space<vmem>> -> memref<64x128xf32, #tpu.memory_space<vmem>>
      tpu.enqueue_dma source(%dma_start3A_344 : memref<64x128xf32, #tpu.memory_space<vmem>>) target(%dma_start3A_340 : memref<64x128xf32, #tpu.memory_space<hbm>>) target_semaphore(%arg16 : memref<!tpu.dma_semaphore, #tpu.memory_space<semaphore_mem>>)
      %dma_start3A_345 = arith.constant 1 : i32
      %dma_start3A_346 = arith.constant 0 : i32
      %dma_start3A_347 = arith.constant 0 : i32
      %dma_start3A_348 = tpu.memref_slice %arg13[%dma_start3A_345, %dma_start3A_346, %dma_start3A_347] : memref<2x64x128xf32, #tpu.memory_space<vmem>> -> memref<1x64x128xf32, #tpu.memory_space<vmem>>
      %dma_start3A_349 = tpu.memref_squeeze %dma_start3A_348 : memref<1x64x128xf32, #tpu.memory_space<vmem>> -> memref<64x128xf32, #tpu.memory_space<vmem>>
      %dma_start3A_350 = arith.constant 0 : i32
      %dma_start3A_351 = tpu.memref_slice %arg8[%add3A_331, %dma_start3A_350] : memref<323584x128xf32, #tpu.memory_space<hbm>> -> memref<64x128xf32, #tpu.memory_space<hbm>>
      %dma_start3A_352 = arith.constant 0 : i32
      %dma_start3A_353 = tpu.memref_slice %arg8[%add3A_331, %dma_start3A_352] : memref<323584x128xf32, #tpu.memory_space<hbm>> -> memref<64x128xf32, #tpu.memory_space<hbm>>
      %dma_start3A_354 = arith.constant 0 : i32
      %dma_start3A_355 = arith.constant 0 : i32
      %dma_start3A_356 = tpu.memref_slice %arg13[%dma_start3A_345, %dma_start3A_354, %dma_start3A_355] : memref<2x64x128xf32, #tpu.memory_space<vmem>> -> memref<1x64x128xf32, #tpu.memory_space<vmem>>
      %dma_start3A_357 = tpu.memref_squeeze %dma_start3A_356 : memref<1x64x128xf32, #tpu.memory_space<vmem>> -> memref<64x128xf32, #tpu.memory_space<vmem>>
      tpu.enqueue_dma source(%dma_start3A_357 : memref<64x128xf32, #tpu.memory_space<vmem>>) target(%dma_start3A_353 : memref<64x128xf32, #tpu.memory_space<hbm>>) target_semaphore(%arg16 : memref<!tpu.dma_semaphore, #tpu.memory_space<semaphore_mem>>)
      %lt3A_358 = arith.constant 158 : i32
      %lt3A_359 = arith.cmpi slt, %add3A_268, %lt3A_358 : i32
      %convert_element_type3A_360 = arith.extui %lt3A_359 : i1 to i32
      %cond3A_361 = arith.constant 0 : i32
      %cond3A_362 = arith.cmpi ne, %convert_element_type3A_360, %cond3A_361 : i32
      scf.if %cond3A_362 {
        %mul3A_363 = arith.constant 64 : i32
        %mul3A_364 = arith.muli %add3A_266, %mul3A_363 : i32
        %add3A_365 = arith.addi %mul3A_2, %mul3A_364 : i32
        %dma_wait3A_366 = arith.constant 1 : i32
        %dma_wait3A_367 = arith.constant 0 : i32
        %dma_wait3A_368 = arith.constant 0 : i32
        %dma_wait3A_369 = tpu.memref_slice %arg11[%dma_wait3A_366, %dma_wait3A_367, %dma_wait3A_368] : memref<2x64x128xf32, #tpu.memory_space<vmem>> -> memref<1x64x128xf32, #tpu.memory_space<vmem>>
        %dma_wait3A_370 = tpu.memref_squeeze %dma_wait3A_369 : memref<1x64x128xf32, #tpu.memory_space<vmem>> -> memref<64x128xf32, #tpu.memory_space<vmem>>
        %dma_wait3A_371 = arith.constant 0 : i32
        %dma_wait3A_372 = tpu.memref_slice %arg7[%add3A_365, %dma_wait3A_371] : memref<323584x128xf32, #tpu.memory_space<hbm>> -> memref<64x128xf32, #tpu.memory_space<hbm>>
        %dma_wait3A_373 = arith.constant 0 : i32
        %dma_wait3A_374 = tpu.memref_slice %arg7[%add3A_365, %dma_wait3A_373] : memref<323584x128xf32, #tpu.memory_space<hbm>> -> memref<64x128xf32, #tpu.memory_space<hbm>>
        %dma_wait3A_375 = arith.constant 0 : i32
        %dma_wait3A_376 = arith.constant 0 : i32
        %dma_wait3A_377 = tpu.memref_slice %arg11[%dma_wait3A_366, %dma_wait3A_375, %dma_wait3A_376] : memref<2x64x128xf32, #tpu.memory_space<vmem>> -> memref<1x64x128xf32, #tpu.memory_space<vmem>>
        %dma_wait3A_378 = tpu.memref_squeeze %dma_wait3A_377 : memref<1x64x128xf32, #tpu.memory_space<vmem>> -> memref<64x128xf32, #tpu.memory_space<vmem>>
        tpu.wait_dma2 semaphore(%arg16 : memref<!tpu.dma_semaphore, #tpu.memory_space<semaphore_mem>>) src(%dma_wait3A_378 : memref<64x128xf32, #tpu.memory_space<vmem>>) dst(%dma_wait3A_374 : memref<64x128xf32, #tpu.memory_space<hbm>>)
        %dma_wait3A_379 = arith.constant 1 : i32
        %dma_wait3A_380 = arith.constant 0 : i32
        %dma_wait3A_381 = arith.constant 0 : i32
        %dma_wait3A_382 = tpu.memref_slice %arg13[%dma_wait3A_379, %dma_wait3A_380, %dma_wait3A_381] : memref<2x64x128xf32, #tpu.memory_space<vmem>> -> memref<1x64x128xf32, #tpu.memory_space<vmem>>
        %dma_wait3A_383 = tpu.memref_squeeze %dma_wait3A_382 : memref<1x64x128xf32, #tpu.memory_space<vmem>> -> memref<64x128xf32, #tpu.memory_space<vmem>>
        %dma_wait3A_384 = arith.constant 0 : i32
        %dma_wait3A_385 = tpu.memref_slice %arg8[%add3A_365, %dma_wait3A_384] : memref<323584x128xf32, #tpu.memory_space<hbm>> -> memref<64x128xf32, #tpu.memory_space<hbm>>
        %dma_wait3A_386 = arith.constant 0 : i32
        %dma_wait3A_387 = tpu.memref_slice %arg8[%add3A_365, %dma_wait3A_386] : memref<323584x128xf32, #tpu.memory_space<hbm>> -> memref<64x128xf32, #tpu.memory_space<hbm>>
        %dma_wait3A_388 = arith.constant 0 : i32
        %dma_wait3A_389 = arith.constant 0 : i32
        %dma_wait3A_390 = tpu.memref_slice %arg13[%dma_wait3A_379, %dma_wait3A_388, %dma_wait3A_389] : memref<2x64x128xf32, #tpu.memory_space<vmem>> -> memref<1x64x128xf32, #tpu.memory_space<vmem>>
        %dma_wait3A_391 = tpu.memref_squeeze %dma_wait3A_390 : memref<1x64x128xf32, #tpu.memory_space<vmem>> -> memref<64x128xf32, #tpu.memory_space<vmem>>
        tpu.wait_dma2 semaphore(%arg16 : memref<!tpu.dma_semaphore, #tpu.memory_space<semaphore_mem>>) src(%dma_wait3A_391 : memref<64x128xf32, #tpu.memory_space<vmem>>) dst(%dma_wait3A_387 : memref<64x128xf32, #tpu.memory_space<hbm>>)
        %mul3A_392 = arith.constant 64 : i32
        %mul3A_393 = arith.muli %add3A_268, %mul3A_392 : i32
        %add3A_394 = arith.addi %mul3A_2, %mul3A_393 : i32
        %run_scoped3A_395 = arith.constant 1 : i32
        "tpu.region"() ({
          %run_scoped3A_445 = tpu.sem_alloc : memref<!tpu.dma_semaphore, #tpu.memory_space<semaphore_mem>>
          %dma_start3A_446 = arith.constant 0 : i32
          %dma_start3A_447 = tpu.memref_slice %arg9[%run_scoped3A_395, %dma_start3A_446] : memref<2x64xi32, #tpu.memory_space<vmem>> -> memref<1x64xi32, #tpu.memory_space<vmem>>
          %dma_start3A_448 = tpu.memref_squeeze %dma_start3A_447 : memref<1x64xi32, #tpu.memory_space<vmem>> -> memref<64xi32, #tpu.memory_space<vmem>>
          %dma_start3A_449 = tpu.memref_slice %arg5[%add3A_394] : memref<323584xi32, #tpu.memory_space<hbm>> -> memref<64xi32, #tpu.memory_space<hbm>>
          %dma_start3A_450 = arith.constant 0 : i32
          %dma_start3A_451 = tpu.memref_slice %arg9[%run_scoped3A_395, %dma_start3A_450] : memref<2x64xi32, #tpu.memory_space<vmem>> -> memref<1x64xi32, #tpu.memory_space<vmem>>
          %dma_start3A_452 = tpu.memref_squeeze %dma_start3A_451 : memref<1x64xi32, #tpu.memory_space<vmem>> -> memref<64xi32, #tpu.memory_space<vmem>>
          %dma_start3A_453 = tpu.memref_slice %arg5[%add3A_394] : memref<323584xi32, #tpu.memory_space<hbm>> -> memref<64xi32, #tpu.memory_space<hbm>>
          tpu.enqueue_dma source(%dma_start3A_453 : memref<64xi32, #tpu.memory_space<hbm>>) target(%dma_start3A_452 : memref<64xi32, #tpu.memory_space<vmem>>) target_semaphore(%run_scoped3A_445 : memref<!tpu.dma_semaphore, #tpu.memory_space<semaphore_mem>>)
          %dma_wait3A_454 = arith.constant 0 : i32
          %dma_wait3A_455 = tpu.memref_slice %arg9[%run_scoped3A_395, %dma_wait3A_454] : memref<2x64xi32, #tpu.memory_space<vmem>> -> memref<1x64xi32, #tpu.memory_space<vmem>>
          %dma_wait3A_456 = tpu.memref_squeeze %dma_wait3A_455 : memref<1x64xi32, #tpu.memory_space<vmem>> -> memref<64xi32, #tpu.memory_space<vmem>>
          %dma_wait3A_457 = tpu.memref_slice %arg5[%add3A_394] : memref<323584xi32, #tpu.memory_space<hbm>> -> memref<64xi32, #tpu.memory_space<hbm>>
          %dma_wait3A_458 = arith.constant 0 : i32
          %dma_wait3A_459 = tpu.memref_slice %arg9[%run_scoped3A_395, %dma_wait3A_458] : memref<2x64xi32, #tpu.memory_space<vmem>> -> memref<1x64xi32, #tpu.memory_space<vmem>>
          %dma_wait3A_460 = tpu.memref_squeeze %dma_wait3A_459 : memref<1x64xi32, #tpu.memory_space<vmem>> -> memref<64xi32, #tpu.memory_space<vmem>>
          %dma_wait3A_461 = tpu.memref_slice %arg5[%add3A_394] : memref<323584xi32, #tpu.memory_space<hbm>> -> memref<64xi32, #tpu.memory_space<hbm>>
          tpu.wait_dma2 semaphore(%run_scoped3A_445 : memref<!tpu.dma_semaphore, #tpu.memory_space<semaphore_mem>>) src(%dma_wait3A_461 : memref<64xi32, #tpu.memory_space<hbm>>) dst(%dma_wait3A_460 : memref<64xi32, #tpu.memory_space<vmem>>)
          tpu.yield
        }) : () -> ()
        %run_scoped3A_396 = arith.constant 1 : i32
        "tpu.region"() ({
          %run_scoped3A_445 = tpu.sem_alloc : memref<!tpu.dma_semaphore, #tpu.memory_space<semaphore_mem>>
          %dma_start3A_446 = arith.constant 0 : i32
          %dma_start3A_447 = tpu.memref_slice %arg10[%run_scoped3A_396, %dma_start3A_446] : memref<2x64xi32, #tpu.memory_space<vmem>> -> memref<1x64xi32, #tpu.memory_space<vmem>>
          %dma_start3A_448 = tpu.memref_squeeze %dma_start3A_447 : memref<1x64xi32, #tpu.memory_space<vmem>> -> memref<64xi32, #tpu.memory_space<vmem>>
          %dma_start3A_449 = tpu.memref_slice %arg6[%add3A_394] : memref<323584xi32, #tpu.memory_space<hbm>> -> memref<64xi32, #tpu.memory_space<hbm>>
          %dma_start3A_450 = arith.constant 0 : i32
          %dma_start3A_451 = tpu.memref_slice %arg10[%run_scoped3A_396, %dma_start3A_450] : memref<2x64xi32, #tpu.memory_space<vmem>> -> memref<1x64xi32, #tpu.memory_space<vmem>>
          %dma_start3A_452 = tpu.memref_squeeze %dma_start3A_451 : memref<1x64xi32, #tpu.memory_space<vmem>> -> memref<64xi32, #tpu.memory_space<vmem>>
          %dma_start3A_453 = tpu.memref_slice %arg6[%add3A_394] : memref<323584xi32, #tpu.memory_space<hbm>> -> memref<64xi32, #tpu.memory_space<hbm>>
          tpu.enqueue_dma source(%dma_start3A_453 : memref<64xi32, #tpu.memory_space<hbm>>) target(%dma_start3A_452 : memref<64xi32, #tpu.memory_space<vmem>>) target_semaphore(%run_scoped3A_445 : memref<!tpu.dma_semaphore, #tpu.memory_space<semaphore_mem>>)
          %dma_wait3A_454 = arith.constant 0 : i32
          %dma_wait3A_455 = tpu.memref_slice %arg10[%run_scoped3A_396, %dma_wait3A_454] : memref<2x64xi32, #tpu.memory_space<vmem>> -> memref<1x64xi32, #tpu.memory_space<vmem>>
          %dma_wait3A_456 = tpu.memref_squeeze %dma_wait3A_455 : memref<1x64xi32, #tpu.memory_space<vmem>> -> memref<64xi32, #tpu.memory_space<vmem>>
          %dma_wait3A_457 = tpu.memref_slice %arg6[%add3A_394] : memref<323584xi32, #tpu.memory_space<hbm>> -> memref<64xi32, #tpu.memory_space<hbm>>
          %dma_wait3A_458 = arith.constant 0 : i32
          %dma_wait3A_459 = tpu.memref_slice %arg10[%run_scoped3A_396, %dma_wait3A_458] : memref<2x64xi32, #tpu.memory_space<vmem>> -> memref<1x64xi32, #tpu.memory_space<vmem>>
          %dma_wait3A_460 = tpu.memref_squeeze %dma_wait3A_459 : memref<1x64xi32, #tpu.memory_space<vmem>> -> memref<64xi32, #tpu.memory_space<vmem>>
          %dma_wait3A_461 = tpu.memref_slice %arg6[%add3A_394] : memref<323584xi32, #tpu.memory_space<hbm>> -> memref<64xi32, #tpu.memory_space<hbm>>
          tpu.wait_dma2 semaphore(%run_scoped3A_445 : memref<!tpu.dma_semaphore, #tpu.memory_space<semaphore_mem>>) src(%dma_wait3A_461 : memref<64xi32, #tpu.memory_space<hbm>>) dst(%dma_wait3A_460 : memref<64xi32, #tpu.memory_space<vmem>>)
          tpu.yield
        }) : () -> ()
        %dma_start3A_397 = arith.constant 1 : i32
        %dma_start3A_398 = arith.constant 1 : i32
        %dma_start3A_399 = arith.constant 0 : i32
        %dma_start3A_400 = arith.constant 0 : i32
        %dma_start3A_401 = tpu.memref_slice %arg11[%dma_start3A_398, %dma_start3A_399, %dma_start3A_400] : memref<2x64x128xf32, #tpu.memory_space<vmem>> -> memref<1x64x128xf32, #tpu.memory_space<vmem>>
        %dma_start3A_402 = tpu.memref_squeeze %dma_start3A_401 : memref<1x64x128xf32, #tpu.memory_space<vmem>> -> memref<64x128xf32, #tpu.memory_space<vmem>>
        %dma_start3A_403 = arith.constant 0 : i32
        %dma_start3A_404 = tpu.memref_slice %arg9[%dma_start3A_397, %dma_start3A_403] : memref<2x64xi32, #tpu.memory_space<vmem>> -> memref<1x64xi32, #tpu.memory_space<vmem>>
        %dma_start3A_405 = tpu.memref_squeeze %dma_start3A_404 : memref<1x64xi32, #tpu.memory_space<vmem>> -> memref<64xi32, #tpu.memory_space<vmem>>
        %dma_start3A_406 = arith.constant 0 : i32
        %dma_start3A_407 = arith.constant 0 : i32
        %dma_start3A_408 = tpu.memref_slice %arg2[%dma_start3A_406, %dma_start3A_407] : memref<10000x128xf32, #tpu.memory_space<hbm>> -> memref<10000x128xf32, #tpu.memory_space<hbm>>
        tpu.enqueue_indirect_dma source(%dma_start3A_408 : memref<10000x128xf32, #tpu.memory_space<hbm>>) target(%dma_start3A_402 : memref<64x128xf32, #tpu.memory_space<vmem>>) offsets(%dma_start3A_405 : memref<64xi32, #tpu.memory_space<vmem>>) semaphore(%arg15 : memref<!tpu.dma_semaphore, #tpu.memory_space<semaphore_mem>>)
        %dma_start3A_409 = arith.constant 1 : i32
        %dma_start3A_410 = arith.constant 1 : i32
        %dma_start3A_411 = arith.constant 0 : i32
        %dma_start3A_412 = arith.constant 0 : i32
        %dma_start3A_413 = tpu.memref_slice %arg12[%dma_start3A_410, %dma_start3A_411, %dma_start3A_412] : memref<2x64x128xf32, #tpu.memory_space<vmem>> -> memref<1x64x128xf32, #tpu.memory_space<vmem>>
        %dma_start3A_414 = tpu.memref_squeeze %dma_start3A_413 : memref<1x64x128xf32, #tpu.memory_space<vmem>> -> memref<64x128xf32, #tpu.memory_space<vmem>>
        %dma_start3A_415 = arith.constant 0 : i32
        %dma_start3A_416 = tpu.memref_slice %arg10[%dma_start3A_409, %dma_start3A_415] : memref<2x64xi32, #tpu.memory_space<vmem>> -> memref<1x64xi32, #tpu.memory_space<vmem>>
        %dma_start3A_417 = tpu.memref_squeeze %dma_start3A_416 : memref<1x64xi32, #tpu.memory_space<vmem>> -> memref<64xi32, #tpu.memory_space<vmem>>
        %dma_start3A_418 = arith.constant 0 : i32
        %dma_start3A_419 = arith.constant 0 : i32
        %dma_start3A_420 = tpu.memref_slice %arg3[%dma_start3A_418, %dma_start3A_419] : memref<10000x128xf32, #tpu.memory_space<hbm>> -> memref<10000x128xf32, #tpu.memory_space<hbm>>
        tpu.enqueue_indirect_dma source(%dma_start3A_420 : memref<10000x128xf32, #tpu.memory_space<hbm>>) target(%dma_start3A_414 : memref<64x128xf32, #tpu.memory_space<vmem>>) offsets(%dma_start3A_417 : memref<64xi32, #tpu.memory_space<vmem>>) semaphore(%arg15 : memref<!tpu.dma_semaphore, #tpu.memory_space<semaphore_mem>>)
        %dma_start3A_421 = arith.constant 1 : i32
        %dma_start3A_422 = arith.constant 1 : i32
        %dma_start3A_423 = arith.constant 0 : i32
        %dma_start3A_424 = arith.constant 0 : i32
        %dma_start3A_425 = tpu.memref_slice %arg13[%dma_start3A_422, %dma_start3A_423, %dma_start3A_424] : memref<2x64x128xf32, #tpu.memory_space<vmem>> -> memref<1x64x128xf32, #tpu.memory_space<vmem>>
        %dma_start3A_426 = tpu.memref_squeeze %dma_start3A_425 : memref<1x64x128xf32, #tpu.memory_space<vmem>> -> memref<64x128xf32, #tpu.memory_space<vmem>>
        %dma_start3A_427 = arith.constant 0 : i32
        %dma_start3A_428 = tpu.memref_slice %arg9[%dma_start3A_421, %dma_start3A_427] : memref<2x64xi32, #tpu.memory_space<vmem>> -> memref<1x64xi32, #tpu.memory_space<vmem>>
        %dma_start3A_429 = tpu.memref_squeeze %dma_start3A_428 : memref<1x64xi32, #tpu.memory_space<vmem>> -> memref<64xi32, #tpu.memory_space<vmem>>
        %dma_start3A_430 = arith.constant 0 : i32
        %dma_start3A_431 = arith.constant 0 : i32
        %dma_start3A_432 = tpu.memref_slice %arg4[%dma_start3A_430, %dma_start3A_431] : memref<10000x128xf32, #tpu.memory_space<hbm>> -> memref<10000x128xf32, #tpu.memory_space<hbm>>
        tpu.enqueue_indirect_dma source(%dma_start3A_432 : memref<10000x128xf32, #tpu.memory_space<hbm>>) target(%dma_start3A_426 : memref<64x128xf32, #tpu.memory_space<vmem>>) offsets(%dma_start3A_429 : memref<64xi32, #tpu.memory_space<vmem>>) semaphore(%arg15 : memref<!tpu.dma_semaphore, #tpu.memory_space<semaphore_mem>>)
        %dma_start3A_433 = arith.constant 1 : i32
        %dma_start3A_434 = arith.constant 1 : i32
        %dma_start3A_435 = arith.constant 0 : i32
        %dma_start3A_436 = arith.constant 0 : i32
        %dma_start3A_437 = tpu.memref_slice %arg14[%dma_start3A_434, %dma_start3A_435, %dma_start3A_436] : memref<2x64x128xf32, #tpu.memory_space<vmem>> -> memref<1x64x128xf32, #tpu.memory_space<vmem>>
        %dma_start3A_438 = tpu.memref_squeeze %dma_start3A_437 : memref<1x64x128xf32, #tpu.memory_space<vmem>> -> memref<64x128xf32, #tpu.memory_space<vmem>>
        %dma_start3A_439 = arith.constant 0 : i32
        %dma_start3A_440 = tpu.memref_slice %arg10[%dma_start3A_433, %dma_start3A_439] : memref<2x64xi32, #tpu.memory_space<vmem>> -> memref<1x64xi32, #tpu.memory_space<vmem>>
        %dma_start3A_441 = tpu.memref_squeeze %dma_start3A_440 : memref<1x64xi32, #tpu.memory_space<vmem>> -> memref<64xi32, #tpu.memory_space<vmem>>
        %dma_start3A_442 = arith.constant 0 : i32
        %dma_start3A_443 = arith.constant 0 : i32
        %dma_start3A_444 = tpu.memref_slice %arg4[%dma_start3A_442, %dma_start3A_443] : memref<10000x128xf32, #tpu.memory_space<hbm>> -> memref<10000x128xf32, #tpu.memory_space<hbm>>
        tpu.enqueue_indirect_dma source(%dma_start3A_444 : memref<10000x128xf32, #tpu.memory_space<hbm>>) target(%dma_start3A_438 : memref<64x128xf32, #tpu.memory_space<vmem>>) offsets(%dma_start3A_441 : memref<64xi32, #tpu.memory_space<vmem>>) semaphore(%arg15 : memref<!tpu.dma_semaphore, #tpu.memory_space<semaphore_mem>>)
      } else {
      }
    }
    %scan3A_109 = arith.constant 79 : i32
    %add3A_110 = arith.constant 9984 : i32
    %add3A_111 = arith.addi %mul3A_2, %add3A_110 : i32
    %dma_wait3A = arith.constant 0 : i32
    %dma_wait3A_112 = arith.constant 0 : i32
    %dma_wait3A_113 = arith.constant 0 : i32
    %dma_wait3A_114 = tpu.memref_slice %arg11[%dma_wait3A, %dma_wait3A_112, %dma_wait3A_113] : memref<2x64x128xf32, #tpu.memory_space<vmem>> -> memref<1x64x128xf32, #tpu.memory_space<vmem>>
    %dma_wait3A_115 = tpu.memref_squeeze %dma_wait3A_114 : memref<1x64x128xf32, #tpu.memory_space<vmem>> -> memref<64x128xf32, #tpu.memory_space<vmem>>
    %dma_wait3A_116 = arith.constant 0 : i32
    %dma_wait3A_117 = tpu.memref_slice %arg7[%add3A_111, %dma_wait3A_116] : memref<323584x128xf32, #tpu.memory_space<hbm>> -> memref<64x128xf32, #tpu.memory_space<hbm>>
    %dma_wait3A_118 = arith.constant 0 : i32
    %dma_wait3A_119 = tpu.memref_slice %arg7[%add3A_111, %dma_wait3A_118] : memref<323584x128xf32, #tpu.memory_space<hbm>> -> memref<64x128xf32, #tpu.memory_space<hbm>>
    %dma_wait3A_120 = arith.constant 0 : i32
    %dma_wait3A_121 = arith.constant 0 : i32
    %dma_wait3A_122 = tpu.memref_slice %arg11[%dma_wait3A, %dma_wait3A_120, %dma_wait3A_121] : memref<2x64x128xf32, #tpu.memory_space<vmem>> -> memref<1x64x128xf32, #tpu.memory_space<vmem>>
    %dma_wait3A_123 = tpu.memref_squeeze %dma_wait3A_122 : memref<1x64x128xf32, #tpu.memory_space<vmem>> -> memref<64x128xf32, #tpu.memory_space<vmem>>
    tpu.wait_dma2 semaphore(%arg16 : memref<!tpu.dma_semaphore, #tpu.memory_space<semaphore_mem>>) src(%dma_wait3A_123 : memref<64x128xf32, #tpu.memory_space<vmem>>) dst(%dma_wait3A_119 : memref<64x128xf32, #tpu.memory_space<hbm>>)
    %dma_wait3A_124 = arith.constant 0 : i32
    %dma_wait3A_125 = arith.constant 0 : i32
    %dma_wait3A_126 = arith.constant 0 : i32
    %dma_wait3A_127 = tpu.memref_slice %arg13[%dma_wait3A_124, %dma_wait3A_125, %dma_wait3A_126] : memref<2x64x128xf32, #tpu.memory_space<vmem>> -> memref<1x64x128xf32, #tpu.memory_space<vmem>>
    %dma_wait3A_128 = tpu.memref_squeeze %dma_wait3A_127 : memref<1x64x128xf32, #tpu.memory_space<vmem>> -> memref<64x128xf32, #tpu.memory_space<vmem>>
    %dma_wait3A_129 = arith.constant 0 : i32
    %dma_wait3A_130 = tpu.memref_slice %arg8[%add3A_111, %dma_wait3A_129] : memref<323584x128xf32, #tpu.memory_space<hbm>> -> memref<64x128xf32, #tpu.memory_space<hbm>>
    %dma_wait3A_131 = arith.constant 0 : i32
    %dma_wait3A_132 = tpu.memref_slice %arg8[%add3A_111, %dma_wait3A_131] : memref<323584x128xf32, #tpu.memory_space<hbm>> -> memref<64x128xf32, #tpu.memory_space<hbm>>
    %dma_wait3A_133 = arith.constant 0 : i32
    %dma_wait3A_134 = arith.constant 0 : i32
    %dma_wait3A_135 = tpu.memref_slice %arg13[%dma_wait3A_124, %dma_wait3A_133, %dma_wait3A_134] : memref<2x64x128xf32, #tpu.memory_space<vmem>> -> memref<1x64x128xf32, #tpu.memory_space<vmem>>
    %dma_wait3A_136 = tpu.memref_squeeze %dma_wait3A_135 : memref<1x64x128xf32, #tpu.memory_space<vmem>> -> memref<64x128xf32, #tpu.memory_space<vmem>>
    tpu.wait_dma2 semaphore(%arg16 : memref<!tpu.dma_semaphore, #tpu.memory_space<semaphore_mem>>) src(%dma_wait3A_136 : memref<64x128xf32, #tpu.memory_space<vmem>>) dst(%dma_wait3A_132 : memref<64x128xf32, #tpu.memory_space<hbm>>)
    %add3A_137 = arith.constant 10048 : i32
    %add3A_138 = arith.addi %mul3A_2, %add3A_137 : i32
    %dma_wait3A_139 = arith.constant 1 : i32
    %dma_wait3A_140 = arith.constant 0 : i32
    %dma_wait3A_141 = arith.constant 0 : i32
    %dma_wait3A_142 = tpu.memref_slice %arg11[%dma_wait3A_139, %dma_wait3A_140, %dma_wait3A_141] : memref<2x64x128xf32, #tpu.memory_space<vmem>> -> memref<1x64x128xf32, #tpu.memory_space<vmem>>
    %dma_wait3A_143 = tpu.memref_squeeze %dma_wait3A_142 : memref<1x64x128xf32, #tpu.memory_space<vmem>> -> memref<64x128xf32, #tpu.memory_space<vmem>>
    %dma_wait3A_144 = arith.constant 0 : i32
    %dma_wait3A_145 = tpu.memref_slice %arg7[%add3A_138, %dma_wait3A_144] : memref<323584x128xf32, #tpu.memory_space<hbm>> -> memref<64x128xf32, #tpu.memory_space<hbm>>
    %dma_wait3A_146 = arith.constant 0 : i32
    %dma_wait3A_147 = tpu.memref_slice %arg7[%add3A_138, %dma_wait3A_146] : memref<323584x128xf32, #tpu.memory_space<hbm>> -> memref<64x128xf32, #tpu.memory_space<hbm>>
    %dma_wait3A_148 = arith.constant 0 : i32
    %dma_wait3A_149 = arith.constant 0 : i32
    %dma_wait3A_150 = tpu.memref_slice %arg11[%dma_wait3A_139, %dma_wait3A_148, %dma_wait3A_149] : memref<2x64x128xf32, #tpu.memory_space<vmem>> -> memref<1x64x128xf32, #tpu.memory_space<vmem>>
    %dma_wait3A_151 = tpu.memref_squeeze %dma_wait3A_150 : memref<1x64x128xf32, #tpu.memory_space<vmem>> -> memref<64x128xf32, #tpu.memory_space<vmem>>
    tpu.wait_dma2 semaphore(%arg16 : memref<!tpu.dma_semaphore, #tpu.memory_space<semaphore_mem>>) src(%dma_wait3A_151 : memref<64x128xf32, #tpu.memory_space<vmem>>) dst(%dma_wait3A_147 : memref<64x128xf32, #tpu.memory_space<hbm>>)
    %dma_wait3A_152 = arith.constant 1 : i32
    %dma_wait3A_153 = arith.constant 0 : i32
    %dma_wait3A_154 = arith.constant 0 : i32
    %dma_wait3A_155 = tpu.memref_slice %arg13[%dma_wait3A_152, %dma_wait3A_153, %dma_wait3A_154] : memref<2x64x128xf32, #tpu.memory_space<vmem>> -> memref<1x64x128xf32, #tpu.memory_space<vmem>>
    %dma_wait3A_156 = tpu.memref_squeeze %dma_wait3A_155 : memref<1x64x128xf32, #tpu.memory_space<vmem>> -> memref<64x128xf32, #tpu.memory_space<vmem>>
    %dma_wait3A_157 = arith.constant 0 : i32
    %dma_wait3A_158 = tpu.memref_slice %arg8[%add3A_138, %dma_wait3A_157] : memref<323584x128xf32, #tpu.memory_space<hbm>> -> memref<64x128xf32, #tpu.memory_space<hbm>>
    %dma_wait3A_159 = arith.constant 0 : i32
    %dma_wait3A_160 = tpu.memref_slice %arg8[%add3A_138, %dma_wait3A_159] : memref<323584x128xf32, #tpu.memory_space<hbm>> -> memref<64x128xf32, #tpu.memory_space<hbm>>
    %dma_wait3A_161 = arith.constant 0 : i32
    %dma_wait3A_162 = arith.constant 0 : i32
    %dma_wait3A_163 = tpu.memref_slice %arg13[%dma_wait3A_152, %dma_wait3A_161, %dma_wait3A_162] : memref<2x64x128xf32, #tpu.memory_space<vmem>> -> memref<1x64x128xf32, #tpu.memory_space<vmem>>
    %dma_wait3A_164 = tpu.memref_squeeze %dma_wait3A_163 : memref<1x64x128xf32, #tpu.memory_space<vmem>> -> memref<64x128xf32, #tpu.memory_space<vmem>>
    tpu.wait_dma2 semaphore(%arg16 : memref<!tpu.dma_semaphore, #tpu.memory_space<semaphore_mem>>) src(%dma_wait3A_164 : memref<64x128xf32, #tpu.memory_space<vmem>>) dst(%dma_wait3A_160 : memref<64x128xf32, #tpu.memory_space<hbm>>)
    return
  }
}

module attributes {stable_mosaic.version = 14 : i64} {
  func.func @_pre_body(%arg0: i32, %arg1: memref<1000x128xf32, #tpu.memory_space<vmem>>, %arg2: memref<128x128xf32, #tpu.memory_space<vmem>>, %arg3: memref<128x128xf32, #tpu.memory_space<vmem>>, %arg4: memref<1000x128xf32, #tpu.memory_space<vmem>>, %arg5: memref<1000x128xf32, #tpu.memory_space<vmem>>) attributes {dimension_semantics = [#tpu.dimension_semantics<arbitrary>], iteration_bounds = array<i64: 10>, scalar_prefetch = 0 : i64, scratch_operands = 0 : i64, tpu.core_type = #tpu.core_type<tc>, window_params = [{transform_indices = @transform_0, window_bounds = array<i64: 1000, 128>}, {pipeline_mode = #tpu.pipeline_mode<synchronous>, transform_indices = @transform_1, window_bounds = array<i64: 128, 128>}, {pipeline_mode = #tpu.pipeline_mode<synchronous>, transform_indices = @transform_2, window_bounds = array<i64: 128, 128>}, {transform_indices = @transform_3, window_bounds = array<i64: 1000, 128>}, {transform_indices = @transform_4, window_bounds = array<i64: 1000, 128>}]} {
    %get3A = arith.constant 0 : index
    %get3A_0 = arith.constant 0 : index
    %get3A_1 = vector.load %arg1[%get3A, %get3A_0] : memref<1000x128xf32, #tpu.memory_space<vmem>>, vector<1000x128xf32>
    %get3A_2 = arith.constant 0 : index
    %get3A_3 = arith.constant 0 : index
    %get3A_4 = vector.load %arg2[%get3A_2, %get3A_3] : memref<128x128xf32, #tpu.memory_space<vmem>>, vector<128x128xf32>
    %dot_general3A = arith.constant dense<0.000000e+00> : vector<1000x128xf32>
    %dot_general3A_5 = tpu.matmul %get3A_1, %get3A_4, %dot_general3A {dimension_numbers = #tpu.dot_dimension_numbers<[1], [0], [0], [1], [0, 0, 1, 1], [], []>, transpose_lhs_hint = false} : vector<1000x128xf32>, vector<128x128xf32>, vector<1000x128xf32> -> vector<1000x128xf32>
    %swap3A = arith.constant 0 : index
    %swap3A_6 = arith.constant 0 : index
    %swap3A_7 = vector.load %arg4[%swap3A, %swap3A_6] : memref<1000x128xf32, #tpu.memory_space<vmem>>, vector<1000x128xf32>
    tpu.vector_store %arg4[%swap3A, %swap3A_6], %dot_general3A_5 {strides = array<i32>} : memref<1000x128xf32, #tpu.memory_space<vmem>>, vector<1000x128xf32>,
    %get3A_8 = arith.constant 0 : index
    %get3A_9 = arith.constant 0 : index
    %get3A_10 = vector.load %arg3[%get3A_8, %get3A_9] : memref<128x128xf32, #tpu.memory_space<vmem>>, vector<128x128xf32>
    %dot_general3A_11 = arith.constant dense<0.000000e+00> : vector<1000x128xf32>
    %dot_general3A_12 = tpu.matmul %get3A_1, %get3A_10, %dot_general3A_11 {dimension_numbers = #tpu.dot_dimension_numbers<[1], [0], [0], [1], [0, 0, 1, 1], [], []>, transpose_lhs_hint = false} : vector<1000x128xf32>, vector<128x128xf32>, vector<1000x128xf32> -> vector<1000x128xf32>
    %swap3A_13 = arith.constant 0 : index
    %swap3A_14 = arith.constant 0 : index
    %swap3A_15 = vector.load %arg5[%swap3A_13, %swap3A_14] : memref<1000x128xf32, #tpu.memory_space<vmem>>, vector<1000x128xf32>
    tpu.vector_store %arg5[%swap3A_13, %swap3A_14], %dot_general3A_12 {strides = array<i32>} : memref<1000x128xf32, #tpu.memory_space<vmem>>, vector<1000x128xf32>,
    return
  }
  func.func @transform_0(%arg0: i32) -> (i32, i32) {
    %c0_i32 = arith.constant 0 : i32
    %c0_i32_0 = arith.constant 0 : i32
    return %arg0, %c0_i32 : i32, i32
  }
  func.func @transform_1(%arg0: i32) -> (i32, i32) {
    %c0_i32 = arith.constant 0 : i32
    %c0_i32_0 = arith.constant 0 : i32
    %c0_i32_1 = arith.constant 0 : i32
    return %c0_i32, %c0_i32_0 : i32, i32
  }
  func.func @transform_2(%arg0: i32) -> (i32, i32) {
    %c0_i32 = arith.constant 0 : i32
    %c0_i32_0 = arith.constant 0 : i32
    %c0_i32_1 = arith.constant 0 : i32
    return %c0_i32, %c0_i32_0 : i32, i32
  }
  func.func @transform_3(%arg0: i32) -> (i32, i32) {
    %c0_i32 = arith.constant 0 : i32
    %c0_i32_0 = arith.constant 0 : i32
    return %arg0, %c0_i32 : i32, i32
  }
  func.func @transform_4(%arg0: i32) -> (i32, i32) {
    %c0_i32 = arith.constant 0 : i32
    %c0_i32_0 = arith.constant 0 : i32
    return %arg0, %c0_i32 : i32, i32
  }
}

module attributes {stable_mosaic.version = 14 : i64} {
  func.func @_edge_body(%arg0: i32, %arg1: memref<1024x128xf32, #tpu.memory_space<vmem>>, %arg2: memref<1024x128xf32, #tpu.memory_space<vmem>>, %arg3: memref<1024x16xf32, #tpu.memory_space<vmem>>, %arg4: memref<1x128xf32, #tpu.memory_space<vmem>>, %arg5: memref<16x128xf32, #tpu.memory_space<vmem>>, %arg6: memref<1x128xf32, #tpu.memory_space<vmem>>, %arg7: memref<128x128xf32, #tpu.memory_space<vmem>>, %arg8: memref<1x128xf32, #tpu.memory_space<vmem>>, %arg9: memref<128x128xf32, #tpu.memory_space<vmem>>, %arg10: memref<1x128xf32, #tpu.memory_space<vmem>>, %arg11: memref<1x128xf32, #tpu.memory_space<vmem>>, %arg12: memref<1024x128xf32, #tpu.memory_space<vmem>>, %arg13: memref<1024x128xf32, #tpu.memory_space<vmem>>) attributes {dimension_semantics = [#tpu.dimension_semantics<arbitrary>], iteration_bounds = array<i64: 316>, scalar_prefetch = 0 : i64, scratch_operands = 0 : i64, tpu.core_type = #tpu.core_type<tc>, window_params = [{transform_indices = @transform_0, window_bounds = array<i64: 1024, 128>}, {transform_indices = @transform_1, window_bounds = array<i64: 1024, 128>}, {transform_indices = @transform_2, window_bounds = array<i64: 1024, 16>}, {pipeline_mode = #tpu.pipeline_mode<synchronous>, transform_indices = @transform_3, window_bounds = array<i64: 1, 128>}, {pipeline_mode = #tpu.pipeline_mode<synchronous>, transform_indices = @transform_4, window_bounds = array<i64: 16, 128>}, {pipeline_mode = #tpu.pipeline_mode<synchronous>, transform_indices = @transform_5, window_bounds = array<i64: 1, 128>}, {pipeline_mode = #tpu.pipeline_mode<synchronous>, transform_indices = @transform_6, window_bounds = array<i64: 128, 128>}, {pipeline_mode = #tpu.pipeline_mode<synchronous>, transform_indices = @transform_7, window_bounds = array<i64: 1, 128>}, {pipeline_mode = #tpu.pipeline_mode<synchronous>, transform_indices = @transform_8, window_bounds = array<i64: 128, 128>}, {pipeline_mode = #tpu.pipeline_mode<synchronous>, transform_indices = @transform_9, window_bounds = array<i64: 1, 128>}, {pipeline_mode = #tpu.pipeline_mode<synchronous>, transform_indices = @transform_10, window_bounds = array<i64: 1, 128>}, {transform_indices = @transform_11, window_bounds = array<i64: 1024, 128>}, {transform_indices = @transform_12, window_bounds = array<i64: 1024, 128>}]} {
    %get3A = arith.constant 0 : index
    %get3A_0 = arith.constant 0 : index
    %get3A_1 = vector.load %arg2[%get3A, %get3A_0] : memref<1024x128xf32, #tpu.memory_space<vmem>>, vector<1024x128xf32>
    %mul3A = arith.mulf %get3A_1, %get3A_1 : vector<1024x128xf32>
    %reduce_sum3A = arith.constant dense<0.000000e+00> : vector<1024xf32>
    %reduce_sum3A_2 = vector.multi_reduction <add>, %mul3A, %reduce_sum3A [1] : vector<1024x128xf32> to vector<1024xf32>
    %broadcast_in_dim3A = vector.shape_cast %reduce_sum3A_2 : vector<1024xf32> to vector<1024x1xf32>
    %add3A = arith.constant 9.99999993E-9 : f32
    %add3A_3 = vector.broadcast %add3A : f32 to vector<1024x1xf32>
    %add3A_4 = arith.addf %broadcast_in_dim3A, %add3A_3 : vector<1024x1xf32>
    %get3A_5 = arith.constant 0 : index
    %get3A_6 = arith.constant 0 : index
    %get3A_7 = vector.load %arg1[%get3A_5, %get3A_6] : memref<1024x128xf32, #tpu.memory_space<vmem>>, vector<1024x128xf32>
    %get3A_8 = arith.constant 0 : index
    %get3A_9 = arith.constant 0 : index
    %get3A_10 = vector.load %arg4[%get3A_8, %get3A_9] : memref<1x128xf32, #tpu.memory_space<vmem>>, vector<1x128xf32>
    %mul3A_11 = vector.broadcast %add3A_4 : vector<1024x1xf32> to vector<1024x128xf32>
    %mul3A_12 = vector.broadcast %get3A_10 : vector<1x128xf32> to vector<1024x128xf32>
    %mul3A_13 = arith.mulf %mul3A_11, %mul3A_12 : vector<1024x128xf32>
    %add3A_14 = arith.addf %get3A_7, %mul3A_13 : vector<1024x128xf32>
    %get3A_15 = arith.constant 0 : index
    %get3A_16 = arith.constant 0 : index
    %get3A_17 = vector.load %arg3[%get3A_15, %get3A_16] : memref<1024x16xf32, #tpu.memory_space<vmem>>, vector<1024x16xf32>
    %get3A_18 = arith.constant 0 : index
    %get3A_19 = arith.constant 0 : index
    %get3A_20 = vector.load %arg5[%get3A_18, %get3A_19] : memref<16x128xf32, #tpu.memory_space<vmem>>, vector<16x128xf32>
    %dot_general3A = arith.constant dense<0.000000e+00> : vector<1024x128xf32>
    %dot_general3A_21 = tpu.matmul %get3A_17, %get3A_20, %dot_general3A {dimension_numbers = #tpu.dot_dimension_numbers<[1], [0], [0], [1], [0, 0, 1, 1], [], []>, transpose_lhs_hint = false} : vector<1024x16xf32>, vector<16x128xf32>, vector<1024x128xf32> -> vector<1024x128xf32>
    %add3A_22 = arith.addf %add3A_14, %dot_general3A_21 : vector<1024x128xf32>
    %get3A_23 = arith.constant 0 : index
    %get3A_24 = arith.constant 0 : index
    %get3A_25 = vector.load %arg6[%get3A_23, %get3A_24] : memref<1x128xf32, #tpu.memory_space<vmem>>, vector<1x128xf32>
    %add3A_26 = vector.broadcast %get3A_25 : vector<1x128xf32> to vector<1024x128xf32>
    %add3A_27 = arith.addf %add3A_22, %add3A_26 : vector<1024x128xf32>
    %logistic3A = arith.negf %add3A_27 : vector<1024x128xf32>
    %logistic3A_28 = math.exp %logistic3A : vector<1024x128xf32>
    %logistic3A_29 = arith.constant 1.000000e+00 : f32
    %logistic3A_30 = vector.broadcast %logistic3A_29 : f32 to vector<1024x128xf32>
    %logistic3A_31 = arith.addf %logistic3A_30, %logistic3A_28 : vector<1024x128xf32>
    %logistic3A_32 = arith.divf %logistic3A_30, %logistic3A_31 : vector<1024x128xf32>
    %mul3A_33 = arith.mulf %add3A_27, %logistic3A_32 : vector<1024x128xf32>
    %get3A_34 = arith.constant 0 : index
    %get3A_35 = arith.constant 0 : index
    %get3A_36 = vector.load %arg7[%get3A_34, %get3A_35] : memref<128x128xf32, #tpu.memory_space<vmem>>, vector<128x128xf32>
    %dot_general3A_37 = arith.constant dense<0.000000e+00> : vector<1024x128xf32>
    %dot_general3A_38 = tpu.matmul %mul3A_33, %get3A_36, %dot_general3A_37 {dimension_numbers = #tpu.dot_dimension_numbers<[1], [0], [0], [1], [0, 0, 1, 1], [], []>, transpose_lhs_hint = false} : vector<1024x128xf32>, vector<128x128xf32>, vector<1024x128xf32> -> vector<1024x128xf32>
    %get3A_39 = arith.constant 0 : index
    %get3A_40 = arith.constant 0 : index
    %get3A_41 = vector.load %arg8[%get3A_39, %get3A_40] : memref<1x128xf32, #tpu.memory_space<vmem>>, vector<1x128xf32>
    %add3A_42 = vector.broadcast %get3A_41 : vector<1x128xf32> to vector<1024x128xf32>
    %add3A_43 = arith.addf %dot_general3A_38, %add3A_42 : vector<1024x128xf32>
    %logistic3A_44 = arith.negf %add3A_43 : vector<1024x128xf32>
    %logistic3A_45 = math.exp %logistic3A_44 : vector<1024x128xf32>
    %logistic3A_46 = arith.constant 1.000000e+00 : f32
    %logistic3A_47 = vector.broadcast %logistic3A_46 : f32 to vector<1024x128xf32>
    %logistic3A_48 = arith.addf %logistic3A_47, %logistic3A_45 : vector<1024x128xf32>
    %logistic3A_49 = arith.divf %logistic3A_47, %logistic3A_48 : vector<1024x128xf32>
    %mul3A_50 = arith.mulf %add3A_43, %logistic3A_49 : vector<1024x128xf32>
    %get3A_51 = arith.constant 0 : index
    %get3A_52 = arith.constant 0 : index
    %get3A_53 = vector.load %arg9[%get3A_51, %get3A_52] : memref<128x128xf32, #tpu.memory_space<vmem>>, vector<128x128xf32>
    %dot_general3A_54 = arith.constant dense<0.000000e+00> : vector<1024x128xf32>
    %dot_general3A_55 = tpu.matmul %mul3A_50, %get3A_53, %dot_general3A_54 {dimension_numbers = #tpu.dot_dimension_numbers<[1], [0], [0], [1], [0, 0, 1, 1], [], []>, transpose_lhs_hint = false} : vector<1024x128xf32>, vector<128x128xf32>, vector<1024x128xf32> -> vector<1024x128xf32>
    %get3A_56 = arith.constant 0 : index
    %get3A_57 = arith.constant 0 : index
    %get3A_58 = vector.load %arg10[%get3A_56, %get3A_57] : memref<1x128xf32, #tpu.memory_space<vmem>>, vector<1x128xf32>
    %add3A_59 = vector.broadcast %get3A_58 : vector<1x128xf32> to vector<1024x128xf32>
    %add3A_60 = arith.addf %dot_general3A_55, %add3A_59 : vector<1024x128xf32>
    %logistic3A_61 = arith.negf %add3A_60 : vector<1024x128xf32>
    %logistic3A_62 = math.exp %logistic3A_61 : vector<1024x128xf32>
    %logistic3A_63 = arith.constant 1.000000e+00 : f32
    %logistic3A_64 = vector.broadcast %logistic3A_63 : f32 to vector<1024x128xf32>
    %logistic3A_65 = arith.addf %logistic3A_64, %logistic3A_62 : vector<1024x128xf32>
    %logistic3A_66 = arith.divf %logistic3A_64, %logistic3A_65 : vector<1024x128xf32>
    %mul3A_67 = arith.mulf %add3A_60, %logistic3A_66 : vector<1024x128xf32>
    %get3A_68 = arith.constant 0 : index
    %get3A_69 = arith.constant 0 : index
    %get3A_70 = vector.load %arg11[%get3A_68, %get3A_69] : memref<1x128xf32, #tpu.memory_space<vmem>>, vector<1x128xf32>
    %mul3A_71 = vector.broadcast %get3A_70 : vector<1x128xf32> to vector<1024x128xf32>
    %mul3A_72 = arith.mulf %mul3A_67, %mul3A_71 : vector<1024x128xf32>
    %reduce_sum3A_73 = arith.constant dense<0.000000e+00> : vector<1024xf32>
    %reduce_sum3A_74 = vector.multi_reduction <add>, %mul3A_72, %reduce_sum3A_73 [1] : vector<1024x128xf32> to vector<1024xf32>
    %broadcast_in_dim3A_75 = vector.shape_cast %reduce_sum3A_74 : vector<1024xf32> to vector<1024x1xf32>
    %tanh3A = math.tanh %broadcast_in_dim3A_75 : vector<1024x1xf32>
    %swap3A = arith.constant 0 : index
    %swap3A_76 = arith.constant 0 : index
    %swap3A_77 = vector.load %arg12[%swap3A, %swap3A_76] : memref<1024x128xf32, #tpu.memory_space<vmem>>, vector<1024x128xf32>
    tpu.vector_store %arg12[%swap3A, %swap3A_76], %mul3A_50 {strides = array<i32>} : memref<1024x128xf32, #tpu.memory_space<vmem>>, vector<1024x128xf32>,
    %mul3A_78 = vector.broadcast %tanh3A : vector<1024x1xf32> to vector<1024x128xf32>
    %mul3A_79 = arith.mulf %get3A_1, %mul3A_78 : vector<1024x128xf32>
    %swap3A_80 = arith.constant 0 : index
    %swap3A_81 = arith.constant 0 : index
    %swap3A_82 = vector.load %arg13[%swap3A_80, %swap3A_81] : memref<1024x128xf32, #tpu.memory_space<vmem>>, vector<1024x128xf32>
    tpu.vector_store %arg13[%swap3A_80, %swap3A_81], %mul3A_79 {strides = array<i32>} : memref<1024x128xf32, #tpu.memory_space<vmem>>, vector<1024x128xf32>,
    return
  }
  func.func @transform_0(%arg0: i32) -> (i32, i32) {
    %c0_i32 = arith.constant 0 : i32
    %c0_i32_0 = arith.constant 0 : i32
    return %arg0, %c0_i32 : i32, i32
  }
  func.func @transform_1(%arg0: i32) -> (i32, i32) {
    %c0_i32 = arith.constant 0 : i32
    %c0_i32_0 = arith.constant 0 : i32
    return %arg0, %c0_i32 : i32, i32
  }
  func.func @transform_2(%arg0: i32) -> (i32, i32) {
    %c0_i32 = arith.constant 0 : i32
    %c0_i32_0 = arith.constant 0 : i32
    return %arg0, %c0_i32 : i32, i32
  }
  func.func @transform_3(%arg0: i32) -> (i32, i32) {
    %c0_i32 = arith.constant 0 : i32
    %c0_i32_0 = arith.constant 0 : i32
    %c0_i32_1 = arith.constant 0 : i32
    return %c0_i32, %c0_i32_0 : i32, i32
  }
  func.func @transform_4(%arg0: i32) -> (i32, i32) {
    %c0_i32 = arith.constant 0 : i32
    %c0_i32_0 = arith.constant 0 : i32
    %c0_i32_1 = arith.constant 0 : i32
    return %c0_i32, %c0_i32_0 : i32, i32
  }
  func.func @transform_5(%arg0: i32) -> (i32, i32) {
    %c0_i32 = arith.constant 0 : i32
    %c0_i32_0 = arith.constant 0 : i32
    %c0_i32_1 = arith.constant 0 : i32
    return %c0_i32, %c0_i32_0 : i32, i32
  }
  func.func @transform_6(%arg0: i32) -> (i32, i32) {
    %c0_i32 = arith.constant 0 : i32
    %c0_i32_0 = arith.constant 0 : i32
    %c0_i32_1 = arith.constant 0 : i32
    return %c0_i32, %c0_i32_0 : i32, i32
  }
  func.func @transform_7(%arg0: i32) -> (i32, i32) {
    %c0_i32 = arith.constant 0 : i32
    %c0_i32_0 = arith.constant 0 : i32
    %c0_i32_1 = arith.constant 0 : i32
    return %c0_i32, %c0_i32_0 : i32, i32
  }
  func.func @transform_8(%arg0: i32) -> (i32, i32) {
    %c0_i32 = arith.constant 0 : i32
    %c0_i32_0 = arith.constant 0 : i32
    %c0_i32_1 = arith.constant 0 : i32
    return %c0_i32, %c0_i32_0 : i32, i32
  }
  func.func @transform_9(%arg0: i32) -> (i32, i32) {
    %c0_i32 = arith.constant 0 : i32
    %c0_i32_0 = arith.constant 0 : i32
    %c0_i32_1 = arith.constant 0 : i32
    return %c0_i32, %c0_i32_0 : i32, i32
  }
  func.func @transform_10(%arg0: i32) -> (i32, i32) {
    %c0_i32 = arith.constant 0 : i32
    %c0_i32_0 = arith.constant 0 : i32
    %c0_i32_1 = arith.constant 0 : i32
    return %c0_i32, %c0_i32_0 : i32, i32
  }
  func.func @transform_11(%arg0: i32) -> (i32, i32) {
    %c0_i32 = arith.constant 0 : i32
    %c0_i32_0 = arith.constant 0 : i32
    return %arg0, %c0_i32 : i32, i32
  }
  func.func @transform_12(%arg0: i32) -> (i32, i32) {
    %c0_i32 = arith.constant 0 : i32
    %c0_i32_0 = arith.constant 0 : i32
    return %arg0, %c0_i32 : i32, i32
  }
}

module attributes {stable_mosaic.version = 14 : i64} {
  func.func @_node_body(%arg0: i32, %arg1: memref<1000x128xf32, #tpu.memory_space<vmem>>, %arg2: memref<1000x128xf32, #tpu.memory_space<vmem>>, %arg3: memref<1000x128xf32, #tpu.memory_space<vmem>>, %arg4: memref<1000x128xf32, #tpu.memory_space<vmem>>, %arg5: memref<1000x128xf32, #tpu.memory_space<vmem>>, %arg6: memref<1000x128xf32, #tpu.memory_space<vmem>>, %arg7: memref<128x128xf32, #tpu.memory_space<vmem>>, %arg8: memref<128x128xf32, #tpu.memory_space<vmem>>, %arg9: memref<1x128xf32, #tpu.memory_space<vmem>>, %arg10: memref<128x128xf32, #tpu.memory_space<vmem>>, %arg11: memref<1x128xf32, #tpu.memory_space<vmem>>, %arg12: memref<1000x128xf32, #tpu.memory_space<vmem>>, %arg13: memref<1000x128xf32, #tpu.memory_space<vmem>>) attributes {dimension_semantics = [#tpu.dimension_semantics<arbitrary>], iteration_bounds = array<i64: 10>, scalar_prefetch = 0 : i64, scratch_operands = 0 : i64, tpu.core_type = #tpu.core_type<tc>, window_params = [{transform_indices = @transform_0, window_bounds = array<i64: 1000, 128>}, {transform_indices = @transform_1, window_bounds = array<i64: 1000, 128>}, {transform_indices = @transform_2, window_bounds = array<i64: 1000, 128>}, {transform_indices = @transform_3, window_bounds = array<i64: 1000, 128>}, {transform_indices = @transform_4, window_bounds = array<i64: 1000, 128>}, {transform_indices = @transform_5, window_bounds = array<i64: 1000, 128>}, {pipeline_mode = #tpu.pipeline_mode<synchronous>, transform_indices = @transform_6, window_bounds = array<i64: 128, 128>}, {pipeline_mode = #tpu.pipeline_mode<synchronous>, transform_indices = @transform_7, window_bounds = array<i64: 128, 128>}, {pipeline_mode = #tpu.pipeline_mode<synchronous>, transform_indices = @transform_8, window_bounds = array<i64: 1, 128>}, {pipeline_mode = #tpu.pipeline_mode<synchronous>, transform_indices = @transform_9, window_bounds = array<i64: 128, 128>}, {pipeline_mode = #tpu.pipeline_mode<synchronous>, transform_indices = @transform_10, window_bounds = array<i64: 1, 128>}, {transform_indices = @transform_11, window_bounds = array<i64: 1000, 128>}, {transform_indices = @transform_12, window_bounds = array<i64: 1000, 128>}]} {
    %get3A = arith.constant 0 : index
    %get3A_0 = arith.constant 0 : index
    %get3A_1 = vector.load %arg3[%get3A, %get3A_0] : memref<1000x128xf32, #tpu.memory_space<vmem>>, vector<1000x128xf32>
    %get3A_2 = arith.constant 0 : index
    %get3A_3 = arith.constant 0 : index
    %get3A_4 = vector.load %arg4[%get3A_2, %get3A_3] : memref<1000x128xf32, #tpu.memory_space<vmem>>, vector<1000x128xf32>
    %add3A = arith.addf %get3A_1, %get3A_4 : vector<1000x128xf32>
    %mul3A = arith.constant 1.562500e-02 : f32
    %mul3A_5 = vector.broadcast %mul3A : f32 to vector<1000x128xf32>
    %mul3A_6 = arith.mulf %add3A, %mul3A_5 : vector<1000x128xf32>
    %get3A_7 = arith.constant 0 : index
    %get3A_8 = arith.constant 0 : index
    %get3A_9 = vector.load %arg1[%get3A_7, %get3A_8] : memref<1000x128xf32, #tpu.memory_space<vmem>>, vector<1000x128xf32>
    %get3A_10 = arith.constant 0 : index
    %get3A_11 = arith.constant 0 : index
    %get3A_12 = vector.load %arg7[%get3A_10, %get3A_11] : memref<128x128xf32, #tpu.memory_space<vmem>>, vector<128x128xf32>
    %dot_general3A = arith.constant dense<0.000000e+00> : vector<1000x128xf32>
    %dot_general3A_13 = tpu.matmul %get3A_9, %get3A_12, %dot_general3A {dimension_numbers = #tpu.dot_dimension_numbers<[1], [0], [0], [1], [0, 0, 1, 1], [], []>, transpose_lhs_hint = false} : vector<1000x128xf32>, vector<128x128xf32>, vector<1000x128xf32> -> vector<1000x128xf32>
    %get3A_14 = arith.constant 0 : index
    %get3A_15 = arith.constant 0 : index
    %get3A_16 = vector.load %arg8[%get3A_14, %get3A_15] : memref<128x128xf32, #tpu.memory_space<vmem>>, vector<128x128xf32>
    %dot_general3A_17 = arith.constant dense<0.000000e+00> : vector<1000x128xf32>
    %dot_general3A_18 = tpu.matmul %mul3A_6, %get3A_16, %dot_general3A_17 {dimension_numbers = #tpu.dot_dimension_numbers<[1], [0], [0], [1], [0, 0, 1, 1], [], []>, transpose_lhs_hint = false} : vector<1000x128xf32>, vector<128x128xf32>, vector<1000x128xf32> -> vector<1000x128xf32>
    %add3A_19 = arith.addf %dot_general3A_13, %dot_general3A_18 : vector<1000x128xf32>
    %get3A_20 = arith.constant 0 : index
    %get3A_21 = arith.constant 0 : index
    %get3A_22 = vector.load %arg9[%get3A_20, %get3A_21] : memref<1x128xf32, #tpu.memory_space<vmem>>, vector<1x128xf32>
    %add3A_23 = vector.broadcast %get3A_22 : vector<1x128xf32> to vector<1000x128xf32>
    %add3A_24 = arith.addf %add3A_19, %add3A_23 : vector<1000x128xf32>
    %logistic3A = arith.negf %add3A_24 : vector<1000x128xf32>
    %logistic3A_25 = math.exp %logistic3A : vector<1000x128xf32>
    %logistic3A_26 = arith.constant 1.000000e+00 : f32
    %logistic3A_27 = vector.broadcast %logistic3A_26 : f32 to vector<1000x128xf32>
    %logistic3A_28 = arith.addf %logistic3A_27, %logistic3A_25 : vector<1000x128xf32>
    %logistic3A_29 = arith.divf %logistic3A_27, %logistic3A_28 : vector<1000x128xf32>
    %mul3A_30 = arith.mulf %add3A_24, %logistic3A_29 : vector<1000x128xf32>
    %get3A_31 = arith.constant 0 : index
    %get3A_32 = arith.constant 0 : index
    %get3A_33 = vector.load %arg10[%get3A_31, %get3A_32] : memref<128x128xf32, #tpu.memory_space<vmem>>, vector<128x128xf32>
    %dot_general3A_34 = arith.constant dense<0.000000e+00> : vector<1000x128xf32>
    %dot_general3A_35 = tpu.matmul %mul3A_30, %get3A_33, %dot_general3A_34 {dimension_numbers = #tpu.dot_dimension_numbers<[1], [0], [0], [1], [0, 0, 1, 1], [], []>, transpose_lhs_hint = false} : vector<1000x128xf32>, vector<128x128xf32>, vector<1000x128xf32> -> vector<1000x128xf32>
    %get3A_36 = arith.constant 0 : index
    %get3A_37 = arith.constant 0 : index
    %get3A_38 = vector.load %arg11[%get3A_36, %get3A_37] : memref<1x128xf32, #tpu.memory_space<vmem>>, vector<1x128xf32>
    %add3A_39 = vector.broadcast %get3A_38 : vector<1x128xf32> to vector<1000x128xf32>
    %add3A_40 = arith.addf %dot_general3A_35, %add3A_39 : vector<1000x128xf32>
    %add3A_41 = arith.addf %get3A_9, %add3A_40 : vector<1000x128xf32>
    %swap3A = arith.constant 0 : index
    %swap3A_42 = arith.constant 0 : index
    %swap3A_43 = vector.load %arg12[%swap3A, %swap3A_42] : memref<1000x128xf32, #tpu.memory_space<vmem>>, vector<1000x128xf32>
    tpu.vector_store %arg12[%swap3A, %swap3A_42], %add3A_41 {strides = array<i32>} : memref<1000x128xf32, #tpu.memory_space<vmem>>, vector<1000x128xf32>,
    %get3A_44 = arith.constant 0 : index
    %get3A_45 = arith.constant 0 : index
    %get3A_46 = vector.load %arg2[%get3A_44, %get3A_45] : memref<1000x128xf32, #tpu.memory_space<vmem>>, vector<1000x128xf32>
    %get3A_47 = arith.constant 0 : index
    %get3A_48 = arith.constant 0 : index
    %get3A_49 = vector.load %arg5[%get3A_47, %get3A_48] : memref<1000x128xf32, #tpu.memory_space<vmem>>, vector<1000x128xf32>
    %get3A_50 = arith.constant 0 : index
    %get3A_51 = arith.constant 0 : index
    %get3A_52 = vector.load %arg6[%get3A_50, %get3A_51] : memref<1000x128xf32, #tpu.memory_space<vmem>>, vector<1000x128xf32>
    %add3A_53 = arith.addf %get3A_49, %get3A_52 : vector<1000x128xf32>
    %mul3A_54 = arith.constant 1.562500e-02 : f32
    %mul3A_55 = vector.broadcast %mul3A_54 : f32 to vector<1000x128xf32>
    %mul3A_56 = arith.mulf %add3A_53, %mul3A_55 : vector<1000x128xf32>
    %add3A_57 = arith.addf %get3A_46, %mul3A_56 : vector<1000x128xf32>
    %swap3A_58 = arith.constant 0 : index
    %swap3A_59 = arith.constant 0 : index
    %swap3A_60 = vector.load %arg13[%swap3A_58, %swap3A_59] : memref<1000x128xf32, #tpu.memory_space<vmem>>, vector<1000x128xf32>
    tpu.vector_store %arg13[%swap3A_58, %swap3A_59], %add3A_57 {strides = array<i32>} : memref<1000x128xf32, #tpu.memory_space<vmem>>, vector<1000x128xf32>,
    return
  }
  func.func @transform_0(%arg0: i32) -> (i32, i32) {
    %c0_i32 = arith.constant 0 : i32
    %c0_i32_0 = arith.constant 0 : i32
    return %arg0, %c0_i32 : i32, i32
  }
  func.func @transform_1(%arg0: i32) -> (i32, i32) {
    %c0_i32 = arith.constant 0 : i32
    %c0_i32_0 = arith.constant 0 : i32
    return %arg0, %c0_i32 : i32, i32
  }
  func.func @transform_2(%arg0: i32) -> (i32, i32) {
    %c0_i32 = arith.constant 0 : i32
    %c0_i32_0 = arith.constant 0 : i32
    return %arg0, %c0_i32 : i32, i32
  }
  func.func @transform_3(%arg0: i32) -> (i32, i32) {
    %c0_i32 = arith.constant 0 : i32
    %c0_i32_0 = arith.constant 0 : i32
    return %arg0, %c0_i32 : i32, i32
  }
  func.func @transform_4(%arg0: i32) -> (i32, i32) {
    %c0_i32 = arith.constant 0 : i32
    %c0_i32_0 = arith.constant 0 : i32
    return %arg0, %c0_i32 : i32, i32
  }
  func.func @transform_5(%arg0: i32) -> (i32, i32) {
    %c0_i32 = arith.constant 0 : i32
    %c0_i32_0 = arith.constant 0 : i32
    return %arg0, %c0_i32 : i32, i32
  }
  func.func @transform_6(%arg0: i32) -> (i32, i32) {
    %c0_i32 = arith.constant 0 : i32
    %c0_i32_0 = arith.constant 0 : i32
    %c0_i32_1 = arith.constant 0 : i32
    return %c0_i32, %c0_i32_0 : i32, i32
  }
  func.func @transform_7(%arg0: i32) -> (i32, i32) {
    %c0_i32 = arith.constant 0 : i32
    %c0_i32_0 = arith.constant 0 : i32
    %c0_i32_1 = arith.constant 0 : i32
    return %c0_i32, %c0_i32_0 : i32, i32
  }
  func.func @transform_8(%arg0: i32) -> (i32, i32) {
    %c0_i32 = arith.constant 0 : i32
    %c0_i32_0 = arith.constant 0 : i32
    %c0_i32_1 = arith.constant 0 : i32
    return %c0_i32, %c0_i32_0 : i32, i32
  }
  func.func @transform_9(%arg0: i32) -> (i32, i32) {
    %c0_i32 = arith.constant 0 : i32
    %c0_i32_0 = arith.constant 0 : i32
    %c0_i32_1 = arith.constant 0 : i32
    return %c0_i32, %c0_i32_0 : i32, i32
  }
  func.func @transform_10(%arg0: i32) -> (i32, i32) {
    %c0_i32 = arith.constant 0 : i32
    %c0_i32_0 = arith.constant 0 : i32
    %c0_i32_1 = arith.constant 0 : i32
    return %c0_i32, %c0_i32_0 : i32, i32
  }
  func.func @transform_11(%arg0: i32) -> (i32, i32) {
    %c0_i32 = arith.constant 0 : i32
    %c0_i32_0 = arith.constant 0 : i32
    return %arg0, %c0_i32 : i32, i32
  }
  func.func @transform_12(%arg0: i32) -> (i32, i32) {
    %c0_i32 = arith.constant 0 : i32
    %c0_i32_0 = arith.constant 0 : i32
    return %arg0, %c0_i32 : i32, i32
  }
}

</mosaic_0001>

<sc_bundles>
// kernel: kernel.10.cloned.1.call-start
scs
__scs_entry_jumppad:
0x0: {  	(pc) =	sbr.rel $0x88, $3  }
0x1: {  	(tag) =	ssettag $0x0;
	lr =	simm.s32 $0x1  }
0x2: {  	[smem:$0x3F92] =	sst lr;
	_ =	strace $0xD0000000  }
0x3: {  	_ = 	snop  }
0x4: {  	_ = 	snop  }
0x5: {  	_ = 	snop  }
0x6: {  	_ = 	snop  }
0x7: {  	_ = 	snop  }
__scs_overlays_trampoline_lowered:
0x8: {  	[smem:$0x3FA1] =	sst s0  }
0x9: {  	[smem:$0x3FA2] =	sst s1  }
0xa: {  	[smem:$0x3FA3] =	sst s2  }
0xb: {  	[smem:$0x3FA4] =	sst s3  }
0xc: {  	[smem:$0x3FA5] =	sst s4  }
0xd: {  	[smem:$0x3FA6] =	sst s5  }
0xe: {  	[smem:$0x3FA7] =	sst s6  }
0xf: {  	[smem:$0x3FA8] =	sst s7  }
0x10: {  	[smem:$0x3FA9] =	sst s8  }
0x11: {  	[smem:$0x3FAA] =	sst s9;
	s0 =	simm.s32 @!p0 $0x0  }
0x12: {  	s1 =	sld [smem:$0x3F90];
	s0 =	simm.s32 @p0 $0x1  }
0x13: {  	[smem:$0x3FAB] =	sst s0;
	s0 =	simm.s32 @!p1 $0x0  }
0x14: {  	s2 =	sld [smem:$0x3F8F];
	s0 =	simm.s32 @p1 $0x1  }
0x15: {  	[smem:$0x3FAC] =	sst s0;
	s0 =	simm.s32 @!p2 $0x0  }
0x16: {  	s3 =	sld [smem:$0x3FDB];
	s0 =	simm.s32 @p2 $0x1  }
0x17: {  	s4 =	simm.s32 $0x1BF5;
	[smem:$0x3FAE] =	sst s0  }
0x18: {  	s0 =	sld [smem:$0x3F91];
	_ =	swait.ge [sflag:s4], $0x0  }
0x19: {  	s7 =	sld [smem:$0x3F92]  }
0x1a: {  	s8 =	sadd.s32 $0xFFFFE003, lr  }
0x1b: {  	s9 =	sadd.s32 $0xFFFFFEF7, lr;
	s5 =	simm.s32 $0xFFFFFFFF;
	p2 =	slt.u32 s8, $0xFFFFF086  }
0x1c: {  	p1 =	slt.u32 s9, $0xF7A;
	s5 =	simm.s32 @!p2 $0x0  }
0x1d: {  	s5 =	simm.s32 @p1 $0x1;
	p0 =	seq.s32 s7, s2  }
0x1e: {  	s7 =	smul.u32 @!p0 $0xF7A, s2;
	p2 =	seq.s32 @!p0 s5, $0x0  }
0x1f: {  	s9 =	smul.u32 $0xF7A, s1;
	s8 =	simm.s32 @!p0 $0x1BF5;
	p2 =	por !p2, p0  }
0x20: {  	[sflag:s8] =	ssyncset.s32 @!p0 $0xFFFFF086;
	s6 =	sadd.s32 @!p0 s3, s7;
	s7 =	simm.s32 @!p0 $0x108  }
0x21: {  	s3 =	sadd.s32 s3, s9;
	s6 =	sadd.s32 @!p0 $0x88, s6;
	s7 =	simm.s32 @p2 $0x1082  }
0x22: {  	[simem:s7], [sflag:s8] =	dma.local @!p0 [hbm:s6], $0xF7A  }
0x23: {  	s9 =	sor.u32 $0xD0000000, s2;
	s6 =	simm.s32 $0x108;
	_ =	swait.ge @!p0 [sflag:s8], $0x0  }
0x24: {  	s3 =	sadd.s32 $0x88, s3;
	s6 =	simm.s32 @!p1 $0x1082;
	[sflag:s4] =	ssyncset.s32 $0xFFFFF086  }
0x25: {  	[simem:s6], [sflag:s4] =	dma.local [hbm:s3], $0xF7A  }
0x26: {  	[smem:$0x3F92] =	sst s1;
	(tag) =	ssettag s2;
	_ =	strace s9  }
0x27: {  	s1 =	sld [smem:$0x3FA2]  }
0x28: {  	s2 =	sld [smem:$0x3FA3]  }
0x29: {  	s4 =	sld [smem:$0x3FA5]  }
0x2a: {  	p0 =	seq.s32 s5, $0x0;
	s5 =	sld [smem:$0x3FA6]  }
0x2b: {  	s6 =	sld [smem:$0x3FA7]  }
0x2c: {  	s7 =	sld [smem:$0x3FA8]  }
0x2d: {  	s3 =	simm.s32 $0x108;
	s8 =	sld [smem:$0x3FA9]  }
0x2e: {  	s3 =	simm.s32 @!p0 $0x1082;
	s9 =	sld [smem:$0x3FAA]  }
0x2f: {  	lr =	sadd.s32 s0, s3;
	s0 =	sld [smem:$0x3FA1]  }
0x30: {  	s3 =	sld [smem:$0x3FA4]  }
0x31: {  	[smem:$0x3FAD] =	sst s10  }
0x32: {  	s10 =	sld [smem:$0x3FAB];
	_ =	sdelay $0x3  }
0x33: {  	p0 =	seq.s32 s10, $0x1;
	s10 =	sld [smem:$0x3FAD];
	_ =	sdelay $0x3  }
0x34: {  	[smem:$0x3FAD] =	sst s10  }
0x35: {  	s10 =	sld [smem:$0x3FAC];
	_ =	sdelay $0x3  }
0x36: {  	p1 =	seq.s32 s10, $0x1;
	s10 =	sld [smem:$0x3FAD];
	_ =	sdelay $0x3  }
0x37: {  	[smem:$0x3FAD] =	sst s10  }
0x38: {  	s10 =	sld [smem:$0x3FAE]  }
0x39: {  	_ = 	snop;
	(pc) =	sbr.ind lr, $3  }
0x3a: {  	_ = 	snop  }
0x3b: {  	_ = 	snop  }
0x3c: {  	p2 =	seq.s32 s10, $0x1;
	s10 =	sld [smem:$0x3FAD]  }
0x3d: {  	_ =	shalt  }
0x3e: {  	_ =	shalt  }
0x3f: {  	_ =	shalt  }
0x40: {  	_ =	shalt  }
0x41: {  	_ =	shalt  }
0x42: {  	_ =	shalt  }
0x43: {  	_ =	shalt  }
0x44: {  	_ =	shalt  }
0x45: {  	_ =	shalt  }
0x46: {  	_ =	shalt  }
0x47: {  	_ =	shalt  }
0x48: {  	_ =	shalt  }
0x49: {  	_ =	shalt  }
0x4a: {  	_ =	shalt  }
0x4b: {  	_ =	shalt  }
0x4c: {  	_ =	shalt  }
0x4d: {  	_ =	shalt  }
0x4e: {  	_ =	shalt  }
0x4f: {  	_ =	shalt  }
0x50: {  	_ =	shalt  }
0x51: {  	_ =	shalt  }
0x52: {  	_ =	shalt  }
0x53: {  	_ =	shalt  }
0x54: {  	_ =	shalt  }
0x55: {  	_ =	shalt  }
0x56: {  	_ =	shalt  }
0x57: {  	_ =	shalt  }
0x58: {  	_ =	shalt  }
0x59: {  	_ =	shalt  }
0x5a: {  	_ =	shalt  }
0x5b: {  	_ =	shalt  }
0x5c: {  	_ =	shalt  }
0x5d: {  	_ =	shalt  }
0x5e: {  	_ =	shalt  }
0x5f: {  	_ =	shalt  }
0x60: {  	_ =	shalt  }
0x61: {  	_ =	shalt  }
0x62: {  	_ =	shalt  }
0x63: {  	_ =	shalt  }
0x64: {  	_ =	shalt  }
0x65: {  	_ =	shalt  }
0x66: {  	_ =	shalt  }
0x67: {  	_ =	shalt  }
0x68: {  	_ =	shalt  }
0x69: {  	_ =	shalt  }
0x6a: {  	_ =	shalt  }
0x6b: {  	_ =	shalt  }
0x6c: {  	_ =	shalt  }
0x6d: {  	_ =	shalt  }
0x6e: {  	_ =	shalt  }
0x6f: {  	_ =	shalt  }
0x70: {  	_ =	shalt  }
0x71: {  	_ =	shalt  }
0x72: {  	_ =	shalt  }
0x73: {  	_ =	shalt  }
0x74: {  	_ =	shalt  }
0x75: {  	_ =	shalt  }
0x76: {  	_ =	shalt  }
0x77: {  	_ =	shalt  }
0x78: {  	_ =	shalt  }
0x79: {  	_ =	shalt  }
0x7a: {  	_ =	shalt  }
0x7b: {  	_ =	shalt  }
0x7c: {  	_ =	shalt  }
0x7d: {  	_ =	shalt  }
0x7e: {  	_ =	shalt  }
0x7f: {  	_ =	shalt  }
0x80: {  	_ =	shalt  }
0x81: {  	_ =	shalt  }
0x82: {  	_ =	shalt  }
0x83: {  	_ =	shalt  }
0x84: {  	_ =	shalt  }
0x85: {  	_ =	shalt  }
0x86: {  	_ =	shalt  }
0x87: {  	_ =	shalt  }
.Lfunc_end0:
.L_simem_size_0:
called_computation.1_lowered:
.L_overlay_start_0:
0x88: {  	s2 =	sld [smem:$0x3FD9]  }
0x89: {  	s3 =	sld [smem:$0x3FFE];
	_ =	sdelay $0x1  }
0x8a: {  	s1 =	srdreg.scid  }
0x8b: {  	s0 =	sand.u32 $0x1, s1  }
0x8c: {  	s14 =	sshll.u32 s0, $0xA;
	s2 =	sadd.s32 s3, s2  }
0x8d: {  	s2 =	sadd.s32 s2, s14  }
0x8e: {  	[smem:$0x3FB9] =	sst s2  }
0x8f: {  	_ = 	snop  }
0x90: {  	s2 =	sld [smem:$0x3FD0];
	_ =	sdelay $0x2  }
0x91: {  	s15 =	simm.s32 $0xA;
	s4 =	simm.s32 $0x10  }
0x92: {  	[smem:s4], [sflag:s15] =	dma.local [hbm:s2], $0x1  }
0x93: {  	_ =	swait.eq [sflag:s15], $0x1  }
0x94: {  	[sflag:s15] =	ssyncset.done $0x0  }
0x95: {  	[sflag:s15] =	ssyncadd.s32 $0xFFFFFFFF  }
0x96: {  	s16 =	sld [smem:$0x11];
	(tm) =	ssettm $0x1  }
0x97: {  	s17 =	sld [smem:$0x3FFB];
	_ =	sdelay $0x3  }
0x98: {  	_ =	strace s17  }
0x99: {  	s3 =	sld [smem:$0x3FFC];
	_ =	sdelay $0x3  }
0x9a: {  	_ =	strace s3  }
0x9b: {  	s3 =	sld [smem:$0x3FFD];
	_ =	sdelay $0x3  }
0x9c: {  	_ =	strace s3  }
0x9d: {  	_ =	strace $0x8FFFFFFF  }
0x9e: {  	s18 =	sld [smem:$0x3FDB];
	_ =	sdelay $0x1  }
0x9f: {  	s19 =	simm.s32 $_scs_section_size  }
0xa0: {  	s5 =	simm.s32 $_size__tile_overlayer_lowered;
	s6 =	simm.s32 $_tile_overlayer_lowered  }
0xa1: {  	s22 =	simm.s32 $0x1BFF;
	s21 =	sshll.u32 s6, $0x1;
	s3 =	sadd.s32 s19, s18  }
0xa2: {  	s7 =	simm.s32 $0x0;
	s20 =	sshll.u32 s5, $0x1;
	s5 =	sadd.s32 s21, s3  }
0xa3: {  	[timem:s7], [sflag:s22] =	dma.local [hbm:s5], s20  }
0xa4: {  	_ =	swait.ge [sflag:s22], s20  }
0xa5: {  	s4 =	ssub.s32 $0x0, s20;
	[sflag:s22] =	ssyncset.done $0x0  }
0xa6: {  	[sflag:s22] =	ssyncadd.s32 s4;
	_ =	sdelay $0x1  }
0xa7: {  	s23 =	simm.s32 $0x1B8B  }
0xa8: {  	_ =	swait.ge [sflag:s23], $0x1  }
0xa9: {  	[sflag:s23] =	ssyncset.done $0x0  }
0xaa: {  	s25 =	simm.s32 $0x1B8E;
	s24 =	sld [smem:$0x3FFE];
	[sflag:s23] =	ssyncadd.s32 $0xFFFFFFFF  }
0xab: {  	s26 =	simm.s32 $execute0_lowered;
	[smem:$0x3FD2] =	sst s25  }
0xac: {  	s5 =	sshll.u32 s26, $0x1;
	_ =	strace $0x80000049;
	[dreg:$0x1] =	wrdreg $0xFFFFFFFF  }
0xad: {  	s28 =	simm.s32 $_size_execute0_lowered;
	s3 =	sadd.s32 s3, s5;
	[dreg:$0x0] =	wrdreg $0x0  }
0xae: {  	s5 =	sshll.u32 s28, $0x1;
	[dreg:$0x2] =	wrdreg s3  }
0xaf: {  	[dreg:$0x3] =	wrdreg s5  }
0xb0: {  	[dreg:$0x4] =	wrdreg $0xC0  }
0xb1: {  	_ =	task [dreg:s7], $0x5FFFF  }
0xb2: {  	[dreg:$0x1] =	wrdreg $0xFFFFFFFF  }
0xb3: {  	[dreg:$0x0] =	wrdreg $0x60  }
0xb4: {  	[dreg:$0x2] =	wrdreg s24  }
0xb5: {  	[dreg:$0x3] =	wrdreg s16  }
0xb6: {  	[dreg:$0x4] =	wrdreg $0x61000  }
0xb7: {  	[dreg:$0x5] =	wrdreg $0x9  }
0xb8: {  	_ =	task.clear_ibuf [dreg:s7], $0x6FFFF;
	_ =	strace $0x90000049  }
0xb9: {  	s29 =	simm.s32 $0x9;
	_ =	strace $0x8000004B  }
0xba: {  	_ =	swait.ge [sflag:s29], $0x1  }
0xbb: {  	[sflag:s29] =	ssyncadd.s32 $0xFFFFFFFF  }
0xbc: {  	_ =	strace $0x9000004B  }
0xbd: {  	_ =	sfence  }
0xbe: {  	s30 =	sld [smem:$0x0];
	_ =	sdelay $0x2  }
0xbf: {  	s31 =	sshll.u32 s1, $0xD;
	s1 =	sshrl.u32 s1, $0x2  }
0xc0: {  	s3 =	sand.u32 $0x4000, s31;
	s1 =	sadd.s32 s1, s30  }
0xc1: {  	s0 =	sor.u32 s3, s0;
	s1 =	sshll.u32 s1, $0x11  }
0xc2: {  	s0 =	sor.u32 s1, s0  }
0xc3: {  	s0 =	sadd.s32 $0x8F2B, s0  }
0xc4: {  	[sflag:s0] =	ssyncadd.remote.s32 $0x1  }
0xc5: {  	_ =	sfence.sel $0xFFFF  }
0xc6: {  	[dreg:$0x0] =	wrdreg $0xFFFFFFFF;
	(pc) =	sbr.abs _section_cstart, $3  }
0xc7: {  	[dreg:$0x1] =	wrdreg $0xFFFFFFFF  }
0xc8: {  	_ =	task.clear_ibuf [dreg:s7], $0x2FFFF;
	_ =	strace $0x9FFFFFFF  }
0xc9: {  	(tm) =	ssettm $0x7FFFFFFF  }
tec
execute0_lowered:
.L_overlay_start_1:
0x0: {  	(tag) =	ssettag $0x1  }
0x1: {  	s0 =	rddreg [dreg:$0x0]  }
0x2: {  	s2 =	rddreg [dreg:$0x2];
	s3 =	simm.s32 $0x0;
	s4 =	srdreg.scid  }
0x3: {  	s19 =	stileid.u32;
	s28 =	simm.s32 $0x3;
	s29 =	simm.s32 $0x100  }
0x4: {  	s30 =	simm.s32 $0x80;
	s31 =	simm.s32 $0x2100;
	s1 =	sadd.s32 $0x1422E00, s0  }
0x5: {  	[smem:$0x7FF] =	sst s3;
	s5 =	sadd.s32 $0x1912E00, s0;
	s8 =	smul.u32 $0x50000, s19  }
0x6: {  	s4 =	sand.u32 $0x1, s4;
	s6 =	sadd.s32 $0xEE00, s0;
	s10 =	smul.u32 $0x4F00, s19  }
0x7: {  	s9 =	sadd.s32 $0x18C00, s0;
	s0 =	sadd.s32 $0x40C00, s0;
	s11 =	smul.u32 $0x4F000, s19  }
0x8: {  	s26 =	smul.u32 $0x9E0, s19;
	_ =	strace $0x8000004A;
	[dreg:$0x4] =	wrdreg s9  }
0x9: {  	s7 =	ssub.s32 $0x2, s4;
	[dreg:$0x5] =	wrdreg s0;
	p0 =	sne.s32 s4, $0x0  }
0xa: {  	s22 =	sshrl.u32 s7, $0x1;
	s24 =	sshrl.u32 s8, $0x2;
	s25 =	sshrl.u32 s10, $0x3  }
0xb: {  	s12 =	sor.u32 $0x40, s10;
	s9 =	sadd.s32 s5, s11;
	s13 =	sadd.s32 s1, s11  }
0xc: {  	s0 =	sadd.s32 s26, s6;
	s26 =	simm.s32 $0x4100;
	s23 =	ssub.s32 s7, s22  }
0xd: {  	s7 =	sadd.s32 s24, s2;
	s8 =	sadd.s32 s6, s25;
	s10 =	sshrl.u32 s12, $0x3  }
0xe: {  	s14 =	sshll.u32 s12, $0x4;
	s12 =	smul.u32 $0x2800, s19;
	s25 =	sadd.s32 $0x18, s0  }
0xf: {  	s0 =	simm.s32 $0x1;
	[dreg:$0x6] =	wrdreg s8;
	s10 =	sadd.s32 s6, s10  }
0x10: {  	s5 =	sadd.s32 s5, s14;
	s1 =	sadd.s32 s1, s14;
	s15 =	smax.u32 s23, $0x1  }
.Ltmp0:
0x11: {  	s16 =	sadd.s32 $0x2000, s7;
	s17 =	sadd.s32 $0x4000, s7;
	(pc) =	sbr.rel .LBB2_1-.Ltmp0, $4  }
0x12: {  	s18 =	sadd.s32 $0x6000, s7;
	s19 =	sadd.s32 $0x8000, s7;
	s20 =	sadd.s32 $0xA000, s7  }
0x13: {  	s21 =	sadd.s32 $0xC000, s7;
	s22 =	sadd.s32 $0xE000, s7;
	s23 =	sadd.s32 $0x10000, s7  }
0x14: {  	s24 =	sadd.s32 $0x12000, s7;
	s6 =	simm.s32 $0x0;
	[dreg:$0x7] =	wrdreg s5  }
0x15: {  	[dreg:$0x8] =	wrdreg s1;
	s1 =	simm.s32 $0x40;
	s5 =	simm.s32 $0x2  }
.LBB2_7:
0x16: {  	[tilespmem:s31], [sflag:$0x1] =	stream.linear.gather [hbm4b:s4+s3], $0x2000, $0x38;
	[tilespmem:$0x1A100] =	vst v63  }
0x17: {  	s11 =	rddreg [dreg:$0x5]  }
.LBB2_8:
0x18: {  	_ =	swait.ge [sflag:s0], $0x40  }
0x19: {  	[sflag:s0] =	ssyncset.done $0x0  }
0x1a: {  	[sflag:s0] =	ssyncadd.s32 $0xFFFFFFC0  }
0x1b: {  	_ =	swait.ge [sflag:s0], $0x2000  }
0x1c: {  	[sflag:s0] =	ssyncset.done $0x0  }
0x1d: {  	[sflag:s0] =	ssyncadd.s32 $0xFFFFE000  }
0x1e: {  	[spmem:s2] =	stream.indirect.scatter.add.f32 [tilespmem:s29], [sflag:$0x2], $0x80, s3, s1, $0xb8;
	[tilespmem:$0x1A100] =	vst v63  }
0x1f: {  	_ =	swait.ge [sflag:s0], $0x40  }
0x20: {  	[sflag:s0] =	ssyncset.done $0x0  }
0x21: {  	[sflag:s0] =	ssyncadd.s32 $0xFFFFFFC0  }
0x22: {  	_ =	swait.ge [sflag:s0], $0x2000  }
0x23: {  	[sflag:s0] =	ssyncset.done $0x0  }
0x24: {  	[sflag:s0] =	ssyncadd.s32 $0xFFFFE000  }
0x25: {  	[spmem:s2] =	stream.indirect.scatter.add.f32 [tilespmem:s31], [sflag:$0x2], $0x80, s30, s1, $0xb8;
	[tilespmem:$0x1A100] =	vst v63  }
0x26: {  	_ =	swait.ge [sflag:s5], $0x2000  }
0x27: {  	[sflag:s5] =	ssyncset.done $0x0  }
0x28: {  	[sflag:s5] =	ssyncadd.s32 $0xFFFFE000  }
0x29: {  	s4 =	sadd.s32 s11, s12;
	s8 =	stileid.u32;
	_ =	swait.ge [sflag:s5], $0x2000  }
0x2a: {  	s14 =	sshrl.u32 s7, $0x3;
	s6 =	sadd.s32 $0x1, s6;
	[sflag:s5] =	ssyncset.done $0x0  }
0x2b: {  	s8 =	sshll.u32 s8, $0x6;
	p1 =	sne.s32 s6, s15;
	[sflag:s5] =	ssyncadd.s32 $0xFFFFE000  }
.Ltmp1:
0x2c: {  	s8 =	sor.u32 $0x1C03, s8;
	[bflag:$0x0] =	sbarrier.arrive $0xFFFF;
	(pc) =	sbr.rel @!p1 .LBB2_9-.Ltmp1, $4  }
0x2d: {  	[hbm:s4], [sflag:s8] =	dma.local [spmem:s14], $0x2800  }
0x2e: {  	_ =	swait.ge [sflag:s28], $0x2800  }
0x2f: {  	[sflag:s28] =	ssyncset.done $0x0  }
0x30: {  	[sflag:s28] =	ssyncadd.s32 $0xFFFFD800  }
.LBB2_1:
0x31: {  	s4 =	rddreg [dreg:$0x1]  }
0x32: {  	[tilespmem:s26], [sflag:$0x3] =	stream.linear.gather [hbm4b:s4+s3], $0x2000, $0x38;
	[tilespmem:$0x1A100] =	vst v63  }
0x33: {  	_ =	swait.ge [sflag:s28], $0x2000  }
0x34: {  	[sflag:s28] =	ssyncset.done $0x0  }
0x35: {  	[sflag:s28] =	ssyncadd.s32 $0xFFFFE000  }
0x36: {  	[spmem:s7] =	stream.linear.scatter [tilespmem:s26], [sflag:$0x3], $0x2000, $0x38;
	[tilespmem:$0x1A100] =	vst v63  }
0x37: {  	_ =	swait.ge [sflag:s28], $0x2000  }
0x38: {  	[sflag:s28] =	ssyncset.done $0x0  }
0x39: {  	[sflag:s28] =	ssyncadd.s32 $0xFFFFE000  }
0x3a: {  	[spmem:s16] =	stream.linear.scatter [tilespmem:s26], [sflag:$0x3], $0x2000, $0x38;
	[tilespmem:$0x1A100] =	vst v63  }
0x3b: {  	_ =	swait.ge [sflag:s28], $0x2000  }
0x3c: {  	[sflag:s28] =	ssyncset.done $0x0  }
0x3d: {  	[sflag:s28] =	ssyncadd.s32 $0xFFFFE000  }
0x3e: {  	[spmem:s17] =	stream.linear.scatter [tilespmem:s26], [sflag:$0x3], $0x2000, $0x38;
	[tilespmem:$0x1A100] =	vst v63  }
0x3f: {  	_ =	swait.ge [sflag:s28], $0x2000  }
0x40: {  	[sflag:s28] =	ssyncset.done $0x0  }
0x41: {  	[sflag:s28] =	ssyncadd.s32 $0xFFFFE000  }
0x42: {  	[spmem:s18] =	stream.linear.scatter [tilespmem:s26], [sflag:$0x3], $0x2000, $0x38;
	[tilespmem:$0x1A100] =	vst v63  }
0x43: {  	_ =	swait.ge [sflag:s28], $0x2000  }
0x44: {  	[sflag:s28] =	ssyncset.done $0x0  }
0x45: {  	[sflag:s28] =	ssyncadd.s32 $0xFFFFE000  }
0x46: {  	[spmem:s19] =	stream.linear.scatter [tilespmem:s26], [sflag:$0x3], $0x2000, $0x38;
	[tilespmem:$0x1A100] =	vst v63  }
0x47: {  	_ =	swait.ge [sflag:s28], $0x2000  }
0x48: {  	[sflag:s28] =	ssyncset.done $0x0  }
0x49: {  	[sflag:s28] =	ssyncadd.s32 $0xFFFFE000  }
0x4a: {  	[spmem:s20] =	stream.linear.scatter [tilespmem:s26], [sflag:$0x3], $0x2000, $0x38;
	[tilespmem:$0x1A100] =	vst v63  }
0x4b: {  	_ =	swait.ge [sflag:s28], $0x2000  }
0x4c: {  	[sflag:s28] =	ssyncset.done $0x0  }
0x4d: {  	[sflag:s28] =	ssyncadd.s32 $0xFFFFE000  }
0x4e: {  	[spmem:s21] =	stream.linear.scatter [tilespmem:s26], [sflag:$0x3], $0x2000, $0x38;
	[tilespmem:$0x1A100] =	vst v63  }
0x4f: {  	_ =	swait.ge [sflag:s28], $0x2000  }
0x50: {  	[sflag:s28] =	ssyncset.done $0x0  }
0x51: {  	[sflag:s28] =	ssyncadd.s32 $0xFFFFE000  }
0x52: {  	[spmem:s22] =	stream.linear.scatter [tilespmem:s26], [sflag:$0x3], $0x2000, $0x38;
	[tilespmem:$0x1A100] =	vst v63  }
0x53: {  	_ =	swait.ge [sflag:s28], $0x2000  }
0x54: {  	[sflag:s28] =	ssyncset.done $0x0  }
0x55: {  	[sflag:s28] =	ssyncadd.s32 $0xFFFFE000  }
0x56: {  	[spmem:s23] =	stream.linear.scatter [tilespmem:s26], [sflag:$0x3], $0x2000, $0x38;
	[tilespmem:$0x1A100] =	vst v63  }
0x57: {  	_ =	swait.ge [sflag:s28], $0x2000  }
0x58: {  	[sflag:s28] =	ssyncset.done $0x0  }
0x59: {  	[sflag:s28] =	ssyncadd.s32 $0xFFFFE000  }
0x5a: {  	[spmem:s24] =	stream.linear.scatter [tilespmem:s26], [sflag:$0x3], $0x2000, $0x38;
	[tilespmem:$0x1A100] =	vst v63  }
0x5b: {  	_ =	swait.ge [sflag:s28], $0x2000  }
.Ltmp2:
0x5c: {  	[sflag:s28] =	ssyncset.done $0x0;
	(pc) =	sbr.rel @p0 .LBB2_5-.Ltmp2, $4  }
0x5d: {  	[sflag:s28] =	ssyncadd.s32 $0xFFFFE000  }
0x5e: {  	[bflag:$0x0] =	sbarrier.arrive $0xFFFF  }
0x5f: {  	s4 =	simm.s32 $0x0;
	s14 =	rddreg [dreg:$0x6]  }
0x60: {  	[tilespmem:s3], [sflag:$0x1] =	stream.linear.gather [hbm4b:s14+s3], $0x40, $0x38;
	[tilespmem:$0x1A100] =	vst v63  }
0x61: {  	[tilespmem:s29], [sflag:$0x1] =	stream.linear.gather [hbm4b:s13+s4], $0x2000, $0x38;
	[tilespmem:$0x1A100] =	vst v63  }
0x62: {  	_ = 	snop  }
0x63: {  	[tilespmem:s30], [sflag:$0x1] =	stream.linear.gather [hbm4b:s10+s4], $0x40, $0x38;
	[tilespmem:$0x1A100] =	vst v63  }
0x64: {  	s8 =	rddreg [dreg:$0x8]  }
0x65: {  	[tilespmem:s31], [sflag:$0x1] =	stream.linear.gather [hbm4b:s8+s4], $0x2000, $0x38;
	[tilespmem:$0x1A100] =	vst v63  }
0x66: {  	_ =	swait.ge [sflag:s0], $0x40  }
0x67: {  	[sflag:s0] =	ssyncset.done $0x0  }
0x68: {  	[sflag:s0] =	ssyncadd.s32 $0xFFFFFFC0  }
0x69: {  	_ =	swait.ge [sflag:s0], $0x2000  }
0x6a: {  	[sflag:s0] =	ssyncset.done $0x0  }
0x6b: {  	[sflag:s0] =	ssyncadd.s32 $0xFFFFE000  }
0x6c: {  	[spmem:s2] =	stream.indirect.scatter.add.f32 [tilespmem:s29], [sflag:$0x2], $0x80, s3, s1, $0xb8;
	[tilespmem:$0x1A100] =	vst v63  }
0x6d: {  	_ =	swait.ge [sflag:s5], $0x2000  }
0x6e: {  	[sflag:s5] =	ssyncset.done $0x0  }
0x6f: {  	s14 =	sadd.s32 $0x0, s13;
	s8 =	sadd.s32 $0xFFFFFFF8, s25;
	[sflag:s5] =	ssyncadd.s32 $0xFFFFE000  }
0x70: {  	[tilespmem:s3], [sflag:$0x1] =	stream.linear.gather [hbm4b:s8+s3], $0x40, $0x38;
	[tilespmem:$0x1A100] =	vst v63  }
0x71: {  	s11 =	sadd.s32 $0x800, s14  }
0x72: {  	[tilespmem:s29], [sflag:$0x1] =	stream.linear.gather [hbm4b:s11+s3], $0x2000, $0x38;
	[tilespmem:$0x1A100] =	vst v63  }
0x73: {  	_ =	swait.ge [sflag:s0], $0x40  }
0x74: {  	[sflag:s0] =	ssyncset.done $0x0  }
0x75: {  	[sflag:s0] =	ssyncadd.s32 $0xFFFFFFC0  }
0x76: {  	_ =	swait.ge [sflag:s0], $0x2000  }
0x77: {  	[sflag:s0] =	ssyncset.done $0x0  }
0x78: {  	[sflag:s0] =	ssyncadd.s32 $0xFFFFE000  }
0x79: {  	[spmem:s2] =	stream.indirect.scatter.add.f32 [tilespmem:s31], [sflag:$0x2], $0x80, s30, s1, $0xb8;
	[tilespmem:$0x1A100] =	vst v63  }
0x7a: {  	_ =	swait.ge [sflag:s5], $0x2000  }
0x7b: {  	s4 =	sadd.s32 $0xC00, s14;
	[sflag:s5] =	ssyncset.done $0x0  }
0x7c: {  	s14 =	sadd.s32 $0x10, s25;
	s11 =	simm.s32 $0x800;
	[sflag:s5] =	ssyncadd.s32 $0xFFFFE000  }
0x7d: {  	[tilespmem:s30], [sflag:$0x1] =	stream.linear.gather [hbm4b:s25+s3], $0x40, $0x38;
	[tilespmem:$0x1A100] =	vst v63  }
.LBB2_3:
0x7e: {  	[tilespmem:s31], [sflag:$0x1] =	stream.linear.gather [hbm4b:s4+s3], $0x2000, $0x38;
	[tilespmem:$0x1A100] =	vst v63  }
0x7f: {  	s4 =	smov.u32 s11  }
0x80: {  	p1 =	seq.s32 s11, $0x4E000;
	s11 =	sadd.s32 $0x800, s11;
	_ =	swait.ge [sflag:s0], $0x40  }
0x81: {  	[sflag:s0] =	ssyncset.done $0x0  }
0x82: {  	[sflag:s0] =	ssyncadd.s32 $0xFFFFFFC0  }
0x83: {  	_ =	swait.ge [sflag:s0], $0x2000  }
0x84: {  	[sflag:s0] =	ssyncset.done $0x0  }
0x85: {  	[sflag:s0] =	ssyncadd.s32 $0xFFFFE000  }
0x86: {  	[spmem:s2] =	stream.indirect.scatter.add.f32 [tilespmem:s29], [sflag:$0x2], $0x80, s3, s1, $0xb8;
	[tilespmem:$0x1A100] =	vst v63  }
0x87: {  	_ =	swait.ge [sflag:s5], $0x2000  }
0x88: {  	[sflag:s5] =	ssyncset.done $0x0  }
0x89: {  	s8 =	sadd.s32 $0xFFFFFFF8, s14;
	s4 =	sadd.s32 s4, s13;
	[sflag:s5] =	ssyncadd.s32 $0xFFFFE000  }
0x8a: {  	[tilespmem:s3], [sflag:$0x1] =	stream.linear.gather [hbm4b:s8+s3], $0x40, $0x38;
	[tilespmem:$0x1A100] =	vst v63  }
0x8b: {  	s8 =	sadd.s32 $0x800, s4  }
0x8c: {  	[tilespmem:s29], [sflag:$0x1] =	stream.linear.gather [hbm4b:s8+s3], $0x2000, $0x38;
	[tilespmem:$0x1A100] =	vst v63  }
0x8d: {  	_ =	swait.ge [sflag:s0], $0x40  }
0x8e: {  	[sflag:s0] =	ssyncset.done $0x0  }
0x8f: {  	[sflag:s0] =	ssyncadd.s32 $0xFFFFFFC0  }
0x90: {  	_ =	swait.ge [sflag:s0], $0x2000  }
0x91: {  	[sflag:s0] =	ssyncset.done $0x0  }
0x92: {  	[sflag:s0] =	ssyncadd.s32 $0xFFFFE000  }
0x93: {  	[spmem:s2] =	stream.indirect.scatter.add.f32 [tilespmem:s31], [sflag:$0x2], $0x80, s30, s1, $0xb8;
	[tilespmem:$0x1A100] =	vst v63  }
.Ltmp3:
0x94: {  	_ =	swait.ge [sflag:s5], $0x2000;
	(pc) =	sbr.rel @!p1 .LBB2_3-.Ltmp3, $4  }
0x95: {  	[sflag:s5] =	ssyncset.done $0x0  }
0x96: {  	[sflag:s5] =	ssyncadd.s32 $0xFFFFE000  }
0x97: {  	[tilespmem:s30], [sflag:$0x1] =	stream.linear.gather [hbm4b:s14+s3], $0x40, $0x38;
	[tilespmem:$0x1A100] =	vst v63  }
0x98: {  	s4 =	sadd.s32 $0xC00, s4;
	s14 =	sadd.s32 $0x10, s14  }
.Ltmp4:
0x99: {  	(pc) =	sbr.rel .LBB2_8-.Ltmp4, $3  }
0x9a: {  	_ =	sdelay $0x1  }
0x9b: {  	[tilespmem:s31], [sflag:$0x1] =	stream.linear.gather [hbm4b:s4+s3], $0x2000, $0x38;
	[tilespmem:$0x1A100] =	vst v63  }
0x9c: {  	s11 =	rddreg [dreg:$0x4]  }
.LBB2_5:
0x9d: {  	[tilespmem:s29], [sflag:$0x1] =	stream.linear.gather [hbm4b:s9+s4], $0x2000, $0x38;
	[tilespmem:$0x1A100] =	vst v63  }
0x9e: {  	_ = 	snop  }
0x9f: {  	[tilespmem:s30], [sflag:$0x1] =	stream.linear.gather [hbm4b:s10+s4], $0x40, $0x38;
	[tilespmem:$0x1A100] =	vst v63  }
0xa0: {  	s8 =	rddreg [dreg:$0x7]  }
0xa1: {  	[tilespmem:s31], [sflag:$0x1] =	stream.linear.gather [hbm4b:s8+s4], $0x2000, $0x38;
	[tilespmem:$0x1A100] =	vst v63  }
0xa2: {  	_ =	swait.ge [sflag:s0], $0x40  }
0xa3: {  	[sflag:s0] =	ssyncset.done $0x0  }
0xa4: {  	[sflag:s0] =	ssyncadd.s32 $0xFFFFFFC0  }
0xa5: {  	_ =	swait.ge [sflag:s0], $0x2000  }
0xa6: {  	[sflag:s0] =	ssyncset.done $0x0  }
0xa7: {  	[sflag:s0] =	ssyncadd.s32 $0xFFFFE000  }
0xa8: {  	[spmem:s2] =	stream.indirect.scatter.add.f32 [tilespmem:s29], [sflag:$0x2], $0x80, s3, s1, $0xb8;
	[tilespmem:$0x1A100] =	vst v63  }
0xa9: {  	_ =	swait.ge [sflag:s5], $0x2000  }
0xaa: {  	[sflag:s5] =	ssyncset.done $0x0  }
0xab: {  	s11 =	sadd.s32 $0xFFFFFFF8, s25;
	s8 =	sadd.s32 $0x0, s9;
	[sflag:s5] =	ssyncadd.s32 $0xFFFFE000  }
0xac: {  	[tilespmem:s3], [sflag:$0x1] =	stream.linear.gather [hbm4b:s11+s3], $0x40, $0x38;
	[tilespmem:$0x1A100] =	vst v63  }
0xad: {  	s14 =	sadd.s32 $0x800, s8  }
0xae: {  	[tilespmem:s29], [sflag:$0x1] =	stream.linear.gather [hbm4b:s14+s3], $0x2000, $0x38;
	[tilespmem:$0x1A100] =	vst v63  }
0xaf: {  	_ =	swait.ge [sflag:s0], $0x40  }
0xb0: {  	[sflag:s0] =	ssyncset.done $0x0  }
0xb1: {  	[sflag:s0] =	ssyncadd.s32 $0xFFFFFFC0  }
0xb2: {  	_ =	swait.ge [sflag:s0], $0x2000  }
0xb3: {  	[sflag:s0] =	ssyncset.done $0x0  }
0xb4: {  	[sflag:s0] =	ssyncadd.s32 $0xFFFFE000  }
0xb5: {  	[spmem:s2] =	stream.indirect.scatter.add.f32 [tilespmem:s31], [sflag:$0x2], $0x80, s30, s1, $0xb8;
	[tilespmem:$0x1A100] =	vst v63  }
0xb6: {  	_ =	swait.ge [sflag:s5], $0x2000  }
0xb7: {  	s4 =	sadd.s32 $0xC00, s8;
	[sflag:s5] =	ssyncset.done $0x0  }
0xb8: {  	s11 =	simm.s32 $0x800;
	s14 =	sadd.s32 $0x10, s25;
	[sflag:s5] =	ssyncadd.s32 $0xFFFFE000  }
0xb9: {  	[tilespmem:s30], [sflag:$0x1] =	stream.linear.gather [hbm4b:s25+s3], $0x40, $0x38;
	[tilespmem:$0x1A100] =	vst v63  }
.LBB2_6:
0xba: {  	[tilespmem:s31], [sflag:$0x1] =	stream.linear.gather [hbm4b:s4+s3], $0x2000, $0x38;
	[tilespmem:$0x1A100] =	vst v63  }
0xbb: {  	s4 =	smov.u32 s11  }
0xbc: {  	p1 =	sne.s32 s11, $0x4E000;
	s11 =	sadd.s32 $0x800, s11;
	_ =	swait.ge [sflag:s0], $0x40  }
0xbd: {  	[sflag:s0] =	ssyncset.done $0x0  }
0xbe: {  	[sflag:s0] =	ssyncadd.s32 $0xFFFFFFC0  }
0xbf: {  	_ =	swait.ge [sflag:s0], $0x2000  }
0xc0: {  	[sflag:s0] =	ssyncset.done $0x0  }
0xc1: {  	[sflag:s0] =	ssyncadd.s32 $0xFFFFE000  }
0xc2: {  	[spmem:s2] =	stream.indirect.scatter.add.f32 [tilespmem:s29], [sflag:$0x2], $0x80, s3, s1, $0xb8;
	[tilespmem:$0x1A100] =	vst v63  }
0xc3: {  	_ =	swait.ge [sflag:s5], $0x2000  }
0xc4: {  	[sflag:s5] =	ssyncset.done $0x0  }
0xc5: {  	s8 =	sadd.s32 $0xFFFFFFF8, s14;
	s4 =	sadd.s32 s4, s9;
	[sflag:s5] =	ssyncadd.s32 $0xFFFFE000  }
0xc6: {  	[tilespmem:s3], [sflag:$0x1] =	stream.linear.gather [hbm4b:s8+s3], $0x40, $0x38;
	[tilespmem:$0x1A100] =	vst v63  }
0xc7: {  	s8 =	sadd.s32 $0x800, s4  }
0xc8: {  	[tilespmem:s29], [sflag:$0x1] =	stream.linear.gather [hbm4b:s8+s3], $0x2000, $0x38;
	[tilespmem:$0x1A100] =	vst v63  }
0xc9: {  	_ =	swait.ge [sflag:s0], $0x40  }
0xca: {  	[sflag:s0] =	ssyncset.done $0x0  }
0xcb: {  	[sflag:s0] =	ssyncadd.s32 $0xFFFFFFC0  }
0xcc: {  	_ =	swait.ge [sflag:s0], $0x2000  }
0xcd: {  	[sflag:s0] =	ssyncset.done $0x0  }
0xce: {  	[sflag:s0] =	ssyncadd.s32 $0xFFFFE000  }
0xcf: {  	[spmem:s2] =	stream.indirect.scatter.add.f32 [tilespmem:s31], [sflag:$0x2], $0x80, s30, s1, $0xb8;
	[tilespmem:$0x1A100] =	vst v63  }
.Ltmp5:
0xd0: {  	_ =	swait.ge [sflag:s5], $0x2000;
	(pc) =	sbr.rel @p1 .LBB2_6-.Ltmp5, $4  }
0xd1: {  	[sflag:s5] =	ssyncset.done $0x0  }
0xd2: {  	[sflag:s5] =	ssyncadd.s32 $0xFFFFE000  }
0xd3: {  	[tilespmem:s30], [sflag:$0x1] =	stream.linear.gather [hbm4b:s14+s3], $0x40, $0x38;
	[tilespmem:$0x1A100] =	vst v63  }
0xd4: {  	s4 =	sadd.s32 $0xC00, s4;
	s14 =	sadd.s32 $0x10, s14  }
.Ltmp6:
0xd5: {  	_ = 	snop;
	(pc) =	sbr.rel .LBB2_7-.Ltmp6, $1  }
0xd6: {  	_ =	sdelay $0x3  }
.LBB2_9:
0xd7: {  	_ =	sfence.sel $0x180000  }
0xd8: {  	[bflag:$0x0] =	sbarrier.arrive $0xFFFF  }
0xd9: {  	_ =	strace $0x9000004A  }
0xda: {  	s0 =	stileid.u32;
	[bflag:$0x2] =	sbarrier.arrive $0xFFFF  }
0xdb: {  	p0 =	sne.s32 s0, $0x0;
	s0 =	rddreg [dreg:$0x3]  }
0xdc: {  	s0 =	sadd.s32 @!p0 $0x100000, s0  }
0xdd: {  	[sflag:s0] =	ssyncadd.tile.s32 @!p0 $0x1;
	_ =	shalt  }
.Lfunc_end2:
_tile_overlayer_lowered:
.L_overlay_start_2:
0xde: {  	(tag) =	ssettag $0x2  }
0xdf: {  	s0 =	rddreg [dreg:$0x0];
	s2 =	stileid.u32  }
0xe0: {  	s1 =	rddreg [dreg:$0x1];
	p0 =	sne.s32 s2, $0x0  }
0xe1: {  	s3 =	rddreg [dreg:$0x2];
	[bflag:$0x3] =	sbarrier.arrive $0xFFFF;
	s2 =	simm.s32 @!p0 $0x1C03  }
0xe2: {  	[timem:s3], [sflag:s2] =	dma.local @!p0 [hbm:s0], s1  }
0xe3: {  	s0 =	simm.s32 @!p0 $0x3  }
0xe4: {  	_ =	swait.ge @!p0 [sflag:s0], s1  }
0xe5: {  	s1 =	ssub.s32 @!p0 $0x0, s1;
	[sflag:s0] =	ssyncset.done @!p0 $0x0  }
0xe6: {  	[sflag:s0] =	ssyncadd.s32 @!p0 s1  }
0xe7: {  	[bflag:$0x3] =	sbarrier.arrive $0xFFFF  }
0xe8: {  	_ =	shalt  }

// kernel: kernel.7.cloned.1.call-start
scs
__scs_entry_jumppad:
0x0: {  	(pc) =	sbr.rel $0x88, $3  }
0x1: {  	(tag) =	ssettag $0x0;
	lr =	simm.s32 $0x1  }
0x2: {  	[smem:$0x3F92] =	sst lr;
	_ =	strace $0xD0000000  }
0x3: {  	_ = 	snop  }
0x4: {  	_ = 	snop  }
0x5: {  	_ = 	snop  }
0x6: {  	_ = 	snop  }
0x7: {  	_ = 	snop  }
__scs_overlays_trampoline_lowered:
0x8: {  	[smem:$0x3FA1] =	sst s0  }
0x9: {  	[smem:$0x3FA2] =	sst s1  }
0xa: {  	[smem:$0x3FA3] =	sst s2  }
0xb: {  	[smem:$0x3FA4] =	sst s3  }
0xc: {  	[smem:$0x3FA5] =	sst s4  }
0xd: {  	[smem:$0x3FA6] =	sst s5  }
0xe: {  	[smem:$0x3FA7] =	sst s6  }
0xf: {  	[smem:$0x3FA8] =	sst s7  }
0x10: {  	[smem:$0x3FA9] =	sst s8  }
0x11: {  	[smem:$0x3FAA] =	sst s9;
	s0 =	simm.s32 @!p0 $0x0  }
0x12: {  	s1 =	sld [smem:$0x3F90];
	s0 =	simm.s32 @p0 $0x1  }
0x13: {  	[smem:$0x3FAB] =	sst s0;
	s0 =	simm.s32 @!p1 $0x0  }
0x14: {  	s2 =	sld [smem:$0x3F8F];
	s0 =	simm.s32 @p1 $0x1  }
0x15: {  	[smem:$0x3FAC] =	sst s0;
	s0 =	simm.s32 @!p2 $0x0  }
0x16: {  	s3 =	sld [smem:$0x3FDB];
	s0 =	simm.s32 @p2 $0x1  }
0x17: {  	s4 =	simm.s32 $0x1BF5;
	[smem:$0x3FAE] =	sst s0  }
0x18: {  	s0 =	sld [smem:$0x3F91];
	_ =	swait.ge [sflag:s4], $0x0  }
0x19: {  	s7 =	sld [smem:$0x3F92]  }
0x1a: {  	s8 =	sadd.s32 $0xFFFFE003, lr  }
0x1b: {  	s9 =	sadd.s32 $0xFFFFFEF7, lr;
	s5 =	simm.s32 $0xFFFFFFFF;
	p2 =	slt.u32 s8, $0xFFFFF086  }
0x1c: {  	p1 =	slt.u32 s9, $0xF7A;
	s5 =	simm.s32 @!p2 $0x0  }
0x1d: {  	s5 =	simm.s32 @p1 $0x1;
	p0 =	seq.s32 s7, s2  }
0x1e: {  	s7 =	smul.u32 @!p0 $0xF7A, s2;
	p2 =	seq.s32 @!p0 s5, $0x0  }
0x1f: {  	s9 =	smul.u32 $0xF7A, s1;
	s8 =	simm.s32 @!p0 $0x1BF5;
	p2 =	por !p2, p0  }
0x20: {  	[sflag:s8] =	ssyncset.s32 @!p0 $0xFFFFF086;
	s6 =	sadd.s32 @!p0 s3, s7;
	s7 =	simm.s32 @!p0 $0x108  }
0x21: {  	s3 =	sadd.s32 s3, s9;
	s6 =	sadd.s32 @!p0 $0x88, s6;
	s7 =	simm.s32 @p2 $0x1082  }
0x22: {  	[simem:s7], [sflag:s8] =	dma.local @!p0 [hbm:s6], $0xF7A  }
0x23: {  	s9 =	sor.u32 $0xD0000000, s2;
	s6 =	simm.s32 $0x108;
	_ =	swait.ge @!p0 [sflag:s8], $0x0  }
0x24: {  	s3 =	sadd.s32 $0x88, s3;
	s6 =	simm.s32 @!p1 $0x1082;
	[sflag:s4] =	ssyncset.s32 $0xFFFFF086  }
0x25: {  	[simem:s6], [sflag:s4] =	dma.local [hbm:s3], $0xF7A  }
0x26: {  	[smem:$0x3F92] =	sst s1;
	(tag) =	ssettag s2;
	_ =	strace s9  }
0x27: {  	s1 =	sld [smem:$0x3FA2]  }
0x28: {  	s2 =	sld [smem:$0x3FA3]  }
0x29: {  	s4 =	sld [smem:$0x3FA5]  }
0x2a: {  	p0 =	seq.s32 s5, $0x0;
	s5 =	sld [smem:$0x3FA6]  }
0x2b: {  	s6 =	sld [smem:$0x3FA7]  }
0x2c: {  	s7 =	sld [smem:$0x3FA8]  }
0x2d: {  	s3 =	simm.s32 $0x108;
	s8 =	sld [smem:$0x3FA9]  }
0x2e: {  	s3 =	simm.s32 @!p0 $0x1082;
	s9 =	sld [smem:$0x3FAA]  }
0x2f: {  	lr =	sadd.s32 s0, s3;
	s0 =	sld [smem:$0x3FA1]  }
0x30: {  	s3 =	sld [smem:$0x3FA4]  }
0x31: {  	[smem:$0x3FAD] =	sst s10  }
0x32: {  	s10 =	sld [smem:$0x3FAB];
	_ =	sdelay $0x3  }
0x33: {  	p0 =	seq.s32 s10, $0x1;
	s10 =	sld [smem:$0x3FAD];
	_ =	sdelay $0x3  }
0x34: {  	[smem:$0x3FAD] =	sst s10  }
0x35: {  	s10 =	sld [smem:$0x3FAC];
	_ =	sdelay $0x3  }
0x36: {  	p1 =	seq.s32 s10, $0x1;
	s10 =	sld [smem:$0x3FAD];
	_ =	sdelay $0x3  }
0x37: {  	[smem:$0x3FAD] =	sst s10  }
0x38: {  	s10 =	sld [smem:$0x3FAE]  }
0x39: {  	_ = 	snop;
	(pc) =	sbr.ind lr, $3  }
0x3a: {  	_ = 	snop  }
0x3b: {  	_ = 	snop  }
0x3c: {  	p2 =	seq.s32 s10, $0x1;
	s10 =	sld [smem:$0x3FAD]  }
0x3d: {  	_ =	shalt  }
0x3e: {  	_ =	shalt  }
0x3f: {  	_ =	shalt  }
0x40: {  	_ =	shalt  }
0x41: {  	_ =	shalt  }
0x42: {  	_ =	shalt  }
0x43: {  	_ =	shalt  }
0x44: {  	_ =	shalt  }
0x45: {  	_ =	shalt  }
0x46: {  	_ =	shalt  }
0x47: {  	_ =	shalt  }
0x48: {  	_ =	shalt  }
0x49: {  	_ =	shalt  }
0x4a: {  	_ =	shalt  }
0x4b: {  	_ =	shalt  }
0x4c: {  	_ =	shalt  }
0x4d: {  	_ =	shalt  }
0x4e: {  	_ =	shalt  }
0x4f: {  	_ =	shalt  }
0x50: {  	_ =	shalt  }
0x51: {  	_ =	shalt  }
0x52: {  	_ =	shalt  }
0x53: {  	_ =	shalt  }
0x54: {  	_ =	shalt  }
0x55: {  	_ =	shalt  }
0x56: {  	_ =	shalt  }
0x57: {  	_ =	shalt  }
0x58: {  	_ =	shalt  }
0x59: {  	_ =	shalt  }
0x5a: {  	_ =	shalt  }
0x5b: {  	_ =	shalt  }
0x5c: {  	_ =	shalt  }
0x5d: {  	_ =	shalt  }
0x5e: {  	_ =	shalt  }
0x5f: {  	_ =	shalt  }
0x60: {  	_ =	shalt  }
0x61: {  	_ =	shalt  }
0x62: {  	_ =	shalt  }
0x63: {  	_ =	shalt  }
0x64: {  	_ =	shalt  }
0x65: {  	_ =	shalt  }
0x66: {  	_ =	shalt  }
0x67: {  	_ =	shalt  }
0x68: {  	_ =	shalt  }
0x69: {  	_ =	shalt  }
0x6a: {  	_ =	shalt  }
0x6b: {  	_ =	shalt  }
0x6c: {  	_ =	shalt  }
0x6d: {  	_ =	shalt  }
0x6e: {  	_ =	shalt  }
0x6f: {  	_ =	shalt  }
0x70: {  	_ =	shalt  }
0x71: {  	_ =	shalt  }
0x72: {  	_ =	shalt  }
0x73: {  	_ =	shalt  }
0x74: {  	_ =	shalt  }
0x75: {  	_ =	shalt  }
0x76: {  	_ =	shalt  }
0x77: {  	_ =	shalt  }
0x78: {  	_ =	shalt  }
0x79: {  	_ =	shalt  }
0x7a: {  	_ =	shalt  }
0x7b: {  	_ =	shalt  }
0x7c: {  	_ =	shalt  }
0x7d: {  	_ =	shalt  }
0x7e: {  	_ =	shalt  }
0x7f: {  	_ =	shalt  }
0x80: {  	_ =	shalt  }
0x81: {  	_ =	shalt  }
0x82: {  	_ =	shalt  }
0x83: {  	_ =	shalt  }
0x84: {  	_ =	shalt  }
0x85: {  	_ =	shalt  }
0x86: {  	_ =	shalt  }
0x87: {  	_ =	shalt  }
.Lfunc_end0:
.L_simem_size_0:
called_computation_lowered:
.L_overlay_start_0:
0x88: {  	s2 =	sld [smem:$0x3FD9]  }
0x89: {  	s3 =	sld [smem:$0x3FFE];
	_ =	sdelay $0x1  }
0x8a: {  	s1 =	srdreg.scid  }
0x8b: {  	s0 =	sand.u32 $0x1, s1  }
0x8c: {  	s14 =	sshll.u32 s0, $0xA;
	s2 =	sadd.s32 s3, s2  }
0x8d: {  	s2 =	sadd.s32 s2, s14  }
0x8e: {  	[smem:$0x3FB9] =	sst s2  }
0x8f: {  	_ = 	snop  }
0x90: {  	s2 =	sld [smem:$0x3FD0];
	_ =	sdelay $0x2  }
0x91: {  	s15 =	simm.s32 $0xA;
	s4 =	simm.s32 $0x10  }
0x92: {  	[smem:s4], [sflag:s15] =	dma.local [hbm:s2], $0x1  }
0x93: {  	_ =	swait.eq [sflag:s15], $0x1  }
0x94: {  	[sflag:s15] =	ssyncset.done $0x0  }
0x95: {  	[sflag:s15] =	ssyncadd.s32 $0xFFFFFFFF  }
0x96: {  	s16 =	sld [smem:$0x10];
	(tm) =	ssettm $0x1  }
0x97: {  	s17 =	sld [smem:$0x3FFB];
	_ =	sdelay $0x3  }
0x98: {  	_ =	strace s17  }
0x99: {  	s3 =	sld [smem:$0x3FFC];
	_ =	sdelay $0x3  }
0x9a: {  	_ =	strace s3  }
0x9b: {  	s3 =	sld [smem:$0x3FFD];
	_ =	sdelay $0x3  }
0x9c: {  	_ =	strace s3  }
0x9d: {  	_ =	strace $0x8FFFFFFF  }
0x9e: {  	s18 =	sld [smem:$0x3FDB];
	_ =	sdelay $0x1  }
0x9f: {  	s19 =	simm.s32 $_scs_section_size  }
0xa0: {  	s5 =	simm.s32 $_size__tile_overlayer_lowered;
	s6 =	simm.s32 $_tile_overlayer_lowered  }
0xa1: {  	s22 =	simm.s32 $0x1BFF;
	s21 =	sshll.u32 s6, $0x1;
	s3 =	sadd.s32 s19, s18  }
0xa2: {  	s7 =	simm.s32 $0x0;
	s20 =	sshll.u32 s5, $0x1;
	s5 =	sadd.s32 s21, s3  }
0xa3: {  	[timem:s7], [sflag:s22] =	dma.local [hbm:s5], s20  }
0xa4: {  	_ =	swait.ge [sflag:s22], s20  }
0xa5: {  	s4 =	ssub.s32 $0x0, s20;
	[sflag:s22] =	ssyncset.done $0x0  }
0xa6: {  	[sflag:s22] =	ssyncadd.s32 s4;
	_ =	sdelay $0x1  }
0xa7: {  	s23 =	simm.s32 $0x1B8B  }
0xa8: {  	_ =	swait.ge [sflag:s23], $0x1  }
0xa9: {  	[sflag:s23] =	ssyncset.done $0x0  }
0xaa: {  	s25 =	simm.s32 $0x1B8E;
	s24 =	sld [smem:$0x3FFE];
	[sflag:s23] =	ssyncadd.s32 $0xFFFFFFFF  }
0xab: {  	s26 =	simm.s32 $execute0_lowered;
	[smem:$0x3FD2] =	sst s25  }
0xac: {  	s5 =	sshll.u32 s26, $0x1;
	_ =	strace $0x80000046;
	[dreg:$0x1] =	wrdreg $0xFFFFFFFF  }
0xad: {  	s28 =	simm.s32 $_size_execute0_lowered;
	s3 =	sadd.s32 s3, s5;
	[dreg:$0x0] =	wrdreg $0x0  }
0xae: {  	s5 =	sshll.u32 s28, $0x1;
	[dreg:$0x2] =	wrdreg s3  }
0xaf: {  	[dreg:$0x3] =	wrdreg s5  }
0xb0: {  	[dreg:$0x4] =	wrdreg $0xC0  }
0xb1: {  	_ =	task [dreg:s7], $0x5FFFF  }
0xb2: {  	[dreg:$0x1] =	wrdreg $0xFFFFFFFF  }
0xb3: {  	[dreg:$0x0] =	wrdreg $0x60  }
0xb4: {  	[dreg:$0x2] =	wrdreg s24  }
0xb5: {  	[dreg:$0x3] =	wrdreg s16  }
0xb6: {  	[dreg:$0x4] =	wrdreg $0x9  }
0xb7: {  	_ =	task.clear_ibuf [dreg:s7], $0x5FFFF;
	_ =	strace $0x90000046  }
0xb8: {  	s29 =	simm.s32 $0x9;
	_ =	strace $0x80000048  }
0xb9: {  	_ =	swait.ge [sflag:s29], $0x1  }
0xba: {  	[sflag:s29] =	ssyncadd.s32 $0xFFFFFFFF  }
0xbb: {  	_ =	strace $0x90000048  }
0xbc: {  	_ =	sfence  }
0xbd: {  	s30 =	sld [smem:$0x0];
	_ =	sdelay $0x2  }
0xbe: {  	s31 =	sshll.u32 s1, $0xD;
	s1 =	sshrl.u32 s1, $0x2  }
0xbf: {  	s3 =	sand.u32 $0x4000, s31;
	s1 =	sadd.s32 s1, s30  }
0xc0: {  	s0 =	sor.u32 s3, s0;
	s1 =	sshll.u32 s1, $0x11  }
0xc1: {  	s0 =	sor.u32 s1, s0  }
0xc2: {  	s0 =	sadd.s32 $0x8F2B, s0  }
0xc3: {  	[sflag:s0] =	ssyncadd.remote.s32 $0x1  }
0xc4: {  	_ =	sfence.sel $0xFFFF  }
0xc5: {  	[dreg:$0x0] =	wrdreg $0xFFFFFFFF;
	(pc) =	sbr.abs _section_cstart, $3  }
0xc6: {  	[dreg:$0x1] =	wrdreg $0xFFFFFFFF  }
0xc7: {  	_ =	task.clear_ibuf [dreg:s7], $0x2FFFF;
	_ =	strace $0x9FFFFFFF  }
0xc8: {  	(tm) =	ssettm $0x7FFFFFFF  }
0xc9: {  	_ =	shalt  }
tec
execute0_lowered:
.L_overlay_start_1:
0x0: {  	(tag) =	ssettag $0x1  }
0x1: {  	s0 =	rddreg [dreg:$0x0]  }
0x2: {  	s2 =	rddreg [dreg:$0x1];
	s3 =	simm.s32 $0x0;
	s1 =	srdreg.scid  }
0x3: {  	s4 =	stileid.u32;
	s19 =	simm.s32 $0x3;
	s21 =	simm.s32 $0x40  }
0x4: {  	s22 =	simm.s32 $0x200;
	s28 =	simm.s32 $0x180;
	s29 =	simm.s32 $0x2200  }
0x5: {  	s31 =	simm.s32 $0xA200;
	s23 =	simm.s32 $0x2;
	[smem:$0x7FF] =	sst s3  }
0x6: {  	s1 =	sand.u32 $0x1, s1;
	s5 =	sshll.u32 s4, $0x1;
	s4 =	sadd.s32 $0x22A00, s0  }
0x7: {  	s6 =	sadd.s32 $0x5000, s0;
	s7 =	sadd.s32 $0x18C00, s0;
	s8 =	sadd.s32 $0x70E00, s0  }
0x8: {  	s9 =	sadd.s32 $0x560E00, s0;
	s10 =	sor.u32 s1, s5;
	s1 =	ssub.s32 $0x2, s1  }
0x9: {  	_ =	strace $0x80000047;
	s11 =	smul.u32 $0x2780, s10;
	s24 =	sshrl.u32 s1, $0x1  }
0xa: {  	s5 =	sadd.s32 $0x49C00, s0;
	s14 =	smul.u32 $0x13C000, s10;
	s0 =	ssub.s32 s1, s24  }
0xb: {  	s24 =	simm.s32 $0x8200;
	s12 =	sshrl.u32 s11, $0x3;
	s15 =	sadd.s32 $0x80, s11  }
0xc: {  	s16 =	sor.u32 $0x40, s11;
	s17 =	sadd.s32 $0xC0, s11;
	s0 =	smax.u32 s0, $0x1  }
.Ltmp0:
0xd: {  	s25 =	sadd.s32 s6, s12;
	[dreg:$0x7] =	wrdreg s0;
	(pc) =	sbr.rel .LBB2_1-.Ltmp0, $4  }
0xe: {  	s26 =	sor.u32 $0x8, s12;
	s12 =	sadd.s32 s7, s12;
	[dreg:$0x3] =	wrdreg s25  }
0xf: {  	s11 =	simm.s32 $0x0;
	[dreg:$0x4] =	wrdreg s12;
	s30 =	sadd.s32 s6, s26  }
0x10: {  	s0 =	simm.s32 $0xE200;
	s1 =	sadd.s32 s7, s26;
	[dreg:$0x5] =	wrdreg s30  }
0x11: {  	s26 =	simm.s32 $0x80;
	[dreg:$0x6] =	wrdreg s1;
	s1 =	simm.s32 $0x1  }
.LBB2_12:
0x12: {  	_ =	swait.ge [sflag:s23], $0x2000  }
0x13: {  	[sflag:s23] =	ssyncset.done $0x0  }
0x14: {  	[sflag:s23] =	ssyncadd.s32 $0xFFFFE000  }
0x15: {  	_ =	swait.ge [sflag:s23], $0x2000  }
0x16: {  	s11 =	rddreg [dreg:$0x8]  }
0x17: {  	s10 =	rddreg [dreg:$0x7];
	s11 =	sadd.s32 $0x1, s11  }
0x18: {  	p0 =	sne.s32 s11, s10  }
.Ltmp1:
0x19: {  	_ = 	snop;
	(pc) =	sbr.rel @!p0 .LBB2_13-.Ltmp1, $3  }
0x1a: {  	_ =	sdelay $0x1  }
0x1b: {  	[sflag:s23] =	ssyncset.done $0x0  }
0x1c: {  	[sflag:s23] =	ssyncadd.s32 $0xFFFFE000  }
.LBB2_1:
0x1d: {  	[dreg:$0x8] =	wrdreg s11  }
0x1e: {  	s10 =	rddreg [dreg:$0x3]  }
0x1f: {  	[tilespmem:s3], [sflag:$0x3] =	stream.linear.gather [hbm4b:s10+s3], $0x40, $0x38;
	[tilespmem:$0x10200] =	vst v63  }
0x20: {  	_ =	swait.ge [sflag:s19], $0x40  }
0x21: {  	[sflag:s19] =	ssyncset.done $0x0  }
0x22: {  	s12 =	simm.s32 $0x100;
	s11 =	rddreg [dreg:$0x4];
	[sflag:s19] =	ssyncadd.s32 $0xFFFFFFC0  }
0x23: {  	[tilespmem:s12], [sflag:$0x3] =	stream.linear.gather [hbm4b:s11+s3], $0x40, $0x38;
	[tilespmem:$0x10200] =	vst v63  }
0x24: {  	_ =	swait.ge [sflag:s19], $0x40  }
0x25: {  	[sflag:s19] =	ssyncset.done $0x0  }
0x26: {  	[sflag:s19] =	ssyncadd.s32 $0xFFFFFFC0  }
0x27: {  	[tilespmem:s22], [sflag:$0x1] =	stream.indirect.gather [hbm4b:s4+s21], $0x80, s3, s21, $0xb8;
	[tilespmem:$0x10200] =	vst v63  }
0x28: {  	s13 =	simm.s32 $0x4200  }
0x29: {  	[tilespmem:s13], [sflag:$0x1] =	stream.indirect.gather [hbm4b:s5+s21], $0x80, s12, s21, $0xb8;
	[tilespmem:$0x10200] =	vst v63  }
0x2a: {  	_ = 	snop  }
0x2b: {  	[tilespmem:s24], [sflag:$0x1] =	stream.indirect.gather [hbm4b:s2+s21], $0x80, s3, s21, $0xb8;
	[tilespmem:$0x10200] =	vst v63  }
0x2c: {  	s18 =	simm.s32 $0xC200  }
0x2d: {  	[tilespmem:s18], [sflag:$0x1] =	stream.indirect.gather [hbm4b:s2+s21], $0x80, s12, s21, $0xb8;
	[tilespmem:$0x10200] =	vst v63  }
0x2e: {  	s20 =	rddreg [dreg:$0x5]  }
0x2f: {  	[tilespmem:s26], [sflag:$0x3] =	stream.linear.gather [hbm4b:s20+s3], $0x40, $0x38;
	[tilespmem:$0x10200] =	vst v63  }
0x30: {  	_ =	swait.ge [sflag:s19], $0x40  }
0x31: {  	[sflag:s19] =	ssyncset.done $0x0  }
0x32: {  	s25 =	rddreg [dreg:$0x6];
	[sflag:s19] =	ssyncadd.s32 $0xFFFFFFC0  }
0x33: {  	[tilespmem:s28], [sflag:$0x3] =	stream.linear.gather [hbm4b:s25+s3], $0x40, $0x38;
	[tilespmem:$0x10200] =	vst v63  }
0x34: {  	_ =	swait.ge [sflag:s19], $0x40  }
0x35: {  	[sflag:s19] =	ssyncset.done $0x0  }
0x36: {  	[sflag:s19] =	ssyncadd.s32 $0xFFFFFFC0  }
0x37: {  	[tilespmem:s29], [sflag:$0x1] =	stream.indirect.gather [hbm4b:s4+s21], $0x80, s26, s21, $0xb8;
	[tilespmem:$0x10200] =	vst v63  }
0x38: {  	s30 =	simm.s32 $0x6200  }
0x39: {  	[tilespmem:s30], [sflag:$0x1] =	stream.indirect.gather [hbm4b:s5+s21], $0x80, s28, s21, $0xb8;
	[tilespmem:$0x10200] =	vst v63  }
0x3a: {  	_ = 	snop  }
0x3b: {  	[tilespmem:s31], [sflag:$0x1] =	stream.indirect.gather [hbm4b:s2+s21], $0x80, s26, s21, $0xb8;
	[tilespmem:$0x10200] =	vst v63  }
0x3c: {  	s10 =	simm.s32 $0x0  }
0x3d: {  	[tilespmem:s0], [sflag:$0x1] =	stream.indirect.gather [hbm4b:s2+s21], $0x80, s28, s21, $0xb8;
	[tilespmem:$0x10200] =	vst v63  }
.LBB2_2:
0x3e: {  	_ =	swait.ge [sflag:s1], $0x2000  }
0x3f: {  	[sflag:s1] =	ssyncset.done $0x0  }
0x40: {  	[sflag:s1] =	ssyncadd.s32 $0xFFFFE000  }
0x41: {  	_ =	swait.ge [sflag:s1], $0x2000  }
0x42: {  	[sflag:s1] =	ssyncset.done $0x0  }
0x43: {  	[sflag:s1] =	ssyncadd.s32 $0xFFFFE000  }
0x44: {  	_ =	swait.ge [sflag:s1], $0x2000  }
0x45: {  	[sflag:s1] =	ssyncset.done $0x0  }
0x46: {  	[sflag:s1] =	ssyncadd.s32 $0xFFFFE000  }
0x47: {  	_ =	swait.ge [sflag:s1], $0x2000  }
0x48: {  	[sflag:s1] =	ssyncset.done $0x0  }
0x49: {  	s18 =	simm.s32 $0x280;
	[sflag:s1] =	ssyncadd.s32 $0xFFFFE000  }
0x4a: {  	s13 =	simm.s32 $0x4280;
	v0 =	vld [tilespmem:s18+$0xFFFFFF80]  }
0x4b: {  	v1 =	vld [tilespmem:s13+$0xFFFFFF80];
	_ =	sdelay $0x4  }
0x4c: {  	v0 =	vadd.f32 v1, v0;
	_ =	sdelay $0x1  }
0x4d: {  	[tilespmem:s18+$0xFFFFFF80] =	vst v0;
	v0 =	vld [tilespmem:s18+$0xFFFFFF90]  }
0x4e: {  	v1 =	vld [tilespmem:s13+$0xFFFFFF90];
	_ =	sdelay $0x4  }
0x4f: {  	v0 =	vadd.f32 v1, v0;
	_ =	sdelay $0x1  }
0x50: {  	[tilespmem:s18+$0xFFFFFF90] =	vst v0;
	v0 =	vld [tilespmem:s18+$0xFFFFFFA0]  }
0x51: {  	v1 =	vld [tilespmem:s13+$0xFFFFFFA0];
	_ =	sdelay $0x4  }
0x52: {  	v0 =	vadd.f32 v1, v0;
	_ =	sdelay $0x1  }
0x53: {  	[tilespmem:s18+$0xFFFFFFA0] =	vst v0;
	v0 =	vld [tilespmem:s18+$0xFFFFFFB0]  }
0x54: {  	v1 =	vld [tilespmem:s13+$0xFFFFFFB0];
	_ =	sdelay $0x4  }
0x55: {  	v0 =	vadd.f32 v1, v0;
	_ =	sdelay $0x1  }
0x56: {  	[tilespmem:s18+$0xFFFFFFB0] =	vst v0;
	v0 =	vld [tilespmem:s18+$0xFFFFFFC0]  }
0x57: {  	v1 =	vld [tilespmem:s13+$0xFFFFFFC0];
	_ =	sdelay $0x4  }
0x58: {  	v0 =	vadd.f32 v1, v0;
	_ =	sdelay $0x1  }
0x59: {  	[tilespmem:s18+$0xFFFFFFC0] =	vst v0;
	v0 =	vld [tilespmem:s18+$0xFFFFFFD0]  }
0x5a: {  	v1 =	vld [tilespmem:s13+$0xFFFFFFD0];
	_ =	sdelay $0x4  }
0x5b: {  	v0 =	vadd.f32 v1, v0;
	_ =	sdelay $0x1  }
0x5c: {  	[tilespmem:s18+$0xFFFFFFD0] =	vst v0;
	v0 =	vld [tilespmem:s18+$0xFFFFFFE0]  }
0x5d: {  	v1 =	vld [tilespmem:s13+$0xFFFFFFE0];
	_ =	sdelay $0x4  }
0x5e: {  	v0 =	vadd.f32 v1, v0;
	_ =	sdelay $0x1  }
0x5f: {  	[tilespmem:s18+$0xFFFFFFE0] =	vst v0;
	v0 =	vld [tilespmem:s18+$0xFFFFFFF0]  }
0x60: {  	v1 =	vld [tilespmem:s13+$0xFFFFFFF0];
	_ =	sdelay $0x4  }
0x61: {  	v0 =	vadd.f32 v1, v0;
	_ =	sdelay $0x1  }
0x62: {  	[tilespmem:s18+$0xFFFFFFF0] =	vst v0;
	v0 =	vld [tilespmem:s18+$0x0]  }
0x63: {  	v1 =	vld [tilespmem:s13+$0x0];
	_ =	sdelay $0x4  }
0x64: {  	v0 =	vadd.f32 v1, v0;
	_ =	sdelay $0x1  }
0x65: {  	[tilespmem:s18+$0x0] =	vst v0;
	v0 =	vld [tilespmem:s18+$0x10]  }
0x66: {  	v1 =	vld [tilespmem:s13+$0x10];
	_ =	sdelay $0x4  }
0x67: {  	v0 =	vadd.f32 v1, v0;
	_ =	sdelay $0x1  }
0x68: {  	[tilespmem:s18+$0x10] =	vst v0;
	v0 =	vld [tilespmem:s18+$0x20]  }
0x69: {  	v1 =	vld [tilespmem:s13+$0x20];
	_ =	sdelay $0x4  }
0x6a: {  	v0 =	vadd.f32 v1, v0;
	_ =	sdelay $0x1  }
0x6b: {  	[tilespmem:s18+$0x20] =	vst v0;
	v0 =	vld [tilespmem:s18+$0x30]  }
0x6c: {  	v1 =	vld [tilespmem:s13+$0x30];
	_ =	sdelay $0x4  }
0x6d: {  	v0 =	vadd.f32 v1, v0;
	_ =	sdelay $0x1  }
0x6e: {  	[tilespmem:s18+$0x30] =	vst v0;
	v0 =	vld [tilespmem:s18+$0x40]  }
0x6f: {  	v1 =	vld [tilespmem:s13+$0x40];
	_ =	sdelay $0x4  }
0x70: {  	v0 =	vadd.f32 v1, v0;
	_ =	sdelay $0x1  }
0x71: {  	[tilespmem:s18+$0x40] =	vst v0;
	v0 =	vld [tilespmem:s18+$0x50]  }
0x72: {  	v1 =	vld [tilespmem:s13+$0x50];
	_ =	sdelay $0x4  }
0x73: {  	v0 =	vadd.f32 v1, v0;
	_ =	sdelay $0x1  }
0x74: {  	[tilespmem:s18+$0x50] =	vst v0;
	v0 =	vld [tilespmem:s18+$0x60]  }
0x75: {  	v1 =	vld [tilespmem:s13+$0x60];
	_ =	sdelay $0x4  }
0x76: {  	v0 =	vadd.f32 v1, v0;
	_ =	sdelay $0x1  }
0x77: {  	[tilespmem:s18+$0x60] =	vst v0;
	v0 =	vld [tilespmem:s18+$0x70]  }
0x78: {  	v1 =	vld [tilespmem:s13+$0x70];
	_ =	sdelay $0x4  }
0x79: {  	v0 =	vadd.f32 v1, v0  }
0x7a: {  	s20 =	simm.s32 $0x0;
	s25 =	simm.s32 $0x380;
	s11 =	simm.s32 $0x8300  }
.LBB2_3:
0x7b: {  	v1 =	vld [tilespmem:s25+$0xFFFFFF80];
	[tilespmem:s18+$0x70] =	vst v0;
	s13 =	sadd.s32 $0x100, s13;
	s12 =	simm.s32 $0xC300  }
0x7c: {  	s20 =	sadd.s32 $0x2, s20;
	s18 =	smov.u32 s25;
	v0 =	vld [tilespmem:s13+$0xFFFFFF80]  }
0x7d: {  	p0 =	slt.u32 s20, $0x3E;
	_ =	sdelay $0x3  }
0x7e: {  	v0 =	vadd.f32 v0, v1;
	_ =	sdelay $0x1  }
0x7f: {  	[tilespmem:s25+$0xFFFFFF80] =	vst v0;
	v0 =	vld [tilespmem:s25+$0xFFFFFF90]  }
0x80: {  	v1 =	vld [tilespmem:s13+$0xFFFFFF90];
	_ =	sdelay $0x4  }
0x81: {  	v0 =	vadd.f32 v1, v0;
	_ =	sdelay $0x1  }
0x82: {  	[tilespmem:s25+$0xFFFFFF90] =	vst v0;
	v0 =	vld [tilespmem:s25+$0xFFFFFFA0]  }
0x83: {  	v1 =	vld [tilespmem:s13+$0xFFFFFFA0];
	_ =	sdelay $0x4  }
0x84: {  	v0 =	vadd.f32 v1, v0;
	_ =	sdelay $0x1  }
0x85: {  	[tilespmem:s25+$0xFFFFFFA0] =	vst v0;
	v0 =	vld [tilespmem:s25+$0xFFFFFFB0]  }
0x86: {  	v1 =	vld [tilespmem:s13+$0xFFFFFFB0];
	_ =	sdelay $0x4  }
0x87: {  	v0 =	vadd.f32 v1, v0;
	_ =	sdelay $0x1  }
0x88: {  	[tilespmem:s25+$0xFFFFFFB0] =	vst v0;
	v0 =	vld [tilespmem:s25+$0xFFFFFFC0]  }
0x89: {  	v1 =	vld [tilespmem:s13+$0xFFFFFFC0];
	_ =	sdelay $0x4  }
0x8a: {  	v0 =	vadd.f32 v1, v0;
	_ =	sdelay $0x1  }
0x8b: {  	[tilespmem:s25+$0xFFFFFFC0] =	vst v0;
	v0 =	vld [tilespmem:s25+$0xFFFFFFD0]  }
0x8c: {  	v1 =	vld [tilespmem:s13+$0xFFFFFFD0];
	_ =	sdelay $0x4  }
0x8d: {  	v0 =	vadd.f32 v1, v0;
	_ =	sdelay $0x1  }
0x8e: {  	[tilespmem:s25+$0xFFFFFFD0] =	vst v0;
	v0 =	vld [tilespmem:s25+$0xFFFFFFE0]  }
0x8f: {  	v1 =	vld [tilespmem:s13+$0xFFFFFFE0];
	_ =	sdelay $0x4  }
0x90: {  	v0 =	vadd.f32 v1, v0;
	_ =	sdelay $0x1  }
0x91: {  	[tilespmem:s25+$0xFFFFFFE0] =	vst v0;
	v0 =	vld [tilespmem:s25+$0xFFFFFFF0]  }
0x92: {  	v1 =	vld [tilespmem:s13+$0xFFFFFFF0];
	_ =	sdelay $0x4  }
0x93: {  	v0 =	vadd.f32 v1, v0;
	_ =	sdelay $0x1  }
0x94: {  	[tilespmem:s25+$0xFFFFFFF0] =	vst v0;
	v0 =	vld [tilespmem:s25+$0x0]  }
0x95: {  	v1 =	vld [tilespmem:s13+$0x0];
	_ =	sdelay $0x4  }
0x96: {  	v0 =	vadd.f32 v1, v0;
	_ =	sdelay $0x1  }
0x97: {  	[tilespmem:s25+$0x0] =	vst v0;
	v0 =	vld [tilespmem:s25+$0x10]  }
0x98: {  	v1 =	vld [tilespmem:s13+$0x10];
	_ =	sdelay $0x4  }
0x99: {  	v0 =	vadd.f32 v1, v0;
	_ =	sdelay $0x1  }
0x9a: {  	[tilespmem:s25+$0x10] =	vst v0;
	v0 =	vld [tilespmem:s25+$0x20]  }
0x9b: {  	v1 =	vld [tilespmem:s13+$0x20];
	_ =	sdelay $0x4  }
0x9c: {  	v0 =	vadd.f32 v1, v0;
	_ =	sdelay $0x1  }
0x9d: {  	[tilespmem:s25+$0x20] =	vst v0;
	v0 =	vld [tilespmem:s25+$0x30]  }
0x9e: {  	v1 =	vld [tilespmem:s13+$0x30];
	_ =	sdelay $0x4  }
0x9f: {  	v0 =	vadd.f32 v1, v0;
	_ =	sdelay $0x1  }
0xa0: {  	[tilespmem:s25+$0x30] =	vst v0;
	v0 =	vld [tilespmem:s25+$0x40]  }
0xa1: {  	v1 =	vld [tilespmem:s13+$0x40];
	_ =	sdelay $0x4  }
0xa2: {  	v0 =	vadd.f32 v1, v0;
	_ =	sdelay $0x1  }
0xa3: {  	[tilespmem:s25+$0x40] =	vst v0;
	v0 =	vld [tilespmem:s25+$0x50]  }
0xa4: {  	v1 =	vld [tilespmem:s13+$0x50];
	_ =	sdelay $0x4  }
0xa5: {  	v0 =	vadd.f32 v1, v0;
	_ =	sdelay $0x1  }
0xa6: {  	[tilespmem:s25+$0x50] =	vst v0;
	v0 =	vld [tilespmem:s25+$0x60]  }
0xa7: {  	v1 =	vld [tilespmem:s13+$0x60];
	_ =	sdelay $0x4  }
0xa8: {  	v0 =	vadd.f32 v1, v0;
	_ =	sdelay $0x1  }
0xa9: {  	[tilespmem:s25+$0x60] =	vst v0;
	v0 =	vld [tilespmem:s25+$0x70]  }
0xaa: {  	v1 =	vld [tilespmem:s13+$0x70];
	_ =	sdelay $0x1  }
.Ltmp2:
0xab: {  	(pc) =	sbr.rel @p0 .LBB2_3-.Ltmp2, $3  }
0xac: {  	_ =	sdelay $0x1  }
0xad: {  	v0 =	vadd.f32 v1, v0  }
0xae: {  	s25 =	sadd.s32 $0x100, s25  }
0xaf: {  	[tilespmem:s18+$0x70] =	vst v0  }
0xb0: {  	v0 =	vld [tilespmem:s11+$0xFFFFFF00]  }
0xb1: {  	v1 =	vld [tilespmem:s12+$0xFFFFFF00];
	_ =	sdelay $0x4  }
0xb2: {  	v0 =	vsub.f32 v0, v1;
	_ =	sdelay $0x1  }
0xb3: {  	[tilespmem:s11+$0xFFFFFF00] =	vst v0;
	v0 =	vld [tilespmem:s11+$0xFFFFFF80]  }
0xb4: {  	v1 =	vld [tilespmem:s12+$0xFFFFFF80];
	_ =	sdelay $0x4  }
0xb5: {  	v0 =	vsub.f32 v0, v1;
	_ =	sdelay $0x1  }
0xb6: {  	[tilespmem:s11+$0xFFFFFF80] =	vst v0;
	v0 =	vld [tilespmem:s11+$0x0]  }
0xb7: {  	v1 =	vld [tilespmem:s12+$0x0];
	_ =	sdelay $0x4  }
0xb8: {  	v0 =	vsub.f32 v0, v1;
	_ =	sdelay $0x1  }
0xb9: {  	[tilespmem:s11+$0x0] =	vst v0;
	v0 =	vld [tilespmem:s11+$0x80]  }
0xba: {  	v1 =	vld [tilespmem:s12+$0x80];
	_ =	sdelay $0x4  }
0xbb: {  	v0 =	vsub.f32 v0, v1  }
0xbc: {  	s13 =	simm.s32 $0x0;
	s18 =	simm.s32 $0x8500  }
.LBB2_5:
0xbd: {  	v1 =	vld [tilespmem:s18+$0xFFFFFF00];
	[tilespmem:s11+$0x80] =	vst v0;
	s12 =	sadd.s32 $0x200, s12;
	s11 =	smov.u32 s18  }
0xbe: {  	s13 =	sadd.s32 $0x4, s13;
	v0 =	vld [tilespmem:s12+$0xFFFFFF00]  }
0xbf: {  	p0 =	slt.u32 s13, $0x3C;
	_ =	sdelay $0x3  }
0xc0: {  	v0 =	vsub.f32 v1, v0;
	_ =	sdelay $0x1  }
0xc1: {  	[tilespmem:s18+$0xFFFFFF00] =	vst v0;
	v0 =	vld [tilespmem:s18+$0xFFFFFF80]  }
0xc2: {  	v1 =	vld [tilespmem:s12+$0xFFFFFF80];
	_ =	sdelay $0x4  }
0xc3: {  	v0 =	vsub.f32 v0, v1;
	_ =	sdelay $0x1  }
0xc4: {  	[tilespmem:s18+$0xFFFFFF80] =	vst v0;
	v0 =	vld [tilespmem:s18+$0x0]  }
0xc5: {  	v1 =	vld [tilespmem:s12+$0x0];
	_ =	sdelay $0x4  }
0xc6: {  	v0 =	vsub.f32 v0, v1;
	_ =	sdelay $0x1  }
0xc7: {  	[tilespmem:s18+$0x0] =	vst v0;
	v0 =	vld [tilespmem:s18+$0x80]  }
0xc8: {  	v1 =	vld [tilespmem:s12+$0x80];
	_ =	sdelay $0x1  }
.Ltmp3:
0xc9: {  	(pc) =	sbr.rel @p0 .LBB2_5-.Ltmp3, $3  }
0xca: {  	_ =	sdelay $0x1  }
0xcb: {  	v0 =	vsub.f32 v0, v1  }
0xcc: {  	s18 =	sadd.s32 $0x200, s18  }
0xcd: {  	s12 =	sshll.u32 s10, $0xE  }
0xce: {  	s12 =	sadd.s32 s14, s12  }
0xcf: {  	s12 =	sshrl.u32 s12, $0x3  }
0xd0: {  	[tilespmem:s11+$0x80] =	vst v0;
	p0 =	seq.s32 s10, $0x4E;
	s20 =	sadd.s32 s8, s12  }
0xd1: {  	[hbm4b:s20+s3] =	stream.linear.scatter [tilespmem:s22], [sflag:$0x2], $0x2000, $0x38;
	[tilespmem:$0x10200] =	vst v63  }
0xd2: {  	s25 =	sadd.s32 s9, s12;
	s12 =	simm.s32 @!p0 $0x2  }
0xd3: {  	[hbm4b:s25+s3] =	stream.linear.scatter [tilespmem:s24], [sflag:$0x2], $0x2000, $0x38;
	[tilespmem:$0x10200] =	vst v63  }
0xd4: {  	_ =	swait.ge @!p0 [sflag:s12], $0x2000  }
0xd5: {  	[sflag:s12] =	ssyncset.done @!p0 $0x0  }
0xd6: {  	s11 =	sshll.u32 s10, $0x7;
	[sflag:s12] =	ssyncadd.s32 @!p0 $0xFFFFE000  }
0xd7: {  	s13 =	sadd.s32 @!p0 s11, s15;
	_ =	swait.ge @!p0 [sflag:s12], $0x2000  }
0xd8: {  	s13 =	sshrl.u32 @!p0 s13, $0x3;
	[sflag:s12] =	ssyncset.done @!p0 $0x0  }
0xd9: {  	s18 =	simm.s32 @!p0 $0x0;
	[sflag:s12] =	ssyncadd.s32 @!p0 $0xFFFFE000;
	s12 =	sadd.s32 @!p0 s6, s13  }
0xda: {  	[tilespmem:s18], [sflag:$0x3] =	stream.linear.gather @!p0 [hbm4b:s12+s18], $0x40, $0x38;
	[tilespmem:$0x10200] =	vst v63  }
0xdb: {  	s12 =	simm.s32 @!p0 $0x3  }
0xdc: {  	_ =	swait.ge @!p0 [sflag:s12], $0x40  }
0xdd: {  	[sflag:s12] =	ssyncset.done @!p0 $0x0  }
0xde: {  	s20 =	simm.s32 @!p0 $0x100;
	s13 =	sadd.s32 @!p0 s7, s13;
	[sflag:s12] =	ssyncadd.s32 @!p0 $0xFFFFFFC0  }
0xdf: {  	[tilespmem:s20], [sflag:$0x3] =	stream.linear.gather @!p0 [hbm4b:s13+s18], $0x40, $0x38;
	[tilespmem:$0x10200] =	vst v63  }
0xe0: {  	_ =	swait.ge @!p0 [sflag:s12], $0x40  }
0xe1: {  	[sflag:s12] =	ssyncset.done @!p0 $0x0  }
0xe2: {  	s13 =	simm.s32 @!p0 $0x200;
	[sflag:s12] =	ssyncadd.s32 @!p0 $0xFFFFFFC0;
	s12 =	simm.s32 @!p0 $0x40  }
0xe3: {  	[tilespmem:s13], [sflag:$0x1] =	stream.indirect.gather @!p0 [hbm4b:s4+s12], $0x80, s18, s12, $0xb8;
	[tilespmem:$0x10200] =	vst v63  }
0xe4: {  	s13 =	simm.s32 @!p0 $0x4200  }
0xe5: {  	[tilespmem:s13], [sflag:$0x1] =	stream.indirect.gather @!p0 [hbm4b:s5+s12], $0x80, s20, s12, $0xb8;
	[tilespmem:$0x10200] =	vst v63  }
0xe6: {  	s13 =	simm.s32 @!p0 $0x8200  }
0xe7: {  	[tilespmem:s13], [sflag:$0x1] =	stream.indirect.gather @!p0 [hbm4b:s2+s12], $0x80, s18, s12, $0xb8;
	[tilespmem:$0x10200] =	vst v63  }
0xe8: {  	s13 =	simm.s32 @!p0 $0xC200  }
0xe9: {  	[tilespmem:s13], [sflag:$0x1] =	stream.indirect.gather @!p0 [hbm4b:s2+s12], $0x80, s20, s12, $0xb8;
	[tilespmem:$0x10200] =	vst v63  }
0xea: {  	_ =	swait.ge [sflag:s1], $0x2000  }
0xeb: {  	[sflag:s1] =	ssyncset.done $0x0  }
0xec: {  	[sflag:s1] =	ssyncadd.s32 $0xFFFFE000  }
0xed: {  	_ =	swait.ge [sflag:s1], $0x2000  }
0xee: {  	[sflag:s1] =	ssyncset.done $0x0  }
0xef: {  	[sflag:s1] =	ssyncadd.s32 $0xFFFFE000  }
0xf0: {  	_ =	swait.ge [sflag:s1], $0x2000  }
0xf1: {  	[sflag:s1] =	ssyncset.done $0x0  }
0xf2: {  	[sflag:s1] =	ssyncadd.s32 $0xFFFFE000  }
0xf3: {  	_ =	swait.ge [sflag:s1], $0x2000  }
0xf4: {  	[sflag:s1] =	ssyncset.done $0x0  }
0xf5: {  	s20 =	simm.s32 $0x22F0;
	[sflag:s1] =	ssyncadd.s32 $0xFFFFE000  }
0xf6: {  	s18 =	simm.s32 $0x62F0;
	v0 =	vld [tilespmem:s20+$0xFFFFFF10]  }
0xf7: {  	v1 =	vld [tilespmem:s18+$0xFFFFFF10];
	_ =	sdelay $0x4  }
0xf8: {  	v0 =	vadd.f32 v1, v0;
	_ =	sdelay $0x1  }
0xf9: {  	[tilespmem:s20+$0xFFFFFF10] =	vst v0;
	v0 =	vld [tilespmem:s20+$0xFFFFFF20]  }
0xfa: {  	v1 =	vld [tilespmem:s18+$0xFFFFFF20];
	_ =	sdelay $0x4  }
0xfb: {  	v0 =	vadd.f32 v1, v0;
	_ =	sdelay $0x1  }
0xfc: {  	[tilespmem:s20+$0xFFFFFF20] =	vst v0;
	v0 =	vld [tilespmem:s20+$0xFFFFFF30]  }
0xfd: {  	v1 =	vld [tilespmem:s18+$0xFFFFFF30];
	_ =	sdelay $0x4  }
0xfe: {  	v0 =	vadd.f32 v1, v0;
	_ =	sdelay $0x1  }
0xff: {  	[tilespmem:s20+$0xFFFFFF30] =	vst v0;
	v0 =	vld [tilespmem:s20+$0xFFFFFF40]  }
0x100: {  	v1 =	vld [tilespmem:s18+$0xFFFFFF40];
	_ =	sdelay $0x4  }
0x101: {  	v0 =	vadd.f32 v1, v0;
	_ =	sdelay $0x1  }
0x102: {  	[tilespmem:s20+$0xFFFFFF40] =	vst v0;
	v0 =	vld [tilespmem:s20+$0xFFFFFF50]  }
0x103: {  	v1 =	vld [tilespmem:s18+$0xFFFFFF50];
	_ =	sdelay $0x4  }
0x104: {  	v0 =	vadd.f32 v1, v0;
	_ =	sdelay $0x1  }
0x105: {  	[tilespmem:s20+$0xFFFFFF50] =	vst v0;
	v0 =	vld [tilespmem:s20+$0xFFFFFF60]  }
0x106: {  	v1 =	vld [tilespmem:s18+$0xFFFFFF60];
	_ =	sdelay $0x4  }
0x107: {  	v0 =	vadd.f32 v1, v0;
	_ =	sdelay $0x1  }
0x108: {  	[tilespmem:s20+$0xFFFFFF60] =	vst v0;
	v0 =	vld [tilespmem:s20+$0xFFFFFF70]  }
0x109: {  	v1 =	vld [tilespmem:s18+$0xFFFFFF70];
	_ =	sdelay $0x4  }
0x10a: {  	v0 =	vadd.f32 v1, v0;
	_ =	sdelay $0x1  }
0x10b: {  	[tilespmem:s20+$0xFFFFFF70] =	vst v0;
	v0 =	vld [tilespmem:s20+$0xFFFFFF80]  }
0x10c: {  	v1 =	vld [tilespmem:s18+$0xFFFFFF80];
	_ =	sdelay $0x4  }
0x10d: {  	v0 =	vadd.f32 v1, v0;
	_ =	sdelay $0x1  }
0x10e: {  	[tilespmem:s20+$0xFFFFFF80] =	vst v0;
	v0 =	vld [tilespmem:s20+$0xFFFFFF90]  }
0x10f: {  	v1 =	vld [tilespmem:s18+$0xFFFFFF90];
	_ =	sdelay $0x4  }
0x110: {  	v0 =	vadd.f32 v1, v0;
	_ =	sdelay $0x1  }
0x111: {  	[tilespmem:s20+$0xFFFFFF90] =	vst v0;
	v0 =	vld [tilespmem:s20+$0xFFFFFFA0]  }
0x112: {  	v1 =	vld [tilespmem:s18+$0xFFFFFFA0];
	_ =	sdelay $0x4  }
0x113: {  	v0 =	vadd.f32 v1, v0;
	_ =	sdelay $0x1  }
0x114: {  	[tilespmem:s20+$0xFFFFFFA0] =	vst v0;
	v0 =	vld [tilespmem:s20+$0xFFFFFFB0]  }
0x115: {  	v1 =	vld [tilespmem:s18+$0xFFFFFFB0];
	_ =	sdelay $0x4  }
0x116: {  	v0 =	vadd.f32 v1, v0;
	_ =	sdelay $0x1  }
0x117: {  	[tilespmem:s20+$0xFFFFFFB0] =	vst v0;
	v0 =	vld [tilespmem:s20+$0xFFFFFFC0]  }
0x118: {  	v1 =	vld [tilespmem:s18+$0xFFFFFFC0];
	_ =	sdelay $0x4  }
0x119: {  	v0 =	vadd.f32 v1, v0;
	_ =	sdelay $0x1  }
0x11a: {  	[tilespmem:s20+$0xFFFFFFC0] =	vst v0;
	v0 =	vld [tilespmem:s20+$0xFFFFFFD0]  }
0x11b: {  	v1 =	vld [tilespmem:s18+$0xFFFFFFD0];
	_ =	sdelay $0x4  }
0x11c: {  	v0 =	vadd.f32 v1, v0;
	_ =	sdelay $0x1  }
0x11d: {  	[tilespmem:s20+$0xFFFFFFD0] =	vst v0;
	v0 =	vld [tilespmem:s20+$0xFFFFFFE0]  }
0x11e: {  	v1 =	vld [tilespmem:s18+$0xFFFFFFE0];
	_ =	sdelay $0x4  }
0x11f: {  	v0 =	vadd.f32 v1, v0;
	_ =	sdelay $0x1  }
0x120: {  	[tilespmem:s20+$0xFFFFFFE0] =	vst v0;
	v0 =	vld [tilespmem:s20+$0xFFFFFFF0]  }
0x121: {  	v1 =	vld [tilespmem:s18+$0xFFFFFFF0];
	_ =	sdelay $0x4  }
0x122: {  	v0 =	vadd.f32 v1, v0;
	_ =	sdelay $0x1  }
0x123: {  	[tilespmem:s20+$0xFFFFFFF0] =	vst v0;
	v0 =	vld [tilespmem:s20+$0x0]  }
0x124: {  	v1 =	vld [tilespmem:s18+$0x0];
	_ =	sdelay $0x4  }
0x125: {  	v0 =	vadd.f32 v1, v0  }
0x126: {  	s30 =	simm.s32 $0x23F0;
	s25 =	simm.s32 $0x0;
	s12 =	simm.s32 $0xA380  }
.LBB2_7:
0x127: {  	v1 =	vld [tilespmem:s30+$0xFFFFFF10];
	[tilespmem:s20+$0x0] =	vst v0;
	s18 =	sadd.s32 $0x100, s18;
	s13 =	simm.s32 $0xE380  }
0x128: {  	s25 =	sadd.s32 $0x2, s25;
	s20 =	smov.u32 s30;
	v0 =	vld [tilespmem:s18+$0xFFFFFF10]  }
0x129: {  	p1 =	slt.u32 s25, $0x3E;
	_ =	sdelay $0x3  }
0x12a: {  	v0 =	vadd.f32 v0, v1;
	_ =	sdelay $0x1  }
0x12b: {  	[tilespmem:s30+$0xFFFFFF10] =	vst v0;
	v0 =	vld [tilespmem:s30+$0xFFFFFF20]  }
0x12c: {  	v1 =	vld [tilespmem:s18+$0xFFFFFF20];
	_ =	sdelay $0x4  }
0x12d: {  	v0 =	vadd.f32 v1, v0;
	_ =	sdelay $0x1  }
0x12e: {  	[tilespmem:s30+$0xFFFFFF20] =	vst v0;
	v0 =	vld [tilespmem:s30+$0xFFFFFF30]  }
0x12f: {  	v1 =	vld [tilespmem:s18+$0xFFFFFF30];
	_ =	sdelay $0x4  }
0x130: {  	v0 =	vadd.f32 v1, v0;
	_ =	sdelay $0x1  }
0x131: {  	[tilespmem:s30+$0xFFFFFF30] =	vst v0;
	v0 =	vld [tilespmem:s30+$0xFFFFFF40]  }
0x132: {  	v1 =	vld [tilespmem:s18+$0xFFFFFF40];
	_ =	sdelay $0x4  }
0x133: {  	v0 =	vadd.f32 v1, v0;
	_ =	sdelay $0x1  }
0x134: {  	[tilespmem:s30+$0xFFFFFF40] =	vst v0;
	v0 =	vld [tilespmem:s30+$0xFFFFFF50]  }
0x135: {  	v1 =	vld [tilespmem:s18+$0xFFFFFF50];
	_ =	sdelay $0x4  }
0x136: {  	v0 =	vadd.f32 v1, v0;
	_ =	sdelay $0x1  }
0x137: {  	[tilespmem:s30+$0xFFFFFF50] =	vst v0;
	v0 =	vld [tilespmem:s30+$0xFFFFFF60]  }
0x138: {  	v1 =	vld [tilespmem:s18+$0xFFFFFF60];
	_ =	sdelay $0x4  }
0x139: {  	v0 =	vadd.f32 v1, v0;
	_ =	sdelay $0x1  }
0x13a: {  	[tilespmem:s30+$0xFFFFFF60] =	vst v0;
	v0 =	vld [tilespmem:s30+$0xFFFFFF70]  }
0x13b: {  	v1 =	vld [tilespmem:s18+$0xFFFFFF70];
	_ =	sdelay $0x4  }
0x13c: {  	v0 =	vadd.f32 v1, v0;
	_ =	sdelay $0x1  }
0x13d: {  	[tilespmem:s30+$0xFFFFFF70] =	vst v0;
	v0 =	vld [tilespmem:s30+$0xFFFFFF80]  }
0x13e: {  	v1 =	vld [tilespmem:s18+$0xFFFFFF80];
	_ =	sdelay $0x4  }
0x13f: {  	v0 =	vadd.f32 v1, v0;
	_ =	sdelay $0x1  }
0x140: {  	[tilespmem:s30+$0xFFFFFF80] =	vst v0;
	v0 =	vld [tilespmem:s30+$0xFFFFFF90]  }
0x141: {  	v1 =	vld [tilespmem:s18+$0xFFFFFF90];
	_ =	sdelay $0x4  }
0x142: {  	v0 =	vadd.f32 v1, v0;
	_ =	sdelay $0x1  }
0x143: {  	[tilespmem:s30+$0xFFFFFF90] =	vst v0;
	v0 =	vld [tilespmem:s30+$0xFFFFFFA0]  }
0x144: {  	v1 =	vld [tilespmem:s18+$0xFFFFFFA0];
	_ =	sdelay $0x4  }
0x145: {  	v0 =	vadd.f32 v1, v0;
	_ =	sdelay $0x1  }
0x146: {  	[tilespmem:s30+$0xFFFFFFA0] =	vst v0;
	v0 =	vld [tilespmem:s30+$0xFFFFFFB0]  }
0x147: {  	v1 =	vld [tilespmem:s18+$0xFFFFFFB0];
	_ =	sdelay $0x4  }
0x148: {  	v0 =	vadd.f32 v1, v0;
	_ =	sdelay $0x1  }
0x149: {  	[tilespmem:s30+$0xFFFFFFB0] =	vst v0;
	v0 =	vld [tilespmem:s30+$0xFFFFFFC0]  }
0x14a: {  	v1 =	vld [tilespmem:s18+$0xFFFFFFC0];
	_ =	sdelay $0x4  }
0x14b: {  	v0 =	vadd.f32 v1, v0;
	_ =	sdelay $0x1  }
0x14c: {  	[tilespmem:s30+$0xFFFFFFC0] =	vst v0;
	v0 =	vld [tilespmem:s30+$0xFFFFFFD0]  }
0x14d: {  	v1 =	vld [tilespmem:s18+$0xFFFFFFD0];
	_ =	sdelay $0x4  }
0x14e: {  	v0 =	vadd.f32 v1, v0;
	_ =	sdelay $0x1  }
0x14f: {  	[tilespmem:s30+$0xFFFFFFD0] =	vst v0;
	v0 =	vld [tilespmem:s30+$0xFFFFFFE0]  }
0x150: {  	v1 =	vld [tilespmem:s18+$0xFFFFFFE0];
	_ =	sdelay $0x4  }
0x151: {  	v0 =	vadd.f32 v1, v0;
	_ =	sdelay $0x1  }
0x152: {  	[tilespmem:s30+$0xFFFFFFE0] =	vst v0;
	v0 =	vld [tilespmem:s30+$0xFFFFFFF0]  }
0x153: {  	v1 =	vld [tilespmem:s18+$0xFFFFFFF0];
	_ =	sdelay $0x4  }
0x154: {  	v0 =	vadd.f32 v1, v0;
	_ =	sdelay $0x1  }
0x155: {  	[tilespmem:s30+$0xFFFFFFF0] =	vst v0;
	v0 =	vld [tilespmem:s30+$0x0]  }
0x156: {  	v1 =	vld [tilespmem:s18+$0x0];
	_ =	sdelay $0x1  }
.Ltmp4:
0x157: {  	(pc) =	sbr.rel @p1 .LBB2_7-.Ltmp4, $3  }
0x158: {  	_ =	sdelay $0x1  }
0x159: {  	v0 =	vadd.f32 v1, v0  }
0x15a: {  	s30 =	sadd.s32 $0x100, s30  }
0x15b: {  	[tilespmem:s20+$0x0] =	vst v0  }
0x15c: {  	v0 =	vld [tilespmem:s12+$0xFFFFFE80]  }
0x15d: {  	v1 =	vld [tilespmem:s13+$0xFFFFFE80];
	_ =	sdelay $0x4  }
0x15e: {  	v0 =	vsub.f32 v0, v1;
	_ =	sdelay $0x1  }
0x15f: {  	[tilespmem:s12+$0xFFFFFE80] =	vst v0;
	v0 =	vld [tilespmem:s12+$0xFFFFFF00]  }
0x160: {  	v1 =	vld [tilespmem:s13+$0xFFFFFF00];
	_ =	sdelay $0x4  }
0x161: {  	v0 =	vsub.f32 v0, v1;
	_ =	sdelay $0x1  }
0x162: {  	[tilespmem:s12+$0xFFFFFF00] =	vst v0;
	v0 =	vld [tilespmem:s12+$0xFFFFFF80]  }
0x163: {  	v1 =	vld [tilespmem:s13+$0xFFFFFF80];
	_ =	sdelay $0x4  }
0x164: {  	v0 =	vsub.f32 v0, v1;
	_ =	sdelay $0x1  }
0x165: {  	[tilespmem:s12+$0xFFFFFF80] =	vst v0;
	v0 =	vld [tilespmem:s12+$0x0]  }
0x166: {  	v1 =	vld [tilespmem:s13+$0x0];
	_ =	sdelay $0x4  }
0x167: {  	v0 =	vsub.f32 v0, v1  }
0x168: {  	s18 =	simm.s32 $0x0;
	s20 =	simm.s32 $0xA580  }
.LBB2_9:
0x169: {  	v1 =	vld [tilespmem:s20+$0xFFFFFE80];
	[tilespmem:s12+$0x0] =	vst v0;
	s13 =	sadd.s32 $0x200, s13;
	s12 =	smov.u32 s20  }
0x16a: {  	s18 =	sadd.s32 $0x4, s18;
	v0 =	vld [tilespmem:s13+$0xFFFFFE80]  }
0x16b: {  	p1 =	slt.u32 s18, $0x3C;
	_ =	sdelay $0x3  }
0x16c: {  	v0 =	vsub.f32 v1, v0;
	_ =	sdelay $0x1  }
0x16d: {  	[tilespmem:s20+$0xFFFFFE80] =	vst v0;
	v0 =	vld [tilespmem:s20+$0xFFFFFF00]  }
0x16e: {  	v1 =	vld [tilespmem:s13+$0xFFFFFF00];
	_ =	sdelay $0x4  }
0x16f: {  	v0 =	vsub.f32 v0, v1;
	_ =	sdelay $0x1  }
0x170: {  	[tilespmem:s20+$0xFFFFFF00] =	vst v0;
	v0 =	vld [tilespmem:s20+$0xFFFFFF80]  }
0x171: {  	v1 =	vld [tilespmem:s13+$0xFFFFFF80];
	_ =	sdelay $0x4  }
0x172: {  	v0 =	vsub.f32 v0, v1;
	_ =	sdelay $0x1  }
0x173: {  	[tilespmem:s20+$0xFFFFFF80] =	vst v0;
	v0 =	vld [tilespmem:s20+$0x0]  }
0x174: {  	v1 =	vld [tilespmem:s13+$0x0];
	_ =	sdelay $0x1  }
.Ltmp5:
0x175: {  	(pc) =	sbr.rel @p1 .LBB2_9-.Ltmp5, $3  }
0x176: {  	_ =	sdelay $0x1  }
0x177: {  	v0 =	vsub.f32 v0, v1  }
0x178: {  	s20 =	sadd.s32 $0x200, s20  }
0x179: {  	s13 =	sadd.s32 s11, s16  }
0x17a: {  	s13 =	sshll.u32 s13, $0x4  }
0x17b: {  	[tilespmem:s12+$0x0] =	vst v0;
	s25 =	sadd.s32 s8, s13  }
0x17c: {  	[hbm4b:s25+s3] =	stream.linear.scatter [tilespmem:s29], [sflag:$0x2], $0x2000, $0x38;
	[tilespmem:$0x10200] =	vst v63  }
0x17d: {  	s30 =	sadd.s32 s9, s13  }
0x17e: {  	[hbm4b:s30+s3] =	stream.linear.scatter [tilespmem:s31], [sflag:$0x2], $0x2000, $0x38;
	[tilespmem:$0x10200] =	vst v63  }
0x17f: {  	_ =	swait.ge [sflag:s23], $0x2000  }
.Ltmp6:
0x180: {  	[sflag:s23] =	ssyncset.done $0x0;
	(pc) =	sbr.rel @p0 .LBB2_12-.Ltmp6, $4  }
0x181: {  	[sflag:s23] =	ssyncadd.s32 $0xFFFFE000  }
0x182: {  	_ =	swait.ge [sflag:s23], $0x2000  }
0x183: {  	[sflag:s23] =	ssyncset.done $0x0  }
0x184: {  	[sflag:s23] =	ssyncadd.s32 $0xFFFFE000  }
0x185: {  	s11 =	sadd.s32 s11, s17  }
0x186: {  	s11 =	sshrl.u32 s11, $0x3  }
0x187: {  	s12 =	sadd.s32 s6, s11  }
0x188: {  	[tilespmem:s26], [sflag:$0x3] =	stream.linear.gather [hbm4b:s12+s3], $0x40, $0x38;
	[tilespmem:$0x10200] =	vst v63  }
0x189: {  	_ =	swait.ge [sflag:s19], $0x40  }
0x18a: {  	[sflag:s19] =	ssyncset.done $0x0  }
0x18b: {  	s11 =	sadd.s32 s7, s11;
	[sflag:s19] =	ssyncadd.s32 $0xFFFFFFC0  }
0x18c: {  	[tilespmem:s28], [sflag:$0x3] =	stream.linear.gather [hbm4b:s11+s3], $0x40, $0x38;
	[tilespmem:$0x10200] =	vst v63  }
0x18d: {  	_ =	swait.ge [sflag:s19], $0x40  }
0x18e: {  	[sflag:s19] =	ssyncset.done $0x0  }
0x18f: {  	[sflag:s19] =	ssyncadd.s32 $0xFFFFFFC0  }
0x190: {  	[tilespmem:s29], [sflag:$0x1] =	stream.indirect.gather [hbm4b:s4+s21], $0x80, s26, s21, $0xb8;
	[tilespmem:$0x10200] =	vst v63  }
0x191: {  	s30 =	simm.s32 $0x6200  }
0x192: {  	[tilespmem:s30], [sflag:$0x1] =	stream.indirect.gather [hbm4b:s5+s21], $0x80, s28, s21, $0xb8;
	[tilespmem:$0x10200] =	vst v63  }
.Ltmp7:
0x193: {  	_ = 	snop;
	(pc) =	sbr.rel .LBB2_2-.Ltmp7, $4  }
0x194: {  	_ = 	snop  }
0x195: {  	[tilespmem:s31], [sflag:$0x1] =	stream.indirect.gather [hbm4b:s2+s21], $0x80, s26, s21, $0xb8;
	[tilespmem:$0x10200] =	vst v63  }
0x196: {  	s10 =	sadd.s32 $0x1, s10  }
0x197: {  	[tilespmem:s0], [sflag:$0x1] =	stream.indirect.gather [hbm4b:s2+s21], $0x80, s28, s21, $0xb8;
	[tilespmem:$0x10200] =	vst v63  }
.LBB2_13:
0x198: {  	_ =	sfence.sel $0x180000  }
0x199: {  	[bflag:$0x0] =	sbarrier.arrive $0xFFFF  }
0x19a: {  	_ =	strace $0x90000047  }
0x19b: {  	s0 =	stileid.u32;
	[bflag:$0x2] =	sbarrier.arrive $0xFFFF  }
0x19c: {  	p0 =	sne.s32 s0, $0x0;
	s0 =	rddreg [dreg:$0x2]  }
0x19d: {  	s0 =	sadd.s32 @!p0 $0x100000, s0  }
0x19e: {  	[sflag:s0] =	ssyncadd.tile.s32 @!p0 $0x1;
	_ =	shalt  }
.Lfunc_end2:
_tile_overlayer_lowered:
.L_overlay_start_2:
0x19f: {  	(tag) =	ssettag $0x2  }
0x1a0: {  	s0 =	rddreg [dreg:$0x0];
	s2 =	stileid.u32  }
0x1a1: {  	s1 =	rddreg [dreg:$0x1];
	p0 =	sne.s32 s2, $0x0  }
0x1a2: {  	s3 =	rddreg [dreg:$0x2];
	[bflag:$0x3] =	sbarrier.arrive $0xFFFF;
	s2 =	simm.s32 @!p0 $0x1C03  }
0x1a3: {  	[timem:s3], [sflag:s2] =	dma.local @!p0 [hbm:s0], s1  }
0x1a4: {  	s0 =	simm.s32 @!p0 $0x3  }
0x1a5: {  	_ =	swait.ge @!p0 [sflag:s0], s1  }
0x1a6: {  	s1 =	ssub.s32 @!p0 $0x0, s1;
	[sflag:s0] =	ssyncset.done @!p0 $0x0  }
0x1a7: {  	[sflag:s0] =	ssyncadd.s32 @!p0 s1  }
0x1a8: {  	[bflag:$0x3] =	sbarrier.arrive $0xFFFF  }
0x1a9: {  	_ =	shalt  }

</sc_bundles>
